<compile_context>
chip_gen: v7x
topology: tpu7x:2x2x1
jax: 0.10.2.dev20260603
libtpu: 0.0.44.dev20260713+nightly
codegen_flags: <defaults>
</compile_context>

<pallas_src>
import functools

import jax
import jax.numpy as jnp
from jax import lax
from jax.experimental import pallas as pl
from jax.experimental.pallas import tpu as pltpu
from jax.experimental.pallas import tpu_sc as plsc


def _gather3(repr_arr, idx_a, idx_b, idx_c, ch):
    ncores = 2
    nsub = 16
    nw = ncores * nsub
    n, d = repr_arr.shape
    m_ch = idx_a.shape[1]
    s = nw * m_ch * ch
    n_per_w = m_ch * ch

    mesh = plsc.VectorSubcoreMesh(core_axis_name="c", subcore_axis_name="s",
                                  num_cores=ncores, num_subcores=nsub)

    nbuf = 7

    @functools.partial(
        pl.kernel,
        out_type=[jax.ShapeDtypeStruct((s, d), repr_arr.dtype)] * 3,
        mesh=mesh,
        scratch_types=[
            pltpu.VMEM((3 * m_ch, ch), jnp.int32),
        ] + [pltpu.VMEM((ch, d), repr_arr.dtype)] * nbuf + [
            pltpu.SemaphoreType.DMA,
            pltpu.SemaphoreType.DMA,
        ],
    )
    def gather_kernel(repr_hbm, ia_hbm, ib_hbm, ic_hbm,
                      oa_hbm, ob_hbm, oc_hbm, idx_v, *bufs_and_sems):
        bufs = bufs_and_sems[:nbuf]
        gsem, ssem = bufs_and_sems[nbuf:]
        wid = lax.axis_index("s") * ncores + lax.axis_index("c")
        base = wid * n_per_w

        for k, idx_hbm in enumerate((ia_hbm, ib_hbm, ic_hbm)):
            pltpu.sync_copy(idx_hbm.at[wid],
                            idx_v.at[pl.ds(k * m_ch, m_ch)])

        outs = (oa_hbm, ob_hbm, oc_hbm)
        total = 3 * m_ch

        def fire_g(t):
            return pltpu.async_copy(
                repr_hbm.at[idx_v.at[t]], bufs[t % nbuf], gsem)

        def fire_s(t):
            k, j = divmod(t, m_ch)
            return pltpu.async_copy(
                bufs[t % nbuf],
                outs[k].at[pl.ds(base + j * ch, ch)], ssem)

        g_handles = {t: fire_g(t) for t in range(min(nbuf - 1, total))}
        s_handles = {}
        for t in range(total):
            g_handles.pop(t).wait()
            s_handles[t] = fire_s(t)
            nxt = t + nbuf - 1
            if nxt < total:
                if t - 1 >= 0:
                    s_handles.pop(t - 1).wait()
                g_handles[nxt] = fire_g(nxt)
        for t in sorted(s_handles):
            s_handles.pop(t).wait()

    return gather_kernel(repr_arr, idx_a, idx_b, idx_c)


def _mlp_body(gd_r, nei_r, node_r, gdeg_r, dist_r,
              wg1a, wg1r, bg1, wg2, bg2,
              wn1a, wn1b, wn1r, bn1, wn2, bn2,
              wc1a, wc1b, bc1, wc2, bc2, out_r):
    f32, bf16 = jnp.float32, jnp.bfloat16
    h = jnp.dot(gd_r[...].astype(bf16), wg1a[...], preferred_element_type=f32)
    h = jnp.maximum(h + gdeg_r[...] * wg1r[...] + bg1[...], 0.0).astype(bf16)
    g = jnp.dot(h, wg2[...], preferred_element_type=f32) + bg2[...]

    h2 = (jnp.dot(g.astype(bf16), wn1a[...], preferred_element_type=f32)
          + jnp.dot(nei_r[...].astype(bf16), wn1b[...],
                    preferred_element_type=f32)
          + dist_r[...] * wn1r[...] + bn1[...])
    h2 = jnp.maximum(h2, 0.0).astype(bf16)
    c = jnp.dot(h2, wn2[...], preferred_element_type=f32) + bn2[...]

    h3 = (jnp.dot(c.astype(bf16), wc1a[...], preferred_element_type=f32)
          + jnp.dot(node_r[...].astype(bf16), wc1b[...],
                    preferred_element_type=f32)
          + bc1[...])
    h3 = jnp.maximum(h3, 0.0).astype(bf16)
    out_r[...] = jnp.dot(h3, wc2[...], preferred_element_type=f32) + bc2[...]


def kernel(repr, nodes, neighbors, neighbor_count, dist, gd, gd_count, gd_deg,
           Wg1, bg1, Wg2, bg2, Wn1, bn1, Wn2, bn2, Wc1, bc1, Wc2, bc2):
    n, d = repr.shape
    b = nodes.shape[0]

    nw = 32
    ch = 128
    n_ch = -(-b // (nw * ch))
    s = nw * n_ch * ch

    def pad(x):
        return jnp.concatenate([x, jnp.zeros((s - b,), x.dtype)])

    idx3 = tuple(pad(ix.astype(jnp.int32)) for ix in (gd, neighbors, nodes))
    gdeg_p, dist_p = pad(gd_deg), pad(dist)

    bf = lambda w: w.astype(jnp.bfloat16)
    weights = (bf(Wg1[:d]), Wg1[d][None, :], bg1[None, :], bf(Wg2),
               bg2[None, :],
               bf(Wn1[:d]), bf(Wn1[d:2 * d]), Wn1[2 * d][None, :],
               bn1[None, :], bf(Wn2), bn2[None, :],
               bf(Wc1[:d]), bf(Wc1[d:2 * d]), bc1[None, :], bf(Wc2),
               bc2[None, :])

    def w_spec(w):
        return pl.BlockSpec(w.shape, lambda i: (0,) * w.ndim)

    blk = 1024

    def mlp(rows3, gdeg_c, dist_c, r0, nrows, prev):
        b0 = r0 // blk
        row_spec = pl.BlockSpec((blk, d), lambda i: (i, 0))
        col_spec = pl.BlockSpec((blk, 1), lambda i: (i, 0))
        specs = [row_spec, row_spec, row_spec, col_spec, col_spec] \
                + [w_spec(w) for w in weights]
        args = (*rows3, gdeg_c, dist_c, *weights)
        body = _mlp_body
        aliases = {}
        if prev is not None:
            specs = [pl.BlockSpec(memory_space=pl.ANY)] + specs
            args = (prev,) + args
            body = lambda p, *a: _mlp_body(*a)
            aliases = {0: 0}
        return pl.pallas_call(
            body,
            grid=(nrows // blk,),
            in_specs=specs,
            out_specs=pl.BlockSpec((blk, d), lambda i: (i + b0, 0)),
            out_shape=jax.ShapeDtypeStruct((s, d), jnp.float32),
            input_output_aliases=aliases,
        )(*args)

    q, r = divmod(n_ch, 3)
    if q >= 2:
        sizes = [q + r + 1, q, q - 1]
    else:
        sizes = [m for m in (q + r, q, q) if m > 0]
    out = None
    r0 = 0
    for m in sizes:
        nrows = nw * m * ch
        rows3 = _gather3(
            repr,
            *(ix[r0:r0 + nrows].reshape(nw, m, ch) for ix in idx3), ch)
        out = mlp(rows3, gdeg_p[r0:r0 + nrows, None],
                  dist_p[r0:r0 + nrows, None], r0, nrows, out)
        r0 += nrows
    return out[:b]

# --- scband reference (transcript-rebuilt; emitter-appended) ---
"""Pipeline reference for scband-gdpool-44495861186780 (READ-ONLY COPY).

The authoritative reference and input builder live on the scoring server;
editing this copy changes nothing except your own understanding.
"""

import jax, jax.numpy as jnp
import numpy as np


def _mlp(x, W1, b1, W2, b2):
    # MLPLayers(2, h_units=[in, hidden, out]): Linear -> ReLU -> Linear
    h = jax.nn.relu(x @ W1 + b1)
    return h @ W2 + b2


def setup_inputs(seed: int = 0) -> dict:
    key = jax.random.key(seed)
    ks = jax.random.split(key, 16)
    N, D = 50000, 128
    B = 50000  # num pooled nodes == num neighbors == num gd rows (unit counts)
    s = 0.02
    inp = {}
    inp["repr"] = jax.random.normal(ks[0], (N, D), dtype=jnp.float32)
    inp["nodes"] = jax.random.randint(ks[1], (B,), 0, N)
    inp["neighbors"] = jax.random.randint(ks[2], (B,), 0, N)
    inp["neighbor_count"] = jnp.ones((B,), dtype=jnp.int32)
    inp["dist"] = jax.random.uniform(ks[3], (B,), dtype=jnp.float32)
    inp["gd"] = jax.random.randint(ks[4], (B,), 0, N)
    inp["gd_count"] = jnp.ones((B,), dtype=jnp.int32)
    inp["gd_deg"] = jax.random.uniform(ks[5], (B,), dtype=jnp.float32)
    # mlp_combine_gd_deg: [D+1, 2D, D]
    inp["Wg1"] = jax.random.normal(ks[6], (D + 1, 2 * D), dtype=jnp.float32) * s
    inp["bg1"] = jnp.zeros((2 * D,), dtype=jnp.float32)
    inp["Wg2"] = jax.random.normal(ks[7], (2 * D, D), dtype=jnp.float32) * s
    inp["bg2"] = jnp.zeros((D,), dtype=jnp.float32)
    # mlp_combine_nei_gd: [2D+1, 4D, D]
    inp["Wn1"] = jax.random.normal(ks[8], (2 * D + 1, 4 * D), dtype=jnp.float32) * s
    inp["bn1"] = jnp.zeros((4 * D,), dtype=jnp.float32)
    inp["Wn2"] = jax.random.normal(ks[9], (4 * D, D), dtype=jnp.float32) * s
    inp["bn2"] = jnp.zeros((D,), dtype=jnp.float32)
    # mlp_combine_node_nei: [2D, 4D, D]
    inp["Wc1"] = jax.random.normal(ks[10], (2 * D, 4 * D), dtype=jnp.float32) * s
    inp["bc1"] = jnp.zeros((4 * D,), dtype=jnp.float32)
    inp["Wc2"] = jax.random.normal(ks[11], (4 * D, D), dtype=jnp.float32) * s
    inp["bc2"] = jnp.zeros((D,), dtype=jnp.float32)
    return inp


def reference(repr, nodes, neighbors, neighbor_count, dist, gd, gd_count, gd_deg,
              Wg1, bg1, Wg2, bg2, Wn1, bn1, Wn2, bn2, Wc1, bc1, Wc2, bc2):
    neighbors_repr = repr[neighbors]
    gd_repr = repr[gd]
    # gd_deg branch (gd_deg=True)
    combined_gd_repr = _mlp(jnp.concatenate([gd_repr, gd_deg[:, None]], axis=-1),
                            Wg1, bg1, Wg2, bg2)
    seg_gd = jnp.repeat(jnp.arange(gd_count.shape[0]), gd_count,
                        total_repeat_length=gd.shape[0])
    combined_gd_repr = jax.ops.segment_sum(combined_gd_repr, seg_gd,
                                           num_segments=gd_count.shape[0])
    combined_repr = _mlp(jnp.concatenate([combined_gd_repr, neighbors_repr, dist[:, None]], axis=-1),
                         Wn1, bn1, Wn2, bn2)
    seg_nei = jnp.repeat(jnp.arange(neighbor_count.shape[0]), neighbor_count,
                         total_repeat_length=neighbors.shape[0])
    combined_repr = jax.ops.segment_sum(combined_repr, seg_nei,
                                        num_segments=neighbor_count.shape[0])
    node_repr = _mlp(jnp.concatenate([combined_repr, repr[nodes]], axis=-1),
                     Wc1, bc1, Wc2, bc2)
    return node_repr

if __name__ == "__main__":
    import jax
    _d = setup_inputs()
    print(jax.jit(kernel)(*tuple(_d.values())))

</pallas_src>

<mosaic_0001>
#map = affine_map<(d0, d1) -> (0, 0)>
#map1 = affine_map<(d0, d1) -> (0, 0, 0)>
module attributes {stable_mosaic.version = 14 : i64} {
  func.func @gather_kernel(%arg0: i32, %arg1: i32, %arg2: memref<50000x128xf32, #tpu.memory_space<hbm>>, %arg3: memref<32x3x128xi32, #tpu.memory_space<hbm>>, %arg4: memref<32x3x128xi32, #tpu.memory_space<hbm>>, %arg5: memref<32x3x128xi32, #tpu.memory_space<hbm>>, %arg6: memref<12288x128xf32, #tpu.memory_space<hbm>>, %arg7: memref<12288x128xf32, #tpu.memory_space<hbm>>, %arg8: memref<12288x128xf32, #tpu.memory_space<hbm>>, %arg9: memref<9x128xi32, #tpu.memory_space<vmem>>, %arg10: memref<128x128xf32, #tpu.memory_space<vmem>>, %arg11: memref<128x128xf32, #tpu.memory_space<vmem>>, %arg12: memref<128x128xf32, #tpu.memory_space<vmem>>, %arg13: memref<128x128xf32, #tpu.memory_space<vmem>>, %arg14: memref<128x128xf32, #tpu.memory_space<vmem>>, %arg15: memref<128x128xf32, #tpu.memory_space<vmem>>, %arg16: memref<128x128xf32, #tpu.memory_space<vmem>>, %arg17: memref<!tpu.dma_semaphore, #tpu.memory_space<semaphore_mem>>, %arg18: memref<!tpu.dma_semaphore, #tpu.memory_space<semaphore_mem>>) attributes {dimension_semantics = [#tpu.dimension_semantics<core_parallel>, #tpu.dimension_semantics<subcore_parallel>], iteration_bounds = array<i64: 2, 16>, scalar_prefetch = 0 : i64, scratch_operands = 10 : i64, tpu.core_type = #tpu.core_type<sc_vector_subcore>, window_params = [{transform_indices = #map}, {transform_indices = #map1}, {transform_indices = #map1}, {transform_indices = #map1}, {transform_indices = #map}, {transform_indices = #map}, {transform_indices = #map}]} {
    %mul3A = arith.constant 2 : i32
    %mul3A_0 = arith.muli %arg1, %mul3A : i32
    %add3A = arith.addi %mul3A_0, %arg0 : i32
    %mul3A_1 = arith.constant 384 : i32
    %mul3A_2 = arith.muli %add3A, %mul3A_1 : i32
    "tpu.region"() ({
      %run_scoped3A = tpu.sem_alloc : memref<!tpu.dma_semaphore, #tpu.memory_space<semaphore_mem>>
      %dma_start3A_217 = arith.constant 0 : i32
      %dma_start3A_218 = arith.constant 0 : i32
      %dma_start3A_219 = tpu.memref_slice %arg9[%dma_start3A_217, %dma_start3A_218] : memref<9x128xi32, #tpu.memory_space<vmem>> -> memref<3x128xi32, #tpu.memory_space<vmem>>
      %dma_start3A_220 = arith.constant 0 : i32
      %dma_start3A_221 = arith.constant 0 : i32
      %dma_start3A_222 = tpu.memref_slice %arg3[%add3A, %dma_start3A_220, %dma_start3A_221] : memref<32x3x128xi32, #tpu.memory_space<hbm>> -> memref<1x3x128xi32, #tpu.memory_space<hbm>>
      %dma_start3A_223 = tpu.memref_squeeze %dma_start3A_222 : memref<1x3x128xi32, #tpu.memory_space<hbm>> -> memref<3x128xi32, #tpu.memory_space<hbm>>
      %dma_start3A_224 = arith.constant 0 : i32
      %dma_start3A_225 = arith.constant 0 : i32
      %dma_start3A_226 = tpu.memref_slice %arg9[%dma_start3A_224, %dma_start3A_225] : memref<9x128xi32, #tpu.memory_space<vmem>> -> memref<3x128xi32, #tpu.memory_space<vmem>>
      %dma_start3A_227 = arith.constant 0 : i32
      %dma_start3A_228 = arith.constant 0 : i32
      %dma_start3A_229 = tpu.memref_slice %arg3[%add3A, %dma_start3A_227, %dma_start3A_228] : memref<32x3x128xi32, #tpu.memory_space<hbm>> -> memref<1x3x128xi32, #tpu.memory_space<hbm>>
      %dma_start3A_230 = tpu.memref_squeeze %dma_start3A_229 : memref<1x3x128xi32, #tpu.memory_space<hbm>> -> memref<3x128xi32, #tpu.memory_space<hbm>>
      tpu.enqueue_dma source(%dma_start3A_230 : memref<3x128xi32, #tpu.memory_space<hbm>>) target(%dma_start3A_226 : memref<3x128xi32, #tpu.memory_space<vmem>>) target_semaphore(%run_scoped3A : memref<!tpu.dma_semaphore, #tpu.memory_space<semaphore_mem>>)
      %dma_wait3A_231 = arith.constant 0 : i32
      %dma_wait3A_232 = arith.constant 0 : i32
      %dma_wait3A_233 = tpu.memref_slice %arg9[%dma_wait3A_231, %dma_wait3A_232] : memref<9x128xi32, #tpu.memory_space<vmem>> -> memref<3x128xi32, #tpu.memory_space<vmem>>
      %dma_wait3A_234 = arith.constant 0 : i32
      %dma_wait3A_235 = arith.constant 0 : i32
      %dma_wait3A_236 = tpu.memref_slice %arg3[%add3A, %dma_wait3A_234, %dma_wait3A_235] : memref<32x3x128xi32, #tpu.memory_space<hbm>> -> memref<1x3x128xi32, #tpu.memory_space<hbm>>
      %dma_wait3A_237 = tpu.memref_squeeze %dma_wait3A_236 : memref<1x3x128xi32, #tpu.memory_space<hbm>> -> memref<3x128xi32, #tpu.memory_space<hbm>>
      %dma_wait3A_238 = arith.constant 0 : i32
      %dma_wait3A_239 = arith.constant 0 : i32
      %dma_wait3A_240 = tpu.memref_slice %arg9[%dma_wait3A_238, %dma_wait3A_239] : memref<9x128xi32, #tpu.memory_space<vmem>> -> memref<3x128xi32, #tpu.memory_space<vmem>>
      %dma_wait3A_241 = arith.constant 0 : i32
      %dma_wait3A_242 = arith.constant 0 : i32
      %dma_wait3A_243 = tpu.memref_slice %arg3[%add3A, %dma_wait3A_241, %dma_wait3A_242] : memref<32x3x128xi32, #tpu.memory_space<hbm>> -> memref<1x3x128xi32, #tpu.memory_space<hbm>>
      %dma_wait3A_244 = tpu.memref_squeeze %dma_wait3A_243 : memref<1x3x128xi32, #tpu.memory_space<hbm>> -> memref<3x128xi32, #tpu.memory_space<hbm>>
      tpu.wait_dma2 semaphore(%run_scoped3A : memref<!tpu.dma_semaphore, #tpu.memory_space<semaphore_mem>>) src(%dma_wait3A_244 : memref<3x128xi32, #tpu.memory_space<hbm>>) dst(%dma_wait3A_240 : memref<3x128xi32, #tpu.memory_space<vmem>>)
      tpu.yield
    }) : () -> ()
    "tpu.region"() ({
      %run_scoped3A = tpu.sem_alloc : memref<!tpu.dma_semaphore, #tpu.memory_space<semaphore_mem>>
      %dma_start3A_217 = arith.constant 3 : i32
      %dma_start3A_218 = arith.constant 0 : i32
      %dma_start3A_219 = tpu.memref_slice %arg9[%dma_start3A_217, %dma_start3A_218] : memref<9x128xi32, #tpu.memory_space<vmem>> -> memref<3x128xi32, #tpu.memory_space<vmem>>
      %dma_start3A_220 = arith.constant 0 : i32
      %dma_start3A_221 = arith.constant 0 : i32
      %dma_start3A_222 = tpu.memref_slice %arg4[%add3A, %dma_start3A_220, %dma_start3A_221] : memref<32x3x128xi32, #tpu.memory_space<hbm>> -> memref<1x3x128xi32, #tpu.memory_space<hbm>>
      %dma_start3A_223 = tpu.memref_squeeze %dma_start3A_222 : memref<1x3x128xi32, #tpu.memory_space<hbm>> -> memref<3x128xi32, #tpu.memory_space<hbm>>
      %dma_start3A_224 = arith.constant 3 : i32
      %dma_start3A_225 = arith.constant 0 : i32
      %dma_start3A_226 = tpu.memref_slice %arg9[%dma_start3A_224, %dma_start3A_225] : memref<9x128xi32, #tpu.memory_space<vmem>> -> memref<3x128xi32, #tpu.memory_space<vmem>>
      %dma_start3A_227 = arith.constant 0 : i32
      %dma_start3A_228 = arith.constant 0 : i32
      %dma_start3A_229 = tpu.memref_slice %arg4[%add3A, %dma_start3A_227, %dma_start3A_228] : memref<32x3x128xi32, #tpu.memory_space<hbm>> -> memref<1x3x128xi32, #tpu.memory_space<hbm>>
      %dma_start3A_230 = tpu.memref_squeeze %dma_start3A_229 : memref<1x3x128xi32, #tpu.memory_space<hbm>> -> memref<3x128xi32, #tpu.memory_space<hbm>>
      tpu.enqueue_dma source(%dma_start3A_230 : memref<3x128xi32, #tpu.memory_space<hbm>>) target(%dma_start3A_226 : memref<3x128xi32, #tpu.memory_space<vmem>>) target_semaphore(%run_scoped3A : memref<!tpu.dma_semaphore, #tpu.memory_space<semaphore_mem>>)
      %dma_wait3A_231 = arith.constant 3 : i32
      %dma_wait3A_232 = arith.constant 0 : i32
      %dma_wait3A_233 = tpu.memref_slice %arg9[%dma_wait3A_231, %dma_wait3A_232] : memref<9x128xi32, #tpu.memory_space<vmem>> -> memref<3x128xi32, #tpu.memory_space<vmem>>
      %dma_wait3A_234 = arith.constant 0 : i32
      %dma_wait3A_235 = arith.constant 0 : i32
      %dma_wait3A_236 = tpu.memref_slice %arg4[%add3A, %dma_wait3A_234, %dma_wait3A_235] : memref<32x3x128xi32, #tpu.memory_space<hbm>> -> memref<1x3x128xi32, #tpu.memory_space<hbm>>
      %dma_wait3A_237 = tpu.memref_squeeze %dma_wait3A_236 : memref<1x3x128xi32, #tpu.memory_space<hbm>> -> memref<3x128xi32, #tpu.memory_space<hbm>>
      %dma_wait3A_238 = arith.constant 3 : i32
      %dma_wait3A_239 = arith.constant 0 : i32
      %dma_wait3A_240 = tpu.memref_slice %arg9[%dma_wait3A_238, %dma_wait3A_239] : memref<9x128xi32, #tpu.memory_space<vmem>> -> memref<3x128xi32, #tpu.memory_space<vmem>>
      %dma_wait3A_241 = arith.constant 0 : i32
      %dma_wait3A_242 = arith.constant 0 : i32
      %dma_wait3A_243 = tpu.memref_slice %arg4[%add3A, %dma_wait3A_241, %dma_wait3A_242] : memref<32x3x128xi32, #tpu.memory_space<hbm>> -> memref<1x3x128xi32, #tpu.memory_space<hbm>>
      %dma_wait3A_244 = tpu.memref_squeeze %dma_wait3A_243 : memref<1x3x128xi32, #tpu.memory_space<hbm>> -> memref<3x128xi32, #tpu.memory_space<hbm>>
      tpu.wait_dma2 semaphore(%run_scoped3A : memref<!tpu.dma_semaphore, #tpu.memory_space<semaphore_mem>>) src(%dma_wait3A_244 : memref<3x128xi32, #tpu.memory_space<hbm>>) dst(%dma_wait3A_240 : memref<3x128xi32, #tpu.memory_space<vmem>>)
      tpu.yield
    }) : () -> ()
    "tpu.region"() ({
      %run_scoped3A = tpu.sem_alloc : memref<!tpu.dma_semaphore, #tpu.memory_space<semaphore_mem>>
      %dma_start3A_217 = arith.constant 6 : i32
      %dma_start3A_218 = arith.constant 0 : i32
      %dma_start3A_219 = tpu.memref_slice %arg9[%dma_start3A_217, %dma_start3A_218] : memref<9x128xi32, #tpu.memory_space<vmem>> -> memref<3x128xi32, #tpu.memory_space<vmem>>
      %dma_start3A_220 = arith.constant 0 : i32
      %dma_start3A_221 = arith.constant 0 : i32
      %dma_start3A_222 = tpu.memref_slice %arg5[%add3A, %dma_start3A_220, %dma_start3A_221] : memref<32x3x128xi32, #tpu.memory_space<hbm>> -> memref<1x3x128xi32, #tpu.memory_space<hbm>>
      %dma_start3A_223 = tpu.memref_squeeze %dma_start3A_222 : memref<1x3x128xi32, #tpu.memory_space<hbm>> -> memref<3x128xi32, #tpu.memory_space<hbm>>
      %dma_start3A_224 = arith.constant 6 : i32
      %dma_start3A_225 = arith.constant 0 : i32
      %dma_start3A_226 = tpu.memref_slice %arg9[%dma_start3A_224, %dma_start3A_225] : memref<9x128xi32, #tpu.memory_space<vmem>> -> memref<3x128xi32, #tpu.memory_space<vmem>>
      %dma_start3A_227 = arith.constant 0 : i32
      %dma_start3A_228 = arith.constant 0 : i32
      %dma_start3A_229 = tpu.memref_slice %arg5[%add3A, %dma_start3A_227, %dma_start3A_228] : memref<32x3x128xi32, #tpu.memory_space<hbm>> -> memref<1x3x128xi32, #tpu.memory_space<hbm>>
      %dma_start3A_230 = tpu.memref_squeeze %dma_start3A_229 : memref<1x3x128xi32, #tpu.memory_space<hbm>> -> memref<3x128xi32, #tpu.memory_space<hbm>>
      tpu.enqueue_dma source(%dma_start3A_230 : memref<3x128xi32, #tpu.memory_space<hbm>>) target(%dma_start3A_226 : memref<3x128xi32, #tpu.memory_space<vmem>>) target_semaphore(%run_scoped3A : memref<!tpu.dma_semaphore, #tpu.memory_space<semaphore_mem>>)
      %dma_wait3A_231 = arith.constant 6 : i32
      %dma_wait3A_232 = arith.constant 0 : i32
      %dma_wait3A_233 = tpu.memref_slice %arg9[%dma_wait3A_231, %dma_wait3A_232] : memref<9x128xi32, #tpu.memory_space<vmem>> -> memref<3x128xi32, #tpu.memory_space<vmem>>
      %dma_wait3A_234 = arith.constant 0 : i32
      %dma_wait3A_235 = arith.constant 0 : i32
      %dma_wait3A_236 = tpu.memref_slice %arg5[%add3A, %dma_wait3A_234, %dma_wait3A_235] : memref<32x3x128xi32, #tpu.memory_space<hbm>> -> memref<1x3x128xi32, #tpu.memory_space<hbm>>
      %dma_wait3A_237 = tpu.memref_squeeze %dma_wait3A_236 : memref<1x3x128xi32, #tpu.memory_space<hbm>> -> memref<3x128xi32, #tpu.memory_space<hbm>>
      %dma_wait3A_238 = arith.constant 6 : i32
      %dma_wait3A_239 = arith.constant 0 : i32
      %dma_wait3A_240 = tpu.memref_slice %arg9[%dma_wait3A_238, %dma_wait3A_239] : memref<9x128xi32, #tpu.memory_space<vmem>> -> memref<3x128xi32, #tpu.memory_space<vmem>>
      %dma_wait3A_241 = arith.constant 0 : i32
      %dma_wait3A_242 = arith.constant 0 : i32
      %dma_wait3A_243 = tpu.memref_slice %arg5[%add3A, %dma_wait3A_241, %dma_wait3A_242] : memref<32x3x128xi32, #tpu.memory_space<hbm>> -> memref<1x3x128xi32, #tpu.memory_space<hbm>>
      %dma_wait3A_244 = tpu.memref_squeeze %dma_wait3A_243 : memref<1x3x128xi32, #tpu.memory_space<hbm>> -> memref<3x128xi32, #tpu.memory_space<hbm>>
      tpu.wait_dma2 semaphore(%run_scoped3A : memref<!tpu.dma_semaphore, #tpu.memory_space<semaphore_mem>>) src(%dma_wait3A_244 : memref<3x128xi32, #tpu.memory_space<hbm>>) dst(%dma_wait3A_240 : memref<3x128xi32, #tpu.memory_space<vmem>>)
      tpu.yield
    }) : () -> ()
    %dma_start3A = arith.constant 0 : i32
    %dma_start3A_3 = arith.constant 0 : i32
    %dma_start3A_4 = tpu.memref_slice %arg9[%dma_start3A, %dma_start3A_3] : memref<9x128xi32, #tpu.memory_space<vmem>> -> memref<1x128xi32, #tpu.memory_space<vmem>>
    %dma_start3A_5 = tpu.memref_squeeze %dma_start3A_4 : memref<1x128xi32, #tpu.memory_space<vmem>> -> memref<128xi32, #tpu.memory_space<vmem>>
    %dma_start3A_6 = arith.constant 0 : i32
    %dma_start3A_7 = arith.constant 0 : i32
    %dma_start3A_8 = tpu.memref_slice %arg2[%dma_start3A_6, %dma_start3A_7] : memref<50000x128xf32, #tpu.memory_space<hbm>> -> memref<50000x128xf32, #tpu.memory_space<hbm>>
    tpu.enqueue_indirect_dma source(%dma_start3A_8 : memref<50000x128xf32, #tpu.memory_space<hbm>>) target(%arg10 : memref<128x128xf32, #tpu.memory_space<vmem>>) offsets(%dma_start3A_5 : memref<128xi32, #tpu.memory_space<vmem>>) semaphore(%arg17 : memref<!tpu.dma_semaphore, #tpu.memory_space<semaphore_mem>>)
    %dma_start3A_9 = arith.constant 1 : i32
    %dma_start3A_10 = arith.constant 0 : i32
    %dma_start3A_11 = tpu.memref_slice %arg9[%dma_start3A_9, %dma_start3A_10] : memref<9x128xi32, #tpu.memory_space<vmem>> -> memref<1x128xi32, #tpu.memory_space<vmem>>
    %dma_start3A_12 = tpu.memref_squeeze %dma_start3A_11 : memref<1x128xi32, #tpu.memory_space<vmem>> -> memref<128xi32, #tpu.memory_space<vmem>>
    %dma_start3A_13 = arith.constant 0 : i32
    %dma_start3A_14 = arith.constant 0 : i32
    %dma_start3A_15 = tpu.memref_slice %arg2[%dma_start3A_13, %dma_start3A_14] : memref<50000x128xf32, #tpu.memory_space<hbm>> -> memref<50000x128xf32, #tpu.memory_space<hbm>>
    tpu.enqueue_indirect_dma source(%dma_start3A_15 : memref<50000x128xf32, #tpu.memory_space<hbm>>) target(%arg11 : memref<128x128xf32, #tpu.memory_space<vmem>>) offsets(%dma_start3A_12 : memref<128xi32, #tpu.memory_space<vmem>>) semaphore(%arg17 : memref<!tpu.dma_semaphore, #tpu.memory_space<semaphore_mem>>)
    %dma_start3A_16 = arith.constant 2 : i32
    %dma_start3A_17 = arith.constant 0 : i32
    %dma_start3A_18 = tpu.memref_slice %arg9[%dma_start3A_16, %dma_start3A_17] : memref<9x128xi32, #tpu.memory_space<vmem>> -> memref<1x128xi32, #tpu.memory_space<vmem>>
    %dma_start3A_19 = tpu.memref_squeeze %dma_start3A_18 : memref<1x128xi32, #tpu.memory_space<vmem>> -> memref<128xi32, #tpu.memory_space<vmem>>
    %dma_start3A_20 = arith.constant 0 : i32
    %dma_start3A_21 = arith.constant 0 : i32
    %dma_start3A_22 = tpu.memref_slice %arg2[%dma_start3A_20, %dma_start3A_21] : memref<50000x128xf32, #tpu.memory_space<hbm>> -> memref<50000x128xf32, #tpu.memory_space<hbm>>
    tpu.enqueue_indirect_dma source(%dma_start3A_22 : memref<50000x128xf32, #tpu.memory_space<hbm>>) target(%arg12 : memref<128x128xf32, #tpu.memory_space<vmem>>) offsets(%dma_start3A_19 : memref<128xi32, #tpu.memory_space<vmem>>) semaphore(%arg17 : memref<!tpu.dma_semaphore, #tpu.memory_space<semaphore_mem>>)
    %dma_start3A_23 = arith.constant 3 : i32
    %dma_start3A_24 = arith.constant 0 : i32
    %dma_start3A_25 = tpu.memref_slice %arg9[%dma_start3A_23, %dma_start3A_24] : memref<9x128xi32, #tpu.memory_space<vmem>> -> memref<1x128xi32, #tpu.memory_space<vmem>>
    %dma_start3A_26 = tpu.memref_squeeze %dma_start3A_25 : memref<1x128xi32, #tpu.memory_space<vmem>> -> memref<128xi32, #tpu.memory_space<vmem>>
    %dma_start3A_27 = arith.constant 0 : i32
    %dma_start3A_28 = arith.constant 0 : i32
    %dma_start3A_29 = tpu.memref_slice %arg2[%dma_start3A_27, %dma_start3A_28] : memref<50000x128xf32, #tpu.memory_space<hbm>> -> memref<50000x128xf32, #tpu.memory_space<hbm>>
    tpu.enqueue_indirect_dma source(%dma_start3A_29 : memref<50000x128xf32, #tpu.memory_space<hbm>>) target(%arg13 : memref<128x128xf32, #tpu.memory_space<vmem>>) offsets(%dma_start3A_26 : memref<128xi32, #tpu.memory_space<vmem>>) semaphore(%arg17 : memref<!tpu.dma_semaphore, #tpu.memory_space<semaphore_mem>>)
    %dma_start3A_30 = arith.constant 4 : i32
    %dma_start3A_31 = arith.constant 0 : i32
    %dma_start3A_32 = tpu.memref_slice %arg9[%dma_start3A_30, %dma_start3A_31] : memref<9x128xi32, #tpu.memory_space<vmem>> -> memref<1x128xi32, #tpu.memory_space<vmem>>
    %dma_start3A_33 = tpu.memref_squeeze %dma_start3A_32 : memref<1x128xi32, #tpu.memory_space<vmem>> -> memref<128xi32, #tpu.memory_space<vmem>>
    %dma_start3A_34 = arith.constant 0 : i32
    %dma_start3A_35 = arith.constant 0 : i32
    %dma_start3A_36 = tpu.memref_slice %arg2[%dma_start3A_34, %dma_start3A_35] : memref<50000x128xf32, #tpu.memory_space<hbm>> -> memref<50000x128xf32, #tpu.memory_space<hbm>>
    tpu.enqueue_indirect_dma source(%dma_start3A_36 : memref<50000x128xf32, #tpu.memory_space<hbm>>) target(%arg14 : memref<128x128xf32, #tpu.memory_space<vmem>>) offsets(%dma_start3A_33 : memref<128xi32, #tpu.memory_space<vmem>>) semaphore(%arg17 : memref<!tpu.dma_semaphore, #tpu.memory_space<semaphore_mem>>)
    %dma_start3A_37 = arith.constant 5 : i32
    %dma_start3A_38 = arith.constant 0 : i32
    %dma_start3A_39 = tpu.memref_slice %arg9[%dma_start3A_37, %dma_start3A_38] : memref<9x128xi32, #tpu.memory_space<vmem>> -> memref<1x128xi32, #tpu.memory_space<vmem>>
    %dma_start3A_40 = tpu.memref_squeeze %dma_start3A_39 : memref<1x128xi32, #tpu.memory_space<vmem>> -> memref<128xi32, #tpu.memory_space<vmem>>
    %dma_start3A_41 = arith.constant 0 : i32
    %dma_start3A_42 = arith.constant 0 : i32
    %dma_start3A_43 = tpu.memref_slice %arg2[%dma_start3A_41, %dma_start3A_42] : memref<50000x128xf32, #tpu.memory_space<hbm>> -> memref<50000x128xf32, #tpu.memory_space<hbm>>
    tpu.enqueue_indirect_dma source(%dma_start3A_43 : memref<50000x128xf32, #tpu.memory_space<hbm>>) target(%arg15 : memref<128x128xf32, #tpu.memory_space<vmem>>) offsets(%dma_start3A_40 : memref<128xi32, #tpu.memory_space<vmem>>) semaphore(%arg17 : memref<!tpu.dma_semaphore, #tpu.memory_space<semaphore_mem>>)
    %dma_wait3A = arith.constant 0 : i32
    %dma_wait3A_44 = arith.constant 0 : i32
    %dma_wait3A_45 = tpu.memref_slice %arg9[%dma_wait3A, %dma_wait3A_44] : memref<9x128xi32, #tpu.memory_space<vmem>> -> memref<1x128xi32, #tpu.memory_space<vmem>>
    %dma_wait3A_46 = tpu.memref_squeeze %dma_wait3A_45 : memref<1x128xi32, #tpu.memory_space<vmem>> -> memref<128xi32, #tpu.memory_space<vmem>>
    %dma_wait3A_47 = arith.constant 0 : i32
    %dma_wait3A_48 = arith.constant 0 : i32
    %dma_wait3A_49 = tpu.memref_slice %arg2[%dma_wait3A_47, %dma_wait3A_48] : memref<50000x128xf32, #tpu.memory_space<hbm>> -> memref<50000x128xf32, #tpu.memory_space<hbm>>
    tpu.wait_indirect_dma semaphore(%arg17 : memref<!tpu.dma_semaphore, #tpu.memory_space<semaphore_mem>>) src(%dma_wait3A_49 : memref<50000x128xf32, #tpu.memory_space<hbm>>) dst(%arg10 : memref<128x128xf32, #tpu.memory_space<vmem>>)
    %add3A_50 = arith.constant 0 : i32
    %add3A_51 = arith.addi %mul3A_2, %add3A_50 : i32
    %dma_start3A_52 = arith.constant 0 : i32
    %dma_start3A_53 = tpu.memref_slice %arg6[%add3A_51, %dma_start3A_52] : memref<12288x128xf32, #tpu.memory_space<hbm>> -> memref<128x128xf32, #tpu.memory_space<hbm>>
    %dma_start3A_54 = arith.constant 0 : i32
    %dma_start3A_55 = tpu.memref_slice %arg6[%add3A_51, %dma_start3A_54] : memref<12288x128xf32, #tpu.memory_space<hbm>> -> memref<128x128xf32, #tpu.memory_space<hbm>>
    tpu.enqueue_dma source(%arg10 : memref<128x128xf32, #tpu.memory_space<vmem>>) target(%dma_start3A_55 : memref<128x128xf32, #tpu.memory_space<hbm>>) target_semaphore(%arg18 : memref<!tpu.dma_semaphore, #tpu.memory_space<semaphore_mem>>)
    %dma_start3A_56 = arith.constant 6 : i32
    %dma_start3A_57 = arith.constant 0 : i32
    %dma_start3A_58 = tpu.memref_slice %arg9[%dma_start3A_56, %dma_start3A_57] : memref<9x128xi32, #tpu.memory_space<vmem>> -> memref<1x128xi32, #tpu.memory_space<vmem>>
    %dma_start3A_59 = tpu.memref_squeeze %dma_start3A_58 : memref<1x128xi32, #tpu.memory_space<vmem>> -> memref<128xi32, #tpu.memory_space<vmem>>
    %dma_start3A_60 = arith.constant 0 : i32
    %dma_start3A_61 = arith.constant 0 : i32
    %dma_start3A_62 = tpu.memref_slice %arg2[%dma_start3A_60, %dma_start3A_61] : memref<50000x128xf32, #tpu.memory_space<hbm>> -> memref<50000x128xf32, #tpu.memory_space<hbm>>
    tpu.enqueue_indirect_dma source(%dma_start3A_62 : memref<50000x128xf32, #tpu.memory_space<hbm>>) target(%arg16 : memref<128x128xf32, #tpu.memory_space<vmem>>) offsets(%dma_start3A_59 : memref<128xi32, #tpu.memory_space<vmem>>) semaphore(%arg17 : memref<!tpu.dma_semaphore, #tpu.memory_space<semaphore_mem>>)
    %dma_wait3A_63 = arith.constant 1 : i32
    %dma_wait3A_64 = arith.constant 0 : i32
    %dma_wait3A_65 = tpu.memref_slice %arg9[%dma_wait3A_63, %dma_wait3A_64] : memref<9x128xi32, #tpu.memory_space<vmem>> -> memref<1x128xi32, #tpu.memory_space<vmem>>
    %dma_wait3A_66 = tpu.memref_squeeze %dma_wait3A_65 : memref<1x128xi32, #tpu.memory_space<vmem>> -> memref<128xi32, #tpu.memory_space<vmem>>
    %dma_wait3A_67 = arith.constant 0 : i32
    %dma_wait3A_68 = arith.constant 0 : i32
    %dma_wait3A_69 = tpu.memref_slice %arg2[%dma_wait3A_67, %dma_wait3A_68] : memref<50000x128xf32, #tpu.memory_space<hbm>> -> memref<50000x128xf32, #tpu.memory_space<hbm>>
    tpu.wait_indirect_dma semaphore(%arg17 : memref<!tpu.dma_semaphore, #tpu.memory_space<semaphore_mem>>) src(%dma_wait3A_69 : memref<50000x128xf32, #tpu.memory_space<hbm>>) dst(%arg11 : memref<128x128xf32, #tpu.memory_space<vmem>>)
    %add3A_70 = arith.constant 128 : i32
    %add3A_71 = arith.addi %mul3A_2, %add3A_70 : i32
    %dma_start3A_72 = arith.constant 0 : i32
    %dma_start3A_73 = tpu.memref_slice %arg6[%add3A_71, %dma_start3A_72] : memref<12288x128xf32, #tpu.memory_space<hbm>> -> memref<128x128xf32, #tpu.memory_space<hbm>>
    %dma_start3A_74 = arith.constant 0 : i32
    %dma_start3A_75 = tpu.memref_slice %arg6[%add3A_71, %dma_start3A_74] : memref<12288x128xf32, #tpu.memory_space<hbm>> -> memref<128x128xf32, #tpu.memory_space<hbm>>
    tpu.enqueue_dma source(%arg11 : memref<128x128xf32, #tpu.memory_space<vmem>>) target(%dma_start3A_75 : memref<128x128xf32, #tpu.memory_space<hbm>>) target_semaphore(%arg18 : memref<!tpu.dma_semaphore, #tpu.memory_space<semaphore_mem>>)
    %dma_wait3A_76 = arith.constant 0 : i32
    %dma_wait3A_77 = tpu.memref_slice %arg6[%add3A_51, %dma_wait3A_76] : memref<12288x128xf32, #tpu.memory_space<hbm>> -> memref<128x128xf32, #tpu.memory_space<hbm>>
    %dma_wait3A_78 = arith.constant 0 : i32
    %dma_wait3A_79 = tpu.memref_slice %arg6[%add3A_51, %dma_wait3A_78] : memref<12288x128xf32, #tpu.memory_space<hbm>> -> memref<128x128xf32, #tpu.memory_space<hbm>>
    tpu.wait_dma2 semaphore(%arg18 : memref<!tpu.dma_semaphore, #tpu.memory_space<semaphore_mem>>) src(%arg10 : memref<128x128xf32, #tpu.memory_space<vmem>>) dst(%dma_wait3A_79 : memref<128x128xf32, #tpu.memory_space<hbm>>)
    %dma_start3A_80 = arith.constant 7 : i32
    %dma_start3A_81 = arith.constant 0 : i32
    %dma_start3A_82 = tpu.memref_slice %arg9[%dma_start3A_80, %dma_start3A_81] : memref<9x128xi32, #tpu.memory_space<vmem>> -> memref<1x128xi32, #tpu.memory_space<vmem>>
    %dma_start3A_83 = tpu.memref_squeeze %dma_start3A_82 : memref<1x128xi32, #tpu.memory_space<vmem>> -> memref<128xi32, #tpu.memory_space<vmem>>
    %dma_start3A_84 = arith.constant 0 : i32
    %dma_start3A_85 = arith.constant 0 : i32
    %dma_start3A_86 = tpu.memref_slice %arg2[%dma_start3A_84, %dma_start3A_85] : memref<50000x128xf32, #tpu.memory_space<hbm>> -> memref<50000x128xf32, #tpu.memory_space<hbm>>
    tpu.enqueue_indirect_dma source(%dma_start3A_86 : memref<50000x128xf32, #tpu.memory_space<hbm>>) target(%arg10 : memref<128x128xf32, #tpu.memory_space<vmem>>) offsets(%dma_start3A_83 : memref<128xi32, #tpu.memory_space<vmem>>) semaphore(%arg17 : memref<!tpu.dma_semaphore, #tpu.memory_space<semaphore_mem>>)
    %dma_wait3A_87 = arith.constant 2 : i32
    %dma_wait3A_88 = arith.constant 0 : i32
    %dma_wait3A_89 = tpu.memref_slice %arg9[%dma_wait3A_87, %dma_wait3A_88] : memref<9x128xi32, #tpu.memory_space<vmem>> -> memref<1x128xi32, #tpu.memory_space<vmem>>
    %dma_wait3A_90 = tpu.memref_squeeze %dma_wait3A_89 : memref<1x128xi32, #tpu.memory_space<vmem>> -> memref<128xi32, #tpu.memory_space<vmem>>
    %dma_wait3A_91 = arith.constant 0 : i32
    %dma_wait3A_92 = arith.constant 0 : i32
    %dma_wait3A_93 = tpu.memref_slice %arg2[%dma_wait3A_91, %dma_wait3A_92] : memref<50000x128xf32, #tpu.memory_space<hbm>> -> memref<50000x128xf32, #tpu.memory_space<hbm>>
    tpu.wait_indirect_dma semaphore(%arg17 : memref<!tpu.dma_semaphore, #tpu.memory_space<semaphore_mem>>) src(%dma_wait3A_93 : memref<50000x128xf32, #tpu.memory_space<hbm>>) dst(%arg12 : memref<128x128xf32, #tpu.memory_space<vmem>>)
    %add3A_94 = arith.constant 256 : i32
    %add3A_95 = arith.addi %mul3A_2, %add3A_94 : i32
    %dma_start3A_96 = arith.constant 0 : i32
    %dma_start3A_97 = tpu.memref_slice %arg6[%add3A_95, %dma_start3A_96] : memref<12288x128xf32, #tpu.memory_space<hbm>> -> memref<128x128xf32, #tpu.memory_space<hbm>>
    %dma_start3A_98 = arith.constant 0 : i32
    %dma_start3A_99 = tpu.memref_slice %arg6[%add3A_95, %dma_start3A_98] : memref<12288x128xf32, #tpu.memory_space<hbm>> -> memref<128x128xf32, #tpu.memory_space<hbm>>
    tpu.enqueue_dma source(%arg12 : memref<128x128xf32, #tpu.memory_space<vmem>>) target(%dma_start3A_99 : memref<128x128xf32, #tpu.memory_space<hbm>>) target_semaphore(%arg18 : memref<!tpu.dma_semaphore, #tpu.memory_space<semaphore_mem>>)
    %dma_wait3A_100 = arith.constant 0 : i32
    %dma_wait3A_101 = tpu.memref_slice %arg6[%add3A_71, %dma_wait3A_100] : memref<12288x128xf32, #tpu.memory_space<hbm>> -> memref<128x128xf32, #tpu.memory_space<hbm>>
    %dma_wait3A_102 = arith.constant 0 : i32
    %dma_wait3A_103 = tpu.memref_slice %arg6[%add3A_71, %dma_wait3A_102] : memref<12288x128xf32, #tpu.memory_space<hbm>> -> memref<128x128xf32, #tpu.memory_space<hbm>>
    tpu.wait_dma2 semaphore(%arg18 : memref<!tpu.dma_semaphore, #tpu.memory_space<semaphore_mem>>) src(%arg11 : memref<128x128xf32, #tpu.memory_space<vmem>>) dst(%dma_wait3A_103 : memref<128x128xf32, #tpu.memory_space<hbm>>)
    %dma_start3A_104 = arith.constant 8 : i32
    %dma_start3A_105 = arith.constant 0 : i32
    %dma_start3A_106 = tpu.memref_slice %arg9[%dma_start3A_104, %dma_start3A_105] : memref<9x128xi32, #tpu.memory_space<vmem>> -> memref<1x128xi32, #tpu.memory_space<vmem>>
    %dma_start3A_107 = tpu.memref_squeeze %dma_start3A_106 : memref<1x128xi32, #tpu.memory_space<vmem>> -> memref<128xi32, #tpu.memory_space<vmem>>
    %dma_start3A_108 = arith.constant 0 : i32
    %dma_start3A_109 = arith.constant 0 : i32
    %dma_start3A_110 = tpu.memref_slice %arg2[%dma_start3A_108, %dma_start3A_109] : memref<50000x128xf32, #tpu.memory_space<hbm>> -> memref<50000x128xf32, #tpu.memory_space<hbm>>
    tpu.enqueue_indirect_dma source(%dma_start3A_110 : memref<50000x128xf32, #tpu.memory_space<hbm>>) target(%arg11 : memref<128x128xf32, #tpu.memory_space<vmem>>) offsets(%dma_start3A_107 : memref<128xi32, #tpu.memory_space<vmem>>) semaphore(%arg17 : memref<!tpu.dma_semaphore, #tpu.memory_space<semaphore_mem>>)
    %dma_wait3A_111 = arith.constant 3 : i32
    %dma_wait3A_112 = arith.constant 0 : i32
    %dma_wait3A_113 = tpu.memref_slice %arg9[%dma_wait3A_111, %dma_wait3A_112] : memref<9x128xi32, #tpu.memory_space<vmem>> -> memref<1x128xi32, #tpu.memory_space<vmem>>
    %dma_wait3A_114 = tpu.memref_squeeze %dma_wait3A_113 : memref<1x128xi32, #tpu.memory_space<vmem>> -> memref<128xi32, #tpu.memory_space<vmem>>
    %dma_wait3A_115 = arith.constant 0 : i32
    %dma_wait3A_116 = arith.constant 0 : i32
    %dma_wait3A_117 = tpu.memref_slice %arg2[%dma_wait3A_115, %dma_wait3A_116] : memref<50000x128xf32, #tpu.memory_space<hbm>> -> memref<50000x128xf32, #tpu.memory_space<hbm>>
    tpu.wait_indirect_dma semaphore(%arg17 : memref<!tpu.dma_semaphore, #tpu.memory_space<semaphore_mem>>) src(%dma_wait3A_117 : memref<50000x128xf32, #tpu.memory_space<hbm>>) dst(%arg13 : memref<128x128xf32, #tpu.memory_space<vmem>>)
    %add3A_118 = arith.constant 0 : i32
    %add3A_119 = arith.addi %mul3A_2, %add3A_118 : i32
    %dma_start3A_120 = arith.constant 0 : i32
    %dma_start3A_121 = tpu.memref_slice %arg7[%add3A_119, %dma_start3A_120] : memref<12288x128xf32, #tpu.memory_space<hbm>> -> memref<128x128xf32, #tpu.memory_space<hbm>>
    %dma_start3A_122 = arith.constant 0 : i32
    %dma_start3A_123 = tpu.memref_slice %arg7[%add3A_119, %dma_start3A_122] : memref<12288x128xf32, #tpu.memory_space<hbm>> -> memref<128x128xf32, #tpu.memory_space<hbm>>
    tpu.enqueue_dma source(%arg13 : memref<128x128xf32, #tpu.memory_space<vmem>>) target(%dma_start3A_123 : memref<128x128xf32, #tpu.memory_space<hbm>>) target_semaphore(%arg18 : memref<!tpu.dma_semaphore, #tpu.memory_space<semaphore_mem>>)
    %dma_wait3A_124 = arith.constant 4 : i32
    %dma_wait3A_125 = arith.constant 0 : i32
    %dma_wait3A_126 = tpu.memref_slice %arg9[%dma_wait3A_124, %dma_wait3A_125] : memref<9x128xi32, #tpu.memory_space<vmem>> -> memref<1x128xi32, #tpu.memory_space<vmem>>
    %dma_wait3A_127 = tpu.memref_squeeze %dma_wait3A_126 : memref<1x128xi32, #tpu.memory_space<vmem>> -> memref<128xi32, #tpu.memory_space<vmem>>
    %dma_wait3A_128 = arith.constant 0 : i32
    %dma_wait3A_129 = arith.constant 0 : i32
    %dma_wait3A_130 = tpu.memref_slice %arg2[%dma_wait3A_128, %dma_wait3A_129] : memref<50000x128xf32, #tpu.memory_space<hbm>> -> memref<50000x128xf32, #tpu.memory_space<hbm>>
    tpu.wait_indirect_dma semaphore(%arg17 : memref<!tpu.dma_semaphore, #tpu.memory_space<semaphore_mem>>) src(%dma_wait3A_130 : memref<50000x128xf32, #tpu.memory_space<hbm>>) dst(%arg14 : memref<128x128xf32, #tpu.memory_space<vmem>>)
    %add3A_131 = arith.constant 128 : i32
    %add3A_132 = arith.addi %mul3A_2, %add3A_131 : i32
    %dma_start3A_133 = arith.constant 0 : i32
    %dma_start3A_134 = tpu.memref_slice %arg7[%add3A_132, %dma_start3A_133] : memref<12288x128xf32, #tpu.memory_space<hbm>> -> memref<128x128xf32, #tpu.memory_space<hbm>>
    %dma_start3A_135 = arith.constant 0 : i32
    %dma_start3A_136 = tpu.memref_slice %arg7[%add3A_132, %dma_start3A_135] : memref<12288x128xf32, #tpu.memory_space<hbm>> -> memref<128x128xf32, #tpu.memory_space<hbm>>
    tpu.enqueue_dma source(%arg14 : memref<128x128xf32, #tpu.memory_space<vmem>>) target(%dma_start3A_136 : memref<128x128xf32, #tpu.memory_space<hbm>>) target_semaphore(%arg18 : memref<!tpu.dma_semaphore, #tpu.memory_space<semaphore_mem>>)
    %dma_wait3A_137 = arith.constant 5 : i32
    %dma_wait3A_138 = arith.constant 0 : i32
    %dma_wait3A_139 = tpu.memref_slice %arg9[%dma_wait3A_137, %dma_wait3A_138] : memref<9x128xi32, #tpu.memory_space<vmem>> -> memref<1x128xi32, #tpu.memory_space<vmem>>
    %dma_wait3A_140 = tpu.memref_squeeze %dma_wait3A_139 : memref<1x128xi32, #tpu.memory_space<vmem>> -> memref<128xi32, #tpu.memory_space<vmem>>
    %dma_wait3A_141 = arith.constant 0 : i32
    %dma_wait3A_142 = arith.constant 0 : i32
    %dma_wait3A_143 = tpu.memref_slice %arg2[%dma_wait3A_141, %dma_wait3A_142] : memref<50000x128xf32, #tpu.memory_space<hbm>> -> memref<50000x128xf32, #tpu.memory_space<hbm>>
    tpu.wait_indirect_dma semaphore(%arg17 : memref<!tpu.dma_semaphore, #tpu.memory_space<semaphore_mem>>) src(%dma_wait3A_143 : memref<50000x128xf32, #tpu.memory_space<hbm>>) dst(%arg15 : memref<128x128xf32, #tpu.memory_space<vmem>>)
    %add3A_144 = arith.constant 256 : i32
    %add3A_145 = arith.addi %mul3A_2, %add3A_144 : i32
    %dma_start3A_146 = arith.constant 0 : i32
    %dma_start3A_147 = tpu.memref_slice %arg7[%add3A_145, %dma_start3A_146] : memref<12288x128xf32, #tpu.memory_space<hbm>> -> memref<128x128xf32, #tpu.memory_space<hbm>>
    %dma_start3A_148 = arith.constant 0 : i32
    %dma_start3A_149 = tpu.memref_slice %arg7[%add3A_145, %dma_start3A_148] : memref<12288x128xf32, #tpu.memory_space<hbm>> -> memref<128x128xf32, #tpu.memory_space<hbm>>
    tpu.enqueue_dma source(%arg15 : memref<128x128xf32, #tpu.memory_space<vmem>>) target(%dma_start3A_149 : memref<128x128xf32, #tpu.memory_space<hbm>>) target_semaphore(%arg18 : memref<!tpu.dma_semaphore, #tpu.memory_space<semaphore_mem>>)
    %dma_wait3A_150 = arith.constant 6 : i32
    %dma_wait3A_151 = arith.constant 0 : i32
    %dma_wait3A_152 = tpu.memref_slice %arg9[%dma_wait3A_150, %dma_wait3A_151] : memref<9x128xi32, #tpu.memory_space<vmem>> -> memref<1x128xi32, #tpu.memory_space<vmem>>
    %dma_wait3A_153 = tpu.memref_squeeze %dma_wait3A_152 : memref<1x128xi32, #tpu.memory_space<vmem>> -> memref<128xi32, #tpu.memory_space<vmem>>
    %dma_wait3A_154 = arith.constant 0 : i32
    %dma_wait3A_155 = arith.constant 0 : i32
    %dma_wait3A_156 = tpu.memref_slice %arg2[%dma_wait3A_154, %dma_wait3A_155] : memref<50000x128xf32, #tpu.memory_space<hbm>> -> memref<50000x128xf32, #tpu.memory_space<hbm>>
    tpu.wait_indirect_dma semaphore(%arg17 : memref<!tpu.dma_semaphore, #tpu.memory_space<semaphore_mem>>) src(%dma_wait3A_156 : memref<50000x128xf32, #tpu.memory_space<hbm>>) dst(%arg16 : memref<128x128xf32, #tpu.memory_space<vmem>>)
    %add3A_157 = arith.constant 0 : i32
    %add3A_158 = arith.addi %mul3A_2, %add3A_157 : i32
    %dma_start3A_159 = arith.constant 0 : i32
    %dma_start3A_160 = tpu.memref_slice %arg8[%add3A_158, %dma_start3A_159] : memref<12288x128xf32, #tpu.memory_space<hbm>> -> memref<128x128xf32, #tpu.memory_space<hbm>>
    %dma_start3A_161 = arith.constant 0 : i32
    %dma_start3A_162 = tpu.memref_slice %arg8[%add3A_158, %dma_start3A_161] : memref<12288x128xf32, #tpu.memory_space<hbm>> -> memref<128x128xf32, #tpu.memory_space<hbm>>
    tpu.enqueue_dma source(%arg16 : memref<128x128xf32, #tpu.memory_space<vmem>>) target(%dma_start3A_162 : memref<128x128xf32, #tpu.memory_space<hbm>>) target_semaphore(%arg18 : memref<!tpu.dma_semaphore, #tpu.memory_space<semaphore_mem>>)
    %dma_wait3A_163 = arith.constant 7 : i32
    %dma_wait3A_164 = arith.constant 0 : i32
    %dma_wait3A_165 = tpu.memref_slice %arg9[%dma_wait3A_163, %dma_wait3A_164] : memref<9x128xi32, #tpu.memory_space<vmem>> -> memref<1x128xi32, #tpu.memory_space<vmem>>
    %dma_wait3A_166 = tpu.memref_squeeze %dma_wait3A_165 : memref<1x128xi32, #tpu.memory_space<vmem>> -> memref<128xi32, #tpu.memory_space<vmem>>
    %dma_wait3A_167 = arith.constant 0 : i32
    %dma_wait3A_168 = arith.constant 0 : i32
    %dma_wait3A_169 = tpu.memref_slice %arg2[%dma_wait3A_167, %dma_wait3A_168] : memref<50000x128xf32, #tpu.memory_space<hbm>> -> memref<50000x128xf32, #tpu.memory_space<hbm>>
    tpu.wait_indirect_dma semaphore(%arg17 : memref<!tpu.dma_semaphore, #tpu.memory_space<semaphore_mem>>) src(%dma_wait3A_169 : memref<50000x128xf32, #tpu.memory_space<hbm>>) dst(%arg10 : memref<128x128xf32, #tpu.memory_space<vmem>>)
    %add3A_170 = arith.constant 128 : i32
    %add3A_171 = arith.addi %mul3A_2, %add3A_170 : i32
    %dma_start3A_172 = arith.constant 0 : i32
    %dma_start3A_173 = tpu.memref_slice %arg8[%add3A_171, %dma_start3A_172] : memref<12288x128xf32, #tpu.memory_space<hbm>> -> memref<128x128xf32, #tpu.memory_space<hbm>>
    %dma_start3A_174 = arith.constant 0 : i32
    %dma_start3A_175 = tpu.memref_slice %arg8[%add3A_171, %dma_start3A_174] : memref<12288x128xf32, #tpu.memory_space<hbm>> -> memref<128x128xf32, #tpu.memory_space<hbm>>
    tpu.enqueue_dma source(%arg10 : memref<128x128xf32, #tpu.memory_space<vmem>>) target(%dma_start3A_175 : memref<128x128xf32, #tpu.memory_space<hbm>>) target_semaphore(%arg18 : memref<!tpu.dma_semaphore, #tpu.memory_space<semaphore_mem>>)
    %dma_wait3A_176 = arith.constant 8 : i32
    %dma_wait3A_177 = arith.constant 0 : i32
    %dma_wait3A_178 = tpu.memref_slice %arg9[%dma_wait3A_176, %dma_wait3A_177] : memref<9x128xi32, #tpu.memory_space<vmem>> -> memref<1x128xi32, #tpu.memory_space<vmem>>
    %dma_wait3A_179 = tpu.memref_squeeze %dma_wait3A_178 : memref<1x128xi32, #tpu.memory_space<vmem>> -> memref<128xi32, #tpu.memory_space<vmem>>
    %dma_wait3A_180 = arith.constant 0 : i32
    %dma_wait3A_181 = arith.constant 0 : i32
    %dma_wait3A_182 = tpu.memref_slice %arg2[%dma_wait3A_180, %dma_wait3A_181] : memref<50000x128xf32, #tpu.memory_space<hbm>> -> memref<50000x128xf32, #tpu.memory_space<hbm>>
    tpu.wait_indirect_dma semaphore(%arg17 : memref<!tpu.dma_semaphore, #tpu.memory_space<semaphore_mem>>) src(%dma_wait3A_182 : memref<50000x128xf32, #tpu.memory_space<hbm>>) dst(%arg11 : memref<128x128xf32, #tpu.memory_space<vmem>>)
    %add3A_183 = arith.constant 256 : i32
    %add3A_184 = arith.addi %mul3A_2, %add3A_183 : i32
    %dma_start3A_185 = arith.constant 0 : i32
    %dma_start3A_186 = tpu.memref_slice %arg8[%add3A_184, %dma_start3A_185] : memref<12288x128xf32, #tpu.memory_space<hbm>> -> memref<128x128xf32, #tpu.memory_space<hbm>>
    %dma_start3A_187 = arith.constant 0 : i32
    %dma_start3A_188 = tpu.memref_slice %arg8[%add3A_184, %dma_start3A_187] : memref<12288x128xf32, #tpu.memory_space<hbm>> -> memref<128x128xf32, #tpu.memory_space<hbm>>
    tpu.enqueue_dma source(%arg11 : memref<128x128xf32, #tpu.memory_space<vmem>>) target(%dma_start3A_188 : memref<128x128xf32, #tpu.memory_space<hbm>>) target_semaphore(%arg18 : memref<!tpu.dma_semaphore, #tpu.memory_space<semaphore_mem>>)
    %dma_wait3A_189 = arith.constant 0 : i32
    %dma_wait3A_190 = tpu.memref_slice %arg6[%add3A_95, %dma_wait3A_189] : memref<12288x128xf32, #tpu.memory_space<hbm>> -> memref<128x128xf32, #tpu.memory_space<hbm>>
    %dma_wait3A_191 = arith.constant 0 : i32
    %dma_wait3A_192 = tpu.memref_slice %arg6[%add3A_95, %dma_wait3A_191] : memref<12288x128xf32, #tpu.memory_space<hbm>> -> memref<128x128xf32, #tpu.memory_space<hbm>>
    tpu.wait_dma2 semaphore(%arg18 : memref<!tpu.dma_semaphore, #tpu.memory_space<semaphore_mem>>) src(%arg12 : memref<128x128xf32, #tpu.memory_space<vmem>>) dst(%dma_wait3A_192 : memref<128x128xf32, #tpu.memory_space<hbm>>)
    %dma_wait3A_193 = arith.constant 0 : i32
    %dma_wait3A_194 = tpu.memref_slice %arg7[%add3A_119, %dma_wait3A_193] : memref<12288x128xf32, #tpu.memory_space<hbm>> -> memref<128x128xf32, #tpu.memory_space<hbm>>
    %dma_wait3A_195 = arith.constant 0 : i32
    %dma_wait3A_196 = tpu.memref_slice %arg7[%add3A_119, %dma_wait3A_195] : memref<12288x128xf32, #tpu.memory_space<hbm>> -> memref<128x128xf32, #tpu.memory_space<hbm>>
    tpu.wait_dma2 semaphore(%arg18 : memref<!tpu.dma_semaphore, #tpu.memory_space<semaphore_mem>>) src(%arg13 : memref<128x128xf32, #tpu.memory_space<vmem>>) dst(%dma_wait3A_196 : memref<128x128xf32, #tpu.memory_space<hbm>>)
    %dma_wait3A_197 = arith.constant 0 : i32
    %dma_wait3A_198 = tpu.memref_slice %arg7[%add3A_132, %dma_wait3A_197] : memref<12288x128xf32, #tpu.memory_space<hbm>> -> memref<128x128xf32, #tpu.memory_space<hbm>>
    %dma_wait3A_199 = arith.constant 0 : i32
    %dma_wait3A_200 = tpu.memref_slice %arg7[%add3A_132, %dma_wait3A_199] : memref<12288x128xf32, #tpu.memory_space<hbm>> -> memref<128x128xf32, #tpu.memory_space<hbm>>
    tpu.wait_dma2 semaphore(%arg18 : memref<!tpu.dma_semaphore, #tpu.memory_space<semaphore_mem>>) src(%arg14 : memref<128x128xf32, #tpu.memory_space<vmem>>) dst(%dma_wait3A_200 : memref<128x128xf32, #tpu.memory_space<hbm>>)
    %dma_wait3A_201 = arith.constant 0 : i32
    %dma_wait3A_202 = tpu.memref_slice %arg7[%add3A_145, %dma_wait3A_201] : memref<12288x128xf32, #tpu.memory_space<hbm>> -> memref<128x128xf32, #tpu.memory_space<hbm>>
    %dma_wait3A_203 = arith.constant 0 : i32
    %dma_wait3A_204 = tpu.memref_slice %arg7[%add3A_145, %dma_wait3A_203] : memref<12288x128xf32, #tpu.memory_space<hbm>> -> memref<128x128xf32, #tpu.memory_space<hbm>>
    tpu.wait_dma2 semaphore(%arg18 : memref<!tpu.dma_semaphore, #tpu.memory_space<semaphore_mem>>) src(%arg15 : memref<128x128xf32, #tpu.memory_space<vmem>>) dst(%dma_wait3A_204 : memref<128x128xf32, #tpu.memory_space<hbm>>)
    %dma_wait3A_205 = arith.constant 0 : i32
    %dma_wait3A_206 = tpu.memref_slice %arg8[%add3A_158, %dma_wait3A_205] : memref<12288x128xf32, #tpu.memory_space<hbm>> -> memref<128x128xf32, #tpu.memory_space<hbm>>
    %dma_wait3A_207 = arith.constant 0 : i32
    %dma_wait3A_208 = tpu.memref_slice %arg8[%add3A_158, %dma_wait3A_207] : memref<12288x128xf32, #tpu.memory_space<hbm>> -> memref<128x128xf32, #tpu.memory_space<hbm>>
    tpu.wait_dma2 semaphore(%arg18 : memref<!tpu.dma_semaphore, #tpu.memory_space<semaphore_mem>>) src(%arg16 : memref<128x128xf32, #tpu.memory_space<vmem>>) dst(%dma_wait3A_208 : memref<128x128xf32, #tpu.memory_space<hbm>>)
    %dma_wait3A_209 = arith.constant 0 : i32
    %dma_wait3A_210 = tpu.memref_slice %arg8[%add3A_171, %dma_wait3A_209] : memref<12288x128xf32, #tpu.memory_space<hbm>> -> memref<128x128xf32, #tpu.memory_space<hbm>>
    %dma_wait3A_211 = arith.constant 0 : i32
    %dma_wait3A_212 = tpu.memref_slice %arg8[%add3A_171, %dma_wait3A_211] : memref<12288x128xf32, #tpu.memory_space<hbm>> -> memref<128x128xf32, #tpu.memory_space<hbm>>
    tpu.wait_dma2 semaphore(%arg18 : memref<!tpu.dma_semaphore, #tpu.memory_space<semaphore_mem>>) src(%arg10 : memref<128x128xf32, #tpu.memory_space<vmem>>) dst(%dma_wait3A_212 : memref<128x128xf32, #tpu.memory_space<hbm>>)
    %dma_wait3A_213 = arith.constant 0 : i32
    %dma_wait3A_214 = tpu.memref_slice %arg8[%add3A_184, %dma_wait3A_213] : memref<12288x128xf32, #tpu.memory_space<hbm>> -> memref<128x128xf32, #tpu.memory_space<hbm>>
    %dma_wait3A_215 = arith.constant 0 : i32
    %dma_wait3A_216 = tpu.memref_slice %arg8[%add3A_184, %dma_wait3A_215] : memref<12288x128xf32, #tpu.memory_space<hbm>> -> memref<128x128xf32, #tpu.memory_space<hbm>>
    tpu.wait_dma2 semaphore(%arg18 : memref<!tpu.dma_semaphore, #tpu.memory_space<semaphore_mem>>) src(%arg11 : memref<128x128xf32, #tpu.memory_space<vmem>>) dst(%dma_wait3A_216 : memref<128x128xf32, #tpu.memory_space<hbm>>)
    return
  }
}

#map = affine_map<(d0, d1) -> (0, 0)>
#map1 = affine_map<(d0, d1) -> (0, 0, 0)>
module attributes {stable_mosaic.version = 14 : i64} {
  func.func @gather_kernel(%arg0: i32, %arg1: i32, %arg2: memref<50000x128xf32, #tpu.memory_space<hbm>>, %arg3: memref<32x4x128xi32, #tpu.memory_space<hbm>>, %arg4: memref<32x4x128xi32, #tpu.memory_space<hbm>>, %arg5: memref<32x4x128xi32, #tpu.memory_space<hbm>>, %arg6: memref<16384x128xf32, #tpu.memory_space<hbm>>, %arg7: memref<16384x128xf32, #tpu.memory_space<hbm>>, %arg8: memref<16384x128xf32, #tpu.memory_space<hbm>>, %arg9: memref<12x128xi32, #tpu.memory_space<vmem>>, %arg10: memref<128x128xf32, #tpu.memory_space<vmem>>, %arg11: memref<128x128xf32, #tpu.memory_space<vmem>>, %arg12: memref<128x128xf32, #tpu.memory_space<vmem>>, %arg13: memref<128x128xf32, #tpu.memory_space<vmem>>, %arg14: memref<128x128xf32, #tpu.memory_space<vmem>>, %arg15: memref<128x128xf32, #tpu.memory_space<vmem>>, %arg16: memref<128x128xf32, #tpu.memory_space<vmem>>, %arg17: memref<!tpu.dma_semaphore, #tpu.memory_space<semaphore_mem>>, %arg18: memref<!tpu.dma_semaphore, #tpu.memory_space<semaphore_mem>>) attributes {dimension_semantics = [#tpu.dimension_semantics<core_parallel>, #tpu.dimension_semantics<subcore_parallel>], iteration_bounds = array<i64: 2, 16>, scalar_prefetch = 0 : i64, scratch_operands = 10 : i64, tpu.core_type = #tpu.core_type<sc_vector_subcore>, window_params = [{transform_indices = #map}, {transform_indices = #map1}, {transform_indices = #map1}, {transform_indices = #map1}, {transform_indices = #map}, {transform_indices = #map}, {transform_indices = #map}]} {
    %mul3A = arith.constant 2 : i32
    %mul3A_0 = arith.muli %arg1, %mul3A : i32
    %add3A = arith.addi %mul3A_0, %arg0 : i32
    %mul3A_1 = arith.constant 512 : i32
    %mul3A_2 = arith.muli %add3A, %mul3A_1 : i32
    "tpu.region"() ({
      %run_scoped3A = tpu.sem_alloc : memref<!tpu.dma_semaphore, #tpu.memory_space<semaphore_mem>>
      %dma_start3A_289 = arith.constant 0 : i32
      %dma_start3A_290 = arith.constant 0 : i32
      %dma_start3A_291 = tpu.memref_slice %arg9[%dma_start3A_289, %dma_start3A_290] : memref<12x128xi32, #tpu.memory_space<vmem>> -> memref<4x128xi32, #tpu.memory_space<vmem>>
      %dma_start3A_292 = arith.constant 0 : i32
      %dma_start3A_293 = arith.constant 0 : i32
      %dma_start3A_294 = tpu.memref_slice %arg3[%add3A, %dma_start3A_292, %dma_start3A_293] : memref<32x4x128xi32, #tpu.memory_space<hbm>> -> memref<1x4x128xi32, #tpu.memory_space<hbm>>
      %dma_start3A_295 = tpu.memref_squeeze %dma_start3A_294 : memref<1x4x128xi32, #tpu.memory_space<hbm>> -> memref<4x128xi32, #tpu.memory_space<hbm>>
      %dma_start3A_296 = arith.constant 0 : i32
      %dma_start3A_297 = arith.constant 0 : i32
      %dma_start3A_298 = tpu.memref_slice %arg9[%dma_start3A_296, %dma_start3A_297] : memref<12x128xi32, #tpu.memory_space<vmem>> -> memref<4x128xi32, #tpu.memory_space<vmem>>
      %dma_start3A_299 = arith.constant 0 : i32
      %dma_start3A_300 = arith.constant 0 : i32
      %dma_start3A_301 = tpu.memref_slice %arg3[%add3A, %dma_start3A_299, %dma_start3A_300] : memref<32x4x128xi32, #tpu.memory_space<hbm>> -> memref<1x4x128xi32, #tpu.memory_space<hbm>>
      %dma_start3A_302 = tpu.memref_squeeze %dma_start3A_301 : memref<1x4x128xi32, #tpu.memory_space<hbm>> -> memref<4x128xi32, #tpu.memory_space<hbm>>
      tpu.enqueue_dma source(%dma_start3A_302 : memref<4x128xi32, #tpu.memory_space<hbm>>) target(%dma_start3A_298 : memref<4x128xi32, #tpu.memory_space<vmem>>) target_semaphore(%run_scoped3A : memref<!tpu.dma_semaphore, #tpu.memory_space<semaphore_mem>>)
      %dma_wait3A_303 = arith.constant 0 : i32
      %dma_wait3A_304 = arith.constant 0 : i32
      %dma_wait3A_305 = tpu.memref_slice %arg9[%dma_wait3A_303, %dma_wait3A_304] : memref<12x128xi32, #tpu.memory_space<vmem>> -> memref<4x128xi32, #tpu.memory_space<vmem>>
      %dma_wait3A_306 = arith.constant 0 : i32
      %dma_wait3A_307 = arith.constant 0 : i32
      %dma_wait3A_308 = tpu.memref_slice %arg3[%add3A, %dma_wait3A_306, %dma_wait3A_307] : memref<32x4x128xi32, #tpu.memory_space<hbm>> -> memref<1x4x128xi32, #tpu.memory_space<hbm>>
      %dma_wait3A_309 = tpu.memref_squeeze %dma_wait3A_308 : memref<1x4x128xi32, #tpu.memory_space<hbm>> -> memref<4x128xi32, #tpu.memory_space<hbm>>
      %dma_wait3A_310 = arith.constant 0 : i32
      %dma_wait3A_311 = arith.constant 0 : i32
      %dma_wait3A_312 = tpu.memref_slice %arg9[%dma_wait3A_310, %dma_wait3A_311] : memref<12x128xi32, #tpu.memory_space<vmem>> -> memref<4x128xi32, #tpu.memory_space<vmem>>
      %dma_wait3A_313 = arith.constant 0 : i32
      %dma_wait3A_314 = arith.constant 0 : i32
      %dma_wait3A_315 = tpu.memref_slice %arg3[%add3A, %dma_wait3A_313, %dma_wait3A_314] : memref<32x4x128xi32, #tpu.memory_space<hbm>> -> memref<1x4x128xi32, #tpu.memory_space<hbm>>
      %dma_wait3A_316 = tpu.memref_squeeze %dma_wait3A_315 : memref<1x4x128xi32, #tpu.memory_space<hbm>> -> memref<4x128xi32, #tpu.memory_space<hbm>>
      tpu.wait_dma2 semaphore(%run_scoped3A : memref<!tpu.dma_semaphore, #tpu.memory_space<semaphore_mem>>) src(%dma_wait3A_316 : memref<4x128xi32, #tpu.memory_space<hbm>>) dst(%dma_wait3A_312 : memref<4x128xi32, #tpu.memory_space<vmem>>)
      tpu.yield
    }) : () -> ()
    "tpu.region"() ({
      %run_scoped3A = tpu.sem_alloc : memref<!tpu.dma_semaphore, #tpu.memory_space<semaphore_mem>>
      %dma_start3A_289 = arith.constant 4 : i32
      %dma_start3A_290 = arith.constant 0 : i32
      %dma_start3A_291 = tpu.memref_slice %arg9[%dma_start3A_289, %dma_start3A_290] : memref<12x128xi32, #tpu.memory_space<vmem>> -> memref<4x128xi32, #tpu.memory_space<vmem>>
      %dma_start3A_292 = arith.constant 0 : i32
      %dma_start3A_293 = arith.constant 0 : i32
      %dma_start3A_294 = tpu.memref_slice %arg4[%add3A, %dma_start3A_292, %dma_start3A_293] : memref<32x4x128xi32, #tpu.memory_space<hbm>> -> memref<1x4x128xi32, #tpu.memory_space<hbm>>
      %dma_start3A_295 = tpu.memref_squeeze %dma_start3A_294 : memref<1x4x128xi32, #tpu.memory_space<hbm>> -> memref<4x128xi32, #tpu.memory_space<hbm>>
      %dma_start3A_296 = arith.constant 4 : i32
      %dma_start3A_297 = arith.constant 0 : i32
      %dma_start3A_298 = tpu.memref_slice %arg9[%dma_start3A_296, %dma_start3A_297] : memref<12x128xi32, #tpu.memory_space<vmem>> -> memref<4x128xi32, #tpu.memory_space<vmem>>
      %dma_start3A_299 = arith.constant 0 : i32
      %dma_start3A_300 = arith.constant 0 : i32
      %dma_start3A_301 = tpu.memref_slice %arg4[%add3A, %dma_start3A_299, %dma_start3A_300] : memref<32x4x128xi32, #tpu.memory_space<hbm>> -> memref<1x4x128xi32, #tpu.memory_space<hbm>>
      %dma_start3A_302 = tpu.memref_squeeze %dma_start3A_301 : memref<1x4x128xi32, #tpu.memory_space<hbm>> -> memref<4x128xi32, #tpu.memory_space<hbm>>
      tpu.enqueue_dma source(%dma_start3A_302 : memref<4x128xi32, #tpu.memory_space<hbm>>) target(%dma_start3A_298 : memref<4x128xi32, #tpu.memory_space<vmem>>) target_semaphore(%run_scoped3A : memref<!tpu.dma_semaphore, #tpu.memory_space<semaphore_mem>>)
      %dma_wait3A_303 = arith.constant 4 : i32
      %dma_wait3A_304 = arith.constant 0 : i32
      %dma_wait3A_305 = tpu.memref_slice %arg9[%dma_wait3A_303, %dma_wait3A_304] : memref<12x128xi32, #tpu.memory_space<vmem>> -> memref<4x128xi32, #tpu.memory_space<vmem>>
      %dma_wait3A_306 = arith.constant 0 : i32
      %dma_wait3A_307 = arith.constant 0 : i32
      %dma_wait3A_308 = tpu.memref_slice %arg4[%add3A, %dma_wait3A_306, %dma_wait3A_307] : memref<32x4x128xi32, #tpu.memory_space<hbm>> -> memref<1x4x128xi32, #tpu.memory_space<hbm>>
      %dma_wait3A_309 = tpu.memref_squeeze %dma_wait3A_308 : memref<1x4x128xi32, #tpu.memory_space<hbm>> -> memref<4x128xi32, #tpu.memory_space<hbm>>
      %dma_wait3A_310 = arith.constant 4 : i32
      %dma_wait3A_311 = arith.constant 0 : i32
      %dma_wait3A_312 = tpu.memref_slice %arg9[%dma_wait3A_310, %dma_wait3A_311] : memref<12x128xi32, #tpu.memory_space<vmem>> -> memref<4x128xi32, #tpu.memory_space<vmem>>
      %dma_wait3A_313 = arith.constant 0 : i32
      %dma_wait3A_314 = arith.constant 0 : i32
      %dma_wait3A_315 = tpu.memref_slice %arg4[%add3A, %dma_wait3A_313, %dma_wait3A_314] : memref<32x4x128xi32, #tpu.memory_space<hbm>> -> memref<1x4x128xi32, #tpu.memory_space<hbm>>
      %dma_wait3A_316 = tpu.memref_squeeze %dma_wait3A_315 : memref<1x4x128xi32, #tpu.memory_space<hbm>> -> memref<4x128xi32, #tpu.memory_space<hbm>>
      tpu.wait_dma2 semaphore(%run_scoped3A : memref<!tpu.dma_semaphore, #tpu.memory_space<semaphore_mem>>) src(%dma_wait3A_316 : memref<4x128xi32, #tpu.memory_space<hbm>>) dst(%dma_wait3A_312 : memref<4x128xi32, #tpu.memory_space<vmem>>)
      tpu.yield
    }) : () -> ()
    "tpu.region"() ({
      %run_scoped3A = tpu.sem_alloc : memref<!tpu.dma_semaphore, #tpu.memory_space<semaphore_mem>>
      %dma_start3A_289 = arith.constant 8 : i32
      %dma_start3A_290 = arith.constant 0 : i32
      %dma_start3A_291 = tpu.memref_slice %arg9[%dma_start3A_289, %dma_start3A_290] : memref<12x128xi32, #tpu.memory_space<vmem>> -> memref<4x128xi32, #tpu.memory_space<vmem>>
      %dma_start3A_292 = arith.constant 0 : i32
      %dma_start3A_293 = arith.constant 0 : i32
      %dma_start3A_294 = tpu.memref_slice %arg5[%add3A, %dma_start3A_292, %dma_start3A_293] : memref<32x4x128xi32, #tpu.memory_space<hbm>> -> memref<1x4x128xi32, #tpu.memory_space<hbm>>
      %dma_start3A_295 = tpu.memref_squeeze %dma_start3A_294 : memref<1x4x128xi32, #tpu.memory_space<hbm>> -> memref<4x128xi32, #tpu.memory_space<hbm>>
      %dma_start3A_296 = arith.constant 8 : i32
      %dma_start3A_297 = arith.constant 0 : i32
      %dma_start3A_298 = tpu.memref_slice %arg9[%dma_start3A_296, %dma_start3A_297] : memref<12x128xi32, #tpu.memory_space<vmem>> -> memref<4x128xi32, #tpu.memory_space<vmem>>
      %dma_start3A_299 = arith.constant 0 : i32
      %dma_start3A_300 = arith.constant 0 : i32
      %dma_start3A_301 = tpu.memref_slice %arg5[%add3A, %dma_start3A_299, %dma_start3A_300] : memref<32x4x128xi32, #tpu.memory_space<hbm>> -> memref<1x4x128xi32, #tpu.memory_space<hbm>>
      %dma_start3A_302 = tpu.memref_squeeze %dma_start3A_301 : memref<1x4x128xi32, #tpu.memory_space<hbm>> -> memref<4x128xi32, #tpu.memory_space<hbm>>
      tpu.enqueue_dma source(%dma_start3A_302 : memref<4x128xi32, #tpu.memory_space<hbm>>) target(%dma_start3A_298 : memref<4x128xi32, #tpu.memory_space<vmem>>) target_semaphore(%run_scoped3A : memref<!tpu.dma_semaphore, #tpu.memory_space<semaphore_mem>>)
      %dma_wait3A_303 = arith.constant 8 : i32
      %dma_wait3A_304 = arith.constant 0 : i32
      %dma_wait3A_305 = tpu.memref_slice %arg9[%dma_wait3A_303, %dma_wait3A_304] : memref<12x128xi32, #tpu.memory_space<vmem>> -> memref<4x128xi32, #tpu.memory_space<vmem>>
      %dma_wait3A_306 = arith.constant 0 : i32
      %dma_wait3A_307 = arith.constant 0 : i32
      %dma_wait3A_308 = tpu.memref_slice %arg5[%add3A, %dma_wait3A_306, %dma_wait3A_307] : memref<32x4x128xi32, #tpu.memory_space<hbm>> -> memref<1x4x128xi32, #tpu.memory_space<hbm>>
      %dma_wait3A_309 = tpu.memref_squeeze %dma_wait3A_308 : memref<1x4x128xi32, #tpu.memory_space<hbm>> -> memref<4x128xi32, #tpu.memory_space<hbm>>
      %dma_wait3A_310 = arith.constant 8 : i32
      %dma_wait3A_311 = arith.constant 0 : i32
      %dma_wait3A_312 = tpu.memref_slice %arg9[%dma_wait3A_310, %dma_wait3A_311] : memref<12x128xi32, #tpu.memory_space<vmem>> -> memref<4x128xi32, #tpu.memory_space<vmem>>
      %dma_wait3A_313 = arith.constant 0 : i32
      %dma_wait3A_314 = arith.constant 0 : i32
      %dma_wait3A_315 = tpu.memref_slice %arg5[%add3A, %dma_wait3A_313, %dma_wait3A_314] : memref<32x4x128xi32, #tpu.memory_space<hbm>> -> memref<1x4x128xi32, #tpu.memory_space<hbm>>
      %dma_wait3A_316 = tpu.memref_squeeze %dma_wait3A_315 : memref<1x4x128xi32, #tpu.memory_space<hbm>> -> memref<4x128xi32, #tpu.memory_space<hbm>>
      tpu.wait_dma2 semaphore(%run_scoped3A : memref<!tpu.dma_semaphore, #tpu.memory_space<semaphore_mem>>) src(%dma_wait3A_316 : memref<4x128xi32, #tpu.memory_space<hbm>>) dst(%dma_wait3A_312 : memref<4x128xi32, #tpu.memory_space<vmem>>)
      tpu.yield
    }) : () -> ()
    %dma_start3A = arith.constant 0 : i32
    %dma_start3A_3 = arith.constant 0 : i32
    %dma_start3A_4 = tpu.memref_slice %arg9[%dma_start3A, %dma_start3A_3] : memref<12x128xi32, #tpu.memory_space<vmem>> -> memref<1x128xi32, #tpu.memory_space<vmem>>
    %dma_start3A_5 = tpu.memref_squeeze %dma_start3A_4 : memref<1x128xi32, #tpu.memory_space<vmem>> -> memref<128xi32, #tpu.memory_space<vmem>>
    %dma_start3A_6 = arith.constant 0 : i32
    %dma_start3A_7 = arith.constant 0 : i32
    %dma_start3A_8 = tpu.memref_slice %arg2[%dma_start3A_6, %dma_start3A_7] : memref<50000x128xf32, #tpu.memory_space<hbm>> -> memref<50000x128xf32, #tpu.memory_space<hbm>>
    tpu.enqueue_indirect_dma source(%dma_start3A_8 : memref<50000x128xf32, #tpu.memory_space<hbm>>) target(%arg10 : memref<128x128xf32, #tpu.memory_space<vmem>>) offsets(%dma_start3A_5 : memref<128xi32, #tpu.memory_space<vmem>>) semaphore(%arg17 : memref<!tpu.dma_semaphore, #tpu.memory_space<semaphore_mem>>)
    %dma_start3A_9 = arith.constant 1 : i32
    %dma_start3A_10 = arith.constant 0 : i32
    %dma_start3A_11 = tpu.memref_slice %arg9[%dma_start3A_9, %dma_start3A_10] : memref<12x128xi32, #tpu.memory_space<vmem>> -> memref<1x128xi32, #tpu.memory_space<vmem>>
    %dma_start3A_12 = tpu.memref_squeeze %dma_start3A_11 : memref<1x128xi32, #tpu.memory_space<vmem>> -> memref<128xi32, #tpu.memory_space<vmem>>
    %dma_start3A_13 = arith.constant 0 : i32
    %dma_start3A_14 = arith.constant 0 : i32
    %dma_start3A_15 = tpu.memref_slice %arg2[%dma_start3A_13, %dma_start3A_14] : memref<50000x128xf32, #tpu.memory_space<hbm>> -> memref<50000x128xf32, #tpu.memory_space<hbm>>
    tpu.enqueue_indirect_dma source(%dma_start3A_15 : memref<50000x128xf32, #tpu.memory_space<hbm>>) target(%arg11 : memref<128x128xf32, #tpu.memory_space<vmem>>) offsets(%dma_start3A_12 : memref<128xi32, #tpu.memory_space<vmem>>) semaphore(%arg17 : memref<!tpu.dma_semaphore, #tpu.memory_space<semaphore_mem>>)
    %dma_start3A_16 = arith.constant 2 : i32
    %dma_start3A_17 = arith.constant 0 : i32
    %dma_start3A_18 = tpu.memref_slice %arg9[%dma_start3A_16, %dma_start3A_17] : memref<12x128xi32, #tpu.memory_space<vmem>> -> memref<1x128xi32, #tpu.memory_space<vmem>>
    %dma_start3A_19 = tpu.memref_squeeze %dma_start3A_18 : memref<1x128xi32, #tpu.memory_space<vmem>> -> memref<128xi32, #tpu.memory_space<vmem>>
    %dma_start3A_20 = arith.constant 0 : i32
    %dma_start3A_21 = arith.constant 0 : i32
    %dma_start3A_22 = tpu.memref_slice %arg2[%dma_start3A_20, %dma_start3A_21] : memref<50000x128xf32, #tpu.memory_space<hbm>> -> memref<50000x128xf32, #tpu.memory_space<hbm>>
    tpu.enqueue_indirect_dma source(%dma_start3A_22 : memref<50000x128xf32, #tpu.memory_space<hbm>>) target(%arg12 : memref<128x128xf32, #tpu.memory_space<vmem>>) offsets(%dma_start3A_19 : memref<128xi32, #tpu.memory_space<vmem>>) semaphore(%arg17 : memref<!tpu.dma_semaphore, #tpu.memory_space<semaphore_mem>>)
    %dma_start3A_23 = arith.constant 3 : i32
    %dma_start3A_24 = arith.constant 0 : i32
    %dma_start3A_25 = tpu.memref_slice %arg9[%dma_start3A_23, %dma_start3A_24] : memref<12x128xi32, #tpu.memory_space<vmem>> -> memref<1x128xi32, #tpu.memory_space<vmem>>
    %dma_start3A_26 = tpu.memref_squeeze %dma_start3A_25 : memref<1x128xi32, #tpu.memory_space<vmem>> -> memref<128xi32, #tpu.memory_space<vmem>>
    %dma_start3A_27 = arith.constant 0 : i32
    %dma_start3A_28 = arith.constant 0 : i32
    %dma_start3A_29 = tpu.memref_slice %arg2[%dma_start3A_27, %dma_start3A_28] : memref<50000x128xf32, #tpu.memory_space<hbm>> -> memref<50000x128xf32, #tpu.memory_space<hbm>>
    tpu.enqueue_indirect_dma source(%dma_start3A_29 : memref<50000x128xf32, #tpu.memory_space<hbm>>) target(%arg13 : memref<128x128xf32, #tpu.memory_space<vmem>>) offsets(%dma_start3A_26 : memref<128xi32, #tpu.memory_space<vmem>>) semaphore(%arg17 : memref<!tpu.dma_semaphore, #tpu.memory_space<semaphore_mem>>)
    %dma_start3A_30 = arith.constant 4 : i32
    %dma_start3A_31 = arith.constant 0 : i32
    %dma_start3A_32 = tpu.memref_slice %arg9[%dma_start3A_30, %dma_start3A_31] : memref<12x128xi32, #tpu.memory_space<vmem>> -> memref<1x128xi32, #tpu.memory_space<vmem>>
    %dma_start3A_33 = tpu.memref_squeeze %dma_start3A_32 : memref<1x128xi32, #tpu.memory_space<vmem>> -> memref<128xi32, #tpu.memory_space<vmem>>
    %dma_start3A_34 = arith.constant 0 : i32
    %dma_start3A_35 = arith.constant 0 : i32
    %dma_start3A_36 = tpu.memref_slice %arg2[%dma_start3A_34, %dma_start3A_35] : memref<50000x128xf32, #tpu.memory_space<hbm>> -> memref<50000x128xf32, #tpu.memory_space<hbm>>
    tpu.enqueue_indirect_dma source(%dma_start3A_36 : memref<50000x128xf32, #tpu.memory_space<hbm>>) target(%arg14 : memref<128x128xf32, #tpu.memory_space<vmem>>) offsets(%dma_start3A_33 : memref<128xi32, #tpu.memory_space<vmem>>) semaphore(%arg17 : memref<!tpu.dma_semaphore, #tpu.memory_space<semaphore_mem>>)
    %dma_start3A_37 = arith.constant 5 : i32
    %dma_start3A_38 = arith.constant 0 : i32
    %dma_start3A_39 = tpu.memref_slice %arg9[%dma_start3A_37, %dma_start3A_38] : memref<12x128xi32, #tpu.memory_space<vmem>> -> memref<1x128xi32, #tpu.memory_space<vmem>>
    %dma_start3A_40 = tpu.memref_squeeze %dma_start3A_39 : memref<1x128xi32, #tpu.memory_space<vmem>> -> memref<128xi32, #tpu.memory_space<vmem>>
    %dma_start3A_41 = arith.constant 0 : i32
    %dma_start3A_42 = arith.constant 0 : i32
    %dma_start3A_43 = tpu.memref_slice %arg2[%dma_start3A_41, %dma_start3A_42] : memref<50000x128xf32, #tpu.memory_space<hbm>> -> memref<50000x128xf32, #tpu.memory_space<hbm>>
    tpu.enqueue_indirect_dma source(%dma_start3A_43 : memref<50000x128xf32, #tpu.memory_space<hbm>>) target(%arg15 : memref<128x128xf32, #tpu.memory_space<vmem>>) offsets(%dma_start3A_40 : memref<128xi32, #tpu.memory_space<vmem>>) semaphore(%arg17 : memref<!tpu.dma_semaphore, #tpu.memory_space<semaphore_mem>>)
    %dma_wait3A = arith.constant 0 : i32
    %dma_wait3A_44 = arith.constant 0 : i32
    %dma_wait3A_45 = tpu.memref_slice %arg9[%dma_wait3A, %dma_wait3A_44] : memref<12x128xi32, #tpu.memory_space<vmem>> -> memref<1x128xi32, #tpu.memory_space<vmem>>
    %dma_wait3A_46 = tpu.memref_squeeze %dma_wait3A_45 : memref<1x128xi32, #tpu.memory_space<vmem>> -> memref<128xi32, #tpu.memory_space<vmem>>
    %dma_wait3A_47 = arith.constant 0 : i32
    %dma_wait3A_48 = arith.constant 0 : i32
    %dma_wait3A_49 = tpu.memref_slice %arg2[%dma_wait3A_47, %dma_wait3A_48] : memref<50000x128xf32, #tpu.memory_space<hbm>> -> memref<50000x128xf32, #tpu.memory_space<hbm>>
    tpu.wait_indirect_dma semaphore(%arg17 : memref<!tpu.dma_semaphore, #tpu.memory_space<semaphore_mem>>) src(%dma_wait3A_49 : memref<50000x128xf32, #tpu.memory_space<hbm>>) dst(%arg10 : memref<128x128xf32, #tpu.memory_space<vmem>>)
    %add3A_50 = arith.constant 0 : i32
    %add3A_51 = arith.addi %mul3A_2, %add3A_50 : i32
    %dma_start3A_52 = arith.constant 0 : i32
    %dma_start3A_53 = tpu.memref_slice %arg6[%add3A_51, %dma_start3A_52] : memref<16384x128xf32, #tpu.memory_space<hbm>> -> memref<128x128xf32, #tpu.memory_space<hbm>>
    %dma_start3A_54 = arith.constant 0 : i32
    %dma_start3A_55 = tpu.memref_slice %arg6[%add3A_51, %dma_start3A_54] : memref<16384x128xf32, #tpu.memory_space<hbm>> -> memref<128x128xf32, #tpu.memory_space<hbm>>
    tpu.enqueue_dma source(%arg10 : memref<128x128xf32, #tpu.memory_space<vmem>>) target(%dma_start3A_55 : memref<128x128xf32, #tpu.memory_space<hbm>>) target_semaphore(%arg18 : memref<!tpu.dma_semaphore, #tpu.memory_space<semaphore_mem>>)
    %dma_start3A_56 = arith.constant 6 : i32
    %dma_start3A_57 = arith.constant 0 : i32
    %dma_start3A_58 = tpu.memref_slice %arg9[%dma_start3A_56, %dma_start3A_57] : memref<12x128xi32, #tpu.memory_space<vmem>> -> memref<1x128xi32, #tpu.memory_space<vmem>>
    %dma_start3A_59 = tpu.memref_squeeze %dma_start3A_58 : memref<1x128xi32, #tpu.memory_space<vmem>> -> memref<128xi32, #tpu.memory_space<vmem>>
    %dma_start3A_60 = arith.constant 0 : i32
    %dma_start3A_61 = arith.constant 0 : i32
    %dma_start3A_62 = tpu.memref_slice %arg2[%dma_start3A_60, %dma_start3A_61] : memref<50000x128xf32, #tpu.memory_space<hbm>> -> memref<50000x128xf32, #tpu.memory_space<hbm>>
    tpu.enqueue_indirect_dma source(%dma_start3A_62 : memref<50000x128xf32, #tpu.memory_space<hbm>>) target(%arg16 : memref<128x128xf32, #tpu.memory_space<vmem>>) offsets(%dma_start3A_59 : memref<128xi32, #tpu.memory_space<vmem>>) semaphore(%arg17 : memref<!tpu.dma_semaphore, #tpu.memory_space<semaphore_mem>>)
    %dma_wait3A_63 = arith.constant 1 : i32
    %dma_wait3A_64 = arith.constant 0 : i32
    %dma_wait3A_65 = tpu.memref_slice %arg9[%dma_wait3A_63, %dma_wait3A_64] : memref<12x128xi32, #tpu.memory_space<vmem>> -> memref<1x128xi32, #tpu.memory_space<vmem>>
    %dma_wait3A_66 = tpu.memref_squeeze %dma_wait3A_65 : memref<1x128xi32, #tpu.memory_space<vmem>> -> memref<128xi32, #tpu.memory_space<vmem>>
    %dma_wait3A_67 = arith.constant 0 : i32
    %dma_wait3A_68 = arith.constant 0 : i32
    %dma_wait3A_69 = tpu.memref_slice %arg2[%dma_wait3A_67, %dma_wait3A_68] : memref<50000x128xf32, #tpu.memory_space<hbm>> -> memref<50000x128xf32, #tpu.memory_space<hbm>>
    tpu.wait_indirect_dma semaphore(%arg17 : memref<!tpu.dma_semaphore, #tpu.memory_space<semaphore_mem>>) src(%dma_wait3A_69 : memref<50000x128xf32, #tpu.memory_space<hbm>>) dst(%arg11 : memref<128x128xf32, #tpu.memory_space<vmem>>)
    %add3A_70 = arith.constant 128 : i32
    %add3A_71 = arith.addi %mul3A_2, %add3A_70 : i32
    %dma_start3A_72 = arith.constant 0 : i32
    %dma_start3A_73 = tpu.memref_slice %arg6[%add3A_71, %dma_start3A_72] : memref<16384x128xf32, #tpu.memory_space<hbm>> -> memref<128x128xf32, #tpu.memory_space<hbm>>
    %dma_start3A_74 = arith.constant 0 : i32
    %dma_start3A_75 = tpu.memref_slice %arg6[%add3A_71, %dma_start3A_74] : memref<16384x128xf32, #tpu.memory_space<hbm>> -> memref<128x128xf32, #tpu.memory_space<hbm>>
    tpu.enqueue_dma source(%arg11 : memref<128x128xf32, #tpu.memory_space<vmem>>) target(%dma_start3A_75 : memref<128x128xf32, #tpu.memory_space<hbm>>) target_semaphore(%arg18 : memref<!tpu.dma_semaphore, #tpu.memory_space<semaphore_mem>>)
    %dma_wait3A_76 = arith.constant 0 : i32
    %dma_wait3A_77 = tpu.memref_slice %arg6[%add3A_51, %dma_wait3A_76] : memref<16384x128xf32, #tpu.memory_space<hbm>> -> memref<128x128xf32, #tpu.memory_space<hbm>>
    %dma_wait3A_78 = arith.constant 0 : i32
    %dma_wait3A_79 = tpu.memref_slice %arg6[%add3A_51, %dma_wait3A_78] : memref<16384x128xf32, #tpu.memory_space<hbm>> -> memref<128x128xf32, #tpu.memory_space<hbm>>
    tpu.wait_dma2 semaphore(%arg18 : memref<!tpu.dma_semaphore, #tpu.memory_space<semaphore_mem>>) src(%arg10 : memref<128x128xf32, #tpu.memory_space<vmem>>) dst(%dma_wait3A_79 : memref<128x128xf32, #tpu.memory_space<hbm>>)
    %dma_start3A_80 = arith.constant 7 : i32
    %dma_start3A_81 = arith.constant 0 : i32
    %dma_start3A_82 = tpu.memref_slice %arg9[%dma_start3A_80, %dma_start3A_81] : memref<12x128xi32, #tpu.memory_space<vmem>> -> memref<1x128xi32, #tpu.memory_space<vmem>>
    %dma_start3A_83 = tpu.memref_squeeze %dma_start3A_82 : memref<1x128xi32, #tpu.memory_space<vmem>> -> memref<128xi32, #tpu.memory_space<vmem>>
    %dma_start3A_84 = arith.constant 0 : i32
    %dma_start3A_85 = arith.constant 0 : i32
    %dma_start3A_86 = tpu.memref_slice %arg2[%dma_start3A_84, %dma_start3A_85] : memref<50000x128xf32, #tpu.memory_space<hbm>> -> memref<50000x128xf32, #tpu.memory_space<hbm>>
    tpu.enqueue_indirect_dma source(%dma_start3A_86 : memref<50000x128xf32, #tpu.memory_space<hbm>>) target(%arg10 : memref<128x128xf32, #tpu.memory_space<vmem>>) offsets(%dma_start3A_83 : memref<128xi32, #tpu.memory_space<vmem>>) semaphore(%arg17 : memref<!tpu.dma_semaphore, #tpu.memory_space<semaphore_mem>>)
    %dma_wait3A_87 = arith.constant 2 : i32
    %dma_wait3A_88 = arith.constant 0 : i32
    %dma_wait3A_89 = tpu.memref_slice %arg9[%dma_wait3A_87, %dma_wait3A_88] : memref<12x128xi32, #tpu.memory_space<vmem>> -> memref<1x128xi32, #tpu.memory_space<vmem>>
    %dma_wait3A_90 = tpu.memref_squeeze %dma_wait3A_89 : memref<1x128xi32, #tpu.memory_space<vmem>> -> memref<128xi32, #tpu.memory_space<vmem>>
    %dma_wait3A_91 = arith.constant 0 : i32
    %dma_wait3A_92 = arith.constant 0 : i32
    %dma_wait3A_93 = tpu.memref_slice %arg2[%dma_wait3A_91, %dma_wait3A_92] : memref<50000x128xf32, #tpu.memory_space<hbm>> -> memref<50000x128xf32, #tpu.memory_space<hbm>>
    tpu.wait_indirect_dma semaphore(%arg17 : memref<!tpu.dma_semaphore, #tpu.memory_space<semaphore_mem>>) src(%dma_wait3A_93 : memref<50000x128xf32, #tpu.memory_space<hbm>>) dst(%arg12 : memref<128x128xf32, #tpu.memory_space<vmem>>)
    %add3A_94 = arith.constant 256 : i32
    %add3A_95 = arith.addi %mul3A_2, %add3A_94 : i32
    %dma_start3A_96 = arith.constant 0 : i32
    %dma_start3A_97 = tpu.memref_slice %arg6[%add3A_95, %dma_start3A_96] : memref<16384x128xf32, #tpu.memory_space<hbm>> -> memref<128x128xf32, #tpu.memory_space<hbm>>
    %dma_start3A_98 = arith.constant 0 : i32
    %dma_start3A_99 = tpu.memref_slice %arg6[%add3A_95, %dma_start3A_98] : memref<16384x128xf32, #tpu.memory_space<hbm>> -> memref<128x128xf32, #tpu.memory_space<hbm>>
    tpu.enqueue_dma source(%arg12 : memref<128x128xf32, #tpu.memory_space<vmem>>) target(%dma_start3A_99 : memref<128x128xf32, #tpu.memory_space<hbm>>) target_semaphore(%arg18 : memref<!tpu.dma_semaphore, #tpu.memory_space<semaphore_mem>>)
    %dma_wait3A_100 = arith.constant 0 : i32
    %dma_wait3A_101 = tpu.memref_slice %arg6[%add3A_71, %dma_wait3A_100] : memref<16384x128xf32, #tpu.memory_space<hbm>> -> memref<128x128xf32, #tpu.memory_space<hbm>>
    %dma_wait3A_102 = arith.constant 0 : i32
    %dma_wait3A_103 = tpu.memref_slice %arg6[%add3A_71, %dma_wait3A_102] : memref<16384x128xf32, #tpu.memory_space<hbm>> -> memref<128x128xf32, #tpu.memory_space<hbm>>
    tpu.wait_dma2 semaphore(%arg18 : memref<!tpu.dma_semaphore, #tpu.memory_space<semaphore_mem>>) src(%arg11 : memref<128x128xf32, #tpu.memory_space<vmem>>) dst(%dma_wait3A_103 : memref<128x128xf32, #tpu.memory_space<hbm>>)
    %dma_start3A_104 = arith.constant 8 : i32
    %dma_start3A_105 = arith.constant 0 : i32
    %dma_start3A_106 = tpu.memref_slice %arg9[%dma_start3A_104, %dma_start3A_105] : memref<12x128xi32, #tpu.memory_space<vmem>> -> memref<1x128xi32, #tpu.memory_space<vmem>>
    %dma_start3A_107 = tpu.memref_squeeze %dma_start3A_106 : memref<1x128xi32, #tpu.memory_space<vmem>> -> memref<128xi32, #tpu.memory_space<vmem>>
    %dma_start3A_108 = arith.constant 0 : i32
    %dma_start3A_109 = arith.constant 0 : i32
    %dma_start3A_110 = tpu.memref_slice %arg2[%dma_start3A_108, %dma_start3A_109] : memref<50000x128xf32, #tpu.memory_space<hbm>> -> memref<50000x128xf32, #tpu.memory_space<hbm>>
    tpu.enqueue_indirect_dma source(%dma_start3A_110 : memref<50000x128xf32, #tpu.memory_space<hbm>>) target(%arg11 : memref<128x128xf32, #tpu.memory_space<vmem>>) offsets(%dma_start3A_107 : memref<128xi32, #tpu.memory_space<vmem>>) semaphore(%arg17 : memref<!tpu.dma_semaphore, #tpu.memory_space<semaphore_mem>>)
    %dma_wait3A_111 = arith.constant 3 : i32
    %dma_wait3A_112 = arith.constant 0 : i32
    %dma_wait3A_113 = tpu.memref_slice %arg9[%dma_wait3A_111, %dma_wait3A_112] : memref<12x128xi32, #tpu.memory_space<vmem>> -> memref<1x128xi32, #tpu.memory_space<vmem>>
    %dma_wait3A_114 = tpu.memref_squeeze %dma_wait3A_113 : memref<1x128xi32, #tpu.memory_space<vmem>> -> memref<128xi32, #tpu.memory_space<vmem>>
    %dma_wait3A_115 = arith.constant 0 : i32
    %dma_wait3A_116 = arith.constant 0 : i32
    %dma_wait3A_117 = tpu.memref_slice %arg2[%dma_wait3A_115, %dma_wait3A_116] : memref<50000x128xf32, #tpu.memory_space<hbm>> -> memref<50000x128xf32, #tpu.memory_space<hbm>>
    tpu.wait_indirect_dma semaphore(%arg17 : memref<!tpu.dma_semaphore, #tpu.memory_space<semaphore_mem>>) src(%dma_wait3A_117 : memref<50000x128xf32, #tpu.memory_space<hbm>>) dst(%arg13 : memref<128x128xf32, #tpu.memory_space<vmem>>)
    %add3A_118 = arith.constant 384 : i32
    %add3A_119 = arith.addi %mul3A_2, %add3A_118 : i32
    %dma_start3A_120 = arith.constant 0 : i32
    %dma_start3A_121 = tpu.memref_slice %arg6[%add3A_119, %dma_start3A_120] : memref<16384x128xf32, #tpu.memory_space<hbm>> -> memref<128x128xf32, #tpu.memory_space<hbm>>
    %dma_start3A_122 = arith.constant 0 : i32
    %dma_start3A_123 = tpu.memref_slice %arg6[%add3A_119, %dma_start3A_122] : memref<16384x128xf32, #tpu.memory_space<hbm>> -> memref<128x128xf32, #tpu.memory_space<hbm>>
    tpu.enqueue_dma source(%arg13 : memref<128x128xf32, #tpu.memory_space<vmem>>) target(%dma_start3A_123 : memref<128x128xf32, #tpu.memory_space<hbm>>) target_semaphore(%arg18 : memref<!tpu.dma_semaphore, #tpu.memory_space<semaphore_mem>>)
    %dma_wait3A_124 = arith.constant 0 : i32
    %dma_wait3A_125 = tpu.memref_slice %arg6[%add3A_95, %dma_wait3A_124] : memref<16384x128xf32, #tpu.memory_space<hbm>> -> memref<128x128xf32, #tpu.memory_space<hbm>>
    %dma_wait3A_126 = arith.constant 0 : i32
    %dma_wait3A_127 = tpu.memref_slice %arg6[%add3A_95, %dma_wait3A_126] : memref<16384x128xf32, #tpu.memory_space<hbm>> -> memref<128x128xf32, #tpu.memory_space<hbm>>
    tpu.wait_dma2 semaphore(%arg18 : memref<!tpu.dma_semaphore, #tpu.memory_space<semaphore_mem>>) src(%arg12 : memref<128x128xf32, #tpu.memory_space<vmem>>) dst(%dma_wait3A_127 : memref<128x128xf32, #tpu.memory_space<hbm>>)
    %dma_start3A_128 = arith.constant 9 : i32
    %dma_start3A_129 = arith.constant 0 : i32
    %dma_start3A_130 = tpu.memref_slice %arg9[%dma_start3A_128, %dma_start3A_129] : memref<12x128xi32, #tpu.memory_space<vmem>> -> memref<1x128xi32, #tpu.memory_space<vmem>>
    %dma_start3A_131 = tpu.memref_squeeze %dma_start3A_130 : memref<1x128xi32, #tpu.memory_space<vmem>> -> memref<128xi32, #tpu.memory_space<vmem>>
    %dma_start3A_132 = arith.constant 0 : i32
    %dma_start3A_133 = arith.constant 0 : i32
    %dma_start3A_134 = tpu.memref_slice %arg2[%dma_start3A_132, %dma_start3A_133] : memref<50000x128xf32, #tpu.memory_space<hbm>> -> memref<50000x128xf32, #tpu.memory_space<hbm>>
    tpu.enqueue_indirect_dma source(%dma_start3A_134 : memref<50000x128xf32, #tpu.memory_space<hbm>>) target(%arg12 : memref<128x128xf32, #tpu.memory_space<vmem>>) offsets(%dma_start3A_131 : memref<128xi32, #tpu.memory_space<vmem>>) semaphore(%arg17 : memref<!tpu.dma_semaphore, #tpu.memory_space<semaphore_mem>>)
    %dma_wait3A_135 = arith.constant 4 : i32
    %dma_wait3A_136 = arith.constant 0 : i32
    %dma_wait3A_137 = tpu.memref_slice %arg9[%dma_wait3A_135, %dma_wait3A_136] : memref<12x128xi32, #tpu.memory_space<vmem>> -> memref<1x128xi32, #tpu.memory_space<vmem>>
    %dma_wait3A_138 = tpu.memref_squeeze %dma_wait3A_137 : memref<1x128xi32, #tpu.memory_space<vmem>> -> memref<128xi32, #tpu.memory_space<vmem>>
    %dma_wait3A_139 = arith.constant 0 : i32
    %dma_wait3A_140 = arith.constant 0 : i32
    %dma_wait3A_141 = tpu.memref_slice %arg2[%dma_wait3A_139, %dma_wait3A_140] : memref<50000x128xf32, #tpu.memory_space<hbm>> -> memref<50000x128xf32, #tpu.memory_space<hbm>>
    tpu.wait_indirect_dma semaphore(%arg17 : memref<!tpu.dma_semaphore, #tpu.memory_space<semaphore_mem>>) src(%dma_wait3A_141 : memref<50000x128xf32, #tpu.memory_space<hbm>>) dst(%arg14 : memref<128x128xf32, #tpu.memory_space<vmem>>)
    %add3A_142 = arith.constant 0 : i32
    %add3A_143 = arith.addi %mul3A_2, %add3A_142 : i32
    %dma_start3A_144 = arith.constant 0 : i32
    %dma_start3A_145 = tpu.memref_slice %arg7[%add3A_143, %dma_start3A_144] : memref<16384x128xf32, #tpu.memory_space<hbm>> -> memref<128x128xf32, #tpu.memory_space<hbm>>
    %dma_start3A_146 = arith.constant 0 : i32
    %dma_start3A_147 = tpu.memref_slice %arg7[%add3A_143, %dma_start3A_146] : memref<16384x128xf32, #tpu.memory_space<hbm>> -> memref<128x128xf32, #tpu.memory_space<hbm>>
    tpu.enqueue_dma source(%arg14 : memref<128x128xf32, #tpu.memory_space<vmem>>) target(%dma_start3A_147 : memref<128x128xf32, #tpu.memory_space<hbm>>) target_semaphore(%arg18 : memref<!tpu.dma_semaphore, #tpu.memory_space<semaphore_mem>>)
    %dma_wait3A_148 = arith.constant 0 : i32
    %dma_wait3A_149 = tpu.memref_slice %arg6[%add3A_119, %dma_wait3A_148] : memref<16384x128xf32, #tpu.memory_space<hbm>> -> memref<128x128xf32, #tpu.memory_space<hbm>>
    %dma_wait3A_150 = arith.constant 0 : i32
    %dma_wait3A_151 = tpu.memref_slice %arg6[%add3A_119, %dma_wait3A_150] : memref<16384x128xf32, #tpu.memory_space<hbm>> -> memref<128x128xf32, #tpu.memory_space<hbm>>
    tpu.wait_dma2 semaphore(%arg18 : memref<!tpu.dma_semaphore, #tpu.memory_space<semaphore_mem>>) src(%arg13 : memref<128x128xf32, #tpu.memory_space<vmem>>) dst(%dma_wait3A_151 : memref<128x128xf32, #tpu.memory_space<hbm>>)
    %dma_start3A_152 = arith.constant 10 : i32
    %dma_start3A_153 = arith.constant 0 : i32
    %dma_start3A_154 = tpu.memref_slice %arg9[%dma_start3A_152, %dma_start3A_153] : memref<12x128xi32, #tpu.memory_space<vmem>> -> memref<1x128xi32, #tpu.memory_space<vmem>>
    %dma_start3A_155 = tpu.memref_squeeze %dma_start3A_154 : memref<1x128xi32, #tpu.memory_space<vmem>> -> memref<128xi32, #tpu.memory_space<vmem>>
    %dma_start3A_156 = arith.constant 0 : i32
    %dma_start3A_157 = arith.constant 0 : i32
    %dma_start3A_158 = tpu.memref_slice %arg2[%dma_start3A_156, %dma_start3A_157] : memref<50000x128xf32, #tpu.memory_space<hbm>> -> memref<50000x128xf32, #tpu.memory_space<hbm>>
    tpu.enqueue_indirect_dma source(%dma_start3A_158 : memref<50000x128xf32, #tpu.memory_space<hbm>>) target(%arg13 : memref<128x128xf32, #tpu.memory_space<vmem>>) offsets(%dma_start3A_155 : memref<128xi32, #tpu.memory_space<vmem>>) semaphore(%arg17 : memref<!tpu.dma_semaphore, #tpu.memory_space<semaphore_mem>>)
    %dma_wait3A_159 = arith.constant 5 : i32
    %dma_wait3A_160 = arith.constant 0 : i32
    %dma_wait3A_161 = tpu.memref_slice %arg9[%dma_wait3A_159, %dma_wait3A_160] : memref<12x128xi32, #tpu.memory_space<vmem>> -> memref<1x128xi32, #tpu.memory_space<vmem>>
    %dma_wait3A_162 = tpu.memref_squeeze %dma_wait3A_161 : memref<1x128xi32, #tpu.memory_space<vmem>> -> memref<128xi32, #tpu.memory_space<vmem>>
    %dma_wait3A_163 = arith.constant 0 : i32
    %dma_wait3A_164 = arith.constant 0 : i32
    %dma_wait3A_165 = tpu.memref_slice %arg2[%dma_wait3A_163, %dma_wait3A_164] : memref<50000x128xf32, #tpu.memory_space<hbm>> -> memref<50000x128xf32, #tpu.memory_space<hbm>>
    tpu.wait_indirect_dma semaphore(%arg17 : memref<!tpu.dma_semaphore, #tpu.memory_space<semaphore_mem>>) src(%dma_wait3A_165 : memref<50000x128xf32, #tpu.memory_space<hbm>>) dst(%arg15 : memref<128x128xf32, #tpu.memory_space<vmem>>)
    %add3A_166 = arith.constant 128 : i32
    %add3A_167 = arith.addi %mul3A_2, %add3A_166 : i32
    %dma_start3A_168 = arith.constant 0 : i32
    %dma_start3A_169 = tpu.memref_slice %arg7[%add3A_167, %dma_start3A_168] : memref<16384x128xf32, #tpu.memory_space<hbm>> -> memref<128x128xf32, #tpu.memory_space<hbm>>
    %dma_start3A_170 = arith.constant 0 : i32
    %dma_start3A_171 = tpu.memref_slice %arg7[%add3A_167, %dma_start3A_170] : memref<16384x128xf32, #tpu.memory_space<hbm>> -> memref<128x128xf32, #tpu.memory_space<hbm>>
    tpu.enqueue_dma source(%arg15 : memref<128x128xf32, #tpu.memory_space<vmem>>) target(%dma_start3A_171 : memref<128x128xf32, #tpu.memory_space<hbm>>) target_semaphore(%arg18 : memref<!tpu.dma_semaphore, #tpu.memory_space<semaphore_mem>>)
    %dma_wait3A_172 = arith.constant 0 : i32
    %dma_wait3A_173 = tpu.memref_slice %arg7[%add3A_143, %dma_wait3A_172] : memref<16384x128xf32, #tpu.memory_space<hbm>> -> memref<128x128xf32, #tpu.memory_space<hbm>>
    %dma_wait3A_174 = arith.constant 0 : i32
    %dma_wait3A_175 = tpu.memref_slice %arg7[%add3A_143, %dma_wait3A_174] : memref<16384x128xf32, #tpu.memory_space<hbm>> -> memref<128x128xf32, #tpu.memory_space<hbm>>
    tpu.wait_dma2 semaphore(%arg18 : memref<!tpu.dma_semaphore, #tpu.memory_space<semaphore_mem>>) src(%arg14 : memref<128x128xf32, #tpu.memory_space<vmem>>) dst(%dma_wait3A_175 : memref<128x128xf32, #tpu.memory_space<hbm>>)
    %dma_start3A_176 = arith.constant 11 : i32
    %dma_start3A_177 = arith.constant 0 : i32
    %dma_start3A_178 = tpu.memref_slice %arg9[%dma_start3A_176, %dma_start3A_177] : memref<12x128xi32, #tpu.memory_space<vmem>> -> memref<1x128xi32, #tpu.memory_space<vmem>>
    %dma_start3A_179 = tpu.memref_squeeze %dma_start3A_178 : memref<1x128xi32, #tpu.memory_space<vmem>> -> memref<128xi32, #tpu.memory_space<vmem>>
    %dma_start3A_180 = arith.constant 0 : i32
    %dma_start3A_181 = arith.constant 0 : i32
    %dma_start3A_182 = tpu.memref_slice %arg2[%dma_start3A_180, %dma_start3A_181] : memref<50000x128xf32, #tpu.memory_space<hbm>> -> memref<50000x128xf32, #tpu.memory_space<hbm>>
    tpu.enqueue_indirect_dma source(%dma_start3A_182 : memref<50000x128xf32, #tpu.memory_space<hbm>>) target(%arg14 : memref<128x128xf32, #tpu.memory_space<vmem>>) offsets(%dma_start3A_179 : memref<128xi32, #tpu.memory_space<vmem>>) semaphore(%arg17 : memref<!tpu.dma_semaphore, #tpu.memory_space<semaphore_mem>>)
    %dma_wait3A_183 = arith.constant 6 : i32
    %dma_wait3A_184 = arith.constant 0 : i32
    %dma_wait3A_185 = tpu.memref_slice %arg9[%dma_wait3A_183, %dma_wait3A_184] : memref<12x128xi32, #tpu.memory_space<vmem>> -> memref<1x128xi32, #tpu.memory_space<vmem>>
    %dma_wait3A_186 = tpu.memref_squeeze %dma_wait3A_185 : memref<1x128xi32, #tpu.memory_space<vmem>> -> memref<128xi32, #tpu.memory_space<vmem>>
    %dma_wait3A_187 = arith.constant 0 : i32
    %dma_wait3A_188 = arith.constant 0 : i32
    %dma_wait3A_189 = tpu.memref_slice %arg2[%dma_wait3A_187, %dma_wait3A_188] : memref<50000x128xf32, #tpu.memory_space<hbm>> -> memref<50000x128xf32, #tpu.memory_space<hbm>>
    tpu.wait_indirect_dma semaphore(%arg17 : memref<!tpu.dma_semaphore, #tpu.memory_space<semaphore_mem>>) src(%dma_wait3A_189 : memref<50000x128xf32, #tpu.memory_space<hbm>>) dst(%arg16 : memref<128x128xf32, #tpu.memory_space<vmem>>)
    %add3A_190 = arith.constant 256 : i32
    %add3A_191 = arith.addi %mul3A_2, %add3A_190 : i32
    %dma_start3A_192 = arith.constant 0 : i32
    %dma_start3A_193 = tpu.memref_slice %arg7[%add3A_191, %dma_start3A_192] : memref<16384x128xf32, #tpu.memory_space<hbm>> -> memref<128x128xf32, #tpu.memory_space<hbm>>
    %dma_start3A_194 = arith.constant 0 : i32
    %dma_start3A_195 = tpu.memref_slice %arg7[%add3A_191, %dma_start3A_194] : memref<16384x128xf32, #tpu.memory_space<hbm>> -> memref<128x128xf32, #tpu.memory_space<hbm>>
    tpu.enqueue_dma source(%arg16 : memref<128x128xf32, #tpu.memory_space<vmem>>) target(%dma_start3A_195 : memref<128x128xf32, #tpu.memory_space<hbm>>) target_semaphore(%arg18 : memref<!tpu.dma_semaphore, #tpu.memory_space<semaphore_mem>>)
    %dma_wait3A_196 = arith.constant 7 : i32
    %dma_wait3A_197 = arith.constant 0 : i32
    %dma_wait3A_198 = tpu.memref_slice %arg9[%dma_wait3A_196, %dma_wait3A_197] : memref<12x128xi32, #tpu.memory_space<vmem>> -> memref<1x128xi32, #tpu.memory_space<vmem>>
    %dma_wait3A_199 = tpu.memref_squeeze %dma_wait3A_198 : memref<1x128xi32, #tpu.memory_space<vmem>> -> memref<128xi32, #tpu.memory_space<vmem>>
    %dma_wait3A_200 = arith.constant 0 : i32
    %dma_wait3A_201 = arith.constant 0 : i32
    %dma_wait3A_202 = tpu.memref_slice %arg2[%dma_wait3A_200, %dma_wait3A_201] : memref<50000x128xf32, #tpu.memory_space<hbm>> -> memref<50000x128xf32, #tpu.memory_space<hbm>>
    tpu.wait_indirect_dma semaphore(%arg17 : memref<!tpu.dma_semaphore, #tpu.memory_space<semaphore_mem>>) src(%dma_wait3A_202 : memref<50000x128xf32, #tpu.memory_space<hbm>>) dst(%arg10 : memref<128x128xf32, #tpu.memory_space<vmem>>)
    %add3A_203 = arith.constant 384 : i32
    %add3A_204 = arith.addi %mul3A_2, %add3A_203 : i32
    %dma_start3A_205 = arith.constant 0 : i32
    %dma_start3A_206 = tpu.memref_slice %arg7[%add3A_204, %dma_start3A_205] : memref<16384x128xf32, #tpu.memory_space<hbm>> -> memref<128x128xf32, #tpu.memory_space<hbm>>
    %dma_start3A_207 = arith.constant 0 : i32
    %dma_start3A_208 = tpu.memref_slice %arg7[%add3A_204, %dma_start3A_207] : memref<16384x128xf32, #tpu.memory_space<hbm>> -> memref<128x128xf32, #tpu.memory_space<hbm>>
    tpu.enqueue_dma source(%arg10 : memref<128x128xf32, #tpu.memory_space<vmem>>) target(%dma_start3A_208 : memref<128x128xf32, #tpu.memory_space<hbm>>) target_semaphore(%arg18 : memref<!tpu.dma_semaphore, #tpu.memory_space<semaphore_mem>>)
    %dma_wait3A_209 = arith.constant 8 : i32
    %dma_wait3A_210 = arith.constant 0 : i32
    %dma_wait3A_211 = tpu.memref_slice %arg9[%dma_wait3A_209, %dma_wait3A_210] : memref<12x128xi32, #tpu.memory_space<vmem>> -> memref<1x128xi32, #tpu.memory_space<vmem>>
    %dma_wait3A_212 = tpu.memref_squeeze %dma_wait3A_211 : memref<1x128xi32, #tpu.memory_space<vmem>> -> memref<128xi32, #tpu.memory_space<vmem>>
    %dma_wait3A_213 = arith.constant 0 : i32
    %dma_wait3A_214 = arith.constant 0 : i32
    %dma_wait3A_215 = tpu.memref_slice %arg2[%dma_wait3A_213, %dma_wait3A_214] : memref<50000x128xf32, #tpu.memory_space<hbm>> -> memref<50000x128xf32, #tpu.memory_space<hbm>>
    tpu.wait_indirect_dma semaphore(%arg17 : memref<!tpu.dma_semaphore, #tpu.memory_space<semaphore_mem>>) src(%dma_wait3A_215 : memref<50000x128xf32, #tpu.memory_space<hbm>>) dst(%arg11 : memref<128x128xf32, #tpu.memory_space<vmem>>)
    %add3A_216 = arith.constant 0 : i32
    %add3A_217 = arith.addi %mul3A_2, %add3A_216 : i32
    %dma_start3A_218 = arith.constant 0 : i32
    %dma_start3A_219 = tpu.memref_slice %arg8[%add3A_217, %dma_start3A_218] : memref<16384x128xf32, #tpu.memory_space<hbm>> -> memref<128x128xf32, #tpu.memory_space<hbm>>
    %dma_start3A_220 = arith.constant 0 : i32
    %dma_start3A_221 = tpu.memref_slice %arg8[%add3A_217, %dma_start3A_220] : memref<16384x128xf32, #tpu.memory_space<hbm>> -> memref<128x128xf32, #tpu.memory_space<hbm>>
    tpu.enqueue_dma source(%arg11 : memref<128x128xf32, #tpu.memory_space<vmem>>) target(%dma_start3A_221 : memref<128x128xf32, #tpu.memory_space<hbm>>) target_semaphore(%arg18 : memref<!tpu.dma_semaphore, #tpu.memory_space<semaphore_mem>>)
    %dma_wait3A_222 = arith.constant 9 : i32
    %dma_wait3A_223 = arith.constant 0 : i32
    %dma_wait3A_224 = tpu.memref_slice %arg9[%dma_wait3A_222, %dma_wait3A_223] : memref<12x128xi32, #tpu.memory_space<vmem>> -> memref<1x128xi32, #tpu.memory_space<vmem>>
    %dma_wait3A_225 = tpu.memref_squeeze %dma_wait3A_224 : memref<1x128xi32, #tpu.memory_space<vmem>> -> memref<128xi32, #tpu.memory_space<vmem>>
    %dma_wait3A_226 = arith.constant 0 : i32
    %dma_wait3A_227 = arith.constant 0 : i32
    %dma_wait3A_228 = tpu.memref_slice %arg2[%dma_wait3A_226, %dma_wait3A_227] : memref<50000x128xf32, #tpu.memory_space<hbm>> -> memref<50000x128xf32, #tpu.memory_space<hbm>>
    tpu.wait_indirect_dma semaphore(%arg17 : memref<!tpu.dma_semaphore, #tpu.memory_space<semaphore_mem>>) src(%dma_wait3A_228 : memref<50000x128xf32, #tpu.memory_space<hbm>>) dst(%arg12 : memref<128x128xf32, #tpu.memory_space<vmem>>)
    %add3A_229 = arith.constant 128 : i32
    %add3A_230 = arith.addi %mul3A_2, %add3A_229 : i32
    %dma_start3A_231 = arith.constant 0 : i32
    %dma_start3A_232 = tpu.memref_slice %arg8[%add3A_230, %dma_start3A_231] : memref<16384x128xf32, #tpu.memory_space<hbm>> -> memref<128x128xf32, #tpu.memory_space<hbm>>
    %dma_start3A_233 = arith.constant 0 : i32
    %dma_start3A_234 = tpu.memref_slice %arg8[%add3A_230, %dma_start3A_233] : memref<16384x128xf32, #tpu.memory_space<hbm>> -> memref<128x128xf32, #tpu.memory_space<hbm>>
    tpu.enqueue_dma source(%arg12 : memref<128x128xf32, #tpu.memory_space<vmem>>) target(%dma_start3A_234 : memref<128x128xf32, #tpu.memory_space<hbm>>) target_semaphore(%arg18 : memref<!tpu.dma_semaphore, #tpu.memory_space<semaphore_mem>>)
    %dma_wait3A_235 = arith.constant 10 : i32
    %dma_wait3A_236 = arith.constant 0 : i32
    %dma_wait3A_237 = tpu.memref_slice %arg9[%dma_wait3A_235, %dma_wait3A_236] : memref<12x128xi32, #tpu.memory_space<vmem>> -> memref<1x128xi32, #tpu.memory_space<vmem>>
    %dma_wait3A_238 = tpu.memref_squeeze %dma_wait3A_237 : memref<1x128xi32, #tpu.memory_space<vmem>> -> memref<128xi32, #tpu.memory_space<vmem>>
    %dma_wait3A_239 = arith.constant 0 : i32
    %dma_wait3A_240 = arith.constant 0 : i32
    %dma_wait3A_241 = tpu.memref_slice %arg2[%dma_wait3A_239, %dma_wait3A_240] : memref<50000x128xf32, #tpu.memory_space<hbm>> -> memref<50000x128xf32, #tpu.memory_space<hbm>>
    tpu.wait_indirect_dma semaphore(%arg17 : memref<!tpu.dma_semaphore, #tpu.memory_space<semaphore_mem>>) src(%dma_wait3A_241 : memref<50000x128xf32, #tpu.memory_space<hbm>>) dst(%arg13 : memref<128x128xf32, #tpu.memory_space<vmem>>)
    %add3A_242 = arith.constant 256 : i32
    %add3A_243 = arith.addi %mul3A_2, %add3A_242 : i32
    %dma_start3A_244 = arith.constant 0 : i32
    %dma_start3A_245 = tpu.memref_slice %arg8[%add3A_243, %dma_start3A_244] : memref<16384x128xf32, #tpu.memory_space<hbm>> -> memref<128x128xf32, #tpu.memory_space<hbm>>
    %dma_start3A_246 = arith.constant 0 : i32
    %dma_start3A_247 = tpu.memref_slice %arg8[%add3A_243, %dma_start3A_246] : memref<16384x128xf32, #tpu.memory_space<hbm>> -> memref<128x128xf32, #tpu.memory_space<hbm>>
    tpu.enqueue_dma source(%arg13 : memref<128x128xf32, #tpu.memory_space<vmem>>) target(%dma_start3A_247 : memref<128x128xf32, #tpu.memory_space<hbm>>) target_semaphore(%arg18 : memref<!tpu.dma_semaphore, #tpu.memory_space<semaphore_mem>>)
    %dma_wait3A_248 = arith.constant 11 : i32
    %dma_wait3A_249 = arith.constant 0 : i32
    %dma_wait3A_250 = tpu.memref_slice %arg9[%dma_wait3A_248, %dma_wait3A_249] : memref<12x128xi32, #tpu.memory_space<vmem>> -> memref<1x128xi32, #tpu.memory_space<vmem>>
    %dma_wait3A_251 = tpu.memref_squeeze %dma_wait3A_250 : memref<1x128xi32, #tpu.memory_space<vmem>> -> memref<128xi32, #tpu.memory_space<vmem>>
    %dma_wait3A_252 = arith.constant 0 : i32
    %dma_wait3A_253 = arith.constant 0 : i32
    %dma_wait3A_254 = tpu.memref_slice %arg2[%dma_wait3A_252, %dma_wait3A_253] : memref<50000x128xf32, #tpu.memory_space<hbm>> -> memref<50000x128xf32, #tpu.memory_space<hbm>>
    tpu.wait_indirect_dma semaphore(%arg17 : memref<!tpu.dma_semaphore, #tpu.memory_space<semaphore_mem>>) src(%dma_wait3A_254 : memref<50000x128xf32, #tpu.memory_space<hbm>>) dst(%arg14 : memref<128x128xf32, #tpu.memory_space<vmem>>)
    %add3A_255 = arith.constant 384 : i32
    %add3A_256 = arith.addi %mul3A_2, %add3A_255 : i32
    %dma_start3A_257 = arith.constant 0 : i32
    %dma_start3A_258 = tpu.memref_slice %arg8[%add3A_256, %dma_start3A_257] : memref<16384x128xf32, #tpu.memory_space<hbm>> -> memref<128x128xf32, #tpu.memory_space<hbm>>
    %dma_start3A_259 = arith.constant 0 : i32
    %dma_start3A_260 = tpu.memref_slice %arg8[%add3A_256, %dma_start3A_259] : memref<16384x128xf32, #tpu.memory_space<hbm>> -> memref<128x128xf32, #tpu.memory_space<hbm>>
    tpu.enqueue_dma source(%arg14 : memref<128x128xf32, #tpu.memory_space<vmem>>) target(%dma_start3A_260 : memref<128x128xf32, #tpu.memory_space<hbm>>) target_semaphore(%arg18 : memref<!tpu.dma_semaphore, #tpu.memory_space<semaphore_mem>>)
    %dma_wait3A_261 = arith.constant 0 : i32
    %dma_wait3A_262 = tpu.memref_slice %arg7[%add3A_167, %dma_wait3A_261] : memref<16384x128xf32, #tpu.memory_space<hbm>> -> memref<128x128xf32, #tpu.memory_space<hbm>>
    %dma_wait3A_263 = arith.constant 0 : i32
    %dma_wait3A_264 = tpu.memref_slice %arg7[%add3A_167, %dma_wait3A_263] : memref<16384x128xf32, #tpu.memory_space<hbm>> -> memref<128x128xf32, #tpu.memory_space<hbm>>
    tpu.wait_dma2 semaphore(%arg18 : memref<!tpu.dma_semaphore, #tpu.memory_space<semaphore_mem>>) src(%arg15 : memref<128x128xf32, #tpu.memory_space<vmem>>) dst(%dma_wait3A_264 : memref<128x128xf32, #tpu.memory_space<hbm>>)
    %dma_wait3A_265 = arith.constant 0 : i32
    %dma_wait3A_266 = tpu.memref_slice %arg7[%add3A_191, %dma_wait3A_265] : memref<16384x128xf32, #tpu.memory_space<hbm>> -> memref<128x128xf32, #tpu.memory_space<hbm>>
    %dma_wait3A_267 = arith.constant 0 : i32
    %dma_wait3A_268 = tpu.memref_slice %arg7[%add3A_191, %dma_wait3A_267] : memref<16384x128xf32, #tpu.memory_space<hbm>> -> memref<128x128xf32, #tpu.memory_space<hbm>>
    tpu.wait_dma2 semaphore(%arg18 : memref<!tpu.dma_semaphore, #tpu.memory_space<semaphore_mem>>) src(%arg16 : memref<128x128xf32, #tpu.memory_space<vmem>>) dst(%dma_wait3A_268 : memref<128x128xf32, #tpu.memory_space<hbm>>)
    %dma_wait3A_269 = arith.constant 0 : i32
    %dma_wait3A_270 = tpu.memref_slice %arg7[%add3A_204, %dma_wait3A_269] : memref<16384x128xf32, #tpu.memory_space<hbm>> -> memref<128x128xf32, #tpu.memory_space<hbm>>
    %dma_wait3A_271 = arith.constant 0 : i32
    %dma_wait3A_272 = tpu.memref_slice %arg7[%add3A_204, %dma_wait3A_271] : memref<16384x128xf32, #tpu.memory_space<hbm>> -> memref<128x128xf32, #tpu.memory_space<hbm>>
    tpu.wait_dma2 semaphore(%arg18 : memref<!tpu.dma_semaphore, #tpu.memory_space<semaphore_mem>>) src(%arg10 : memref<128x128xf32, #tpu.memory_space<vmem>>) dst(%dma_wait3A_272 : memref<128x128xf32, #tpu.memory_space<hbm>>)
    %dma_wait3A_273 = arith.constant 0 : i32
    %dma_wait3A_274 = tpu.memref_slice %arg8[%add3A_217, %dma_wait3A_273] : memref<16384x128xf32, #tpu.memory_space<hbm>> -> memref<128x128xf32, #tpu.memory_space<hbm>>
    %dma_wait3A_275 = arith.constant 0 : i32
    %dma_wait3A_276 = tpu.memref_slice %arg8[%add3A_217, %dma_wait3A_275] : memref<16384x128xf32, #tpu.memory_space<hbm>> -> memref<128x128xf32, #tpu.memory_space<hbm>>
    tpu.wait_dma2 semaphore(%arg18 : memref<!tpu.dma_semaphore, #tpu.memory_space<semaphore_mem>>) src(%arg11 : memref<128x128xf32, #tpu.memory_space<vmem>>) dst(%dma_wait3A_276 : memref<128x128xf32, #tpu.memory_space<hbm>>)
    %dma_wait3A_277 = arith.constant 0 : i32
    %dma_wait3A_278 = tpu.memref_slice %arg8[%add3A_230, %dma_wait3A_277] : memref<16384x128xf32, #tpu.memory_space<hbm>> -> memref<128x128xf32, #tpu.memory_space<hbm>>
    %dma_wait3A_279 = arith.constant 0 : i32
    %dma_wait3A_280 = tpu.memref_slice %arg8[%add3A_230, %dma_wait3A_279] : memref<16384x128xf32, #tpu.memory_space<hbm>> -> memref<128x128xf32, #tpu.memory_space<hbm>>
    tpu.wait_dma2 semaphore(%arg18 : memref<!tpu.dma_semaphore, #tpu.memory_space<semaphore_mem>>) src(%arg12 : memref<128x128xf32, #tpu.memory_space<vmem>>) dst(%dma_wait3A_280 : memref<128x128xf32, #tpu.memory_space<hbm>>)
    %dma_wait3A_281 = arith.constant 0 : i32
    %dma_wait3A_282 = tpu.memref_slice %arg8[%add3A_243, %dma_wait3A_281] : memref<16384x128xf32, #tpu.memory_space<hbm>> -> memref<128x128xf32, #tpu.memory_space<hbm>>
    %dma_wait3A_283 = arith.constant 0 : i32
    %dma_wait3A_284 = tpu.memref_slice %arg8[%add3A_243, %dma_wait3A_283] : memref<16384x128xf32, #tpu.memory_space<hbm>> -> memref<128x128xf32, #tpu.memory_space<hbm>>
    tpu.wait_dma2 semaphore(%arg18 : memref<!tpu.dma_semaphore, #tpu.memory_space<semaphore_mem>>) src(%arg13 : memref<128x128xf32, #tpu.memory_space<vmem>>) dst(%dma_wait3A_284 : memref<128x128xf32, #tpu.memory_space<hbm>>)
    %dma_wait3A_285 = arith.constant 0 : i32
    %dma_wait3A_286 = tpu.memref_slice %arg8[%add3A_256, %dma_wait3A_285] : memref<16384x128xf32, #tpu.memory_space<hbm>> -> memref<128x128xf32, #tpu.memory_space<hbm>>
    %dma_wait3A_287 = arith.constant 0 : i32
    %dma_wait3A_288 = tpu.memref_slice %arg8[%add3A_256, %dma_wait3A_287] : memref<16384x128xf32, #tpu.memory_space<hbm>> -> memref<128x128xf32, #tpu.memory_space<hbm>>
    tpu.wait_dma2 semaphore(%arg18 : memref<!tpu.dma_semaphore, #tpu.memory_space<semaphore_mem>>) src(%arg14 : memref<128x128xf32, #tpu.memory_space<vmem>>) dst(%dma_wait3A_288 : memref<128x128xf32, #tpu.memory_space<hbm>>)
    return
  }
}

#map = affine_map<(d0, d1) -> (0, 0)>
#map1 = affine_map<(d0, d1) -> (0, 0, 0)>
module attributes {stable_mosaic.version = 14 : i64} {
  func.func @gather_kernel(%arg0: i32, %arg1: i32, %arg2: memref<50000x128xf32, #tpu.memory_space<hbm>>, %arg3: memref<32x6x128xi32, #tpu.memory_space<hbm>>, %arg4: memref<32x6x128xi32, #tpu.memory_space<hbm>>, %arg5: memref<32x6x128xi32, #tpu.memory_space<hbm>>, %arg6: memref<24576x128xf32, #tpu.memory_space<hbm>>, %arg7: memref<24576x128xf32, #tpu.memory_space<hbm>>, %arg8: memref<24576x128xf32, #tpu.memory_space<hbm>>, %arg9: memref<18x128xi32, #tpu.memory_space<vmem>>, %arg10: memref<128x128xf32, #tpu.memory_space<vmem>>, %arg11: memref<128x128xf32, #tpu.memory_space<vmem>>, %arg12: memref<128x128xf32, #tpu.memory_space<vmem>>, %arg13: memref<128x128xf32, #tpu.memory_space<vmem>>, %arg14: memref<128x128xf32, #tpu.memory_space<vmem>>, %arg15: memref<128x128xf32, #tpu.memory_space<vmem>>, %arg16: memref<128x128xf32, #tpu.memory_space<vmem>>, %arg17: memref<!tpu.dma_semaphore, #tpu.memory_space<semaphore_mem>>, %arg18: memref<!tpu.dma_semaphore, #tpu.memory_space<semaphore_mem>>) attributes {dimension_semantics = [#tpu.dimension_semantics<core_parallel>, #tpu.dimension_semantics<subcore_parallel>], iteration_bounds = array<i64: 2, 16>, scalar_prefetch = 0 : i64, scratch_operands = 10 : i64, tpu.core_type = #tpu.core_type<sc_vector_subcore>, window_params = [{transform_indices = #map}, {transform_indices = #map1}, {transform_indices = #map1}, {transform_indices = #map1}, {transform_indices = #map}, {transform_indices = #map}, {transform_indices = #map}]} {
    %mul3A = arith.constant 2 : i32
    %mul3A_0 = arith.muli %arg1, %mul3A : i32
    %add3A = arith.addi %mul3A_0, %arg0 : i32
    %mul3A_1 = arith.constant 768 : i32
    %mul3A_2 = arith.muli %add3A, %mul3A_1 : i32
    "tpu.region"() ({
      %run_scoped3A = tpu.sem_alloc : memref<!tpu.dma_semaphore, #tpu.memory_space<semaphore_mem>>
      %dma_start3A_433 = arith.constant 0 : i32
      %dma_start3A_434 = arith.constant 0 : i32
      %dma_start3A_435 = tpu.memref_slice %arg9[%dma_start3A_433, %dma_start3A_434] : memref<18x128xi32, #tpu.memory_space<vmem>> -> memref<6x128xi32, #tpu.memory_space<vmem>>
      %dma_start3A_436 = arith.constant 0 : i32
      %dma_start3A_437 = arith.constant 0 : i32
      %dma_start3A_438 = tpu.memref_slice %arg3[%add3A, %dma_start3A_436, %dma_start3A_437] : memref<32x6x128xi32, #tpu.memory_space<hbm>> -> memref<1x6x128xi32, #tpu.memory_space<hbm>>
      %dma_start3A_439 = tpu.memref_squeeze %dma_start3A_438 : memref<1x6x128xi32, #tpu.memory_space<hbm>> -> memref<6x128xi32, #tpu.memory_space<hbm>>
      %dma_start3A_440 = arith.constant 0 : i32
      %dma_start3A_441 = arith.constant 0 : i32
      %dma_start3A_442 = tpu.memref_slice %arg9[%dma_start3A_440, %dma_start3A_441] : memref<18x128xi32, #tpu.memory_space<vmem>> -> memref<6x128xi32, #tpu.memory_space<vmem>>
      %dma_start3A_443 = arith.constant 0 : i32
      %dma_start3A_444 = arith.constant 0 : i32
      %dma_start3A_445 = tpu.memref_slice %arg3[%add3A, %dma_start3A_443, %dma_start3A_444] : memref<32x6x128xi32, #tpu.memory_space<hbm>> -> memref<1x6x128xi32, #tpu.memory_space<hbm>>
      %dma_start3A_446 = tpu.memref_squeeze %dma_start3A_445 : memref<1x6x128xi32, #tpu.memory_space<hbm>> -> memref<6x128xi32, #tpu.memory_space<hbm>>
      tpu.enqueue_dma source(%dma_start3A_446 : memref<6x128xi32, #tpu.memory_space<hbm>>) target(%dma_start3A_442 : memref<6x128xi32, #tpu.memory_space<vmem>>) target_semaphore(%run_scoped3A : memref<!tpu.dma_semaphore, #tpu.memory_space<semaphore_mem>>)
      %dma_wait3A_447 = arith.constant 0 : i32
      %dma_wait3A_448 = arith.constant 0 : i32
      %dma_wait3A_449 = tpu.memref_slice %arg9[%dma_wait3A_447, %dma_wait3A_448] : memref<18x128xi32, #tpu.memory_space<vmem>> -> memref<6x128xi32, #tpu.memory_space<vmem>>
      %dma_wait3A_450 = arith.constant 0 : i32
      %dma_wait3A_451 = arith.constant 0 : i32
      %dma_wait3A_452 = tpu.memref_slice %arg3[%add3A, %dma_wait3A_450, %dma_wait3A_451] : memref<32x6x128xi32, #tpu.memory_space<hbm>> -> memref<1x6x128xi32, #tpu.memory_space<hbm>>
      %dma_wait3A_453 = tpu.memref_squeeze %dma_wait3A_452 : memref<1x6x128xi32, #tpu.memory_space<hbm>> -> memref<6x128xi32, #tpu.memory_space<hbm>>
      %dma_wait3A_454 = arith.constant 0 : i32
      %dma_wait3A_455 = arith.constant 0 : i32
      %dma_wait3A_456 = tpu.memref_slice %arg9[%dma_wait3A_454, %dma_wait3A_455] : memref<18x128xi32, #tpu.memory_space<vmem>> -> memref<6x128xi32, #tpu.memory_space<vmem>>
      %dma_wait3A_457 = arith.constant 0 : i32
      %dma_wait3A_458 = arith.constant 0 : i32
      %dma_wait3A_459 = tpu.memref_slice %arg3[%add3A, %dma_wait3A_457, %dma_wait3A_458] : memref<32x6x128xi32, #tpu.memory_space<hbm>> -> memref<1x6x128xi32, #tpu.memory_space<hbm>>
      %dma_wait3A_460 = tpu.memref_squeeze %dma_wait3A_459 : memref<1x6x128xi32, #tpu.memory_space<hbm>> -> memref<6x128xi32, #tpu.memory_space<hbm>>
      tpu.wait_dma2 semaphore(%run_scoped3A : memref<!tpu.dma_semaphore, #tpu.memory_space<semaphore_mem>>) src(%dma_wait3A_460 : memref<6x128xi32, #tpu.memory_space<hbm>>) dst(%dma_wait3A_456 : memref<6x128xi32, #tpu.memory_space<vmem>>)
      tpu.yield
    }) : () -> ()
    "tpu.region"() ({
      %run_scoped3A = tpu.sem_alloc : memref<!tpu.dma_semaphore, #tpu.memory_space<semaphore_mem>>
      %dma_start3A_433 = arith.constant 6 : i32
      %dma_start3A_434 = arith.constant 0 : i32
      %dma_start3A_435 = tpu.memref_slice %arg9[%dma_start3A_433, %dma_start3A_434] : memref<18x128xi32, #tpu.memory_space<vmem>> -> memref<6x128xi32, #tpu.memory_space<vmem>>
      %dma_start3A_436 = arith.constant 0 : i32
      %dma_start3A_437 = arith.constant 0 : i32
      %dma_start3A_438 = tpu.memref_slice %arg4[%add3A, %dma_start3A_436, %dma_start3A_437] : memref<32x6x128xi32, #tpu.memory_space<hbm>> -> memref<1x6x128xi32, #tpu.memory_space<hbm>>
      %dma_start3A_439 = tpu.memref_squeeze %dma_start3A_438 : memref<1x6x128xi32, #tpu.memory_space<hbm>> -> memref<6x128xi32, #tpu.memory_space<hbm>>
      %dma_start3A_440 = arith.constant 6 : i32
      %dma_start3A_441 = arith.constant 0 : i32
      %dma_start3A_442 = tpu.memref_slice %arg9[%dma_start3A_440, %dma_start3A_441] : memref<18x128xi32, #tpu.memory_space<vmem>> -> memref<6x128xi32, #tpu.memory_space<vmem>>
      %dma_start3A_443 = arith.constant 0 : i32
      %dma_start3A_444 = arith.constant 0 : i32
      %dma_start3A_445 = tpu.memref_slice %arg4[%add3A, %dma_start3A_443, %dma_start3A_444] : memref<32x6x128xi32, #tpu.memory_space<hbm>> -> memref<1x6x128xi32, #tpu.memory_space<hbm>>
      %dma_start3A_446 = tpu.memref_squeeze %dma_start3A_445 : memref<1x6x128xi32, #tpu.memory_space<hbm>> -> memref<6x128xi32, #tpu.memory_space<hbm>>
      tpu.enqueue_dma source(%dma_start3A_446 : memref<6x128xi32, #tpu.memory_space<hbm>>) target(%dma_start3A_442 : memref<6x128xi32, #tpu.memory_space<vmem>>) target_semaphore(%run_scoped3A : memref<!tpu.dma_semaphore, #tpu.memory_space<semaphore_mem>>)
      %dma_wait3A_447 = arith.constant 6 : i32
      %dma_wait3A_448 = arith.constant 0 : i32
      %dma_wait3A_449 = tpu.memref_slice %arg9[%dma_wait3A_447, %dma_wait3A_448] : memref<18x128xi32, #tpu.memory_space<vmem>> -> memref<6x128xi32, #tpu.memory_space<vmem>>
      %dma_wait3A_450 = arith.constant 0 : i32
      %dma_wait3A_451 = arith.constant 0 : i32
      %dma_wait3A_452 = tpu.memref_slice %arg4[%add3A, %dma_wait3A_450, %dma_wait3A_451] : memref<32x6x128xi32, #tpu.memory_space<hbm>> -> memref<1x6x128xi32, #tpu.memory_space<hbm>>
      %dma_wait3A_453 = tpu.memref_squeeze %dma_wait3A_452 : memref<1x6x128xi32, #tpu.memory_space<hbm>> -> memref<6x128xi32, #tpu.memory_space<hbm>>
      %dma_wait3A_454 = arith.constant 6 : i32
      %dma_wait3A_455 = arith.constant 0 : i32
      %dma_wait3A_456 = tpu.memref_slice %arg9[%dma_wait3A_454, %dma_wait3A_455] : memref<18x128xi32, #tpu.memory_space<vmem>> -> memref<6x128xi32, #tpu.memory_space<vmem>>
      %dma_wait3A_457 = arith.constant 0 : i32
      %dma_wait3A_458 = arith.constant 0 : i32
      %dma_wait3A_459 = tpu.memref_slice %arg4[%add3A, %dma_wait3A_457, %dma_wait3A_458] : memref<32x6x128xi32, #tpu.memory_space<hbm>> -> memref<1x6x128xi32, #tpu.memory_space<hbm>>
      %dma_wait3A_460 = tpu.memref_squeeze %dma_wait3A_459 : memref<1x6x128xi32, #tpu.memory_space<hbm>> -> memref<6x128xi32, #tpu.memory_space<hbm>>
      tpu.wait_dma2 semaphore(%run_scoped3A : memref<!tpu.dma_semaphore, #tpu.memory_space<semaphore_mem>>) src(%dma_wait3A_460 : memref<6x128xi32, #tpu.memory_space<hbm>>) dst(%dma_wait3A_456 : memref<6x128xi32, #tpu.memory_space<vmem>>)
      tpu.yield
    }) : () -> ()
    "tpu.region"() ({
      %run_scoped3A = tpu.sem_alloc : memref<!tpu.dma_semaphore, #tpu.memory_space<semaphore_mem>>
      %dma_start3A_433 = arith.constant 12 : i32
      %dma_start3A_434 = arith.constant 0 : i32
      %dma_start3A_435 = tpu.memref_slice %arg9[%dma_start3A_433, %dma_start3A_434] : memref<18x128xi32, #tpu.memory_space<vmem>> -> memref<6x128xi32, #tpu.memory_space<vmem>>
      %dma_start3A_436 = arith.constant 0 : i32
      %dma_start3A_437 = arith.constant 0 : i32
      %dma_start3A_438 = tpu.memref_slice %arg5[%add3A, %dma_start3A_436, %dma_start3A_437] : memref<32x6x128xi32, #tpu.memory_space<hbm>> -> memref<1x6x128xi32, #tpu.memory_space<hbm>>
      %dma_start3A_439 = tpu.memref_squeeze %dma_start3A_438 : memref<1x6x128xi32, #tpu.memory_space<hbm>> -> memref<6x128xi32, #tpu.memory_space<hbm>>
      %dma_start3A_440 = arith.constant 12 : i32
      %dma_start3A_441 = arith.constant 0 : i32
      %dma_start3A_442 = tpu.memref_slice %arg9[%dma_start3A_440, %dma_start3A_441] : memref<18x128xi32, #tpu.memory_space<vmem>> -> memref<6x128xi32, #tpu.memory_space<vmem>>
      %dma_start3A_443 = arith.constant 0 : i32
      %dma_start3A_444 = arith.constant 0 : i32
      %dma_start3A_445 = tpu.memref_slice %arg5[%add3A, %dma_start3A_443, %dma_start3A_444] : memref<32x6x128xi32, #tpu.memory_space<hbm>> -> memref<1x6x128xi32, #tpu.memory_space<hbm>>
      %dma_start3A_446 = tpu.memref_squeeze %dma_start3A_445 : memref<1x6x128xi32, #tpu.memory_space<hbm>> -> memref<6x128xi32, #tpu.memory_space<hbm>>
      tpu.enqueue_dma source(%dma_start3A_446 : memref<6x128xi32, #tpu.memory_space<hbm>>) target(%dma_start3A_442 : memref<6x128xi32, #tpu.memory_space<vmem>>) target_semaphore(%run_scoped3A : memref<!tpu.dma_semaphore, #tpu.memory_space<semaphore_mem>>)
      %dma_wait3A_447 = arith.constant 12 : i32
      %dma_wait3A_448 = arith.constant 0 : i32
      %dma_wait3A_449 = tpu.memref_slice %arg9[%dma_wait3A_447, %dma_wait3A_448] : memref<18x128xi32, #tpu.memory_space<vmem>> -> memref<6x128xi32, #tpu.memory_space<vmem>>
      %dma_wait3A_450 = arith.constant 0 : i32
      %dma_wait3A_451 = arith.constant 0 : i32
      %dma_wait3A_452 = tpu.memref_slice %arg5[%add3A, %dma_wait3A_450, %dma_wait3A_451] : memref<32x6x128xi32, #tpu.memory_space<hbm>> -> memref<1x6x128xi32, #tpu.memory_space<hbm>>
      %dma_wait3A_453 = tpu.memref_squeeze %dma_wait3A_452 : memref<1x6x128xi32, #tpu.memory_space<hbm>> -> memref<6x128xi32, #tpu.memory_space<hbm>>
      %dma_wait3A_454 = arith.constant 12 : i32
      %dma_wait3A_455 = arith.constant 0 : i32
      %dma_wait3A_456 = tpu.memref_slice %arg9[%dma_wait3A_454, %dma_wait3A_455] : memref<18x128xi32, #tpu.memory_space<vmem>> -> memref<6x128xi32, #tpu.memory_space<vmem>>
      %dma_wait3A_457 = arith.constant 0 : i32
      %dma_wait3A_458 = arith.constant 0 : i32
      %dma_wait3A_459 = tpu.memref_slice %arg5[%add3A, %dma_wait3A_457, %dma_wait3A_458] : memref<32x6x128xi32, #tpu.memory_space<hbm>> -> memref<1x6x128xi32, #tpu.memory_space<hbm>>
      %dma_wait3A_460 = tpu.memref_squeeze %dma_wait3A_459 : memref<1x6x128xi32, #tpu.memory_space<hbm>> -> memref<6x128xi32, #tpu.memory_space<hbm>>
      tpu.wait_dma2 semaphore(%run_scoped3A : memref<!tpu.dma_semaphore, #tpu.memory_space<semaphore_mem>>) src(%dma_wait3A_460 : memref<6x128xi32, #tpu.memory_space<hbm>>) dst(%dma_wait3A_456 : memref<6x128xi32, #tpu.memory_space<vmem>>)
      tpu.yield
    }) : () -> ()
    %dma_start3A = arith.constant 0 : i32
    %dma_start3A_3 = arith.constant 0 : i32
    %dma_start3A_4 = tpu.memref_slice %arg9[%dma_start3A, %dma_start3A_3] : memref<18x128xi32, #tpu.memory_space<vmem>> -> memref<1x128xi32, #tpu.memory_space<vmem>>
    %dma_start3A_5 = tpu.memref_squeeze %dma_start3A_4 : memref<1x128xi32, #tpu.memory_space<vmem>> -> memref<128xi32, #tpu.memory_space<vmem>>
    %dma_start3A_6 = arith.constant 0 : i32
    %dma_start3A_7 = arith.constant 0 : i32
    %dma_start3A_8 = tpu.memref_slice %arg2[%dma_start3A_6, %dma_start3A_7] : memref<50000x128xf32, #tpu.memory_space<hbm>> -> memref<50000x128xf32, #tpu.memory_space<hbm>>
    tpu.enqueue_indirect_dma source(%dma_start3A_8 : memref<50000x128xf32, #tpu.memory_space<hbm>>) target(%arg10 : memref<128x128xf32, #tpu.memory_space<vmem>>) offsets(%dma_start3A_5 : memref<128xi32, #tpu.memory_space<vmem>>) semaphore(%arg17 : memref<!tpu.dma_semaphore, #tpu.memory_space<semaphore_mem>>)
    %dma_start3A_9 = arith.constant 1 : i32
    %dma_start3A_10 = arith.constant 0 : i32
    %dma_start3A_11 = tpu.memref_slice %arg9[%dma_start3A_9, %dma_start3A_10] : memref<18x128xi32, #tpu.memory_space<vmem>> -> memref<1x128xi32, #tpu.memory_space<vmem>>
    %dma_start3A_12 = tpu.memref_squeeze %dma_start3A_11 : memref<1x128xi32, #tpu.memory_space<vmem>> -> memref<128xi32, #tpu.memory_space<vmem>>
    %dma_start3A_13 = arith.constant 0 : i32
    %dma_start3A_14 = arith.constant 0 : i32
    %dma_start3A_15 = tpu.memref_slice %arg2[%dma_start3A_13, %dma_start3A_14] : memref<50000x128xf32, #tpu.memory_space<hbm>> -> memref<50000x128xf32, #tpu.memory_space<hbm>>
    tpu.enqueue_indirect_dma source(%dma_start3A_15 : memref<50000x128xf32, #tpu.memory_space<hbm>>) target(%arg11 : memref<128x128xf32, #tpu.memory_space<vmem>>) offsets(%dma_start3A_12 : memref<128xi32, #tpu.memory_space<vmem>>) semaphore(%arg17 : memref<!tpu.dma_semaphore, #tpu.memory_space<semaphore_mem>>)
    %dma_start3A_16 = arith.constant 2 : i32
    %dma_start3A_17 = arith.constant 0 : i32
    %dma_start3A_18 = tpu.memref_slice %arg9[%dma_start3A_16, %dma_start3A_17] : memref<18x128xi32, #tpu.memory_space<vmem>> -> memref<1x128xi32, #tpu.memory_space<vmem>>
    %dma_start3A_19 = tpu.memref_squeeze %dma_start3A_18 : memref<1x128xi32, #tpu.memory_space<vmem>> -> memref<128xi32, #tpu.memory_space<vmem>>
    %dma_start3A_20 = arith.constant 0 : i32
    %dma_start3A_21 = arith.constant 0 : i32
    %dma_start3A_22 = tpu.memref_slice %arg2[%dma_start3A_20, %dma_start3A_21] : memref<50000x128xf32, #tpu.memory_space<hbm>> -> memref<50000x128xf32, #tpu.memory_space<hbm>>
    tpu.enqueue_indirect_dma source(%dma_start3A_22 : memref<50000x128xf32, #tpu.memory_space<hbm>>) target(%arg12 : memref<128x128xf32, #tpu.memory_space<vmem>>) offsets(%dma_start3A_19 : memref<128xi32, #tpu.memory_space<vmem>>) semaphore(%arg17 : memref<!tpu.dma_semaphore, #tpu.memory_space<semaphore_mem>>)
    %dma_start3A_23 = arith.constant 3 : i32
    %dma_start3A_24 = arith.constant 0 : i32
    %dma_start3A_25 = tpu.memref_slice %arg9[%dma_start3A_23, %dma_start3A_24] : memref<18x128xi32, #tpu.memory_space<vmem>> -> memref<1x128xi32, #tpu.memory_space<vmem>>
    %dma_start3A_26 = tpu.memref_squeeze %dma_start3A_25 : memref<1x128xi32, #tpu.memory_space<vmem>> -> memref<128xi32, #tpu.memory_space<vmem>>
    %dma_start3A_27 = arith.constant 0 : i32
    %dma_start3A_28 = arith.constant 0 : i32
    %dma_start3A_29 = tpu.memref_slice %arg2[%dma_start3A_27, %dma_start3A_28] : memref<50000x128xf32, #tpu.memory_space<hbm>> -> memref<50000x128xf32, #tpu.memory_space<hbm>>
    tpu.enqueue_indirect_dma source(%dma_start3A_29 : memref<50000x128xf32, #tpu.memory_space<hbm>>) target(%arg13 : memref<128x128xf32, #tpu.memory_space<vmem>>) offsets(%dma_start3A_26 : memref<128xi32, #tpu.memory_space<vmem>>) semaphore(%arg17 : memref<!tpu.dma_semaphore, #tpu.memory_space<semaphore_mem>>)
    %dma_start3A_30 = arith.constant 4 : i32
    %dma_start3A_31 = arith.constant 0 : i32
    %dma_start3A_32 = tpu.memref_slice %arg9[%dma_start3A_30, %dma_start3A_31] : memref<18x128xi32, #tpu.memory_space<vmem>> -> memref<1x128xi32, #tpu.memory_space<vmem>>
    %dma_start3A_33 = tpu.memref_squeeze %dma_start3A_32 : memref<1x128xi32, #tpu.memory_space<vmem>> -> memref<128xi32, #tpu.memory_space<vmem>>
    %dma_start3A_34 = arith.constant 0 : i32
    %dma_start3A_35 = arith.constant 0 : i32
    %dma_start3A_36 = tpu.memref_slice %arg2[%dma_start3A_34, %dma_start3A_35] : memref<50000x128xf32, #tpu.memory_space<hbm>> -> memref<50000x128xf32, #tpu.memory_space<hbm>>
    tpu.enqueue_indirect_dma source(%dma_start3A_36 : memref<50000x128xf32, #tpu.memory_space<hbm>>) target(%arg14 : memref<128x128xf32, #tpu.memory_space<vmem>>) offsets(%dma_start3A_33 : memref<128xi32, #tpu.memory_space<vmem>>) semaphore(%arg17 : memref<!tpu.dma_semaphore, #tpu.memory_space<semaphore_mem>>)
    %dma_start3A_37 = arith.constant 5 : i32
    %dma_start3A_38 = arith.constant 0 : i32
    %dma_start3A_39 = tpu.memref_slice %arg9[%dma_start3A_37, %dma_start3A_38] : memref<18x128xi32, #tpu.memory_space<vmem>> -> memref<1x128xi32, #tpu.memory_space<vmem>>
    %dma_start3A_40 = tpu.memref_squeeze %dma_start3A_39 : memref<1x128xi32, #tpu.memory_space<vmem>> -> memref<128xi32, #tpu.memory_space<vmem>>
    %dma_start3A_41 = arith.constant 0 : i32
    %dma_start3A_42 = arith.constant 0 : i32
    %dma_start3A_43 = tpu.memref_slice %arg2[%dma_start3A_41, %dma_start3A_42] : memref<50000x128xf32, #tpu.memory_space<hbm>> -> memref<50000x128xf32, #tpu.memory_space<hbm>>
    tpu.enqueue_indirect_dma source(%dma_start3A_43 : memref<50000x128xf32, #tpu.memory_space<hbm>>) target(%arg15 : memref<128x128xf32, #tpu.memory_space<vmem>>) offsets(%dma_start3A_40 : memref<128xi32, #tpu.memory_space<vmem>>) semaphore(%arg17 : memref<!tpu.dma_semaphore, #tpu.memory_space<semaphore_mem>>)
    %dma_wait3A = arith.constant 0 : i32
    %dma_wait3A_44 = arith.constant 0 : i32
    %dma_wait3A_45 = tpu.memref_slice %arg9[%dma_wait3A, %dma_wait3A_44] : memref<18x128xi32, #tpu.memory_space<vmem>> -> memref<1x128xi32, #tpu.memory_space<vmem>>
    %dma_wait3A_46 = tpu.memref_squeeze %dma_wait3A_45 : memref<1x128xi32, #tpu.memory_space<vmem>> -> memref<128xi32, #tpu.memory_space<vmem>>
    %dma_wait3A_47 = arith.constant 0 : i32
    %dma_wait3A_48 = arith.constant 0 : i32
    %dma_wait3A_49 = tpu.memref_slice %arg2[%dma_wait3A_47, %dma_wait3A_48] : memref<50000x128xf32, #tpu.memory_space<hbm>> -> memref<50000x128xf32, #tpu.memory_space<hbm>>
    tpu.wait_indirect_dma semaphore(%arg17 : memref<!tpu.dma_semaphore, #tpu.memory_space<semaphore_mem>>) src(%dma_wait3A_49 : memref<50000x128xf32, #tpu.memory_space<hbm>>) dst(%arg10 : memref<128x128xf32, #tpu.memory_space<vmem>>)
    %add3A_50 = arith.constant 0 : i32
    %add3A_51 = arith.addi %mul3A_2, %add3A_50 : i32
    %dma_start3A_52 = arith.constant 0 : i32
    %dma_start3A_53 = tpu.memref_slice %arg6[%add3A_51, %dma_start3A_52] : memref<24576x128xf32, #tpu.memory_space<hbm>> -> memref<128x128xf32, #tpu.memory_space<hbm>>
    %dma_start3A_54 = arith.constant 0 : i32
    %dma_start3A_55 = tpu.memref_slice %arg6[%add3A_51, %dma_start3A_54] : memref<24576x128xf32, #tpu.memory_space<hbm>> -> memref<128x128xf32, #tpu.memory_space<hbm>>
    tpu.enqueue_dma source(%arg10 : memref<128x128xf32, #tpu.memory_space<vmem>>) target(%dma_start3A_55 : memref<128x128xf32, #tpu.memory_space<hbm>>) target_semaphore(%arg18 : memref<!tpu.dma_semaphore, #tpu.memory_space<semaphore_mem>>)
    %dma_start3A_56 = arith.constant 6 : i32
    %dma_start3A_57 = arith.constant 0 : i32
    %dma_start3A_58 = tpu.memref_slice %arg9[%dma_start3A_56, %dma_start3A_57] : memref<18x128xi32, #tpu.memory_space<vmem>> -> memref<1x128xi32, #tpu.memory_space<vmem>>
    %dma_start3A_59 = tpu.memref_squeeze %dma_start3A_58 : memref<1x128xi32, #tpu.memory_space<vmem>> -> memref<128xi32, #tpu.memory_space<vmem>>
    %dma_start3A_60 = arith.constant 0 : i32
    %dma_start3A_61 = arith.constant 0 : i32
    %dma_start3A_62 = tpu.memref_slice %arg2[%dma_start3A_60, %dma_start3A_61] : memref<50000x128xf32, #tpu.memory_space<hbm>> -> memref<50000x128xf32, #tpu.memory_space<hbm>>
    tpu.enqueue_indirect_dma source(%dma_start3A_62 : memref<50000x128xf32, #tpu.memory_space<hbm>>) target(%arg16 : memref<128x128xf32, #tpu.memory_space<vmem>>) offsets(%dma_start3A_59 : memref<128xi32, #tpu.memory_space<vmem>>) semaphore(%arg17 : memref<!tpu.dma_semaphore, #tpu.memory_space<semaphore_mem>>)
    %dma_wait3A_63 = arith.constant 1 : i32
    %dma_wait3A_64 = arith.constant 0 : i32
    %dma_wait3A_65 = tpu.memref_slice %arg9[%dma_wait3A_63, %dma_wait3A_64] : memref<18x128xi32, #tpu.memory_space<vmem>> -> memref<1x128xi32, #tpu.memory_space<vmem>>
    %dma_wait3A_66 = tpu.memref_squeeze %dma_wait3A_65 : memref<1x128xi32, #tpu.memory_space<vmem>> -> memref<128xi32, #tpu.memory_space<vmem>>
    %dma_wait3A_67 = arith.constant 0 : i32
    %dma_wait3A_68 = arith.constant 0 : i32
    %dma_wait3A_69 = tpu.memref_slice %arg2[%dma_wait3A_67, %dma_wait3A_68] : memref<50000x128xf32, #tpu.memory_space<hbm>> -> memref<50000x128xf32, #tpu.memory_space<hbm>>
    tpu.wait_indirect_dma semaphore(%arg17 : memref<!tpu.dma_semaphore, #tpu.memory_space<semaphore_mem>>) src(%dma_wait3A_69 : memref<50000x128xf32, #tpu.memory_space<hbm>>) dst(%arg11 : memref<128x128xf32, #tpu.memory_space<vmem>>)
    %add3A_70 = arith.constant 128 : i32
    %add3A_71 = arith.addi %mul3A_2, %add3A_70 : i32
    %dma_start3A_72 = arith.constant 0 : i32
    %dma_start3A_73 = tpu.memref_slice %arg6[%add3A_71, %dma_start3A_72] : memref<24576x128xf32, #tpu.memory_space<hbm>> -> memref<128x128xf32, #tpu.memory_space<hbm>>
    %dma_start3A_74 = arith.constant 0 : i32
    %dma_start3A_75 = tpu.memref_slice %arg6[%add3A_71, %dma_start3A_74] : memref<24576x128xf32, #tpu.memory_space<hbm>> -> memref<128x128xf32, #tpu.memory_space<hbm>>
    tpu.enqueue_dma source(%arg11 : memref<128x128xf32, #tpu.memory_space<vmem>>) target(%dma_start3A_75 : memref<128x128xf32, #tpu.memory_space<hbm>>) target_semaphore(%arg18 : memref<!tpu.dma_semaphore, #tpu.memory_space<semaphore_mem>>)
    %dma_wait3A_76 = arith.constant 0 : i32
    %dma_wait3A_77 = tpu.memref_slice %arg6[%add3A_51, %dma_wait3A_76] : memref<24576x128xf32, #tpu.memory_space<hbm>> -> memref<128x128xf32, #tpu.memory_space<hbm>>
    %dma_wait3A_78 = arith.constant 0 : i32
    %dma_wait3A_79 = tpu.memref_slice %arg6[%add3A_51, %dma_wait3A_78] : memref<24576x128xf32, #tpu.memory_space<hbm>> -> memref<128x128xf32, #tpu.memory_space<hbm>>
    tpu.wait_dma2 semaphore(%arg18 : memref<!tpu.dma_semaphore, #tpu.memory_space<semaphore_mem>>) src(%arg10 : memref<128x128xf32, #tpu.memory_space<vmem>>) dst(%dma_wait3A_79 : memref<128x128xf32, #tpu.memory_space<hbm>>)
    %dma_start3A_80 = arith.constant 7 : i32
    %dma_start3A_81 = arith.constant 0 : i32
    %dma_start3A_82 = tpu.memref_slice %arg9[%dma_start3A_80, %dma_start3A_81] : memref<18x128xi32, #tpu.memory_space<vmem>> -> memref<1x128xi32, #tpu.memory_space<vmem>>
    %dma_start3A_83 = tpu.memref_squeeze %dma_start3A_82 : memref<1x128xi32, #tpu.memory_space<vmem>> -> memref<128xi32, #tpu.memory_space<vmem>>
    %dma_start3A_84 = arith.constant 0 : i32
    %dma_start3A_85 = arith.constant 0 : i32
    %dma_start3A_86 = tpu.memref_slice %arg2[%dma_start3A_84, %dma_start3A_85] : memref<50000x128xf32, #tpu.memory_space<hbm>> -> memref<50000x128xf32, #tpu.memory_space<hbm>>
    tpu.enqueue_indirect_dma source(%dma_start3A_86 : memref<50000x128xf32, #tpu.memory_space<hbm>>) target(%arg10 : memref<128x128xf32, #tpu.memory_space<vmem>>) offsets(%dma_start3A_83 : memref<128xi32, #tpu.memory_space<vmem>>) semaphore(%arg17 : memref<!tpu.dma_semaphore, #tpu.memory_space<semaphore_mem>>)
    %dma_wait3A_87 = arith.constant 2 : i32
    %dma_wait3A_88 = arith.constant 0 : i32
    %dma_wait3A_89 = tpu.memref_slice %arg9[%dma_wait3A_87, %dma_wait3A_88] : memref<18x128xi32, #tpu.memory_space<vmem>> -> memref<1x128xi32, #tpu.memory_space<vmem>>
    %dma_wait3A_90 = tpu.memref_squeeze %dma_wait3A_89 : memref<1x128xi32, #tpu.memory_space<vmem>> -> memref<128xi32, #tpu.memory_space<vmem>>
    %dma_wait3A_91 = arith.constant 0 : i32
    %dma_wait3A_92 = arith.constant 0 : i32
    %dma_wait3A_93 = tpu.memref_slice %arg2[%dma_wait3A_91, %dma_wait3A_92] : memref<50000x128xf32, #tpu.memory_space<hbm>> -> memref<50000x128xf32, #tpu.memory_space<hbm>>
    tpu.wait_indirect_dma semaphore(%arg17 : memref<!tpu.dma_semaphore, #tpu.memory_space<semaphore_mem>>) src(%dma_wait3A_93 : memref<50000x128xf32, #tpu.memory_space<hbm>>) dst(%arg12 : memref<128x128xf32, #tpu.memory_space<vmem>>)
    %add3A_94 = arith.constant 256 : i32
    %add3A_95 = arith.addi %mul3A_2, %add3A_94 : i32
    %dma_start3A_96 = arith.constant 0 : i32
    %dma_start3A_97 = tpu.memref_slice %arg6[%add3A_95, %dma_start3A_96] : memref<24576x128xf32, #tpu.memory_space<hbm>> -> memref<128x128xf32, #tpu.memory_space<hbm>>
    %dma_start3A_98 = arith.constant 0 : i32
    %dma_start3A_99 = tpu.memref_slice %arg6[%add3A_95, %dma_start3A_98] : memref<24576x128xf32, #tpu.memory_space<hbm>> -> memref<128x128xf32, #tpu.memory_space<hbm>>
    tpu.enqueue_dma source(%arg12 : memref<128x128xf32, #tpu.memory_space<vmem>>) target(%dma_start3A_99 : memref<128x128xf32, #tpu.memory_space<hbm>>) target_semaphore(%arg18 : memref<!tpu.dma_semaphore, #tpu.memory_space<semaphore_mem>>)
    %dma_wait3A_100 = arith.constant 0 : i32
    %dma_wait3A_101 = tpu.memref_slice %arg6[%add3A_71, %dma_wait3A_100] : memref<24576x128xf32, #tpu.memory_space<hbm>> -> memref<128x128xf32, #tpu.memory_space<hbm>>
    %dma_wait3A_102 = arith.constant 0 : i32
    %dma_wait3A_103 = tpu.memref_slice %arg6[%add3A_71, %dma_wait3A_102] : memref<24576x128xf32, #tpu.memory_space<hbm>> -> memref<128x128xf32, #tpu.memory_space<hbm>>
    tpu.wait_dma2 semaphore(%arg18 : memref<!tpu.dma_semaphore, #tpu.memory_space<semaphore_mem>>) src(%arg11 : memref<128x128xf32, #tpu.memory_space<vmem>>) dst(%dma_wait3A_103 : memref<128x128xf32, #tpu.memory_space<hbm>>)
    %dma_start3A_104 = arith.constant 8 : i32
    %dma_start3A_105 = arith.constant 0 : i32
    %dma_start3A_106 = tpu.memref_slice %arg9[%dma_start3A_104, %dma_start3A_105] : memref<18x128xi32, #tpu.memory_space<vmem>> -> memref<1x128xi32, #tpu.memory_space<vmem>>
    %dma_start3A_107 = tpu.memref_squeeze %dma_start3A_106 : memref<1x128xi32, #tpu.memory_space<vmem>> -> memref<128xi32, #tpu.memory_space<vmem>>
    %dma_start3A_108 = arith.constant 0 : i32
    %dma_start3A_109 = arith.constant 0 : i32
    %dma_start3A_110 = tpu.memref_slice %arg2[%dma_start3A_108, %dma_start3A_109] : memref<50000x128xf32, #tpu.memory_space<hbm>> -> memref<50000x128xf32, #tpu.memory_space<hbm>>
    tpu.enqueue_indirect_dma source(%dma_start3A_110 : memref<50000x128xf32, #tpu.memory_space<hbm>>) target(%arg11 : memref<128x128xf32, #tpu.memory_space<vmem>>) offsets(%dma_start3A_107 : memref<128xi32, #tpu.memory_space<vmem>>) semaphore(%arg17 : memref<!tpu.dma_semaphore, #tpu.memory_space<semaphore_mem>>)
    %dma_wait3A_111 = arith.constant 3 : i32
    %dma_wait3A_112 = arith.constant 0 : i32
    %dma_wait3A_113 = tpu.memref_slice %arg9[%dma_wait3A_111, %dma_wait3A_112] : memref<18x128xi32, #tpu.memory_space<vmem>> -> memref<1x128xi32, #tpu.memory_space<vmem>>
    %dma_wait3A_114 = tpu.memref_squeeze %dma_wait3A_113 : memref<1x128xi32, #tpu.memory_space<vmem>> -> memref<128xi32, #tpu.memory_space<vmem>>
    %dma_wait3A_115 = arith.constant 0 : i32
    %dma_wait3A_116 = arith.constant 0 : i32
    %dma_wait3A_117 = tpu.memref_slice %arg2[%dma_wait3A_115, %dma_wait3A_116] : memref<50000x128xf32, #tpu.memory_space<hbm>> -> memref<50000x128xf32, #tpu.memory_space<hbm>>
    tpu.wait_indirect_dma semaphore(%arg17 : memref<!tpu.dma_semaphore, #tpu.memory_space<semaphore_mem>>) src(%dma_wait3A_117 : memref<50000x128xf32, #tpu.memory_space<hbm>>) dst(%arg13 : memref<128x128xf32, #tpu.memory_space<vmem>>)
    %add3A_118 = arith.constant 384 : i32
    %add3A_119 = arith.addi %mul3A_2, %add3A_118 : i32
    %dma_start3A_120 = arith.constant 0 : i32
    %dma_start3A_121 = tpu.memref_slice %arg6[%add3A_119, %dma_start3A_120] : memref<24576x128xf32, #tpu.memory_space<hbm>> -> memref<128x128xf32, #tpu.memory_space<hbm>>
    %dma_start3A_122 = arith.constant 0 : i32
    %dma_start3A_123 = tpu.memref_slice %arg6[%add3A_119, %dma_start3A_122] : memref<24576x128xf32, #tpu.memory_space<hbm>> -> memref<128x128xf32, #tpu.memory_space<hbm>>
    tpu.enqueue_dma source(%arg13 : memref<128x128xf32, #tpu.memory_space<vmem>>) target(%dma_start3A_123 : memref<128x128xf32, #tpu.memory_space<hbm>>) target_semaphore(%arg18 : memref<!tpu.dma_semaphore, #tpu.memory_space<semaphore_mem>>)
    %dma_wait3A_124 = arith.constant 0 : i32
    %dma_wait3A_125 = tpu.memref_slice %arg6[%add3A_95, %dma_wait3A_124] : memref<24576x128xf32, #tpu.memory_space<hbm>> -> memref<128x128xf32, #tpu.memory_space<hbm>>
    %dma_wait3A_126 = arith.constant 0 : i32
    %dma_wait3A_127 = tpu.memref_slice %arg6[%add3A_95, %dma_wait3A_126] : memref<24576x128xf32, #tpu.memory_space<hbm>> -> memref<128x128xf32, #tpu.memory_space<hbm>>
    tpu.wait_dma2 semaphore(%arg18 : memref<!tpu.dma_semaphore, #tpu.memory_space<semaphore_mem>>) src(%arg12 : memref<128x128xf32, #tpu.memory_space<vmem>>) dst(%dma_wait3A_127 : memref<128x128xf32, #tpu.memory_space<hbm>>)
    %dma_start3A_128 = arith.constant 9 : i32
    %dma_start3A_129 = arith.constant 0 : i32
    %dma_start3A_130 = tpu.memref_slice %arg9[%dma_start3A_128, %dma_start3A_129] : memref<18x128xi32, #tpu.memory_space<vmem>> -> memref<1x128xi32, #tpu.memory_space<vmem>>
    %dma_start3A_131 = tpu.memref_squeeze %dma_start3A_130 : memref<1x128xi32, #tpu.memory_space<vmem>> -> memref<128xi32, #tpu.memory_space<vmem>>
    %dma_start3A_132 = arith.constant 0 : i32
    %dma_start3A_133 = arith.constant 0 : i32
    %dma_start3A_134 = tpu.memref_slice %arg2[%dma_start3A_132, %dma_start3A_133] : memref<50000x128xf32, #tpu.memory_space<hbm>> -> memref<50000x128xf32, #tpu.memory_space<hbm>>
    tpu.enqueue_indirect_dma source(%dma_start3A_134 : memref<50000x128xf32, #tpu.memory_space<hbm>>) target(%arg12 : memref<128x128xf32, #tpu.memory_space<vmem>>) offsets(%dma_start3A_131 : memref<128xi32, #tpu.memory_space<vmem>>) semaphore(%arg17 : memref<!tpu.dma_semaphore, #tpu.memory_space<semaphore_mem>>)
    %dma_wait3A_135 = arith.constant 4 : i32
    %dma_wait3A_136 = arith.constant 0 : i32
    %dma_wait3A_137 = tpu.memref_slice %arg9[%dma_wait3A_135, %dma_wait3A_136] : memref<18x128xi32, #tpu.memory_space<vmem>> -> memref<1x128xi32, #tpu.memory_space<vmem>>
    %dma_wait3A_138 = tpu.memref_squeeze %dma_wait3A_137 : memref<1x128xi32, #tpu.memory_space<vmem>> -> memref<128xi32, #tpu.memory_space<vmem>>
    %dma_wait3A_139 = arith.constant 0 : i32
    %dma_wait3A_140 = arith.constant 0 : i32
    %dma_wait3A_141 = tpu.memref_slice %arg2[%dma_wait3A_139, %dma_wait3A_140] : memref<50000x128xf32, #tpu.memory_space<hbm>> -> memref<50000x128xf32, #tpu.memory_space<hbm>>
    tpu.wait_indirect_dma semaphore(%arg17 : memref<!tpu.dma_semaphore, #tpu.memory_space<semaphore_mem>>) src(%dma_wait3A_141 : memref<50000x128xf32, #tpu.memory_space<hbm>>) dst(%arg14 : memref<128x128xf32, #tpu.memory_space<vmem>>)
    %add3A_142 = arith.constant 512 : i32
    %add3A_143 = arith.addi %mul3A_2, %add3A_142 : i32
    %dma_start3A_144 = arith.constant 0 : i32
    %dma_start3A_145 = tpu.memref_slice %arg6[%add3A_143, %dma_start3A_144] : memref<24576x128xf32, #tpu.memory_space<hbm>> -> memref<128x128xf32, #tpu.memory_space<hbm>>
    %dma_start3A_146 = arith.constant 0 : i32
    %dma_start3A_147 = tpu.memref_slice %arg6[%add3A_143, %dma_start3A_146] : memref<24576x128xf32, #tpu.memory_space<hbm>> -> memref<128x128xf32, #tpu.memory_space<hbm>>
    tpu.enqueue_dma source(%arg14 : memref<128x128xf32, #tpu.memory_space<vmem>>) target(%dma_start3A_147 : memref<128x128xf32, #tpu.memory_space<hbm>>) target_semaphore(%arg18 : memref<!tpu.dma_semaphore, #tpu.memory_space<semaphore_mem>>)
    %dma_wait3A_148 = arith.constant 0 : i32
    %dma_wait3A_149 = tpu.memref_slice %arg6[%add3A_119, %dma_wait3A_148] : memref<24576x128xf32, #tpu.memory_space<hbm>> -> memref<128x128xf32, #tpu.memory_space<hbm>>
    %dma_wait3A_150 = arith.constant 0 : i32
    %dma_wait3A_151 = tpu.memref_slice %arg6[%add3A_119, %dma_wait3A_150] : memref<24576x128xf32, #tpu.memory_space<hbm>> -> memref<128x128xf32, #tpu.memory_space<hbm>>
    tpu.wait_dma2 semaphore(%arg18 : memref<!tpu.dma_semaphore, #tpu.memory_space<semaphore_mem>>) src(%arg13 : memref<128x128xf32, #tpu.memory_space<vmem>>) dst(%dma_wait3A_151 : memref<128x128xf32, #tpu.memory_space<hbm>>)
    %dma_start3A_152 = arith.constant 10 : i32
    %dma_start3A_153 = arith.constant 0 : i32
    %dma_start3A_154 = tpu.memref_slice %arg9[%dma_start3A_152, %dma_start3A_153] : memref<18x128xi32, #tpu.memory_space<vmem>> -> memref<1x128xi32, #tpu.memory_space<vmem>>
    %dma_start3A_155 = tpu.memref_squeeze %dma_start3A_154 : memref<1x128xi32, #tpu.memory_space<vmem>> -> memref<128xi32, #tpu.memory_space<vmem>>
    %dma_start3A_156 = arith.constant 0 : i32
    %dma_start3A_157 = arith.constant 0 : i32
    %dma_start3A_158 = tpu.memref_slice %arg2[%dma_start3A_156, %dma_start3A_157] : memref<50000x128xf32, #tpu.memory_space<hbm>> -> memref<50000x128xf32, #tpu.memory_space<hbm>>
    tpu.enqueue_indirect_dma source(%dma_start3A_158 : memref<50000x128xf32, #tpu.memory_space<hbm>>) target(%arg13 : memref<128x128xf32, #tpu.memory_space<vmem>>) offsets(%dma_start3A_155 : memref<128xi32, #tpu.memory_space<vmem>>) semaphore(%arg17 : memref<!tpu.dma_semaphore, #tpu.memory_space<semaphore_mem>>)
    %dma_wait3A_159 = arith.constant 5 : i32
    %dma_wait3A_160 = arith.constant 0 : i32
    %dma_wait3A_161 = tpu.memref_slice %arg9[%dma_wait3A_159, %dma_wait3A_160] : memref<18x128xi32, #tpu.memory_space<vmem>> -> memref<1x128xi32, #tpu.memory_space<vmem>>
    %dma_wait3A_162 = tpu.memref_squeeze %dma_wait3A_161 : memref<1x128xi32, #tpu.memory_space<vmem>> -> memref<128xi32, #tpu.memory_space<vmem>>
    %dma_wait3A_163 = arith.constant 0 : i32
    %dma_wait3A_164 = arith.constant 0 : i32
    %dma_wait3A_165 = tpu.memref_slice %arg2[%dma_wait3A_163, %dma_wait3A_164] : memref<50000x128xf32, #tpu.memory_space<hbm>> -> memref<50000x128xf32, #tpu.memory_space<hbm>>
    tpu.wait_indirect_dma semaphore(%arg17 : memref<!tpu.dma_semaphore, #tpu.memory_space<semaphore_mem>>) src(%dma_wait3A_165 : memref<50000x128xf32, #tpu.memory_space<hbm>>) dst(%arg15 : memref<128x128xf32, #tpu.memory_space<vmem>>)
    %add3A_166 = arith.constant 640 : i32
    %add3A_167 = arith.addi %mul3A_2, %add3A_166 : i32
    %dma_start3A_168 = arith.constant 0 : i32
    %dma_start3A_169 = tpu.memref_slice %arg6[%add3A_167, %dma_start3A_168] : memref<24576x128xf32, #tpu.memory_space<hbm>> -> memref<128x128xf32, #tpu.memory_space<hbm>>
    %dma_start3A_170 = arith.constant 0 : i32
    %dma_start3A_171 = tpu.memref_slice %arg6[%add3A_167, %dma_start3A_170] : memref<24576x128xf32, #tpu.memory_space<hbm>> -> memref<128x128xf32, #tpu.memory_space<hbm>>
    tpu.enqueue_dma source(%arg15 : memref<128x128xf32, #tpu.memory_space<vmem>>) target(%dma_start3A_171 : memref<128x128xf32, #tpu.memory_space<hbm>>) target_semaphore(%arg18 : memref<!tpu.dma_semaphore, #tpu.memory_space<semaphore_mem>>)
    %dma_wait3A_172 = arith.constant 0 : i32
    %dma_wait3A_173 = tpu.memref_slice %arg6[%add3A_143, %dma_wait3A_172] : memref<24576x128xf32, #tpu.memory_space<hbm>> -> memref<128x128xf32, #tpu.memory_space<hbm>>
    %dma_wait3A_174 = arith.constant 0 : i32
    %dma_wait3A_175 = tpu.memref_slice %arg6[%add3A_143, %dma_wait3A_174] : memref<24576x128xf32, #tpu.memory_space<hbm>> -> memref<128x128xf32, #tpu.memory_space<hbm>>
    tpu.wait_dma2 semaphore(%arg18 : memref<!tpu.dma_semaphore, #tpu.memory_space<semaphore_mem>>) src(%arg14 : memref<128x128xf32, #tpu.memory_space<vmem>>) dst(%dma_wait3A_175 : memref<128x128xf32, #tpu.memory_space<hbm>>)
    %dma_start3A_176 = arith.constant 11 : i32
    %dma_start3A_177 = arith.constant 0 : i32
    %dma_start3A_178 = tpu.memref_slice %arg9[%dma_start3A_176, %dma_start3A_177] : memref<18x128xi32, #tpu.memory_space<vmem>> -> memref<1x128xi32, #tpu.memory_space<vmem>>
    %dma_start3A_179 = tpu.memref_squeeze %dma_start3A_178 : memref<1x128xi32, #tpu.memory_space<vmem>> -> memref<128xi32, #tpu.memory_space<vmem>>
    %dma_start3A_180 = arith.constant 0 : i32
    %dma_start3A_181 = arith.constant 0 : i32
    %dma_start3A_182 = tpu.memref_slice %arg2[%dma_start3A_180, %dma_start3A_181] : memref<50000x128xf32, #tpu.memory_space<hbm>> -> memref<50000x128xf32, #tpu.memory_space<hbm>>
    tpu.enqueue_indirect_dma source(%dma_start3A_182 : memref<50000x128xf32, #tpu.memory_space<hbm>>) target(%arg14 : memref<128x128xf32, #tpu.memory_space<vmem>>) offsets(%dma_start3A_179 : memref<128xi32, #tpu.memory_space<vmem>>) semaphore(%arg17 : memref<!tpu.dma_semaphore, #tpu.memory_space<semaphore_mem>>)
    %dma_wait3A_183 = arith.constant 6 : i32
    %dma_wait3A_184 = arith.constant 0 : i32
    %dma_wait3A_185 = tpu.memref_slice %arg9[%dma_wait3A_183, %dma_wait3A_184] : memref<18x128xi32, #tpu.memory_space<vmem>> -> memref<1x128xi32, #tpu.memory_space<vmem>>
    %dma_wait3A_186 = tpu.memref_squeeze %dma_wait3A_185 : memref<1x128xi32, #tpu.memory_space<vmem>> -> memref<128xi32, #tpu.memory_space<vmem>>
    %dma_wait3A_187 = arith.constant 0 : i32
    %dma_wait3A_188 = arith.constant 0 : i32
    %dma_wait3A_189 = tpu.memref_slice %arg2[%dma_wait3A_187, %dma_wait3A_188] : memref<50000x128xf32, #tpu.memory_space<hbm>> -> memref<50000x128xf32, #tpu.memory_space<hbm>>
    tpu.wait_indirect_dma semaphore(%arg17 : memref<!tpu.dma_semaphore, #tpu.memory_space<semaphore_mem>>) src(%dma_wait3A_189 : memref<50000x128xf32, #tpu.memory_space<hbm>>) dst(%arg16 : memref<128x128xf32, #tpu.memory_space<vmem>>)
    %add3A_190 = arith.constant 0 : i32
    %add3A_191 = arith.addi %mul3A_2, %add3A_190 : i32
    %dma_start3A_192 = arith.constant 0 : i32
    %dma_start3A_193 = tpu.memref_slice %arg7[%add3A_191, %dma_start3A_192] : memref<24576x128xf32, #tpu.memory_space<hbm>> -> memref<128x128xf32, #tpu.memory_space<hbm>>
    %dma_start3A_194 = arith.constant 0 : i32
    %dma_start3A_195 = tpu.memref_slice %arg7[%add3A_191, %dma_start3A_194] : memref<24576x128xf32, #tpu.memory_space<hbm>> -> memref<128x128xf32, #tpu.memory_space<hbm>>
    tpu.enqueue_dma source(%arg16 : memref<128x128xf32, #tpu.memory_space<vmem>>) target(%dma_start3A_195 : memref<128x128xf32, #tpu.memory_space<hbm>>) target_semaphore(%arg18 : memref<!tpu.dma_semaphore, #tpu.memory_space<semaphore_mem>>)
    %dma_wait3A_196 = arith.constant 0 : i32
    %dma_wait3A_197 = tpu.memref_slice %arg6[%add3A_167, %dma_wait3A_196] : memref<24576x128xf32, #tpu.memory_space<hbm>> -> memref<128x128xf32, #tpu.memory_space<hbm>>
    %dma_wait3A_198 = arith.constant 0 : i32
    %dma_wait3A_199 = tpu.memref_slice %arg6[%add3A_167, %dma_wait3A_198] : memref<24576x128xf32, #tpu.memory_space<hbm>> -> memref<128x128xf32, #tpu.memory_space<hbm>>
    tpu.wait_dma2 semaphore(%arg18 : memref<!tpu.dma_semaphore, #tpu.memory_space<semaphore_mem>>) src(%arg15 : memref<128x128xf32, #tpu.memory_space<vmem>>) dst(%dma_wait3A_199 : memref<128x128xf32, #tpu.memory_space<hbm>>)
    %dma_start3A_200 = arith.constant 12 : i32
    %dma_start3A_201 = arith.constant 0 : i32
    %dma_start3A_202 = tpu.memref_slice %arg9[%dma_start3A_200, %dma_start3A_201] : memref<18x128xi32, #tpu.memory_space<vmem>> -> memref<1x128xi32, #tpu.memory_space<vmem>>
    %dma_start3A_203 = tpu.memref_squeeze %dma_start3A_202 : memref<1x128xi32, #tpu.memory_space<vmem>> -> memref<128xi32, #tpu.memory_space<vmem>>
    %dma_start3A_204 = arith.constant 0 : i32
    %dma_start3A_205 = arith.constant 0 : i32
    %dma_start3A_206 = tpu.memref_slice %arg2[%dma_start3A_204, %dma_start3A_205] : memref<50000x128xf32, #tpu.memory_space<hbm>> -> memref<50000x128xf32, #tpu.memory_space<hbm>>
    tpu.enqueue_indirect_dma source(%dma_start3A_206 : memref<50000x128xf32, #tpu.memory_space<hbm>>) target(%arg15 : memref<128x128xf32, #tpu.memory_space<vmem>>) offsets(%dma_start3A_203 : memref<128xi32, #tpu.memory_space<vmem>>) semaphore(%arg17 : memref<!tpu.dma_semaphore, #tpu.memory_space<semaphore_mem>>)
    %dma_wait3A_207 = arith.constant 7 : i32
    %dma_wait3A_208 = arith.constant 0 : i32
    %dma_wait3A_209 = tpu.memref_slice %arg9[%dma_wait3A_207, %dma_wait3A_208] : memref<18x128xi32, #tpu.memory_space<vmem>> -> memref<1x128xi32, #tpu.memory_space<vmem>>
    %dma_wait3A_210 = tpu.memref_squeeze %dma_wait3A_209 : memref<1x128xi32, #tpu.memory_space<vmem>> -> memref<128xi32, #tpu.memory_space<vmem>>
    %dma_wait3A_211 = arith.constant 0 : i32
    %dma_wait3A_212 = arith.constant 0 : i32
    %dma_wait3A_213 = tpu.memref_slice %arg2[%dma_wait3A_211, %dma_wait3A_212] : memref<50000x128xf32, #tpu.memory_space<hbm>> -> memref<50000x128xf32, #tpu.memory_space<hbm>>
    tpu.wait_indirect_dma semaphore(%arg17 : memref<!tpu.dma_semaphore, #tpu.memory_space<semaphore_mem>>) src(%dma_wait3A_213 : memref<50000x128xf32, #tpu.memory_space<hbm>>) dst(%arg10 : memref<128x128xf32, #tpu.memory_space<vmem>>)
    %add3A_214 = arith.constant 128 : i32
    %add3A_215 = arith.addi %mul3A_2, %add3A_214 : i32
    %dma_start3A_216 = arith.constant 0 : i32
    %dma_start3A_217 = tpu.memref_slice %arg7[%add3A_215, %dma_start3A_216] : memref<24576x128xf32, #tpu.memory_space<hbm>> -> memref<128x128xf32, #tpu.memory_space<hbm>>
    %dma_start3A_218 = arith.constant 0 : i32
    %dma_start3A_219 = tpu.memref_slice %arg7[%add3A_215, %dma_start3A_218] : memref<24576x128xf32, #tpu.memory_space<hbm>> -> memref<128x128xf32, #tpu.memory_space<hbm>>
    tpu.enqueue_dma source(%arg10 : memref<128x128xf32, #tpu.memory_space<vmem>>) target(%dma_start3A_219 : memref<128x128xf32, #tpu.memory_space<hbm>>) target_semaphore(%arg18 : memref<!tpu.dma_semaphore, #tpu.memory_space<semaphore_mem>>)
    %dma_wait3A_220 = arith.constant 0 : i32
    %dma_wait3A_221 = tpu.memref_slice %arg7[%add3A_191, %dma_wait3A_220] : memref<24576x128xf32, #tpu.memory_space<hbm>> -> memref<128x128xf32, #tpu.memory_space<hbm>>
    %dma_wait3A_222 = arith.constant 0 : i32
    %dma_wait3A_223 = tpu.memref_slice %arg7[%add3A_191, %dma_wait3A_222] : memref<24576x128xf32, #tpu.memory_space<hbm>> -> memref<128x128xf32, #tpu.memory_space<hbm>>
    tpu.wait_dma2 semaphore(%arg18 : memref<!tpu.dma_semaphore, #tpu.memory_space<semaphore_mem>>) src(%arg16 : memref<128x128xf32, #tpu.memory_space<vmem>>) dst(%dma_wait3A_223 : memref<128x128xf32, #tpu.memory_space<hbm>>)
    %dma_start3A_224 = arith.constant 13 : i32
    %dma_start3A_225 = arith.constant 0 : i32
    %dma_start3A_226 = tpu.memref_slice %arg9[%dma_start3A_224, %dma_start3A_225] : memref<18x128xi32, #tpu.memory_space<vmem>> -> memref<1x128xi32, #tpu.memory_space<vmem>>
    %dma_start3A_227 = tpu.memref_squeeze %dma_start3A_226 : memref<1x128xi32, #tpu.memory_space<vmem>> -> memref<128xi32, #tpu.memory_space<vmem>>
    %dma_start3A_228 = arith.constant 0 : i32
    %dma_start3A_229 = arith.constant 0 : i32
    %dma_start3A_230 = tpu.memref_slice %arg2[%dma_start3A_228, %dma_start3A_229] : memref<50000x128xf32, #tpu.memory_space<hbm>> -> memref<50000x128xf32, #tpu.memory_space<hbm>>
    tpu.enqueue_indirect_dma source(%dma_start3A_230 : memref<50000x128xf32, #tpu.memory_space<hbm>>) target(%arg16 : memref<128x128xf32, #tpu.memory_space<vmem>>) offsets(%dma_start3A_227 : memref<128xi32, #tpu.memory_space<vmem>>) semaphore(%arg17 : memref<!tpu.dma_semaphore, #tpu.memory_space<semaphore_mem>>)
    %dma_wait3A_231 = arith.constant 8 : i32
    %dma_wait3A_232 = arith.constant 0 : i32
    %dma_wait3A_233 = tpu.memref_slice %arg9[%dma_wait3A_231, %dma_wait3A_232] : memref<18x128xi32, #tpu.memory_space<vmem>> -> memref<1x128xi32, #tpu.memory_space<vmem>>
    %dma_wait3A_234 = tpu.memref_squeeze %dma_wait3A_233 : memref<1x128xi32, #tpu.memory_space<vmem>> -> memref<128xi32, #tpu.memory_space<vmem>>
    %dma_wait3A_235 = arith.constant 0 : i32
    %dma_wait3A_236 = arith.constant 0 : i32
    %dma_wait3A_237 = tpu.memref_slice %arg2[%dma_wait3A_235, %dma_wait3A_236] : memref<50000x128xf32, #tpu.memory_space<hbm>> -> memref<50000x128xf32, #tpu.memory_space<hbm>>
    tpu.wait_indirect_dma semaphore(%arg17 : memref<!tpu.dma_semaphore, #tpu.memory_space<semaphore_mem>>) src(%dma_wait3A_237 : memref<50000x128xf32, #tpu.memory_space<hbm>>) dst(%arg11 : memref<128x128xf32, #tpu.memory_space<vmem>>)
    %add3A_238 = arith.constant 256 : i32
    %add3A_239 = arith.addi %mul3A_2, %add3A_238 : i32
    %dma_start3A_240 = arith.constant 0 : i32
    %dma_start3A_241 = tpu.memref_slice %arg7[%add3A_239, %dma_start3A_240] : memref<24576x128xf32, #tpu.memory_space<hbm>> -> memref<128x128xf32, #tpu.memory_space<hbm>>
    %dma_start3A_242 = arith.constant 0 : i32
    %dma_start3A_243 = tpu.memref_slice %arg7[%add3A_239, %dma_start3A_242] : memref<24576x128xf32, #tpu.memory_space<hbm>> -> memref<128x128xf32, #tpu.memory_space<hbm>>
    tpu.enqueue_dma source(%arg11 : memref<128x128xf32, #tpu.memory_space<vmem>>) target(%dma_start3A_243 : memref<128x128xf32, #tpu.memory_space<hbm>>) target_semaphore(%arg18 : memref<!tpu.dma_semaphore, #tpu.memory_space<semaphore_mem>>)
    %dma_wait3A_244 = arith.constant 0 : i32
    %dma_wait3A_245 = tpu.memref_slice %arg7[%add3A_215, %dma_wait3A_244] : memref<24576x128xf32, #tpu.memory_space<hbm>> -> memref<128x128xf32, #tpu.memory_space<hbm>>
    %dma_wait3A_246 = arith.constant 0 : i32
    %dma_wait3A_247 = tpu.memref_slice %arg7[%add3A_215, %dma_wait3A_246] : memref<24576x128xf32, #tpu.memory_space<hbm>> -> memref<128x128xf32, #tpu.memory_space<hbm>>
    tpu.wait_dma2 semaphore(%arg18 : memref<!tpu.dma_semaphore, #tpu.memory_space<semaphore_mem>>) src(%arg10 : memref<128x128xf32, #tpu.memory_space<vmem>>) dst(%dma_wait3A_247 : memref<128x128xf32, #tpu.memory_space<hbm>>)
    %dma_start3A_248 = arith.constant 14 : i32
    %dma_start3A_249 = arith.constant 0 : i32
    %dma_start3A_250 = tpu.memref_slice %arg9[%dma_start3A_248, %dma_start3A_249] : memref<18x128xi32, #tpu.memory_space<vmem>> -> memref<1x128xi32, #tpu.memory_space<vmem>>
    %dma_start3A_251 = tpu.memref_squeeze %dma_start3A_250 : memref<1x128xi32, #tpu.memory_space<vmem>> -> memref<128xi32, #tpu.memory_space<vmem>>
    %dma_start3A_252 = arith.constant 0 : i32
    %dma_start3A_253 = arith.constant 0 : i32
    %dma_start3A_254 = tpu.memref_slice %arg2[%dma_start3A_252, %dma_start3A_253] : memref<50000x128xf32, #tpu.memory_space<hbm>> -> memref<50000x128xf32, #tpu.memory_space<hbm>>
    tpu.enqueue_indirect_dma source(%dma_start3A_254 : memref<50000x128xf32, #tpu.memory_space<hbm>>) target(%arg10 : memref<128x128xf32, #tpu.memory_space<vmem>>) offsets(%dma_start3A_251 : memref<128xi32, #tpu.memory_space<vmem>>) semaphore(%arg17 : memref<!tpu.dma_semaphore, #tpu.memory_space<semaphore_mem>>)
    %dma_wait3A_255 = arith.constant 9 : i32
    %dma_wait3A_256 = arith.constant 0 : i32
    %dma_wait3A_257 = tpu.memref_slice %arg9[%dma_wait3A_255, %dma_wait3A_256] : memref<18x128xi32, #tpu.memory_space<vmem>> -> memref<1x128xi32, #tpu.memory_space<vmem>>
    %dma_wait3A_258 = tpu.memref_squeeze %dma_wait3A_257 : memref<1x128xi32, #tpu.memory_space<vmem>> -> memref<128xi32, #tpu.memory_space<vmem>>
    %dma_wait3A_259 = arith.constant 0 : i32
    %dma_wait3A_260 = arith.constant 0 : i32
    %dma_wait3A_261 = tpu.memref_slice %arg2[%dma_wait3A_259, %dma_wait3A_260] : memref<50000x128xf32, #tpu.memory_space<hbm>> -> memref<50000x128xf32, #tpu.memory_space<hbm>>
    tpu.wait_indirect_dma semaphore(%arg17 : memref<!tpu.dma_semaphore, #tpu.memory_space<semaphore_mem>>) src(%dma_wait3A_261 : memref<50000x128xf32, #tpu.memory_space<hbm>>) dst(%arg12 : memref<128x128xf32, #tpu.memory_space<vmem>>)
    %add3A_262 = arith.constant 384 : i32
    %add3A_263 = arith.addi %mul3A_2, %add3A_262 : i32
    %dma_start3A_264 = arith.constant 0 : i32
    %dma_start3A_265 = tpu.memref_slice %arg7[%add3A_263, %dma_start3A_264] : memref<24576x128xf32, #tpu.memory_space<hbm>> -> memref<128x128xf32, #tpu.memory_space<hbm>>
    %dma_start3A_266 = arith.constant 0 : i32
    %dma_start3A_267 = tpu.memref_slice %arg7[%add3A_263, %dma_start3A_266] : memref<24576x128xf32, #tpu.memory_space<hbm>> -> memref<128x128xf32, #tpu.memory_space<hbm>>
    tpu.enqueue_dma source(%arg12 : memref<128x128xf32, #tpu.memory_space<vmem>>) target(%dma_start3A_267 : memref<128x128xf32, #tpu.memory_space<hbm>>) target_semaphore(%arg18 : memref<!tpu.dma_semaphore, #tpu.memory_space<semaphore_mem>>)
    %dma_wait3A_268 = arith.constant 0 : i32
    %dma_wait3A_269 = tpu.memref_slice %arg7[%add3A_239, %dma_wait3A_268] : memref<24576x128xf32, #tpu.memory_space<hbm>> -> memref<128x128xf32, #tpu.memory_space<hbm>>
    %dma_wait3A_270 = arith.constant 0 : i32
    %dma_wait3A_271 = tpu.memref_slice %arg7[%add3A_239, %dma_wait3A_270] : memref<24576x128xf32, #tpu.memory_space<hbm>> -> memref<128x128xf32, #tpu.memory_space<hbm>>
    tpu.wait_dma2 semaphore(%arg18 : memref<!tpu.dma_semaphore, #tpu.memory_space<semaphore_mem>>) src(%arg11 : memref<128x128xf32, #tpu.memory_space<vmem>>) dst(%dma_wait3A_271 : memref<128x128xf32, #tpu.memory_space<hbm>>)
    %dma_start3A_272 = arith.constant 15 : i32
    %dma_start3A_273 = arith.constant 0 : i32
    %dma_start3A_274 = tpu.memref_slice %arg9[%dma_start3A_272, %dma_start3A_273] : memref<18x128xi32, #tpu.memory_space<vmem>> -> memref<1x128xi32, #tpu.memory_space<vmem>>
    %dma_start3A_275 = tpu.memref_squeeze %dma_start3A_274 : memref<1x128xi32, #tpu.memory_space<vmem>> -> memref<128xi32, #tpu.memory_space<vmem>>
    %dma_start3A_276 = arith.constant 0 : i32
    %dma_start3A_277 = arith.constant 0 : i32
    %dma_start3A_278 = tpu.memref_slice %arg2[%dma_start3A_276, %dma_start3A_277] : memref<50000x128xf32, #tpu.memory_space<hbm>> -> memref<50000x128xf32, #tpu.memory_space<hbm>>
    tpu.enqueue_indirect_dma source(%dma_start3A_278 : memref<50000x128xf32, #tpu.memory_space<hbm>>) target(%arg11 : memref<128x128xf32, #tpu.memory_space<vmem>>) offsets(%dma_start3A_275 : memref<128xi32, #tpu.memory_space<vmem>>) semaphore(%arg17 : memref<!tpu.dma_semaphore, #tpu.memory_space<semaphore_mem>>)
    %dma_wait3A_279 = arith.constant 10 : i32
    %dma_wait3A_280 = arith.constant 0 : i32
    %dma_wait3A_281 = tpu.memref_slice %arg9[%dma_wait3A_279, %dma_wait3A_280] : memref<18x128xi32, #tpu.memory_space<vmem>> -> memref<1x128xi32, #tpu.memory_space<vmem>>
    %dma_wait3A_282 = tpu.memref_squeeze %dma_wait3A_281 : memref<1x128xi32, #tpu.memory_space<vmem>> -> memref<128xi32, #tpu.memory_space<vmem>>
    %dma_wait3A_283 = arith.constant 0 : i32
    %dma_wait3A_284 = arith.constant 0 : i32
    %dma_wait3A_285 = tpu.memref_slice %arg2[%dma_wait3A_283, %dma_wait3A_284] : memref<50000x128xf32, #tpu.memory_space<hbm>> -> memref<50000x128xf32, #tpu.memory_space<hbm>>
    tpu.wait_indirect_dma semaphore(%arg17 : memref<!tpu.dma_semaphore, #tpu.memory_space<semaphore_mem>>) src(%dma_wait3A_285 : memref<50000x128xf32, #tpu.memory_space<hbm>>) dst(%arg13 : memref<128x128xf32, #tpu.memory_space<vmem>>)
    %add3A_286 = arith.constant 512 : i32
    %add3A_287 = arith.addi %mul3A_2, %add3A_286 : i32
    %dma_start3A_288 = arith.constant 0 : i32
    %dma_start3A_289 = tpu.memref_slice %arg7[%add3A_287, %dma_start3A_288] : memref<24576x128xf32, #tpu.memory_space<hbm>> -> memref<128x128xf32, #tpu.memory_space<hbm>>
    %dma_start3A_290 = arith.constant 0 : i32
    %dma_start3A_291 = tpu.memref_slice %arg7[%add3A_287, %dma_start3A_290] : memref<24576x128xf32, #tpu.memory_space<hbm>> -> memref<128x128xf32, #tpu.memory_space<hbm>>
    tpu.enqueue_dma source(%arg13 : memref<128x128xf32, #tpu.memory_space<vmem>>) target(%dma_start3A_291 : memref<128x128xf32, #tpu.memory_space<hbm>>) target_semaphore(%arg18 : memref<!tpu.dma_semaphore, #tpu.memory_space<semaphore_mem>>)
    %dma_wait3A_292 = arith.constant 0 : i32
    %dma_wait3A_293 = tpu.memref_slice %arg7[%add3A_263, %dma_wait3A_292] : memref<24576x128xf32, #tpu.memory_space<hbm>> -> memref<128x128xf32, #tpu.memory_space<hbm>>
    %dma_wait3A_294 = arith.constant 0 : i32
    %dma_wait3A_295 = tpu.memref_slice %arg7[%add3A_263, %dma_wait3A_294] : memref<24576x128xf32, #tpu.memory_space<hbm>> -> memref<128x128xf32, #tpu.memory_space<hbm>>
    tpu.wait_dma2 semaphore(%arg18 : memref<!tpu.dma_semaphore, #tpu.memory_space<semaphore_mem>>) src(%arg12 : memref<128x128xf32, #tpu.memory_space<vmem>>) dst(%dma_wait3A_295 : memref<128x128xf32, #tpu.memory_space<hbm>>)
    %dma_start3A_296 = arith.constant 16 : i32
    %dma_start3A_297 = arith.constant 0 : i32
    %dma_start3A_298 = tpu.memref_slice %arg9[%dma_start3A_296, %dma_start3A_297] : memref<18x128xi32, #tpu.memory_space<vmem>> -> memref<1x128xi32, #tpu.memory_space<vmem>>
    %dma_start3A_299 = tpu.memref_squeeze %dma_start3A_298 : memref<1x128xi32, #tpu.memory_space<vmem>> -> memref<128xi32, #tpu.memory_space<vmem>>
    %dma_start3A_300 = arith.constant 0 : i32
    %dma_start3A_301 = arith.constant 0 : i32
    %dma_start3A_302 = tpu.memref_slice %arg2[%dma_start3A_300, %dma_start3A_301] : memref<50000x128xf32, #tpu.memory_space<hbm>> -> memref<50000x128xf32, #tpu.memory_space<hbm>>
    tpu.enqueue_indirect_dma source(%dma_start3A_302 : memref<50000x128xf32, #tpu.memory_space<hbm>>) target(%arg12 : memref<128x128xf32, #tpu.memory_space<vmem>>) offsets(%dma_start3A_299 : memref<128xi32, #tpu.memory_space<vmem>>) semaphore(%arg17 : memref<!tpu.dma_semaphore, #tpu.memory_space<semaphore_mem>>)
    %dma_wait3A_303 = arith.constant 11 : i32
    %dma_wait3A_304 = arith.constant 0 : i32
    %dma_wait3A_305 = tpu.memref_slice %arg9[%dma_wait3A_303, %dma_wait3A_304] : memref<18x128xi32, #tpu.memory_space<vmem>> -> memref<1x128xi32, #tpu.memory_space<vmem>>
    %dma_wait3A_306 = tpu.memref_squeeze %dma_wait3A_305 : memref<1x128xi32, #tpu.memory_space<vmem>> -> memref<128xi32, #tpu.memory_space<vmem>>
    %dma_wait3A_307 = arith.constant 0 : i32
    %dma_wait3A_308 = arith.constant 0 : i32
    %dma_wait3A_309 = tpu.memref_slice %arg2[%dma_wait3A_307, %dma_wait3A_308] : memref<50000x128xf32, #tpu.memory_space<hbm>> -> memref<50000x128xf32, #tpu.memory_space<hbm>>
    tpu.wait_indirect_dma semaphore(%arg17 : memref<!tpu.dma_semaphore, #tpu.memory_space<semaphore_mem>>) src(%dma_wait3A_309 : memref<50000x128xf32, #tpu.memory_space<hbm>>) dst(%arg14 : memref<128x128xf32, #tpu.memory_space<vmem>>)
    %add3A_310 = arith.constant 640 : i32
    %add3A_311 = arith.addi %mul3A_2, %add3A_310 : i32
    %dma_start3A_312 = arith.constant 0 : i32
    %dma_start3A_313 = tpu.memref_slice %arg7[%add3A_311, %dma_start3A_312] : memref<24576x128xf32, #tpu.memory_space<hbm>> -> memref<128x128xf32, #tpu.memory_space<hbm>>
    %dma_start3A_314 = arith.constant 0 : i32
    %dma_start3A_315 = tpu.memref_slice %arg7[%add3A_311, %dma_start3A_314] : memref<24576x128xf32, #tpu.memory_space<hbm>> -> memref<128x128xf32, #tpu.memory_space<hbm>>
    tpu.enqueue_dma source(%arg14 : memref<128x128xf32, #tpu.memory_space<vmem>>) target(%dma_start3A_315 : memref<128x128xf32, #tpu.memory_space<hbm>>) target_semaphore(%arg18 : memref<!tpu.dma_semaphore, #tpu.memory_space<semaphore_mem>>)
    %dma_wait3A_316 = arith.constant 0 : i32
    %dma_wait3A_317 = tpu.memref_slice %arg7[%add3A_287, %dma_wait3A_316] : memref<24576x128xf32, #tpu.memory_space<hbm>> -> memref<128x128xf32, #tpu.memory_space<hbm>>
    %dma_wait3A_318 = arith.constant 0 : i32
    %dma_wait3A_319 = tpu.memref_slice %arg7[%add3A_287, %dma_wait3A_318] : memref<24576x128xf32, #tpu.memory_space<hbm>> -> memref<128x128xf32, #tpu.memory_space<hbm>>
    tpu.wait_dma2 semaphore(%arg18 : memref<!tpu.dma_semaphore, #tpu.memory_space<semaphore_mem>>) src(%arg13 : memref<128x128xf32, #tpu.memory_space<vmem>>) dst(%dma_wait3A_319 : memref<128x128xf32, #tpu.memory_space<hbm>>)
    %dma_start3A_320 = arith.constant 17 : i32
    %dma_start3A_321 = arith.constant 0 : i32
    %dma_start3A_322 = tpu.memref_slice %arg9[%dma_start3A_320, %dma_start3A_321] : memref<18x128xi32, #tpu.memory_space<vmem>> -> memref<1x128xi32, #tpu.memory_space<vmem>>
    %dma_start3A_323 = tpu.memref_squeeze %dma_start3A_322 : memref<1x128xi32, #tpu.memory_space<vmem>> -> memref<128xi32, #tpu.memory_space<vmem>>
    %dma_start3A_324 = arith.constant 0 : i32
    %dma_start3A_325 = arith.constant 0 : i32
    %dma_start3A_326 = tpu.memref_slice %arg2[%dma_start3A_324, %dma_start3A_325] : memref<50000x128xf32, #tpu.memory_space<hbm>> -> memref<50000x128xf32, #tpu.memory_space<hbm>>
    tpu.enqueue_indirect_dma source(%dma_start3A_326 : memref<50000x128xf32, #tpu.memory_space<hbm>>) target(%arg13 : memref<128x128xf32, #tpu.memory_space<vmem>>) offsets(%dma_start3A_323 : memref<128xi32, #tpu.memory_space<vmem>>) semaphore(%arg17 : memref<!tpu.dma_semaphore, #tpu.memory_space<semaphore_mem>>)
    %dma_wait3A_327 = arith.constant 12 : i32
    %dma_wait3A_328 = arith.constant 0 : i32
    %dma_wait3A_329 = tpu.memref_slice %arg9[%dma_wait3A_327, %dma_wait3A_328] : memref<18x128xi32, #tpu.memory_space<vmem>> -> memref<1x128xi32, #tpu.memory_space<vmem>>
    %dma_wait3A_330 = tpu.memref_squeeze %dma_wait3A_329 : memref<1x128xi32, #tpu.memory_space<vmem>> -> memref<128xi32, #tpu.memory_space<vmem>>
    %dma_wait3A_331 = arith.constant 0 : i32
    %dma_wait3A_332 = arith.constant 0 : i32
    %dma_wait3A_333 = tpu.memref_slice %arg2[%dma_wait3A_331, %dma_wait3A_332] : memref<50000x128xf32, #tpu.memory_space<hbm>> -> memref<50000x128xf32, #tpu.memory_space<hbm>>
    tpu.wait_indirect_dma semaphore(%arg17 : memref<!tpu.dma_semaphore, #tpu.memory_space<semaphore_mem>>) src(%dma_wait3A_333 : memref<50000x128xf32, #tpu.memory_space<hbm>>) dst(%arg15 : memref<128x128xf32, #tpu.memory_space<vmem>>)
    %add3A_334 = arith.constant 0 : i32
    %add3A_335 = arith.addi %mul3A_2, %add3A_334 : i32
    %dma_start3A_336 = arith.constant 0 : i32
    %dma_start3A_337 = tpu.memref_slice %arg8[%add3A_335, %dma_start3A_336] : memref<24576x128xf32, #tpu.memory_space<hbm>> -> memref<128x128xf32, #tpu.memory_space<hbm>>
    %dma_start3A_338 = arith.constant 0 : i32
    %dma_start3A_339 = tpu.memref_slice %arg8[%add3A_335, %dma_start3A_338] : memref<24576x128xf32, #tpu.memory_space<hbm>> -> memref<128x128xf32, #tpu.memory_space<hbm>>
    tpu.enqueue_dma source(%arg15 : memref<128x128xf32, #tpu.memory_space<vmem>>) target(%dma_start3A_339 : memref<128x128xf32, #tpu.memory_space<hbm>>) target_semaphore(%arg18 : memref<!tpu.dma_semaphore, #tpu.memory_space<semaphore_mem>>)
    %dma_wait3A_340 = arith.constant 13 : i32
    %dma_wait3A_341 = arith.constant 0 : i32
    %dma_wait3A_342 = tpu.memref_slice %arg9[%dma_wait3A_340, %dma_wait3A_341] : memref<18x128xi32, #tpu.memory_space<vmem>> -> memref<1x128xi32, #tpu.memory_space<vmem>>
    %dma_wait3A_343 = tpu.memref_squeeze %dma_wait3A_342 : memref<1x128xi32, #tpu.memory_space<vmem>> -> memref<128xi32, #tpu.memory_space<vmem>>
    %dma_wait3A_344 = arith.constant 0 : i32
    %dma_wait3A_345 = arith.constant 0 : i32
    %dma_wait3A_346 = tpu.memref_slice %arg2[%dma_wait3A_344, %dma_wait3A_345] : memref<50000x128xf32, #tpu.memory_space<hbm>> -> memref<50000x128xf32, #tpu.memory_space<hbm>>
    tpu.wait_indirect_dma semaphore(%arg17 : memref<!tpu.dma_semaphore, #tpu.memory_space<semaphore_mem>>) src(%dma_wait3A_346 : memref<50000x128xf32, #tpu.memory_space<hbm>>) dst(%arg16 : memref<128x128xf32, #tpu.memory_space<vmem>>)
    %add3A_347 = arith.constant 128 : i32
    %add3A_348 = arith.addi %mul3A_2, %add3A_347 : i32
    %dma_start3A_349 = arith.constant 0 : i32
    %dma_start3A_350 = tpu.memref_slice %arg8[%add3A_348, %dma_start3A_349] : memref<24576x128xf32, #tpu.memory_space<hbm>> -> memref<128x128xf32, #tpu.memory_space<hbm>>
    %dma_start3A_351 = arith.constant 0 : i32
    %dma_start3A_352 = tpu.memref_slice %arg8[%add3A_348, %dma_start3A_351] : memref<24576x128xf32, #tpu.memory_space<hbm>> -> memref<128x128xf32, #tpu.memory_space<hbm>>
    tpu.enqueue_dma source(%arg16 : memref<128x128xf32, #tpu.memory_space<vmem>>) target(%dma_start3A_352 : memref<128x128xf32, #tpu.memory_space<hbm>>) target_semaphore(%arg18 : memref<!tpu.dma_semaphore, #tpu.memory_space<semaphore_mem>>)
    %dma_wait3A_353 = arith.constant 14 : i32
    %dma_wait3A_354 = arith.constant 0 : i32
    %dma_wait3A_355 = tpu.memref_slice %arg9[%dma_wait3A_353, %dma_wait3A_354] : memref<18x128xi32, #tpu.memory_space<vmem>> -> memref<1x128xi32, #tpu.memory_space<vmem>>
    %dma_wait3A_356 = tpu.memref_squeeze %dma_wait3A_355 : memref<1x128xi32, #tpu.memory_space<vmem>> -> memref<128xi32, #tpu.memory_space<vmem>>
    %dma_wait3A_357 = arith.constant 0 : i32
    %dma_wait3A_358 = arith.constant 0 : i32
    %dma_wait3A_359 = tpu.memref_slice %arg2[%dma_wait3A_357, %dma_wait3A_358] : memref<50000x128xf32, #tpu.memory_space<hbm>> -> memref<50000x128xf32, #tpu.memory_space<hbm>>
    tpu.wait_indirect_dma semaphore(%arg17 : memref<!tpu.dma_semaphore, #tpu.memory_space<semaphore_mem>>) src(%dma_wait3A_359 : memref<50000x128xf32, #tpu.memory_space<hbm>>) dst(%arg10 : memref<128x128xf32, #tpu.memory_space<vmem>>)
    %add3A_360 = arith.constant 256 : i32
    %add3A_361 = arith.addi %mul3A_2, %add3A_360 : i32
    %dma_start3A_362 = arith.constant 0 : i32
    %dma_start3A_363 = tpu.memref_slice %arg8[%add3A_361, %dma_start3A_362] : memref<24576x128xf32, #tpu.memory_space<hbm>> -> memref<128x128xf32, #tpu.memory_space<hbm>>
    %dma_start3A_364 = arith.constant 0 : i32
    %dma_start3A_365 = tpu.memref_slice %arg8[%add3A_361, %dma_start3A_364] : memref<24576x128xf32, #tpu.memory_space<hbm>> -> memref<128x128xf32, #tpu.memory_space<hbm>>
    tpu.enqueue_dma source(%arg10 : memref<128x128xf32, #tpu.memory_space<vmem>>) target(%dma_start3A_365 : memref<128x128xf32, #tpu.memory_space<hbm>>) target_semaphore(%arg18 : memref<!tpu.dma_semaphore, #tpu.memory_space<semaphore_mem>>)
    %dma_wait3A_366 = arith.constant 15 : i32
    %dma_wait3A_367 = arith.constant 0 : i32
    %dma_wait3A_368 = tpu.memref_slice %arg9[%dma_wait3A_366, %dma_wait3A_367] : memref<18x128xi32, #tpu.memory_space<vmem>> -> memref<1x128xi32, #tpu.memory_space<vmem>>
    %dma_wait3A_369 = tpu.memref_squeeze %dma_wait3A_368 : memref<1x128xi32, #tpu.memory_space<vmem>> -> memref<128xi32, #tpu.memory_space<vmem>>
    %dma_wait3A_370 = arith.constant 0 : i32
    %dma_wait3A_371 = arith.constant 0 : i32
    %dma_wait3A_372 = tpu.memref_slice %arg2[%dma_wait3A_370, %dma_wait3A_371] : memref<50000x128xf32, #tpu.memory_space<hbm>> -> memref<50000x128xf32, #tpu.memory_space<hbm>>
    tpu.wait_indirect_dma semaphore(%arg17 : memref<!tpu.dma_semaphore, #tpu.memory_space<semaphore_mem>>) src(%dma_wait3A_372 : memref<50000x128xf32, #tpu.memory_space<hbm>>) dst(%arg11 : memref<128x128xf32, #tpu.memory_space<vmem>>)
    %add3A_373 = arith.constant 384 : i32
    %add3A_374 = arith.addi %mul3A_2, %add3A_373 : i32
    %dma_start3A_375 = arith.constant 0 : i32
    %dma_start3A_376 = tpu.memref_slice %arg8[%add3A_374, %dma_start3A_375] : memref<24576x128xf32, #tpu.memory_space<hbm>> -> memref<128x128xf32, #tpu.memory_space<hbm>>
    %dma_start3A_377 = arith.constant 0 : i32
    %dma_start3A_378 = tpu.memref_slice %arg8[%add3A_374, %dma_start3A_377] : memref<24576x128xf32, #tpu.memory_space<hbm>> -> memref<128x128xf32, #tpu.memory_space<hbm>>
    tpu.enqueue_dma source(%arg11 : memref<128x128xf32, #tpu.memory_space<vmem>>) target(%dma_start3A_378 : memref<128x128xf32, #tpu.memory_space<hbm>>) target_semaphore(%arg18 : memref<!tpu.dma_semaphore, #tpu.memory_space<semaphore_mem>>)
    %dma_wait3A_379 = arith.constant 16 : i32
    %dma_wait3A_380 = arith.constant 0 : i32
    %dma_wait3A_381 = tpu.memref_slice %arg9[%dma_wait3A_379, %dma_wait3A_380] : memref<18x128xi32, #tpu.memory_space<vmem>> -> memref<1x128xi32, #tpu.memory_space<vmem>>
    %dma_wait3A_382 = tpu.memref_squeeze %dma_wait3A_381 : memref<1x128xi32, #tpu.memory_space<vmem>> -> memref<128xi32, #tpu.memory_space<vmem>>
    %dma_wait3A_383 = arith.constant 0 : i32
    %dma_wait3A_384 = arith.constant 0 : i32
    %dma_wait3A_385 = tpu.memref_slice %arg2[%dma_wait3A_383, %dma_wait3A_384] : memref<50000x128xf32, #tpu.memory_space<hbm>> -> memref<50000x128xf32, #tpu.memory_space<hbm>>
    tpu.wait_indirect_dma semaphore(%arg17 : memref<!tpu.dma_semaphore, #tpu.memory_space<semaphore_mem>>) src(%dma_wait3A_385 : memref<50000x128xf32, #tpu.memory_space<hbm>>) dst(%arg12 : memref<128x128xf32, #tpu.memory_space<vmem>>)
    %add3A_386 = arith.constant 512 : i32
    %add3A_387 = arith.addi %mul3A_2, %add3A_386 : i32
    %dma_start3A_388 = arith.constant 0 : i32
    %dma_start3A_389 = tpu.memref_slice %arg8[%add3A_387, %dma_start3A_388] : memref<24576x128xf32, #tpu.memory_space<hbm>> -> memref<128x128xf32, #tpu.memory_space<hbm>>
    %dma_start3A_390 = arith.constant 0 : i32
    %dma_start3A_391 = tpu.memref_slice %arg8[%add3A_387, %dma_start3A_390] : memref<24576x128xf32, #tpu.memory_space<hbm>> -> memref<128x128xf32, #tpu.memory_space<hbm>>
    tpu.enqueue_dma source(%arg12 : memref<128x128xf32, #tpu.memory_space<vmem>>) target(%dma_start3A_391 : memref<128x128xf32, #tpu.memory_space<hbm>>) target_semaphore(%arg18 : memref<!tpu.dma_semaphore, #tpu.memory_space<semaphore_mem>>)
    %dma_wait3A_392 = arith.constant 17 : i32
    %dma_wait3A_393 = arith.constant 0 : i32
    %dma_wait3A_394 = tpu.memref_slice %arg9[%dma_wait3A_392, %dma_wait3A_393] : memref<18x128xi32, #tpu.memory_space<vmem>> -> memref<1x128xi32, #tpu.memory_space<vmem>>
    %dma_wait3A_395 = tpu.memref_squeeze %dma_wait3A_394 : memref<1x128xi32, #tpu.memory_space<vmem>> -> memref<128xi32, #tpu.memory_space<vmem>>
    %dma_wait3A_396 = arith.constant 0 : i32
    %dma_wait3A_397 = arith.constant 0 : i32
    %dma_wait3A_398 = tpu.memref_slice %arg2[%dma_wait3A_396, %dma_wait3A_397] : memref<50000x128xf32, #tpu.memory_space<hbm>> -> memref<50000x128xf32, #tpu.memory_space<hbm>>
    tpu.wait_indirect_dma semaphore(%arg17 : memref<!tpu.dma_semaphore, #tpu.memory_space<semaphore_mem>>) src(%dma_wait3A_398 : memref<50000x128xf32, #tpu.memory_space<hbm>>) dst(%arg13 : memref<128x128xf32, #tpu.memory_space<vmem>>)
    %add3A_399 = arith.constant 640 : i32
    %add3A_400 = arith.addi %mul3A_2, %add3A_399 : i32
    %dma_start3A_401 = arith.constant 0 : i32
    %dma_start3A_402 = tpu.memref_slice %arg8[%add3A_400, %dma_start3A_401] : memref<24576x128xf32, #tpu.memory_space<hbm>> -> memref<128x128xf32, #tpu.memory_space<hbm>>
    %dma_start3A_403 = arith.constant 0 : i32
    %dma_start3A_404 = tpu.memref_slice %arg8[%add3A_400, %dma_start3A_403] : memref<24576x128xf32, #tpu.memory_space<hbm>> -> memref<128x128xf32, #tpu.memory_space<hbm>>
    tpu.enqueue_dma source(%arg13 : memref<128x128xf32, #tpu.memory_space<vmem>>) target(%dma_start3A_404 : memref<128x128xf32, #tpu.memory_space<hbm>>) target_semaphore(%arg18 : memref<!tpu.dma_semaphore, #tpu.memory_space<semaphore_mem>>)
    %dma_wait3A_405 = arith.constant 0 : i32
    %dma_wait3A_406 = tpu.memref_slice %arg7[%add3A_311, %dma_wait3A_405] : memref<24576x128xf32, #tpu.memory_space<hbm>> -> memref<128x128xf32, #tpu.memory_space<hbm>>
    %dma_wait3A_407 = arith.constant 0 : i32
    %dma_wait3A_408 = tpu.memref_slice %arg7[%add3A_311, %dma_wait3A_407] : memref<24576x128xf32, #tpu.memory_space<hbm>> -> memref<128x128xf32, #tpu.memory_space<hbm>>
    tpu.wait_dma2 semaphore(%arg18 : memref<!tpu.dma_semaphore, #tpu.memory_space<semaphore_mem>>) src(%arg14 : memref<128x128xf32, #tpu.memory_space<vmem>>) dst(%dma_wait3A_408 : memref<128x128xf32, #tpu.memory_space<hbm>>)
    %dma_wait3A_409 = arith.constant 0 : i32
    %dma_wait3A_410 = tpu.memref_slice %arg8[%add3A_335, %dma_wait3A_409] : memref<24576x128xf32, #tpu.memory_space<hbm>> -> memref<128x128xf32, #tpu.memory_space<hbm>>
    %dma_wait3A_411 = arith.constant 0 : i32
    %dma_wait3A_412 = tpu.memref_slice %arg8[%add3A_335, %dma_wait3A_411] : memref<24576x128xf32, #tpu.memory_space<hbm>> -> memref<128x128xf32, #tpu.memory_space<hbm>>
    tpu.wait_dma2 semaphore(%arg18 : memref<!tpu.dma_semaphore, #tpu.memory_space<semaphore_mem>>) src(%arg15 : memref<128x128xf32, #tpu.memory_space<vmem>>) dst(%dma_wait3A_412 : memref<128x128xf32, #tpu.memory_space<hbm>>)
    %dma_wait3A_413 = arith.constant 0 : i32
    %dma_wait3A_414 = tpu.memref_slice %arg8[%add3A_348, %dma_wait3A_413] : memref<24576x128xf32, #tpu.memory_space<hbm>> -> memref<128x128xf32, #tpu.memory_space<hbm>>
    %dma_wait3A_415 = arith.constant 0 : i32
    %dma_wait3A_416 = tpu.memref_slice %arg8[%add3A_348, %dma_wait3A_415] : memref<24576x128xf32, #tpu.memory_space<hbm>> -> memref<128x128xf32, #tpu.memory_space<hbm>>
    tpu.wait_dma2 semaphore(%arg18 : memref<!tpu.dma_semaphore, #tpu.memory_space<semaphore_mem>>) src(%arg16 : memref<128x128xf32, #tpu.memory_space<vmem>>) dst(%dma_wait3A_416 : memref<128x128xf32, #tpu.memory_space<hbm>>)
    %dma_wait3A_417 = arith.constant 0 : i32
    %dma_wait3A_418 = tpu.memref_slice %arg8[%add3A_361, %dma_wait3A_417] : memref<24576x128xf32, #tpu.memory_space<hbm>> -> memref<128x128xf32, #tpu.memory_space<hbm>>
    %dma_wait3A_419 = arith.constant 0 : i32
    %dma_wait3A_420 = tpu.memref_slice %arg8[%add3A_361, %dma_wait3A_419] : memref<24576x128xf32, #tpu.memory_space<hbm>> -> memref<128x128xf32, #tpu.memory_space<hbm>>
    tpu.wait_dma2 semaphore(%arg18 : memref<!tpu.dma_semaphore, #tpu.memory_space<semaphore_mem>>) src(%arg10 : memref<128x128xf32, #tpu.memory_space<vmem>>) dst(%dma_wait3A_420 : memref<128x128xf32, #tpu.memory_space<hbm>>)
    %dma_wait3A_421 = arith.constant 0 : i32
    %dma_wait3A_422 = tpu.memref_slice %arg8[%add3A_374, %dma_wait3A_421] : memref<24576x128xf32, #tpu.memory_space<hbm>> -> memref<128x128xf32, #tpu.memory_space<hbm>>
    %dma_wait3A_423 = arith.constant 0 : i32
    %dma_wait3A_424 = tpu.memref_slice %arg8[%add3A_374, %dma_wait3A_423] : memref<24576x128xf32, #tpu.memory_space<hbm>> -> memref<128x128xf32, #tpu.memory_space<hbm>>
    tpu.wait_dma2 semaphore(%arg18 : memref<!tpu.dma_semaphore, #tpu.memory_space<semaphore_mem>>) src(%arg11 : memref<128x128xf32, #tpu.memory_space<vmem>>) dst(%dma_wait3A_424 : memref<128x128xf32, #tpu.memory_space<hbm>>)
    %dma_wait3A_425 = arith.constant 0 : i32
    %dma_wait3A_426 = tpu.memref_slice %arg8[%add3A_387, %dma_wait3A_425] : memref<24576x128xf32, #tpu.memory_space<hbm>> -> memref<128x128xf32, #tpu.memory_space<hbm>>
    %dma_wait3A_427 = arith.constant 0 : i32
    %dma_wait3A_428 = tpu.memref_slice %arg8[%add3A_387, %dma_wait3A_427] : memref<24576x128xf32, #tpu.memory_space<hbm>> -> memref<128x128xf32, #tpu.memory_space<hbm>>
    tpu.wait_dma2 semaphore(%arg18 : memref<!tpu.dma_semaphore, #tpu.memory_space<semaphore_mem>>) src(%arg12 : memref<128x128xf32, #tpu.memory_space<vmem>>) dst(%dma_wait3A_428 : memref<128x128xf32, #tpu.memory_space<hbm>>)
    %dma_wait3A_429 = arith.constant 0 : i32
    %dma_wait3A_430 = tpu.memref_slice %arg8[%add3A_400, %dma_wait3A_429] : memref<24576x128xf32, #tpu.memory_space<hbm>> -> memref<128x128xf32, #tpu.memory_space<hbm>>
    %dma_wait3A_431 = arith.constant 0 : i32
    %dma_wait3A_432 = tpu.memref_slice %arg8[%add3A_400, %dma_wait3A_431] : memref<24576x128xf32, #tpu.memory_space<hbm>> -> memref<128x128xf32, #tpu.memory_space<hbm>>
    tpu.wait_dma2 semaphore(%arg18 : memref<!tpu.dma_semaphore, #tpu.memory_space<semaphore_mem>>) src(%arg13 : memref<128x128xf32, #tpu.memory_space<vmem>>) dst(%dma_wait3A_432 : memref<128x128xf32, #tpu.memory_space<hbm>>)
    return
  }
}

module attributes {stable_mosaic.version = 14 : i64} {
  func.func @_mlp_body(%arg0: i32, %arg1: memref<1024x128xf32, #tpu.memory_space<vmem>>, %arg2: memref<1024x128xf32, #tpu.memory_space<vmem>>, %arg3: memref<1024x128xf32, #tpu.memory_space<vmem>>, %arg4: memref<1024x1xf32, #tpu.memory_space<vmem>>, %arg5: memref<1024x1xf32, #tpu.memory_space<vmem>>, %arg6: memref<128x256xbf16, #tpu.memory_space<vmem>>, %arg7: memref<1x256xf32, #tpu.memory_space<vmem>>, %arg8: memref<1x256xf32, #tpu.memory_space<vmem>>, %arg9: memref<256x128xbf16, #tpu.memory_space<vmem>>, %arg10: memref<1x128xf32, #tpu.memory_space<vmem>>, %arg11: memref<128x512xbf16, #tpu.memory_space<vmem>>, %arg12: memref<128x512xbf16, #tpu.memory_space<vmem>>, %arg13: memref<1x512xf32, #tpu.memory_space<vmem>>, %arg14: memref<1x512xf32, #tpu.memory_space<vmem>>, %arg15: memref<512x128xbf16, #tpu.memory_space<vmem>>, %arg16: memref<1x128xf32, #tpu.memory_space<vmem>>, %arg17: memref<128x512xbf16, #tpu.memory_space<vmem>>, %arg18: memref<128x512xbf16, #tpu.memory_space<vmem>>, %arg19: memref<1x512xf32, #tpu.memory_space<vmem>>, %arg20: memref<512x128xbf16, #tpu.memory_space<vmem>>, %arg21: memref<1x128xf32, #tpu.memory_space<vmem>>, %arg22: memref<1024x128xf32, #tpu.memory_space<vmem>>) attributes {dimension_semantics = [#tpu.dimension_semantics<arbitrary>], iteration_bounds = array<i64: 24>, scalar_prefetch = 0 : i64, scratch_operands = 0 : i64, tpu.core_type = #tpu.core_type<tc>, window_params = [{transform_indices = @transform_0, window_bounds = array<i64: 1024, 128>}, {transform_indices = @transform_1, window_bounds = array<i64: 1024, 128>}, {transform_indices = @transform_2, window_bounds = array<i64: 1024, 128>}, {transform_indices = @transform_3, window_bounds = array<i64: 1024, 1>}, {transform_indices = @transform_4, window_bounds = array<i64: 1024, 1>}, {pipeline_mode = #tpu.pipeline_mode<synchronous>, transform_indices = @transform_5, window_bounds = array<i64: 128, 256>}, {pipeline_mode = #tpu.pipeline_mode<synchronous>, transform_indices = @transform_6, window_bounds = array<i64: 1, 256>}, {pipeline_mode = #tpu.pipeline_mode<synchronous>, transform_indices = @transform_7, window_bounds = array<i64: 1, 256>}, {pipeline_mode = #tpu.pipeline_mode<synchronous>, transform_indices = @transform_8, window_bounds = array<i64: 256, 128>}, {pipeline_mode = #tpu.pipeline_mode<synchronous>, transform_indices = @transform_9, window_bounds = array<i64: 1, 128>}, {pipeline_mode = #tpu.pipeline_mode<synchronous>, transform_indices = @transform_10, window_bounds = array<i64: 128, 512>}, {pipeline_mode = #tpu.pipeline_mode<synchronous>, transform_indices = @transform_11, window_bounds = array<i64: 128, 512>}, {pipeline_mode = #tpu.pipeline_mode<synchronous>, transform_indices = @transform_12, window_bounds = array<i64: 1, 512>}, {pipeline_mode = #tpu.pipeline_mode<synchronous>, transform_indices = @transform_13, window_bounds = array<i64: 1, 512>}, {pipeline_mode = #tpu.pipeline_mode<synchronous>, transform_indices = @transform_14, window_bounds = array<i64: 512, 128>}, {pipeline_mode = #tpu.pipeline_mode<synchronous>, transform_indices = @transform_15, window_bounds = array<i64: 1, 128>}, {pipeline_mode = #tpu.pipeline_mode<synchronous>, transform_indices = @transform_16, window_bounds = array<i64: 128, 512>}, {pipeline_mode = #tpu.pipeline_mode<synchronous>, transform_indices = @transform_17, window_bounds = array<i64: 128, 512>}, {pipeline_mode = #tpu.pipeline_mode<synchronous>, transform_indices = @transform_18, window_bounds = array<i64: 1, 512>}, {pipeline_mode = #tpu.pipeline_mode<synchronous>, transform_indices = @transform_19, window_bounds = array<i64: 512, 128>}, {pipeline_mode = #tpu.pipeline_mode<synchronous>, transform_indices = @transform_20, window_bounds = array<i64: 1, 128>}, {transform_indices = @transform_21, window_bounds = array<i64: 1024, 128>}]} {
    %get3A = arith.constant 0 : index
    %get3A_0 = arith.constant 0 : index
    %get3A_1 = vector.load %arg1[%get3A, %get3A_0] : memref<1024x128xf32, #tpu.memory_space<vmem>>, vector<1024x128xf32>
    %convert_element_type3A = arith.truncf %get3A_1 : vector<1024x128xf32> to vector<1024x128xbf16>
    %get3A_2 = arith.constant 0 : index
    %get3A_3 = arith.constant 0 : index
    %get3A_4 = vector.load %arg6[%get3A_2, %get3A_3] : memref<128x256xbf16, #tpu.memory_space<vmem>>, vector<128x256xbf16>
    %dot_general3A = arith.constant dense<0.000000e+00> : vector<1024x256xf32>
    %dot_general3A_5 = tpu.matmul %convert_element_type3A, %get3A_4, %dot_general3A {dimension_numbers = #tpu.dot_dimension_numbers<[1], [0], [0], [1], [0, 0, 1, 1], [], []>, transpose_lhs_hint = false} : vector<1024x128xbf16>, vector<128x256xbf16>, vector<1024x256xf32> -> vector<1024x256xf32>
    %get3A_6 = arith.constant 0 : index
    %get3A_7 = arith.constant 0 : index
    %get3A_8 = vector.load %arg4[%get3A_6, %get3A_7] : memref<1024x1xf32, #tpu.memory_space<vmem>>, vector<1024x1xf32>
    %get3A_9 = arith.constant 0 : index
    %get3A_10 = arith.constant 0 : index
    %get3A_11 = vector.load %arg7[%get3A_9, %get3A_10] : memref<1x256xf32, #tpu.memory_space<vmem>>, vector<1x256xf32>
    %mul3A = vector.broadcast %get3A_8 : vector<1024x1xf32> to vector<1024x256xf32>
    %mul3A_12 = vector.broadcast %get3A_11 : vector<1x256xf32> to vector<1024x256xf32>
    %mul3A_13 = arith.mulf %mul3A, %mul3A_12 : vector<1024x256xf32>
    %add3A = arith.addf %dot_general3A_5, %mul3A_13 : vector<1024x256xf32>
    %get3A_14 = arith.constant 0 : index
    %get3A_15 = arith.constant 0 : index
    %get3A_16 = vector.load %arg8[%get3A_14, %get3A_15] : memref<1x256xf32, #tpu.memory_space<vmem>>, vector<1x256xf32>
    %add3A_17 = vector.broadcast %get3A_16 : vector<1x256xf32> to vector<1024x256xf32>
    %add3A_18 = arith.addf %add3A, %add3A_17 : vector<1024x256xf32>
    %max3A = arith.constant 0.000000e+00 : f32
    %max3A_19 = vector.broadcast %max3A : f32 to vector<1024x256xf32>
    %max3A_20 = arith.maximumf %add3A_18, %max3A_19 : vector<1024x256xf32>
    %convert_element_type3A_21 = arith.truncf %max3A_20 : vector<1024x256xf32> to vector<1024x256xbf16>
    %get3A_22 = arith.constant 0 : index
    %get3A_23 = arith.constant 0 : index
    %get3A_24 = vector.load %arg9[%get3A_22, %get3A_23] : memref<256x128xbf16, #tpu.memory_space<vmem>>, vector<256x128xbf16>
    %dot_general3A_25 = arith.constant dense<0.000000e+00> : vector<1024x128xf32>
    %dot_general3A_26 = tpu.matmul %convert_element_type3A_21, %get3A_24, %dot_general3A_25 {dimension_numbers = #tpu.dot_dimension_numbers<[1], [0], [0], [1], [0, 0, 1, 1], [], []>, transpose_lhs_hint = false} : vector<1024x256xbf16>, vector<256x128xbf16>, vector<1024x128xf32> -> vector<1024x128xf32>
    %get3A_27 = arith.constant 0 : index
    %get3A_28 = arith.constant 0 : index
    %get3A_29 = vector.load %arg10[%get3A_27, %get3A_28] : memref<1x128xf32, #tpu.memory_space<vmem>>, vector<1x128xf32>
    %add3A_30 = vector.broadcast %get3A_29 : vector<1x128xf32> to vector<1024x128xf32>
    %add3A_31 = arith.addf %dot_general3A_26, %add3A_30 : vector<1024x128xf32>
    %convert_element_type3A_32 = arith.truncf %add3A_31 : vector<1024x128xf32> to vector<1024x128xbf16>
    %get3A_33 = arith.constant 0 : index
    %get3A_34 = arith.constant 0 : index
    %get3A_35 = vector.load %arg11[%get3A_33, %get3A_34] : memref<128x512xbf16, #tpu.memory_space<vmem>>, vector<128x512xbf16>
    %dot_general3A_36 = arith.constant dense<0.000000e+00> : vector<1024x512xf32>
    %dot_general3A_37 = tpu.matmul %convert_element_type3A_32, %get3A_35, %dot_general3A_36 {dimension_numbers = #tpu.dot_dimension_numbers<[1], [0], [0], [1], [0, 0, 1, 1], [], []>, transpose_lhs_hint = false} : vector<1024x128xbf16>, vector<128x512xbf16>, vector<1024x512xf32> -> vector<1024x512xf32>
    %get3A_38 = arith.constant 0 : index
    %get3A_39 = arith.constant 0 : index
    %get3A_40 = vector.load %arg2[%get3A_38, %get3A_39] : memref<1024x128xf32, #tpu.memory_space<vmem>>, vector<1024x128xf32>
    %convert_element_type3A_41 = arith.truncf %get3A_40 : vector<1024x128xf32> to vector<1024x128xbf16>
    %get3A_42 = arith.constant 0 : index
    %get3A_43 = arith.constant 0 : index
    %get3A_44 = vector.load %arg12[%get3A_42, %get3A_43] : memref<128x512xbf16, #tpu.memory_space<vmem>>, vector<128x512xbf16>
    %dot_general3A_45 = arith.constant dense<0.000000e+00> : vector<1024x512xf32>
    %dot_general3A_46 = tpu.matmul %convert_element_type3A_41, %get3A_44, %dot_general3A_45 {dimension_numbers = #tpu.dot_dimension_numbers<[1], [0], [0], [1], [0, 0, 1, 1], [], []>, transpose_lhs_hint = false} : vector<1024x128xbf16>, vector<128x512xbf16>, vector<1024x512xf32> -> vector<1024x512xf32>
    %add3A_47 = arith.addf %dot_general3A_37, %dot_general3A_46 : vector<1024x512xf32>
    %get3A_48 = arith.constant 0 : index
    %get3A_49 = arith.constant 0 : index
    %get3A_50 = vector.load %arg5[%get3A_48, %get3A_49] : memref<1024x1xf32, #tpu.memory_space<vmem>>, vector<1024x1xf32>
    %get3A_51 = arith.constant 0 : index
    %get3A_52 = arith.constant 0 : index
    %get3A_53 = vector.load %arg13[%get3A_51, %get3A_52] : memref<1x512xf32, #tpu.memory_space<vmem>>, vector<1x512xf32>
    %mul3A_54 = vector.broadcast %get3A_50 : vector<1024x1xf32> to vector<1024x512xf32>
    %mul3A_55 = vector.broadcast %get3A_53 : vector<1x512xf32> to vector<1024x512xf32>
    %mul3A_56 = arith.mulf %mul3A_54, %mul3A_55 : vector<1024x512xf32>
    %add3A_57 = arith.addf %add3A_47, %mul3A_56 : vector<1024x512xf32>
    %get3A_58 = arith.constant 0 : index
    %get3A_59 = arith.constant 0 : index
    %get3A_60 = vector.load %arg14[%get3A_58, %get3A_59] : memref<1x512xf32, #tpu.memory_space<vmem>>, vector<1x512xf32>
    %add3A_61 = vector.broadcast %get3A_60 : vector<1x512xf32> to vector<1024x512xf32>
    %add3A_62 = arith.addf %add3A_57, %add3A_61 : vector<1024x512xf32>
    %max3A_63 = arith.constant 0.000000e+00 : f32
    %max3A_64 = vector.broadcast %max3A_63 : f32 to vector<1024x512xf32>
    %max3A_65 = arith.maximumf %add3A_62, %max3A_64 : vector<1024x512xf32>
    %convert_element_type3A_66 = arith.truncf %max3A_65 : vector<1024x512xf32> to vector<1024x512xbf16>
    %get3A_67 = arith.constant 0 : index
    %get3A_68 = arith.constant 0 : index
    %get3A_69 = vector.load %arg15[%get3A_67, %get3A_68] : memref<512x128xbf16, #tpu.memory_space<vmem>>, vector<512x128xbf16>
    %dot_general3A_70 = arith.constant dense<0.000000e+00> : vector<1024x128xf32>
    %dot_general3A_71 = tpu.matmul %convert_element_type3A_66, %get3A_69, %dot_general3A_70 {dimension_numbers = #tpu.dot_dimension_numbers<[1], [0], [0], [1], [0, 0, 1, 1], [], []>, transpose_lhs_hint = false} : vector<1024x512xbf16>, vector<512x128xbf16>, vector<1024x128xf32> -> vector<1024x128xf32>
    %get3A_72 = arith.constant 0 : index
    %get3A_73 = arith.constant 0 : index
    %get3A_74 = vector.load %arg16[%get3A_72, %get3A_73] : memref<1x128xf32, #tpu.memory_space<vmem>>, vector<1x128xf32>
    %add3A_75 = vector.broadcast %get3A_74 : vector<1x128xf32> to vector<1024x128xf32>
    %add3A_76 = arith.addf %dot_general3A_71, %add3A_75 : vector<1024x128xf32>
    %convert_element_type3A_77 = arith.truncf %add3A_76 : vector<1024x128xf32> to vector<1024x128xbf16>
    %get3A_78 = arith.constant 0 : index
    %get3A_79 = arith.constant 0 : index
    %get3A_80 = vector.load %arg17[%get3A_78, %get3A_79] : memref<128x512xbf16, #tpu.memory_space<vmem>>, vector<128x512xbf16>
    %dot_general3A_81 = arith.constant dense<0.000000e+00> : vector<1024x512xf32>
    %dot_general3A_82 = tpu.matmul %convert_element_type3A_77, %get3A_80, %dot_general3A_81 {dimension_numbers = #tpu.dot_dimension_numbers<[1], [0], [0], [1], [0, 0, 1, 1], [], []>, transpose_lhs_hint = false} : vector<1024x128xbf16>, vector<128x512xbf16>, vector<1024x512xf32> -> vector<1024x512xf32>
    %get3A_83 = arith.constant 0 : index
    %get3A_84 = arith.constant 0 : index
    %get3A_85 = vector.load %arg3[%get3A_83, %get3A_84] : memref<1024x128xf32, #tpu.memory_space<vmem>>, vector<1024x128xf32>
    %convert_element_type3A_86 = arith.truncf %get3A_85 : vector<1024x128xf32> to vector<1024x128xbf16>
    %get3A_87 = arith.constant 0 : index
    %get3A_88 = arith.constant 0 : index
    %get3A_89 = vector.load %arg18[%get3A_87, %get3A_88] : memref<128x512xbf16, #tpu.memory_space<vmem>>, vector<128x512xbf16>
    %dot_general3A_90 = arith.constant dense<0.000000e+00> : vector<1024x512xf32>
    %dot_general3A_91 = tpu.matmul %convert_element_type3A_86, %get3A_89, %dot_general3A_90 {dimension_numbers = #tpu.dot_dimension_numbers<[1], [0], [0], [1], [0, 0, 1, 1], [], []>, transpose_lhs_hint = false} : vector<1024x128xbf16>, vector<128x512xbf16>, vector<1024x512xf32> -> vector<1024x512xf32>
    %add3A_92 = arith.addf %dot_general3A_82, %dot_general3A_91 : vector<1024x512xf32>
    %get3A_93 = arith.constant 0 : index
    %get3A_94 = arith.constant 0 : index
    %get3A_95 = vector.load %arg19[%get3A_93, %get3A_94] : memref<1x512xf32, #tpu.memory_space<vmem>>, vector<1x512xf32>
    %add3A_96 = vector.broadcast %get3A_95 : vector<1x512xf32> to vector<1024x512xf32>
    %add3A_97 = arith.addf %add3A_92, %add3A_96 : vector<1024x512xf32>
    %max3A_98 = arith.constant 0.000000e+00 : f32
    %max3A_99 = vector.broadcast %max3A_98 : f32 to vector<1024x512xf32>
    %max3A_100 = arith.maximumf %add3A_97, %max3A_99 : vector<1024x512xf32>
    %convert_element_type3A_101 = arith.truncf %max3A_100 : vector<1024x512xf32> to vector<1024x512xbf16>
    %get3A_102 = arith.constant 0 : index
    %get3A_103 = arith.constant 0 : index
    %get3A_104 = vector.load %arg20[%get3A_102, %get3A_103] : memref<512x128xbf16, #tpu.memory_space<vmem>>, vector<512x128xbf16>
    %dot_general3A_105 = arith.constant dense<0.000000e+00> : vector<1024x128xf32>
    %dot_general3A_106 = tpu.matmul %convert_element_type3A_101, %get3A_104, %dot_general3A_105 {dimension_numbers = #tpu.dot_dimension_numbers<[1], [0], [0], [1], [0, 0, 1, 1], [], []>, transpose_lhs_hint = false} : vector<1024x512xbf16>, vector<512x128xbf16>, vector<1024x128xf32> -> vector<1024x128xf32>
    %get3A_107 = arith.constant 0 : index
    %get3A_108 = arith.constant 0 : index
    %get3A_109 = vector.load %arg21[%get3A_107, %get3A_108] : memref<1x128xf32, #tpu.memory_space<vmem>>, vector<1x128xf32>
    %add3A_110 = vector.broadcast %get3A_109 : vector<1x128xf32> to vector<1024x128xf32>
    %add3A_111 = arith.addf %dot_general3A_106, %add3A_110 : vector<1024x128xf32>
    %swap3A = arith.constant 0 : index
    %swap3A_112 = arith.constant 0 : index
    %swap3A_113 = vector.load %arg22[%swap3A, %swap3A_112] : memref<1024x128xf32, #tpu.memory_space<vmem>>, vector<1024x128xf32>
    tpu.vector_store %arg22[%swap3A, %swap3A_112], %add3A_111 {strides = array<i32>} : memref<1024x128xf32, #tpu.memory_space<vmem>>, vector<1024x128xf32>,
    return
  }
  func.func @transform_0(%arg0: i32) -> (i32, i32) {
    %c0_i32 = arith.constant 0 : i32
    %c0_i32_0 = arith.constant 0 : i32
    return %arg0, %c0_i32 : i32, i32
  }
  func.func @transform_1(%arg0: i32) -> (i32, i32) {
    %c0_i32 = arith.constant 0 : i32
    %c0_i32_0 = arith.constant 0 : i32
    return %arg0, %c0_i32 : i32, i32
  }
  func.func @transform_2(%arg0: i32) -> (i32, i32) {
    %c0_i32 = arith.constant 0 : i32
    %c0_i32_0 = arith.constant 0 : i32
    return %arg0, %c0_i32 : i32, i32
  }
  func.func @transform_3(%arg0: i32) -> (i32, i32) {
    %c0_i32 = arith.constant 0 : i32
    %c0_i32_0 = arith.constant 0 : i32
    return %arg0, %c0_i32 : i32, i32
  }
  func.func @transform_4(%arg0: i32) -> (i32, i32) {
    %c0_i32 = arith.constant 0 : i32
    %c0_i32_0 = arith.constant 0 : i32
    return %arg0, %c0_i32 : i32, i32
  }
  func.func @transform_5(%arg0: i32) -> (i32, i32) {
    %c0_i32 = arith.constant 0 : i32
    %c0_i32_0 = arith.constant 0 : i32
    %c0_i32_1 = arith.constant 0 : i32
    return %c0_i32, %c0_i32_0 : i32, i32
  }
  func.func @transform_6(%arg0: i32) -> (i32, i32) {
    %c0_i32 = arith.constant 0 : i32
    %c0_i32_0 = arith.constant 0 : i32
    %c0_i32_1 = arith.constant 0 : i32
    return %c0_i32, %c0_i32_0 : i32, i32
  }
  func.func @transform_7(%arg0: i32) -> (i32, i32) {
    %c0_i32 = arith.constant 0 : i32
    %c0_i32_0 = arith.constant 0 : i32
    %c0_i32_1 = arith.constant 0 : i32
    return %c0_i32, %c0_i32_0 : i32, i32
  }
  func.func @transform_8(%arg0: i32) -> (i32, i32) {
    %c0_i32 = arith.constant 0 : i32
    %c0_i32_0 = arith.constant 0 : i32
    %c0_i32_1 = arith.constant 0 : i32
    return %c0_i32, %c0_i32_0 : i32, i32
  }
  func.func @transform_9(%arg0: i32) -> (i32, i32) {
    %c0_i32 = arith.constant 0 : i32
    %c0_i32_0 = arith.constant 0 : i32
    %c0_i32_1 = arith.constant 0 : i32
    return %c0_i32, %c0_i32_0 : i32, i32
  }
  func.func @transform_10(%arg0: i32) -> (i32, i32) {
    %c0_i32 = arith.constant 0 : i32
    %c0_i32_0 = arith.constant 0 : i32
    %c0_i32_1 = arith.constant 0 : i32
    return %c0_i32, %c0_i32_0 : i32, i32
  }
  func.func @transform_11(%arg0: i32) -> (i32, i32) {
    %c0_i32 = arith.constant 0 : i32
    %c0_i32_0 = arith.constant 0 : i32
    %c0_i32_1 = arith.constant 0 : i32
    return %c0_i32, %c0_i32_0 : i32, i32
  }
  func.func @transform_12(%arg0: i32) -> (i32, i32) {
    %c0_i32 = arith.constant 0 : i32
    %c0_i32_0 = arith.constant 0 : i32
    %c0_i32_1 = arith.constant 0 : i32
    return %c0_i32, %c0_i32_0 : i32, i32
  }
  func.func @transform_13(%arg0: i32) -> (i32, i32) {
    %c0_i32 = arith.constant 0 : i32
    %c0_i32_0 = arith.constant 0 : i32
    %c0_i32_1 = arith.constant 0 : i32
    return %c0_i32, %c0_i32_0 : i32, i32
  }
  func.func @transform_14(%arg0: i32) -> (i32, i32) {
    %c0_i32 = arith.constant 0 : i32
    %c0_i32_0 = arith.constant 0 : i32
    %c0_i32_1 = arith.constant 0 : i32
    return %c0_i32, %c0_i32_0 : i32, i32
  }
  func.func @transform_15(%arg0: i32) -> (i32, i32) {
    %c0_i32 = arith.constant 0 : i32
    %c0_i32_0 = arith.constant 0 : i32
    %c0_i32_1 = arith.constant 0 : i32
    return %c0_i32, %c0_i32_0 : i32, i32
  }
  func.func @transform_16(%arg0: i32) -> (i32, i32) {
    %c0_i32 = arith.constant 0 : i32
    %c0_i32_0 = arith.constant 0 : i32
    %c0_i32_1 = arith.constant 0 : i32
    return %c0_i32, %c0_i32_0 : i32, i32
  }
  func.func @transform_17(%arg0: i32) -> (i32, i32) {
    %c0_i32 = arith.constant 0 : i32
    %c0_i32_0 = arith.constant 0 : i32
    %c0_i32_1 = arith.constant 0 : i32
    return %c0_i32, %c0_i32_0 : i32, i32
  }
  func.func @transform_18(%arg0: i32) -> (i32, i32) {
    %c0_i32 = arith.constant 0 : i32
    %c0_i32_0 = arith.constant 0 : i32
    %c0_i32_1 = arith.constant 0 : i32
    return %c0_i32, %c0_i32_0 : i32, i32
  }
  func.func @transform_19(%arg0: i32) -> (i32, i32) {
    %c0_i32 = arith.constant 0 : i32
    %c0_i32_0 = arith.constant 0 : i32
    %c0_i32_1 = arith.constant 0 : i32
    return %c0_i32, %c0_i32_0 : i32, i32
  }
  func.func @transform_20(%arg0: i32) -> (i32, i32) {
    %c0_i32 = arith.constant 0 : i32
    %c0_i32_0 = arith.constant 0 : i32
    %c0_i32_1 = arith.constant 0 : i32
    return %c0_i32, %c0_i32_0 : i32, i32
  }
  func.func @transform_21(%arg0: i32) -> (i32, i32) {
    %add3A = arith.constant 0 : i32
    %add3A_0 = arith.addi %arg0, %add3A : i32
    %c0_i32 = arith.constant 0 : i32
    %c0_i32_1 = arith.constant 0 : i32
    return %add3A_0, %c0_i32 : i32, i32
  }
}

module attributes {stable_mosaic.version = 14 : i64} {
  func.func @_lambda_(%arg0: i32, %arg1: memref<53248x128xf32, #tpu.memory_space<any>>, %arg2: memref<1024x128xf32, #tpu.memory_space<vmem>>, %arg3: memref<1024x128xf32, #tpu.memory_space<vmem>>, %arg4: memref<1024x128xf32, #tpu.memory_space<vmem>>, %arg5: memref<1024x1xf32, #tpu.memory_space<vmem>>, %arg6: memref<1024x1xf32, #tpu.memory_space<vmem>>, %arg7: memref<128x256xbf16, #tpu.memory_space<vmem>>, %arg8: memref<1x256xf32, #tpu.memory_space<vmem>>, %arg9: memref<1x256xf32, #tpu.memory_space<vmem>>, %arg10: memref<256x128xbf16, #tpu.memory_space<vmem>>, %arg11: memref<1x128xf32, #tpu.memory_space<vmem>>, %arg12: memref<128x512xbf16, #tpu.memory_space<vmem>>, %arg13: memref<128x512xbf16, #tpu.memory_space<vmem>>, %arg14: memref<1x512xf32, #tpu.memory_space<vmem>>, %arg15: memref<1x512xf32, #tpu.memory_space<vmem>>, %arg16: memref<512x128xbf16, #tpu.memory_space<vmem>>, %arg17: memref<1x128xf32, #tpu.memory_space<vmem>>, %arg18: memref<128x512xbf16, #tpu.memory_space<vmem>>, %arg19: memref<128x512xbf16, #tpu.memory_space<vmem>>, %arg20: memref<1x512xf32, #tpu.memory_space<vmem>>, %arg21: memref<512x128xbf16, #tpu.memory_space<vmem>>, %arg22: memref<1x128xf32, #tpu.memory_space<vmem>>, %arg23: memref<1024x128xf32, #tpu.memory_space<vmem>>) attributes {dimension_semantics = [#tpu.dimension_semantics<arbitrary>], iteration_bounds = array<i64: 16>, scalar_prefetch = 0 : i64, scratch_operands = 0 : i64, tpu.core_type = #tpu.core_type<tc>, window_params = [{}, {transform_indices = @transform_1, window_bounds = array<i64: 1024, 128>}, {transform_indices = @transform_2, window_bounds = array<i64: 1024, 128>}, {transform_indices = @transform_3, window_bounds = array<i64: 1024, 128>}, {transform_indices = @transform_4, window_bounds = array<i64: 1024, 1>}, {transform_indices = @transform_5, window_bounds = array<i64: 1024, 1>}, {pipeline_mode = #tpu.pipeline_mode<synchronous>, transform_indices = @transform_6, window_bounds = array<i64: 128, 256>}, {pipeline_mode = #tpu.pipeline_mode<synchronous>, transform_indices = @transform_7, window_bounds = array<i64: 1, 256>}, {pipeline_mode = #tpu.pipeline_mode<synchronous>, transform_indices = @transform_8, window_bounds = array<i64: 1, 256>}, {pipeline_mode = #tpu.pipeline_mode<synchronous>, transform_indices = @transform_9, window_bounds = array<i64: 256, 128>}, {pipeline_mode = #tpu.pipeline_mode<synchronous>, transform_indices = @transform_10, window_bounds = array<i64: 1, 128>}, {pipeline_mode = #tpu.pipeline_mode<synchronous>, transform_indices = @transform_11, window_bounds = array<i64: 128, 512>}, {pipeline_mode = #tpu.pipeline_mode<synchronous>, transform_indices = @transform_12, window_bounds = array<i64: 128, 512>}, {pipeline_mode = #tpu.pipeline_mode<synchronous>, transform_indices = @transform_13, window_bounds = array<i64: 1, 512>}, {pipeline_mode = #tpu.pipeline_mode<synchronous>, transform_indices = @transform_14, window_bounds = array<i64: 1, 512>}, {pipeline_mode = #tpu.pipeline_mode<synchronous>, transform_indices = @transform_15, window_bounds = array<i64: 512, 128>}, {pipeline_mode = #tpu.pipeline_mode<synchronous>, transform_indices = @transform_16, window_bounds = array<i64: 1, 128>}, {pipeline_mode = #tpu.pipeline_mode<synchronous>, transform_indices = @transform_17, window_bounds = array<i64: 128, 512>}, {pipeline_mode = #tpu.pipeline_mode<synchronous>, transform_indices = @transform_18, window_bounds = array<i64: 128, 512>}, {pipeline_mode = #tpu.pipeline_mode<synchronous>, transform_indices = @transform_19, window_bounds = array<i64: 1, 512>}, {pipeline_mode = #tpu.pipeline_mode<synchronous>, transform_indices = @transform_20, window_bounds = array<i64: 512, 128>}, {pipeline_mode = #tpu.pipeline_mode<synchronous>, transform_indices = @transform_21, window_bounds = array<i64: 1, 128>}, {transform_indices = @transform_22, window_bounds = array<i64: 1024, 128>}]} {
    %get3A = arith.constant 0 : index
    %get3A_0 = arith.constant 0 : index
    %get3A_1 = vector.load %arg2[%get3A, %get3A_0] : memref<1024x128xf32, #tpu.memory_space<vmem>>, vector<1024x128xf32>
    %convert_element_type3A = arith.truncf %get3A_1 : vector<1024x128xf32> to vector<1024x128xbf16>
    %get3A_2 = arith.constant 0 : index
    %get3A_3 = arith.constant 0 : index
    %get3A_4 = vector.load %arg7[%get3A_2, %get3A_3] : memref<128x256xbf16, #tpu.memory_space<vmem>>, vector<128x256xbf16>
    %dot_general3A = arith.constant dense<0.000000e+00> : vector<1024x256xf32>
    %dot_general3A_5 = tpu.matmul %convert_element_type3A, %get3A_4, %dot_general3A {dimension_numbers = #tpu.dot_dimension_numbers<[1], [0], [0], [1], [0, 0, 1, 1], [], []>, transpose_lhs_hint = false} : vector<1024x128xbf16>, vector<128x256xbf16>, vector<1024x256xf32> -> vector<1024x256xf32>
    %get3A_6 = arith.constant 0 : index
    %get3A_7 = arith.constant 0 : index
    %get3A_8 = vector.load %arg5[%get3A_6, %get3A_7] : memref<1024x1xf32, #tpu.memory_space<vmem>>, vector<1024x1xf32>
    %get3A_9 = arith.constant 0 : index
    %get3A_10 = arith.constant 0 : index
    %get3A_11 = vector.load %arg8[%get3A_9, %get3A_10] : memref<1x256xf32, #tpu.memory_space<vmem>>, vector<1x256xf32>
    %mul3A = vector.broadcast %get3A_8 : vector<1024x1xf32> to vector<1024x256xf32>
    %mul3A_12 = vector.broadcast %get3A_11 : vector<1x256xf32> to vector<1024x256xf32>
    %mul3A_13 = arith.mulf %mul3A, %mul3A_12 : vector<1024x256xf32>
    %add3A = arith.addf %dot_general3A_5, %mul3A_13 : vector<1024x256xf32>
    %get3A_14 = arith.constant 0 : index
    %get3A_15 = arith.constant 0 : index
    %get3A_16 = vector.load %arg9[%get3A_14, %get3A_15] : memref<1x256xf32, #tpu.memory_space<vmem>>, vector<1x256xf32>
    %add3A_17 = vector.broadcast %get3A_16 : vector<1x256xf32> to vector<1024x256xf32>
    %add3A_18 = arith.addf %add3A, %add3A_17 : vector<1024x256xf32>
    %max3A = arith.constant 0.000000e+00 : f32
    %max3A_19 = vector.broadcast %max3A : f32 to vector<1024x256xf32>
    %max3A_20 = arith.maximumf %add3A_18, %max3A_19 : vector<1024x256xf32>
    %convert_element_type3A_21 = arith.truncf %max3A_20 : vector<1024x256xf32> to vector<1024x256xbf16>
    %get3A_22 = arith.constant 0 : index
    %get3A_23 = arith.constant 0 : index
    %get3A_24 = vector.load %arg10[%get3A_22, %get3A_23] : memref<256x128xbf16, #tpu.memory_space<vmem>>, vector<256x128xbf16>
    %dot_general3A_25 = arith.constant dense<0.000000e+00> : vector<1024x128xf32>
    %dot_general3A_26 = tpu.matmul %convert_element_type3A_21, %get3A_24, %dot_general3A_25 {dimension_numbers = #tpu.dot_dimension_numbers<[1], [0], [0], [1], [0, 0, 1, 1], [], []>, transpose_lhs_hint = false} : vector<1024x256xbf16>, vector<256x128xbf16>, vector<1024x128xf32> -> vector<1024x128xf32>
    %get3A_27 = arith.constant 0 : index
    %get3A_28 = arith.constant 0 : index
    %get3A_29 = vector.load %arg11[%get3A_27, %get3A_28] : memref<1x128xf32, #tpu.memory_space<vmem>>, vector<1x128xf32>
    %add3A_30 = vector.broadcast %get3A_29 : vector<1x128xf32> to vector<1024x128xf32>
    %add3A_31 = arith.addf %dot_general3A_26, %add3A_30 : vector<1024x128xf32>
    %convert_element_type3A_32 = arith.truncf %add3A_31 : vector<1024x128xf32> to vector<1024x128xbf16>
    %get3A_33 = arith.constant 0 : index
    %get3A_34 = arith.constant 0 : index
    %get3A_35 = vector.load %arg12[%get3A_33, %get3A_34] : memref<128x512xbf16, #tpu.memory_space<vmem>>, vector<128x512xbf16>
    %dot_general3A_36 = arith.constant dense<0.000000e+00> : vector<1024x512xf32>
    %dot_general3A_37 = tpu.matmul %convert_element_type3A_32, %get3A_35, %dot_general3A_36 {dimension_numbers = #tpu.dot_dimension_numbers<[1], [0], [0], [1], [0, 0, 1, 1], [], []>, transpose_lhs_hint = false} : vector<1024x128xbf16>, vector<128x512xbf16>, vector<1024x512xf32> -> vector<1024x512xf32>
    %get3A_38 = arith.constant 0 : index
    %get3A_39 = arith.constant 0 : index
    %get3A_40 = vector.load %arg3[%get3A_38, %get3A_39] : memref<1024x128xf32, #tpu.memory_space<vmem>>, vector<1024x128xf32>
    %convert_element_type3A_41 = arith.truncf %get3A_40 : vector<1024x128xf32> to vector<1024x128xbf16>
    %get3A_42 = arith.constant 0 : index
    %get3A_43 = arith.constant 0 : index
    %get3A_44 = vector.load %arg13[%get3A_42, %get3A_43] : memref<128x512xbf16, #tpu.memory_space<vmem>>, vector<128x512xbf16>
    %dot_general3A_45 = arith.constant dense<0.000000e+00> : vector<1024x512xf32>
    %dot_general3A_46 = tpu.matmul %convert_element_type3A_41, %get3A_44, %dot_general3A_45 {dimension_numbers = #tpu.dot_dimension_numbers<[1], [0], [0], [1], [0, 0, 1, 1], [], []>, transpose_lhs_hint = false} : vector<1024x128xbf16>, vector<128x512xbf16>, vector<1024x512xf32> -> vector<1024x512xf32>
    %add3A_47 = arith.addf %dot_general3A_37, %dot_general3A_46 : vector<1024x512xf32>
    %get3A_48 = arith.constant 0 : index
    %get3A_49 = arith.constant 0 : index
    %get3A_50 = vector.load %arg6[%get3A_48, %get3A_49] : memref<1024x1xf32, #tpu.memory_space<vmem>>, vector<1024x1xf32>
    %get3A_51 = arith.constant 0 : index
    %get3A_52 = arith.constant 0 : index
    %get3A_53 = vector.load %arg14[%get3A_51, %get3A_52] : memref<1x512xf32, #tpu.memory_space<vmem>>, vector<1x512xf32>
    %mul3A_54 = vector.broadcast %get3A_50 : vector<1024x1xf32> to vector<1024x512xf32>
    %mul3A_55 = vector.broadcast %get3A_53 : vector<1x512xf32> to vector<1024x512xf32>
    %mul3A_56 = arith.mulf %mul3A_54, %mul3A_55 : vector<1024x512xf32>
    %add3A_57 = arith.addf %add3A_47, %mul3A_56 : vector<1024x512xf32>
    %get3A_58 = arith.constant 0 : index
    %get3A_59 = arith.constant 0 : index
    %get3A_60 = vector.load %arg15[%get3A_58, %get3A_59] : memref<1x512xf32, #tpu.memory_space<vmem>>, vector<1x512xf32>
    %add3A_61 = vector.broadcast %get3A_60 : vector<1x512xf32> to vector<1024x512xf32>
    %add3A_62 = arith.addf %add3A_57, %add3A_61 : vector<1024x512xf32>
    %max3A_63 = arith.constant 0.000000e+00 : f32
    %max3A_64 = vector.broadcast %max3A_63 : f32 to vector<1024x512xf32>
    %max3A_65 = arith.maximumf %add3A_62, %max3A_64 : vector<1024x512xf32>
    %convert_element_type3A_66 = arith.truncf %max3A_65 : vector<1024x512xf32> to vector<1024x512xbf16>
    %get3A_67 = arith.constant 0 : index
    %get3A_68 = arith.constant 0 : index
    %get3A_69 = vector.load %arg16[%get3A_67, %get3A_68] : memref<512x128xbf16, #tpu.memory_space<vmem>>, vector<512x128xbf16>
    %dot_general3A_70 = arith.constant dense<0.000000e+00> : vector<1024x128xf32>
    %dot_general3A_71 = tpu.matmul %convert_element_type3A_66, %get3A_69, %dot_general3A_70 {dimension_numbers = #tpu.dot_dimension_numbers<[1], [0], [0], [1], [0, 0, 1, 1], [], []>, transpose_lhs_hint = false} : vector<1024x512xbf16>, vector<512x128xbf16>, vector<1024x128xf32> -> vector<1024x128xf32>
    %get3A_72 = arith.constant 0 : index
    %get3A_73 = arith.constant 0 : index
    %get3A_74 = vector.load %arg17[%get3A_72, %get3A_73] : memref<1x128xf32, #tpu.memory_space<vmem>>, vector<1x128xf32>
    %add3A_75 = vector.broadcast %get3A_74 : vector<1x128xf32> to vector<1024x128xf32>
    %add3A_76 = arith.addf %dot_general3A_71, %add3A_75 : vector<1024x128xf32>
    %convert_element_type3A_77 = arith.truncf %add3A_76 : vector<1024x128xf32> to vector<1024x128xbf16>
    %get3A_78 = arith.constant 0 : index
    %get3A_79 = arith.constant 0 : index
    %get3A_80 = vector.load %arg18[%get3A_78, %get3A_79] : memref<128x512xbf16, #tpu.memory_space<vmem>>, vector<128x512xbf16>
    %dot_general3A_81 = arith.constant dense<0.000000e+00> : vector<1024x512xf32>
    %dot_general3A_82 = tpu.matmul %convert_element_type3A_77, %get3A_80, %dot_general3A_81 {dimension_numbers = #tpu.dot_dimension_numbers<[1], [0], [0], [1], [0, 0, 1, 1], [], []>, transpose_lhs_hint = false} : vector<1024x128xbf16>, vector<128x512xbf16>, vector<1024x512xf32> -> vector<1024x512xf32>
    %get3A_83 = arith.constant 0 : index
    %get3A_84 = arith.constant 0 : index
    %get3A_85 = vector.load %arg4[%get3A_83, %get3A_84] : memref<1024x128xf32, #tpu.memory_space<vmem>>, vector<1024x128xf32>
    %convert_element_type3A_86 = arith.truncf %get3A_85 : vector<1024x128xf32> to vector<1024x128xbf16>
    %get3A_87 = arith.constant 0 : index
    %get3A_88 = arith.constant 0 : index
    %get3A_89 = vector.load %arg19[%get3A_87, %get3A_88] : memref<128x512xbf16, #tpu.memory_space<vmem>>, vector<128x512xbf16>
    %dot_general3A_90 = arith.constant dense<0.000000e+00> : vector<1024x512xf32>
    %dot_general3A_91 = tpu.matmul %convert_element_type3A_86, %get3A_89, %dot_general3A_90 {dimension_numbers = #tpu.dot_dimension_numbers<[1], [0], [0], [1], [0, 0, 1, 1], [], []>, transpose_lhs_hint = false} : vector<1024x128xbf16>, vector<128x512xbf16>, vector<1024x512xf32> -> vector<1024x512xf32>
    %add3A_92 = arith.addf %dot_general3A_82, %dot_general3A_91 : vector<1024x512xf32>
    %get3A_93 = arith.constant 0 : index
    %get3A_94 = arith.constant 0 : index
    %get3A_95 = vector.load %arg20[%get3A_93, %get3A_94] : memref<1x512xf32, #tpu.memory_space<vmem>>, vector<1x512xf32>
    %add3A_96 = vector.broadcast %get3A_95 : vector<1x512xf32> to vector<1024x512xf32>
    %add3A_97 = arith.addf %add3A_92, %add3A_96 : vector<1024x512xf32>
    %max3A_98 = arith.constant 0.000000e+00 : f32
    %max3A_99 = vector.broadcast %max3A_98 : f32 to vector<1024x512xf32>
    %max3A_100 = arith.maximumf %add3A_97, %max3A_99 : vector<1024x512xf32>
    %convert_element_type3A_101 = arith.truncf %max3A_100 : vector<1024x512xf32> to vector<1024x512xbf16>
    %get3A_102 = arith.constant 0 : index
    %get3A_103 = arith.constant 0 : index
    %get3A_104 = vector.load %arg21[%get3A_102, %get3A_103] : memref<512x128xbf16, #tpu.memory_space<vmem>>, vector<512x128xbf16>
    %dot_general3A_105 = arith.constant dense<0.000000e+00> : vector<1024x128xf32>
    %dot_general3A_106 = tpu.matmul %convert_element_type3A_101, %get3A_104, %dot_general3A_105 {dimension_numbers = #tpu.dot_dimension_numbers<[1], [0], [0], [1], [0, 0, 1, 1], [], []>, transpose_lhs_hint = false} : vector<1024x512xbf16>, vector<512x128xbf16>, vector<1024x128xf32> -> vector<1024x128xf32>
    %get3A_107 = arith.constant 0 : index
    %get3A_108 = arith.constant 0 : index
    %get3A_109 = vector.load %arg22[%get3A_107, %get3A_108] : memref<1x128xf32, #tpu.memory_space<vmem>>, vector<1x128xf32>
    %add3A_110 = vector.broadcast %get3A_109 : vector<1x128xf32> to vector<1024x128xf32>
    %add3A_111 = arith.addf %dot_general3A_106, %add3A_110 : vector<1024x128xf32>
    %swap3A = arith.constant 0 : index
    %swap3A_112 = arith.constant 0 : index
    %swap3A_113 = vector.load %arg23[%swap3A, %swap3A_112] : memref<1024x128xf32, #tpu.memory_space<vmem>>, vector<1024x128xf32>
    tpu.vector_store %arg23[%swap3A, %swap3A_112], %add3A_111 {strides = array<i32>} : memref<1024x128xf32, #tpu.memory_space<vmem>>, vector<1024x128xf32>,
    return
  }
  func.func @transform_1(%arg0: i32) -> (i32, i32) {
    %c0_i32 = arith.constant 0 : i32
    %c0_i32_0 = arith.constant 0 : i32
    return %arg0, %c0_i32 : i32, i32
  }
  func.func @transform_2(%arg0: i32) -> (i32, i32) {
    %c0_i32 = arith.constant 0 : i32
    %c0_i32_0 = arith.constant 0 : i32
    return %arg0, %c0_i32 : i32, i32
  }
  func.func @transform_3(%arg0: i32) -> (i32, i32) {
    %c0_i32 = arith.constant 0 : i32
    %c0_i32_0 = arith.constant 0 : i32
    return %arg0, %c0_i32 : i32, i32
  }
  func.func @transform_4(%arg0: i32) -> (i32, i32) {
    %c0_i32 = arith.constant 0 : i32
    %c0_i32_0 = arith.constant 0 : i32
    return %arg0, %c0_i32 : i32, i32
  }
  func.func @transform_5(%arg0: i32) -> (i32, i32) {
    %c0_i32 = arith.constant 0 : i32
    %c0_i32_0 = arith.constant 0 : i32
    return %arg0, %c0_i32 : i32, i32
  }
  func.func @transform_6(%arg0: i32) -> (i32, i32) {
    %c0_i32 = arith.constant 0 : i32
    %c0_i32_0 = arith.constant 0 : i32
    %c0_i32_1 = arith.constant 0 : i32
    return %c0_i32, %c0_i32_0 : i32, i32
  }
  func.func @transform_7(%arg0: i32) -> (i32, i32) {
    %c0_i32 = arith.constant 0 : i32
    %c0_i32_0 = arith.constant 0 : i32
    %c0_i32_1 = arith.constant 0 : i32
    return %c0_i32, %c0_i32_0 : i32, i32
  }
  func.func @transform_8(%arg0: i32) -> (i32, i32) {
    %c0_i32 = arith.constant 0 : i32
    %c0_i32_0 = arith.constant 0 : i32
    %c0_i32_1 = arith.constant 0 : i32
    return %c0_i32, %c0_i32_0 : i32, i32
  }
  func.func @transform_9(%arg0: i32) -> (i32, i32) {
    %c0_i32 = arith.constant 0 : i32
    %c0_i32_0 = arith.constant 0 : i32
    %c0_i32_1 = arith.constant 0 : i32
    return %c0_i32, %c0_i32_0 : i32, i32
  }
  func.func @transform_10(%arg0: i32) -> (i32, i32) {
    %c0_i32 = arith.constant 0 : i32
    %c0_i32_0 = arith.constant 0 : i32
    %c0_i32_1 = arith.constant 0 : i32
    return %c0_i32, %c0_i32_0 : i32, i32
  }
  func.func @transform_11(%arg0: i32) -> (i32, i32) {
    %c0_i32 = arith.constant 0 : i32
    %c0_i32_0 = arith.constant 0 : i32
    %c0_i32_1 = arith.constant 0 : i32
    return %c0_i32, %c0_i32_0 : i32, i32
  }
  func.func @transform_12(%arg0: i32) -> (i32, i32) {
    %c0_i32 = arith.constant 0 : i32
    %c0_i32_0 = arith.constant 0 : i32
    %c0_i32_1 = arith.constant 0 : i32
    return %c0_i32, %c0_i32_0 : i32, i32
  }
  func.func @transform_13(%arg0: i32) -> (i32, i32) {
    %c0_i32 = arith.constant 0 : i32
    %c0_i32_0 = arith.constant 0 : i32
    %c0_i32_1 = arith.constant 0 : i32
    return %c0_i32, %c0_i32_0 : i32, i32
  }
  func.func @transform_14(%arg0: i32) -> (i32, i32) {
    %c0_i32 = arith.constant 0 : i32
    %c0_i32_0 = arith.constant 0 : i32
    %c0_i32_1 = arith.constant 0 : i32
    return %c0_i32, %c0_i32_0 : i32, i32
  }
  func.func @transform_15(%arg0: i32) -> (i32, i32) {
    %c0_i32 = arith.constant 0 : i32
    %c0_i32_0 = arith.constant 0 : i32
    %c0_i32_1 = arith.constant 0 : i32
    return %c0_i32, %c0_i32_0 : i32, i32
  }
  func.func @transform_16(%arg0: i32) -> (i32, i32) {
    %c0_i32 = arith.constant 0 : i32
    %c0_i32_0 = arith.constant 0 : i32
    %c0_i32_1 = arith.constant 0 : i32
    return %c0_i32, %c0_i32_0 : i32, i32
  }
  func.func @transform_17(%arg0: i32) -> (i32, i32) {
    %c0_i32 = arith.constant 0 : i32
    %c0_i32_0 = arith.constant 0 : i32
    %c0_i32_1 = arith.constant 0 : i32
    return %c0_i32, %c0_i32_0 : i32, i32
  }
  func.func @transform_18(%arg0: i32) -> (i32, i32) {
    %c0_i32 = arith.constant 0 : i32
    %c0_i32_0 = arith.constant 0 : i32
    %c0_i32_1 = arith.constant 0 : i32
    return %c0_i32, %c0_i32_0 : i32, i32
  }
  func.func @transform_19(%arg0: i32) -> (i32, i32) {
    %c0_i32 = arith.constant 0 : i32
    %c0_i32_0 = arith.constant 0 : i32
    %c0_i32_1 = arith.constant 0 : i32
    return %c0_i32, %c0_i32_0 : i32, i32
  }
  func.func @transform_20(%arg0: i32) -> (i32, i32) {
    %c0_i32 = arith.constant 0 : i32
    %c0_i32_0 = arith.constant 0 : i32
    %c0_i32_1 = arith.constant 0 : i32
    return %c0_i32, %c0_i32_0 : i32, i32
  }
  func.func @transform_21(%arg0: i32) -> (i32, i32) {
    %c0_i32 = arith.constant 0 : i32
    %c0_i32_0 = arith.constant 0 : i32
    %c0_i32_1 = arith.constant 0 : i32
    return %c0_i32, %c0_i32_0 : i32, i32
  }
  func.func @transform_22(%arg0: i32) -> (i32, i32) {
    %add3A = arith.constant 24 : i32
    %add3A_0 = arith.addi %arg0, %add3A : i32
    %c0_i32 = arith.constant 0 : i32
    %c0_i32_1 = arith.constant 0 : i32
    return %add3A_0, %c0_i32 : i32, i32
  }
}

module attributes {stable_mosaic.version = 14 : i64} {
  func.func @_lambda_(%arg0: i32, %arg1: memref<53248x128xf32, #tpu.memory_space<any>>, %arg2: memref<1024x128xf32, #tpu.memory_space<vmem>>, %arg3: memref<1024x128xf32, #tpu.memory_space<vmem>>, %arg4: memref<1024x128xf32, #tpu.memory_space<vmem>>, %arg5: memref<1024x1xf32, #tpu.memory_space<vmem>>, %arg6: memref<1024x1xf32, #tpu.memory_space<vmem>>, %arg7: memref<128x256xbf16, #tpu.memory_space<vmem>>, %arg8: memref<1x256xf32, #tpu.memory_space<vmem>>, %arg9: memref<1x256xf32, #tpu.memory_space<vmem>>, %arg10: memref<256x128xbf16, #tpu.memory_space<vmem>>, %arg11: memref<1x128xf32, #tpu.memory_space<vmem>>, %arg12: memref<128x512xbf16, #tpu.memory_space<vmem>>, %arg13: memref<128x512xbf16, #tpu.memory_space<vmem>>, %arg14: memref<1x512xf32, #tpu.memory_space<vmem>>, %arg15: memref<1x512xf32, #tpu.memory_space<vmem>>, %arg16: memref<512x128xbf16, #tpu.memory_space<vmem>>, %arg17: memref<1x128xf32, #tpu.memory_space<vmem>>, %arg18: memref<128x512xbf16, #tpu.memory_space<vmem>>, %arg19: memref<128x512xbf16, #tpu.memory_space<vmem>>, %arg20: memref<1x512xf32, #tpu.memory_space<vmem>>, %arg21: memref<512x128xbf16, #tpu.memory_space<vmem>>, %arg22: memref<1x128xf32, #tpu.memory_space<vmem>>, %arg23: memref<1024x128xf32, #tpu.memory_space<vmem>>) attributes {dimension_semantics = [#tpu.dimension_semantics<arbitrary>], iteration_bounds = array<i64: 12>, scalar_prefetch = 0 : i64, scratch_operands = 0 : i64, tpu.core_type = #tpu.core_type<tc>, window_params = [{}, {transform_indices = @transform_1, window_bounds = array<i64: 1024, 128>}, {transform_indices = @transform_2, window_bounds = array<i64: 1024, 128>}, {transform_indices = @transform_3, window_bounds = array<i64: 1024, 128>}, {transform_indices = @transform_4, window_bounds = array<i64: 1024, 1>}, {transform_indices = @transform_5, window_bounds = array<i64: 1024, 1>}, {pipeline_mode = #tpu.pipeline_mode<synchronous>, transform_indices = @transform_6, window_bounds = array<i64: 128, 256>}, {pipeline_mode = #tpu.pipeline_mode<synchronous>, transform_indices = @transform_7, window_bounds = array<i64: 1, 256>}, {pipeline_mode = #tpu.pipeline_mode<synchronous>, transform_indices = @transform_8, window_bounds = array<i64: 1, 256>}, {pipeline_mode = #tpu.pipeline_mode<synchronous>, transform_indices = @transform_9, window_bounds = array<i64: 256, 128>}, {pipeline_mode = #tpu.pipeline_mode<synchronous>, transform_indices = @transform_10, window_bounds = array<i64: 1, 128>}, {pipeline_mode = #tpu.pipeline_mode<synchronous>, transform_indices = @transform_11, window_bounds = array<i64: 128, 512>}, {pipeline_mode = #tpu.pipeline_mode<synchronous>, transform_indices = @transform_12, window_bounds = array<i64: 128, 512>}, {pipeline_mode = #tpu.pipeline_mode<synchronous>, transform_indices = @transform_13, window_bounds = array<i64: 1, 512>}, {pipeline_mode = #tpu.pipeline_mode<synchronous>, transform_indices = @transform_14, window_bounds = array<i64: 1, 512>}, {pipeline_mode = #tpu.pipeline_mode<synchronous>, transform_indices = @transform_15, window_bounds = array<i64: 512, 128>}, {pipeline_mode = #tpu.pipeline_mode<synchronous>, transform_indices = @transform_16, window_bounds = array<i64: 1, 128>}, {pipeline_mode = #tpu.pipeline_mode<synchronous>, transform_indices = @transform_17, window_bounds = array<i64: 128, 512>}, {pipeline_mode = #tpu.pipeline_mode<synchronous>, transform_indices = @transform_18, window_bounds = array<i64: 128, 512>}, {pipeline_mode = #tpu.pipeline_mode<synchronous>, transform_indices = @transform_19, window_bounds = array<i64: 1, 512>}, {pipeline_mode = #tpu.pipeline_mode<synchronous>, transform_indices = @transform_20, window_bounds = array<i64: 512, 128>}, {pipeline_mode = #tpu.pipeline_mode<synchronous>, transform_indices = @transform_21, window_bounds = array<i64: 1, 128>}, {transform_indices = @transform_22, window_bounds = array<i64: 1024, 128>}]} {
    %get3A = arith.constant 0 : index
    %get3A_0 = arith.constant 0 : index
    %get3A_1 = vector.load %arg2[%get3A, %get3A_0] : memref<1024x128xf32, #tpu.memory_space<vmem>>, vector<1024x128xf32>
    %convert_element_type3A = arith.truncf %get3A_1 : vector<1024x128xf32> to vector<1024x128xbf16>
    %get3A_2 = arith.constant 0 : index
    %get3A_3 = arith.constant 0 : index
    %get3A_4 = vector.load %arg7[%get3A_2, %get3A_3] : memref<128x256xbf16, #tpu.memory_space<vmem>>, vector<128x256xbf16>
    %dot_general3A = arith.constant dense<0.000000e+00> : vector<1024x256xf32>
    %dot_general3A_5 = tpu.matmul %convert_element_type3A, %get3A_4, %dot_general3A {dimension_numbers = #tpu.dot_dimension_numbers<[1], [0], [0], [1], [0, 0, 1, 1], [], []>, transpose_lhs_hint = false} : vector<1024x128xbf16>, vector<128x256xbf16>, vector<1024x256xf32> -> vector<1024x256xf32>
    %get3A_6 = arith.constant 0 : index
    %get3A_7 = arith.constant 0 : index
    %get3A_8 = vector.load %arg5[%get3A_6, %get3A_7] : memref<1024x1xf32, #tpu.memory_space<vmem>>, vector<1024x1xf32>
    %get3A_9 = arith.constant 0 : index
    %get3A_10 = arith.constant 0 : index
    %get3A_11 = vector.load %arg8[%get3A_9, %get3A_10] : memref<1x256xf32, #tpu.memory_space<vmem>>, vector<1x256xf32>
    %mul3A = vector.broadcast %get3A_8 : vector<1024x1xf32> to vector<1024x256xf32>
    %mul3A_12 = vector.broadcast %get3A_11 : vector<1x256xf32> to vector<1024x256xf32>
    %mul3A_13 = arith.mulf %mul3A, %mul3A_12 : vector<1024x256xf32>
    %add3A = arith.addf %dot_general3A_5, %mul3A_13 : vector<1024x256xf32>
    %get3A_14 = arith.constant 0 : index
    %get3A_15 = arith.constant 0 : index
    %get3A_16 = vector.load %arg9[%get3A_14, %get3A_15] : memref<1x256xf32, #tpu.memory_space<vmem>>, vector<1x256xf32>
    %add3A_17 = vector.broadcast %get3A_16 : vector<1x256xf32> to vector<1024x256xf32>
    %add3A_18 = arith.addf %add3A, %add3A_17 : vector<1024x256xf32>
    %max3A = arith.constant 0.000000e+00 : f32
    %max3A_19 = vector.broadcast %max3A : f32 to vector<1024x256xf32>
    %max3A_20 = arith.maximumf %add3A_18, %max3A_19 : vector<1024x256xf32>
    %convert_element_type3A_21 = arith.truncf %max3A_20 : vector<1024x256xf32> to vector<1024x256xbf16>
    %get3A_22 = arith.constant 0 : index
    %get3A_23 = arith.constant 0 : index
    %get3A_24 = vector.load %arg10[%get3A_22, %get3A_23] : memref<256x128xbf16, #tpu.memory_space<vmem>>, vector<256x128xbf16>
    %dot_general3A_25 = arith.constant dense<0.000000e+00> : vector<1024x128xf32>
    %dot_general3A_26 = tpu.matmul %convert_element_type3A_21, %get3A_24, %dot_general3A_25 {dimension_numbers = #tpu.dot_dimension_numbers<[1], [0], [0], [1], [0, 0, 1, 1], [], []>, transpose_lhs_hint = false} : vector<1024x256xbf16>, vector<256x128xbf16>, vector<1024x128xf32> -> vector<1024x128xf32>
    %get3A_27 = arith.constant 0 : index
    %get3A_28 = arith.constant 0 : index
    %get3A_29 = vector.load %arg11[%get3A_27, %get3A_28] : memref<1x128xf32, #tpu.memory_space<vmem>>, vector<1x128xf32>
    %add3A_30 = vector.broadcast %get3A_29 : vector<1x128xf32> to vector<1024x128xf32>
    %add3A_31 = arith.addf %dot_general3A_26, %add3A_30 : vector<1024x128xf32>
    %convert_element_type3A_32 = arith.truncf %add3A_31 : vector<1024x128xf32> to vector<1024x128xbf16>
    %get3A_33 = arith.constant 0 : index
    %get3A_34 = arith.constant 0 : index
    %get3A_35 = vector.load %arg12[%get3A_33, %get3A_34] : memref<128x512xbf16, #tpu.memory_space<vmem>>, vector<128x512xbf16>
    %dot_general3A_36 = arith.constant dense<0.000000e+00> : vector<1024x512xf32>
    %dot_general3A_37 = tpu.matmul %convert_element_type3A_32, %get3A_35, %dot_general3A_36 {dimension_numbers = #tpu.dot_dimension_numbers<[1], [0], [0], [1], [0, 0, 1, 1], [], []>, transpose_lhs_hint = false} : vector<1024x128xbf16>, vector<128x512xbf16>, vector<1024x512xf32> -> vector<1024x512xf32>
    %get3A_38 = arith.constant 0 : index
    %get3A_39 = arith.constant 0 : index
    %get3A_40 = vector.load %arg3[%get3A_38, %get3A_39] : memref<1024x128xf32, #tpu.memory_space<vmem>>, vector<1024x128xf32>
    %convert_element_type3A_41 = arith.truncf %get3A_40 : vector<1024x128xf32> to vector<1024x128xbf16>
    %get3A_42 = arith.constant 0 : index
    %get3A_43 = arith.constant 0 : index
    %get3A_44 = vector.load %arg13[%get3A_42, %get3A_43] : memref<128x512xbf16, #tpu.memory_space<vmem>>, vector<128x512xbf16>
    %dot_general3A_45 = arith.constant dense<0.000000e+00> : vector<1024x512xf32>
    %dot_general3A_46 = tpu.matmul %convert_element_type3A_41, %get3A_44, %dot_general3A_45 {dimension_numbers = #tpu.dot_dimension_numbers<[1], [0], [0], [1], [0, 0, 1, 1], [], []>, transpose_lhs_hint = false} : vector<1024x128xbf16>, vector<128x512xbf16>, vector<1024x512xf32> -> vector<1024x512xf32>
    %add3A_47 = arith.addf %dot_general3A_37, %dot_general3A_46 : vector<1024x512xf32>
    %get3A_48 = arith.constant 0 : index
    %get3A_49 = arith.constant 0 : index
    %get3A_50 = vector.load %arg6[%get3A_48, %get3A_49] : memref<1024x1xf32, #tpu.memory_space<vmem>>, vector<1024x1xf32>
    %get3A_51 = arith.constant 0 : index
    %get3A_52 = arith.constant 0 : index
    %get3A_53 = vector.load %arg14[%get3A_51, %get3A_52] : memref<1x512xf32, #tpu.memory_space<vmem>>, vector<1x512xf32>
    %mul3A_54 = vector.broadcast %get3A_50 : vector<1024x1xf32> to vector<1024x512xf32>
    %mul3A_55 = vector.broadcast %get3A_53 : vector<1x512xf32> to vector<1024x512xf32>
    %mul3A_56 = arith.mulf %mul3A_54, %mul3A_55 : vector<1024x512xf32>
    %add3A_57 = arith.addf %add3A_47, %mul3A_56 : vector<1024x512xf32>
    %get3A_58 = arith.constant 0 : index
    %get3A_59 = arith.constant 0 : index
    %get3A_60 = vector.load %arg15[%get3A_58, %get3A_59] : memref<1x512xf32, #tpu.memory_space<vmem>>, vector<1x512xf32>
    %add3A_61 = vector.broadcast %get3A_60 : vector<1x512xf32> to vector<1024x512xf32>
    %add3A_62 = arith.addf %add3A_57, %add3A_61 : vector<1024x512xf32>
    %max3A_63 = arith.constant 0.000000e+00 : f32
    %max3A_64 = vector.broadcast %max3A_63 : f32 to vector<1024x512xf32>
    %max3A_65 = arith.maximumf %add3A_62, %max3A_64 : vector<1024x512xf32>
    %convert_element_type3A_66 = arith.truncf %max3A_65 : vector<1024x512xf32> to vector<1024x512xbf16>
    %get3A_67 = arith.constant 0 : index
    %get3A_68 = arith.constant 0 : index
    %get3A_69 = vector.load %arg16[%get3A_67, %get3A_68] : memref<512x128xbf16, #tpu.memory_space<vmem>>, vector<512x128xbf16>
    %dot_general3A_70 = arith.constant dense<0.000000e+00> : vector<1024x128xf32>
    %dot_general3A_71 = tpu.matmul %convert_element_type3A_66, %get3A_69, %dot_general3A_70 {dimension_numbers = #tpu.dot_dimension_numbers<[1], [0], [0], [1], [0, 0, 1, 1], [], []>, transpose_lhs_hint = false} : vector<1024x512xbf16>, vector<512x128xbf16>, vector<1024x128xf32> -> vector<1024x128xf32>
    %get3A_72 = arith.constant 0 : index
    %get3A_73 = arith.constant 0 : index
    %get3A_74 = vector.load %arg17[%get3A_72, %get3A_73] : memref<1x128xf32, #tpu.memory_space<vmem>>, vector<1x128xf32>
    %add3A_75 = vector.broadcast %get3A_74 : vector<1x128xf32> to vector<1024x128xf32>
    %add3A_76 = arith.addf %dot_general3A_71, %add3A_75 : vector<1024x128xf32>
    %convert_element_type3A_77 = arith.truncf %add3A_76 : vector<1024x128xf32> to vector<1024x128xbf16>
    %get3A_78 = arith.constant 0 : index
    %get3A_79 = arith.constant 0 : index
    %get3A_80 = vector.load %arg18[%get3A_78, %get3A_79] : memref<128x512xbf16, #tpu.memory_space<vmem>>, vector<128x512xbf16>
    %dot_general3A_81 = arith.constant dense<0.000000e+00> : vector<1024x512xf32>
    %dot_general3A_82 = tpu.matmul %convert_element_type3A_77, %get3A_80, %dot_general3A_81 {dimension_numbers = #tpu.dot_dimension_numbers<[1], [0], [0], [1], [0, 0, 1, 1], [], []>, transpose_lhs_hint = false} : vector<1024x128xbf16>, vector<128x512xbf16>, vector<1024x512xf32> -> vector<1024x512xf32>
    %get3A_83 = arith.constant 0 : index
    %get3A_84 = arith.constant 0 : index
    %get3A_85 = vector.load %arg4[%get3A_83, %get3A_84] : memref<1024x128xf32, #tpu.memory_space<vmem>>, vector<1024x128xf32>
    %convert_element_type3A_86 = arith.truncf %get3A_85 : vector<1024x128xf32> to vector<1024x128xbf16>
    %get3A_87 = arith.constant 0 : index
    %get3A_88 = arith.constant 0 : index
    %get3A_89 = vector.load %arg19[%get3A_87, %get3A_88] : memref<128x512xbf16, #tpu.memory_space<vmem>>, vector<128x512xbf16>
    %dot_general3A_90 = arith.constant dense<0.000000e+00> : vector<1024x512xf32>
    %dot_general3A_91 = tpu.matmul %convert_element_type3A_86, %get3A_89, %dot_general3A_90 {dimension_numbers = #tpu.dot_dimension_numbers<[1], [0], [0], [1], [0, 0, 1, 1], [], []>, transpose_lhs_hint = false} : vector<1024x128xbf16>, vector<128x512xbf16>, vector<1024x512xf32> -> vector<1024x512xf32>
    %add3A_92 = arith.addf %dot_general3A_82, %dot_general3A_91 : vector<1024x512xf32>
    %get3A_93 = arith.constant 0 : index
    %get3A_94 = arith.constant 0 : index
    %get3A_95 = vector.load %arg20[%get3A_93, %get3A_94] : memref<1x512xf32, #tpu.memory_space<vmem>>, vector<1x512xf32>
    %add3A_96 = vector.broadcast %get3A_95 : vector<1x512xf32> to vector<1024x512xf32>
    %add3A_97 = arith.addf %add3A_92, %add3A_96 : vector<1024x512xf32>
    %max3A_98 = arith.constant 0.000000e+00 : f32
    %max3A_99 = vector.broadcast %max3A_98 : f32 to vector<1024x512xf32>
    %max3A_100 = arith.maximumf %add3A_97, %max3A_99 : vector<1024x512xf32>
    %convert_element_type3A_101 = arith.truncf %max3A_100 : vector<1024x512xf32> to vector<1024x512xbf16>
    %get3A_102 = arith.constant 0 : index
    %get3A_103 = arith.constant 0 : index
    %get3A_104 = vector.load %arg21[%get3A_102, %get3A_103] : memref<512x128xbf16, #tpu.memory_space<vmem>>, vector<512x128xbf16>
    %dot_general3A_105 = arith.constant dense<0.000000e+00> : vector<1024x128xf32>
    %dot_general3A_106 = tpu.matmul %convert_element_type3A_101, %get3A_104, %dot_general3A_105 {dimension_numbers = #tpu.dot_dimension_numbers<[1], [0], [0], [1], [0, 0, 1, 1], [], []>, transpose_lhs_hint = false} : vector<1024x512xbf16>, vector<512x128xbf16>, vector<1024x128xf32> -> vector<1024x128xf32>
    %get3A_107 = arith.constant 0 : index
    %get3A_108 = arith.constant 0 : index
    %get3A_109 = vector.load %arg22[%get3A_107, %get3A_108] : memref<1x128xf32, #tpu.memory_space<vmem>>, vector<1x128xf32>
    %add3A_110 = vector.broadcast %get3A_109 : vector<1x128xf32> to vector<1024x128xf32>
    %add3A_111 = arith.addf %dot_general3A_106, %add3A_110 : vector<1024x128xf32>
    %swap3A = arith.constant 0 : index
    %swap3A_112 = arith.constant 0 : index
    %swap3A_113 = vector.load %arg23[%swap3A, %swap3A_112] : memref<1024x128xf32, #tpu.memory_space<vmem>>, vector<1024x128xf32>
    tpu.vector_store %arg23[%swap3A, %swap3A_112], %add3A_111 {strides = array<i32>} : memref<1024x128xf32, #tpu.memory_space<vmem>>, vector<1024x128xf32>,
    return
  }
  func.func @transform_1(%arg0: i32) -> (i32, i32) {
    %c0_i32 = arith.constant 0 : i32
    %c0_i32_0 = arith.constant 0 : i32
    return %arg0, %c0_i32 : i32, i32
  }
  func.func @transform_2(%arg0: i32) -> (i32, i32) {
    %c0_i32 = arith.constant 0 : i32
    %c0_i32_0 = arith.constant 0 : i32
    return %arg0, %c0_i32 : i32, i32
  }
  func.func @transform_3(%arg0: i32) -> (i32, i32) {
    %c0_i32 = arith.constant 0 : i32
    %c0_i32_0 = arith.constant 0 : i32
    return %arg0, %c0_i32 : i32, i32
  }
  func.func @transform_4(%arg0: i32) -> (i32, i32) {
    %c0_i32 = arith.constant 0 : i32
    %c0_i32_0 = arith.constant 0 : i32
    return %arg0, %c0_i32 : i32, i32
  }
  func.func @transform_5(%arg0: i32) -> (i32, i32) {
    %c0_i32 = arith.constant 0 : i32
    %c0_i32_0 = arith.constant 0 : i32
    return %arg0, %c0_i32 : i32, i32
  }
  func.func @transform_6(%arg0: i32) -> (i32, i32) {
    %c0_i32 = arith.constant 0 : i32
    %c0_i32_0 = arith.constant 0 : i32
    %c0_i32_1 = arith.constant 0 : i32
    return %c0_i32, %c0_i32_0 : i32, i32
  }
  func.func @transform_7(%arg0: i32) -> (i32, i32) {
    %c0_i32 = arith.constant 0 : i32
    %c0_i32_0 = arith.constant 0 : i32
    %c0_i32_1 = arith.constant 0 : i32
    return %c0_i32, %c0_i32_0 : i32, i32
  }
  func.func @transform_8(%arg0: i32) -> (i32, i32) {
    %c0_i32 = arith.constant 0 : i32
    %c0_i32_0 = arith.constant 0 : i32
    %c0_i32_1 = arith.constant 0 : i32
    return %c0_i32, %c0_i32_0 : i32, i32
  }
  func.func @transform_9(%arg0: i32) -> (i32, i32) {
    %c0_i32 = arith.constant 0 : i32
    %c0_i32_0 = arith.constant 0 : i32
    %c0_i32_1 = arith.constant 0 : i32
    return %c0_i32, %c0_i32_0 : i32, i32
  }
  func.func @transform_10(%arg0: i32) -> (i32, i32) {
    %c0_i32 = arith.constant 0 : i32
    %c0_i32_0 = arith.constant 0 : i32
    %c0_i32_1 = arith.constant 0 : i32
    return %c0_i32, %c0_i32_0 : i32, i32
  }
  func.func @transform_11(%arg0: i32) -> (i32, i32) {
    %c0_i32 = arith.constant 0 : i32
    %c0_i32_0 = arith.constant 0 : i32
    %c0_i32_1 = arith.constant 0 : i32
    return %c0_i32, %c0_i32_0 : i32, i32
  }
  func.func @transform_12(%arg0: i32) -> (i32, i32) {
    %c0_i32 = arith.constant 0 : i32
    %c0_i32_0 = arith.constant 0 : i32
    %c0_i32_1 = arith.constant 0 : i32
    return %c0_i32, %c0_i32_0 : i32, i32
  }
  func.func @transform_13(%arg0: i32) -> (i32, i32) {
    %c0_i32 = arith.constant 0 : i32
    %c0_i32_0 = arith.constant 0 : i32
    %c0_i32_1 = arith.constant 0 : i32
    return %c0_i32, %c0_i32_0 : i32, i32
  }
  func.func @transform_14(%arg0: i32) -> (i32, i32) {
    %c0_i32 = arith.constant 0 : i32
    %c0_i32_0 = arith.constant 0 : i32
    %c0_i32_1 = arith.constant 0 : i32
    return %c0_i32, %c0_i32_0 : i32, i32
  }
  func.func @transform_15(%arg0: i32) -> (i32, i32) {
    %c0_i32 = arith.constant 0 : i32
    %c0_i32_0 = arith.constant 0 : i32
    %c0_i32_1 = arith.constant 0 : i32
    return %c0_i32, %c0_i32_0 : i32, i32
  }
  func.func @transform_16(%arg0: i32) -> (i32, i32) {
    %c0_i32 = arith.constant 0 : i32
    %c0_i32_0 = arith.constant 0 : i32
    %c0_i32_1 = arith.constant 0 : i32
    return %c0_i32, %c0_i32_0 : i32, i32
  }
  func.func @transform_17(%arg0: i32) -> (i32, i32) {
    %c0_i32 = arith.constant 0 : i32
    %c0_i32_0 = arith.constant 0 : i32
    %c0_i32_1 = arith.constant 0 : i32
    return %c0_i32, %c0_i32_0 : i32, i32
  }
  func.func @transform_18(%arg0: i32) -> (i32, i32) {
    %c0_i32 = arith.constant 0 : i32
    %c0_i32_0 = arith.constant 0 : i32
    %c0_i32_1 = arith.constant 0 : i32
    return %c0_i32, %c0_i32_0 : i32, i32
  }
  func.func @transform_19(%arg0: i32) -> (i32, i32) {
    %c0_i32 = arith.constant 0 : i32
    %c0_i32_0 = arith.constant 0 : i32
    %c0_i32_1 = arith.constant 0 : i32
    return %c0_i32, %c0_i32_0 : i32, i32
  }
  func.func @transform_20(%arg0: i32) -> (i32, i32) {
    %c0_i32 = arith.constant 0 : i32
    %c0_i32_0 = arith.constant 0 : i32
    %c0_i32_1 = arith.constant 0 : i32
    return %c0_i32, %c0_i32_0 : i32, i32
  }
  func.func @transform_21(%arg0: i32) -> (i32, i32) {
    %c0_i32 = arith.constant 0 : i32
    %c0_i32_0 = arith.constant 0 : i32
    %c0_i32_1 = arith.constant 0 : i32
    return %c0_i32, %c0_i32_0 : i32, i32
  }
  func.func @transform_22(%arg0: i32) -> (i32, i32) {
    %add3A = arith.constant 40 : i32
    %add3A_0 = arith.addi %arg0, %add3A : i32
    %c0_i32 = arith.constant 0 : i32
    %c0_i32_1 = arith.constant 0 : i32
    return %add3A_0, %c0_i32 : i32, i32
  }
}

</mosaic_0001>

<sc_bundles>
// kernel: kernel.11.cloned.1.call-start
scs
__scs_entry_jumppad:
0x0: {  	(pc) =	sbr.rel $0x88, $3  }
0x1: {  	(tag) =	ssettag $0x0;
	lr =	simm.s32 $0x1  }
0x2: {  	[smem:$0x3F8F] =	sst lr;
	_ =	strace $0xD0000000  }
0x3: {  	_ = 	snop  }
0x4: {  	_ = 	snop  }
0x5: {  	_ = 	snop  }
0x6: {  	_ = 	snop  }
0x7: {  	_ = 	snop  }
__scs_overlays_trampoline_lowered:
0x8: {  	[smem:$0x3F9E] =	sst s0  }
0x9: {  	[smem:$0x3F9F] =	sst s1  }
0xa: {  	[smem:$0x3FA0] =	sst s2  }
0xb: {  	[smem:$0x3FA1] =	sst s3  }
0xc: {  	[smem:$0x3FA2] =	sst s4  }
0xd: {  	[smem:$0x3FA3] =	sst s5  }
0xe: {  	[smem:$0x3FA4] =	sst s6  }
0xf: {  	[smem:$0x3FA5] =	sst s7  }
0x10: {  	[smem:$0x3FA6] =	sst s8  }
0x11: {  	[smem:$0x3FA7] =	sst s9;
	s0 =	simm.s32 @!p0 $0x0  }
0x12: {  	s1 =	sld [smem:$0x3F8D];
	s0 =	simm.s32 @p0 $0x1  }
0x13: {  	[smem:$0x3FA8] =	sst s0;
	s0 =	simm.s32 @!p1 $0x0  }
0x14: {  	s2 =	sld [smem:$0x3F8C];
	s0 =	simm.s32 @p1 $0x1  }
0x15: {  	[smem:$0x3FA9] =	sst s0;
	s0 =	simm.s32 @!p2 $0x0  }
0x16: {  	s3 =	sld [smem:$0x3FDB];
	s0 =	simm.s32 @p2 $0x1  }
0x17: {  	s4 =	simm.s32 $0x1BF5;
	[smem:$0x3FAB] =	sst s0  }
0x18: {  	s0 =	sld [smem:$0x3F8E];
	_ =	swait.ge [sflag:s4], $0x0  }
0x19: {  	s7 =	sld [smem:$0x3F8F]  }
0x1a: {  	s8 =	sadd.s32 $0xFFFFE003, lr  }
0x1b: {  	s9 =	sadd.s32 $0xFFFFFEF7, lr;
	s5 =	simm.s32 $0xFFFFFFFF;
	p2 =	slt.u32 s8, $0xFFFFF086  }
0x1c: {  	p1 =	slt.u32 s9, $0xF7A;
	s5 =	simm.s32 @!p2 $0x0  }
0x1d: {  	s5 =	simm.s32 @p1 $0x1;
	p0 =	seq.s32 s7, s2  }
0x1e: {  	s7 =	smul.u32 @!p0 $0xF7A, s2;
	p2 =	seq.s32 @!p0 s5, $0x0  }
0x1f: {  	s9 =	smul.u32 $0xF7A, s1;
	s8 =	simm.s32 @!p0 $0x1BF5;
	p2 =	por !p2, p0  }
0x20: {  	[sflag:s8] =	ssyncset.s32 @!p0 $0xFFFFF086;
	s6 =	sadd.s32 @!p0 s3, s7;
	s7 =	simm.s32 @!p0 $0x108  }
0x21: {  	s3 =	sadd.s32 s3, s9;
	s6 =	sadd.s32 @!p0 $0x88, s6;
	s7 =	simm.s32 @p2 $0x1082  }
0x22: {  	[simem:s7], [sflag:s8] =	dma.local @!p0 [hbm:s6], $0xF7A  }
0x23: {  	s9 =	sor.u32 $0xD0000000, s2;
	s6 =	simm.s32 $0x108;
	_ =	swait.ge @!p0 [sflag:s8], $0x0  }
0x24: {  	s3 =	sadd.s32 $0x88, s3;
	s6 =	simm.s32 @!p1 $0x1082;
	[sflag:s4] =	ssyncset.s32 $0xFFFFF086  }
0x25: {  	[simem:s6], [sflag:s4] =	dma.local [hbm:s3], $0xF7A  }
0x26: {  	[smem:$0x3F8F] =	sst s1;
	(tag) =	ssettag s2;
	_ =	strace s9  }
0x27: {  	s1 =	sld [smem:$0x3F9F]  }
0x28: {  	s2 =	sld [smem:$0x3FA0]  }
0x29: {  	s4 =	sld [smem:$0x3FA2]  }
0x2a: {  	p0 =	seq.s32 s5, $0x0;
	s5 =	sld [smem:$0x3FA3]  }
0x2b: {  	s6 =	sld [smem:$0x3FA4]  }
0x2c: {  	s7 =	sld [smem:$0x3FA5]  }
0x2d: {  	s3 =	simm.s32 $0x108;
	s8 =	sld [smem:$0x3FA6]  }
0x2e: {  	s3 =	simm.s32 @!p0 $0x1082;
	s9 =	sld [smem:$0x3FA7]  }
0x2f: {  	lr =	sadd.s32 s0, s3;
	s0 =	sld [smem:$0x3F9E]  }
0x30: {  	s3 =	sld [smem:$0x3FA1]  }
0x31: {  	[smem:$0x3FAA] =	sst s10  }
0x32: {  	s10 =	sld [smem:$0x3FA8];
	_ =	sdelay $0x3  }
0x33: {  	p0 =	seq.s32 s10, $0x1;
	s10 =	sld [smem:$0x3FAA];
	_ =	sdelay $0x3  }
0x34: {  	[smem:$0x3FAA] =	sst s10  }
0x35: {  	s10 =	sld [smem:$0x3FA9];
	_ =	sdelay $0x3  }
0x36: {  	p1 =	seq.s32 s10, $0x1;
	s10 =	sld [smem:$0x3FAA];
	_ =	sdelay $0x3  }
0x37: {  	[smem:$0x3FAA] =	sst s10  }
0x38: {  	s10 =	sld [smem:$0x3FAB]  }
0x39: {  	_ = 	snop;
	(pc) =	sbr.ind lr, $3  }
0x3a: {  	_ = 	snop  }
0x3b: {  	_ = 	snop  }
0x3c: {  	p2 =	seq.s32 s10, $0x1;
	s10 =	sld [smem:$0x3FAA]  }
0x3d: {  	_ =	shalt  }
0x3e: {  	_ =	shalt  }
0x3f: {  	_ =	shalt  }
0x40: {  	_ =	shalt  }
0x41: {  	_ =	shalt  }
0x42: {  	_ =	shalt  }
0x43: {  	_ =	shalt  }
0x44: {  	_ =	shalt  }
0x45: {  	_ =	shalt  }
0x46: {  	_ =	shalt  }
0x47: {  	_ =	shalt  }
0x48: {  	_ =	shalt  }
0x49: {  	_ =	shalt  }
0x4a: {  	_ =	shalt  }
0x4b: {  	_ =	shalt  }
0x4c: {  	_ =	shalt  }
0x4d: {  	_ =	shalt  }
0x4e: {  	_ =	shalt  }
0x4f: {  	_ =	shalt  }
0x50: {  	_ =	shalt  }
0x51: {  	_ =	shalt  }
0x52: {  	_ =	shalt  }
0x53: {  	_ =	shalt  }
0x54: {  	_ =	shalt  }
0x55: {  	_ =	shalt  }
0x56: {  	_ =	shalt  }
0x57: {  	_ =	shalt  }
0x58: {  	_ =	shalt  }
0x59: {  	_ =	shalt  }
0x5a: {  	_ =	shalt  }
0x5b: {  	_ =	shalt  }
0x5c: {  	_ =	shalt  }
0x5d: {  	_ =	shalt  }
0x5e: {  	_ =	shalt  }
0x5f: {  	_ =	shalt  }
0x60: {  	_ =	shalt  }
0x61: {  	_ =	shalt  }
0x62: {  	_ =	shalt  }
0x63: {  	_ =	shalt  }
0x64: {  	_ =	shalt  }
0x65: {  	_ =	shalt  }
0x66: {  	_ =	shalt  }
0x67: {  	_ =	shalt  }
0x68: {  	_ =	shalt  }
0x69: {  	_ =	shalt  }
0x6a: {  	_ =	shalt  }
0x6b: {  	_ =	shalt  }
0x6c: {  	_ =	shalt  }
0x6d: {  	_ =	shalt  }
0x6e: {  	_ =	shalt  }
0x6f: {  	_ =	shalt  }
0x70: {  	_ =	shalt  }
0x71: {  	_ =	shalt  }
0x72: {  	_ =	shalt  }
0x73: {  	_ =	shalt  }
0x74: {  	_ =	shalt  }
0x75: {  	_ =	shalt  }
0x76: {  	_ =	shalt  }
0x77: {  	_ =	shalt  }
0x78: {  	_ =	shalt  }
0x79: {  	_ =	shalt  }
0x7a: {  	_ =	shalt  }
0x7b: {  	_ =	shalt  }
0x7c: {  	_ =	shalt  }
0x7d: {  	_ =	shalt  }
0x7e: {  	_ =	shalt  }
0x7f: {  	_ =	shalt  }
0x80: {  	_ =	shalt  }
0x81: {  	_ =	shalt  }
0x82: {  	_ =	shalt  }
0x83: {  	_ =	shalt  }
0x84: {  	_ =	shalt  }
0x85: {  	_ =	shalt  }
0x86: {  	_ =	shalt  }
0x87: {  	_ =	shalt  }
.Lfunc_end0:
.L_simem_size_0:
called_computation.1_lowered:
.L_overlay_start_0:
0x88: {  	s2 =	sld [smem:$0x3FD9]  }
0x89: {  	s3 =	sld [smem:$0x3FFE];
	_ =	sdelay $0x1  }
0x8a: {  	s1 =	srdreg.scid  }
0x8b: {  	s0 =	sand.u32 $0x1, s1  }
0x8c: {  	s17 =	sshll.u32 s0, $0xA;
	s2 =	sadd.s32 s3, s2  }
0x8d: {  	s2 =	sadd.s32 s2, s17  }
0x8e: {  	[smem:$0x3FB6] =	sst s2  }
0x8f: {  	_ = 	snop  }
0x90: {  	s18 =	sld [smem:$0x3FC9];
	(tm) =	ssettm $0x1  }
0x91: {  	s19 =	sld [smem:$0x3FFB];
	_ =	sdelay $0x3  }
0x92: {  	_ =	strace s19  }
0x93: {  	s2 =	sld [smem:$0x3FFC];
	_ =	sdelay $0x3  }
0x94: {  	_ =	strace s2  }
0x95: {  	s2 =	sld [smem:$0x3FFD];
	_ =	sdelay $0x3  }
0x96: {  	_ =	strace s2  }
0x97: {  	_ =	strace $0x8FFFFFFF  }
0x98: {  	s20 =	sld [smem:$0x3FDB];
	_ =	sdelay $0x1  }
0x99: {  	s4 =	simm.s32 $_scs_section_size  }
0x9a: {  	s5 =	simm.s32 $_size__tile_overlayer_lowered;
	s6 =	simm.s32 $_tile_overlayer_lowered  }
0x9b: {  	s7 =	simm.s32 $0x1BFF;
	s21 =	sshll.u32 s6, $0x1;
	s4 =	sadd.s32 s4, s20  }
0x9c: {  	s22 =	simm.s32 $0x0;
	s5 =	sshll.u32 s5, $0x1;
	s6 =	sadd.s32 s21, s4  }
0x9d: {  	[timem:s22], [sflag:s7] =	dma.local [hbm:s6], s5  }
0x9e: {  	_ =	swait.ge [sflag:s7], s5  }
0x9f: {  	s5 =	ssub.s32 $0x0, s5;
	[sflag:s7] =	ssyncset.done $0x0  }
0xa0: {  	[sflag:s7] =	ssyncadd.s32 s5;
	_ =	sdelay $0x1  }
0xa1: {  	s23 =	simm.s32 $0x1B8B  }
0xa2: {  	_ =	swait.ge [sflag:s23], $0x1  }
0xa3: {  	[sflag:s23] =	ssyncset.done $0x0  }
0xa4: {  	[sflag:s23] =	ssyncadd.s32 $0xFFFFFFFF  }
0xa5: {  	s5 =	sld [smem:$0x0]  }
0xa6: {  	s6 =	sand.u32 $0xFFFFFFFE, s1  }
0xa7: {  	p0 =	sne.s32 s1, s6  }
0xa8: {  	s6 =	sshll.u32 @p0 s6, $0xE  }
0xa9: {  	s6 =	sadd.s32 @p0 $0x11B8D, s6;
	s7 =	sshll.u32 @p0 s5, $0x11  }
0xaa: {  	s6 =	sor.u32 @p0 s7, s6  }
0xab: {  	[sflag:s6] =	ssyncadd.remote.s32 @p0 $0x1;
	_ =	sdelay $0x1  }
0xac: {  	s6 =	simm.s32 @p0 $0x1B8D  }
0xad: {  	_ =	swait.eq @p0 [sflag:s6], $0x1  }
0xae: {  	[sflag:s6] =	ssyncadd.s32 @p0 $0xFFFFFFFF  }
0xaf: {  	s7 =	sshll.u32 @!p0 s1, $0xE  }
0xb0: {  	s7 =	sor.u32 @!p0 $0x4000, s7;
	s6 =	simm.s32 @!p0 $0x1B8D  }
0xb1: {  	s5 =	sshll.u32 @!p0 s5, $0x11;
	s7 =	sadd.s32 @!p0 $0x11B8D, s7;
	_ =	swait.eq @!p0 [sflag:s6], $0x1  }
0xb2: {  	s5 =	sor.u32 @!p0 s5, s7;
	[sflag:s6] =	ssyncadd.s32 @!p0 $0xFFFFFFFF  }
0xb3: {  	s25 =	simm.s32 $0x1B8E;
	s24 =	sld [smem:$0x3FFE];
	[sflag:s5] =	ssyncadd.remote.s32 @!p0 $0x1  }
0xb4: {  	s26 =	simm.s32 $execute0_lowered;
	[smem:$0x3FD2] =	sst s25  }
0xb5: {  	s6 =	sshll.u32 s26, $0x1;
	_ =	strace $0x80000049;
	[dreg:$0x1] =	wrdreg $0xFFFFFFFF  }
0xb6: {  	s28 =	simm.s32 $_size_execute0_lowered;
	s4 =	sadd.s32 s4, s6;
	[dreg:$0x0] =	wrdreg $0x0  }
0xb7: {  	s6 =	sshll.u32 s28, $0x1;
	[dreg:$0x2] =	wrdreg s4  }
0xb8: {  	[dreg:$0x3] =	wrdreg s6  }
0xb9: {  	[dreg:$0x4] =	wrdreg $0xC0  }
0xba: {  	_ =	task [dreg:s22], $0x5FFFF  }
0xbb: {  	[dreg:$0x1] =	wrdreg $0xFFFFFFFF  }
0xbc: {  	[dreg:$0x0] =	wrdreg $0x60  }
0xbd: {  	[dreg:$0x2] =	wrdreg s18  }
0xbe: {  	[dreg:$0x3] =	wrdreg s24  }
0xbf: {  	[dreg:$0x4] =	wrdreg $0xA  }
0xc0: {  	_ =	task.clear_ibuf [dreg:s22], $0x5FFFF;
	_ =	strace $0x90000049  }
0xc1: {  	s29 =	simm.s32 $0xA;
	_ =	strace $0x8000004B  }
0xc2: {  	_ =	swait.ge [sflag:s29], $0x1  }
0xc3: {  	[sflag:s29] =	ssyncadd.s32 $0xFFFFFFFF  }
0xc4: {  	_ =	strace $0x9000004B  }
0xc5: {  	_ =	sfence  }
0xc6: {  	s30 =	sld [smem:$0x0];
	_ =	sdelay $0x2  }
0xc7: {  	s31 =	sshll.u32 s1, $0xD;
	s1 =	sshrl.u32 s1, $0x2  }
0xc8: {  	s4 =	sand.u32 $0x4000, s31;
	s1 =	sadd.s32 s1, s30  }
0xc9: {  	s0 =	sor.u32 s4, s0;
	s1 =	sshll.u32 s1, $0x11  }
0xca: {  	s0 =	sor.u32 s1, s0  }
0xcb: {  	s0 =	sadd.s32 $0x8F2B, s0  }
0xcc: {  	[sflag:s0] =	ssyncadd.remote.s32 $0x1  }
0xcd: {  	_ =	sfence.sel $0xFFFF  }
0xce: {  	[dreg:$0x0] =	wrdreg $0xFFFFFFFF;
	(pc) =	sbr.abs _section_cstart, $3  }
0xcf: {  	[dreg:$0x1] =	wrdreg $0xFFFFFFFF  }
0xd0: {  	_ =	task.clear_ibuf [dreg:s22], $0x2FFFF;
	_ =	strace $0x9FFFFFFF  }
0xd1: {  	(tm) =	ssettm $0x7FFFFFFF  }
tec
execute0_lowered:
.L_overlay_start_1:
0x0: {  	(tag) =	ssettag $0x1  }
0x1: {  	s0 =	srdreg.scid;
	s3 =	rddreg [dreg:$0x0]  }
0x2: {  	s2 =	stileid.u32;
	s1 =	rddreg [dreg:$0x1];
	s17 =	simm.s32 $0x80  }
0x3: {  	s16 =	simm.s32 $0x800;
	s15 =	simm.s32 $0x4800;
	s29 =	simm.s32 $0x100  }
0x4: {  	s14 =	simm.s32 $0x8800;
	s30 =	simm.s32 $0x180;
	s31 =	simm.s32 $0x280  }
0x5: {  	s28 =	simm.s32 $0x300;
	p0 =	por $0x0, $0x0;
	s18 =	simm.s32 $0x18800  }
0x6: {  	s0 =	sand.u32 $0x1, s0;
	s4 =	sshll.u32 s2, $0xA;
	s6 =	sadd.s32 $0x129E00, s1  }
0x7: {  	s2 =	simm.s32 $0x0;
	s7 =	sadd.s32 $0x169E00, s1;
	s5 =	sshll.u32 s0, $0x9  }
0x8: {  	[smem:$0x7FF] =	sst s2;
	s0 =	ssub.s32 $0x2, s0;
	s4 =	sor.u32 s5, s4  }
0x9: {  	_ =	strace $0x8000004A;
	s24 =	sshrl.u32 s0, $0x1;
	s5 =	sshrl.u32 s4, $0x3  }
0xa: {  	s4 =	sshll.u32 s4, $0x4;
	s0 =	ssub.s32 s0, s24;
	s24 =	simm.s32 $0x200  }
0xb: {  	s5 =	sadd.s32 s5, s1;
	s1 =	sadd.s32 $0x1A9E00, s1;
	s20 =	sadd.s32 s6, s4  }
0xc: {  	s10 =	sor.u32 $0x800, s4;
	s12 =	sor.u32 $0x1000, s4;
	s13 =	sor.u32 $0x1800, s4  }
0xd: {  	s25 =	sadd.s32 s7, s4;
	s0 =	smax.u32 s0, $0x1;
	s8 =	sadd.s32 $0x128E00, s5  }
0xe: {  	s19 =	sadd.s32 $0x129600, s5;
	s5 =	sadd.s32 $0x128600, s5;
	[dreg:$0x6] =	wrdreg s20  }
0xf: {  	s21 =	sadd.s32 s6, s10;
	s22 =	sadd.s32 s6, s12;
	[dreg:$0xa] =	wrdreg s25  }
0x10: {  	s23 =	sadd.s32 s6, s13;
	s26 =	sadd.s32 s7, s10;
	[dreg:$0x3] =	wrdreg s8  }
0x11: {  	s11 =	sadd.s32 s7, s12;
	s9 =	sadd.s32 s7, s13;
	[dreg:$0x4] =	wrdreg s19  }
0x12: {  	s7 =	sadd.s32 s1, s10;
	s6 =	sadd.s32 s1, s12;
	[dreg:$0x5] =	wrdreg s5  }
0x13: {  	s12 =	simm.s32 $0xC800;
	s10 =	simm.s32 $0x10800;
	[dreg:$0x7] =	wrdreg s21  }
0x14: {  	p1 =	sne.s32 s0, $0x1;
	s25 =	simm.s32 $0x380;
	[dreg:$0x8] =	wrdreg s22  }
.Ltmp0:
0x15: {  	s20 =	simm.s32 $0x580;
	[dreg:$0x9] =	wrdreg s23;
	(pc) =	sbr.rel @!p1 .LBB2_3-.Ltmp0, $4  }
0x16: {  	[dreg:$0xb] =	wrdreg s26;
	s8 =	sadd.s32 s1, s4;
	s4 =	sadd.s32 s1, s13  }
0x17: {  	s26 =	simm.s32 $0x3;
	s21 =	simm.s32 $0x400;
	s19 =	simm.s32 $0x14800  }
0x18: {  	s13 =	simm.s32 $0x1;
	s1 =	sadd.s32 $0xFFFFFFFF, s0;
	s5 =	simm.s32 $0x2  }
0x19: {  	s23 =	simm.s32 $0x480;
	s22 =	simm.s32 $0x500;
	s0 =	rddreg [dreg:$0x3]  }
0x1a: {  	[tilespmem:s2], [sflag:$0x3] =	stream.linear.gather [hbm4b:s0+s2], $0x200, $0x38;
	[tilespmem:$0x1C800] =	vst v63  }
0x1b: {  	_ =	swait.ge [sflag:s26], $0x200  }
0x1c: {  	[sflag:s26] =	ssyncset.done $0x0  }
0x1d: {  	s0 =	rddreg [dreg:$0x4];
	[sflag:s26] =	ssyncadd.s32 $0xFFFFFE00  }
0x1e: {  	[tilespmem:s24], [sflag:$0x3] =	stream.linear.gather [hbm4b:s0+s2], $0x200, $0x38;
	[tilespmem:$0x1C800] =	vst v63  }
0x1f: {  	_ =	swait.ge [sflag:s26], $0x200  }
0x20: {  	[sflag:s26] =	ssyncset.done $0x0  }
0x21: {  	s0 =	rddreg [dreg:$0x5];
	[sflag:s26] =	ssyncadd.s32 $0xFFFFFE00  }
0x22: {  	[tilespmem:s21], [sflag:$0x3] =	stream.linear.gather [hbm4b:s0+s2], $0x200, $0x38;
	[tilespmem:$0x1C800] =	vst v63  }
0x23: {  	_ =	swait.ge [sflag:s26], $0x200  }
0x24: {  	[sflag:s26] =	ssyncset.done $0x0  }
0x25: {  	[sflag:s26] =	ssyncadd.s32 $0xFFFFFE00  }
0x26: {  	[tilespmem:s16], [sflag:$0x1] =	stream.indirect.gather [hbm4b:s3+s17], $0x80, s2, s17, $0xb8;
	[tilespmem:$0x1C800] =	vst v63  }
0x27: {  	_ = 	snop  }
0x28: {  	[tilespmem:s15], [sflag:$0x1] =	stream.indirect.gather [hbm4b:s3+s17], $0x80, s17, s17, $0xb8;
	[tilespmem:$0x1C800] =	vst v63  }
0x29: {  	_ = 	snop  }
0x2a: {  	[tilespmem:s14], [sflag:$0x1] =	stream.indirect.gather [hbm4b:s3+s17], $0x80, s29, s17, $0xb8;
	[tilespmem:$0x1C800] =	vst v63  }
0x2b: {  	_ = 	snop  }
0x2c: {  	[tilespmem:s12], [sflag:$0x1] =	stream.indirect.gather [hbm4b:s3+s17], $0x80, s30, s17, $0xb8;
	[tilespmem:$0x1C800] =	vst v63  }
0x2d: {  	_ = 	snop  }
0x2e: {  	[tilespmem:s10], [sflag:$0x1] =	stream.indirect.gather [hbm4b:s3+s17], $0x80, s24, s17, $0xb8;
	[tilespmem:$0x1C800] =	vst v63  }
0x2f: {  	_ = 	snop  }
0x30: {  	[tilespmem:s19], [sflag:$0x1] =	stream.indirect.gather [hbm4b:s3+s17], $0x80, s31, s17, $0xb8;
	[tilespmem:$0x1C800] =	vst v63  }
0x31: {  	_ =	swait.ge [sflag:s13], $0x4000  }
0x32: {  	[sflag:s13] =	ssyncset.done $0x0  }
0x33: {  	s0 =	rddreg [dreg:$0x6];
	[sflag:s13] =	ssyncadd.s32 $0xFFFFC000  }
0x34: {  	[hbm4b:s0+s2] =	stream.linear.scatter [tilespmem:s16], [sflag:$0x2], $0x4000, $0x38;
	[tilespmem:$0x1C800] =	vst v63  }
0x35: {  	_ = 	snop  }
0x36: {  	[tilespmem:s18], [sflag:$0x1] =	stream.indirect.gather [hbm4b:s3+s17], $0x80, s28, s17, $0xb8;
	[tilespmem:$0x1C800] =	vst v63  }
0x37: {  	_ =	swait.ge [sflag:s13], $0x4000  }
0x38: {  	[sflag:s13] =	ssyncset.done $0x0  }
0x39: {  	s0 =	rddreg [dreg:$0x7];
	[sflag:s13] =	ssyncadd.s32 $0xFFFFC000  }
0x3a: {  	[hbm4b:s0+s2] =	stream.linear.scatter [tilespmem:s15], [sflag:$0x2], $0x4000, $0x38;
	[tilespmem:$0x1C800] =	vst v63  }
0x3b: {  	_ =	swait.ge [sflag:s5], $0x4000  }
0x3c: {  	[sflag:s5] =	ssyncset.done $0x0  }
0x3d: {  	[sflag:s5] =	ssyncadd.s32 $0xFFFFC000  }
0x3e: {  	[tilespmem:s16], [sflag:$0x1] =	stream.indirect.gather [hbm4b:s3+s17], $0x80, s25, s17, $0xb8;
	[tilespmem:$0x1C800] =	vst v63  }
0x3f: {  	_ =	swait.ge [sflag:s13], $0x4000  }
0x40: {  	[sflag:s13] =	ssyncset.done $0x0  }
0x41: {  	s0 =	rddreg [dreg:$0x8];
	[sflag:s13] =	ssyncadd.s32 $0xFFFFC000  }
0x42: {  	[hbm4b:s0+s2] =	stream.linear.scatter [tilespmem:s14], [sflag:$0x2], $0x4000, $0x38;
	[tilespmem:$0x1C800] =	vst v63  }
0x43: {  	_ =	swait.ge [sflag:s5], $0x4000  }
0x44: {  	[sflag:s5] =	ssyncset.done $0x0  }
0x45: {  	[sflag:s5] =	ssyncadd.s32 $0xFFFFC000  }
0x46: {  	[tilespmem:s15], [sflag:$0x1] =	stream.indirect.gather [hbm4b:s3+s17], $0x80, s21, s17, $0xb8;
	[tilespmem:$0x1C800] =	vst v63  }
0x47: {  	_ =	swait.ge [sflag:s13], $0x4000  }
0x48: {  	[sflag:s13] =	ssyncset.done $0x0  }
0x49: {  	s0 =	rddreg [dreg:$0x9];
	[sflag:s13] =	ssyncadd.s32 $0xFFFFC000  }
0x4a: {  	[hbm4b:s0+s2] =	stream.linear.scatter [tilespmem:s12], [sflag:$0x2], $0x4000, $0x38;
	[tilespmem:$0x1C800] =	vst v63  }
0x4b: {  	_ =	swait.ge [sflag:s5], $0x4000  }
0x4c: {  	[sflag:s5] =	ssyncset.done $0x0  }
0x4d: {  	[sflag:s5] =	ssyncadd.s32 $0xFFFFC000  }
0x4e: {  	[tilespmem:s14], [sflag:$0x1] =	stream.indirect.gather [hbm4b:s3+s17], $0x80, s23, s17, $0xb8;
	[tilespmem:$0x1C800] =	vst v63  }
0x4f: {  	_ =	swait.ge [sflag:s13], $0x4000  }
0x50: {  	[sflag:s13] =	ssyncset.done $0x0  }
0x51: {  	s0 =	rddreg [dreg:$0xa];
	[sflag:s13] =	ssyncadd.s32 $0xFFFFC000  }
0x52: {  	[hbm4b:s0+s2] =	stream.linear.scatter [tilespmem:s10], [sflag:$0x2], $0x4000, $0x38;
	[tilespmem:$0x1C800] =	vst v63  }
0x53: {  	_ =	swait.ge [sflag:s5], $0x4000  }
0x54: {  	[sflag:s5] =	ssyncset.done $0x0  }
0x55: {  	[sflag:s5] =	ssyncadd.s32 $0xFFFFC000  }
0x56: {  	[tilespmem:s12], [sflag:$0x1] =	stream.indirect.gather [hbm4b:s3+s17], $0x80, s22, s17, $0xb8;
	[tilespmem:$0x1C800] =	vst v63  }
0x57: {  	_ =	swait.ge [sflag:s13], $0x4000  }
0x58: {  	[sflag:s13] =	ssyncset.done $0x0  }
0x59: {  	s0 =	rddreg [dreg:$0xb];
	[sflag:s13] =	ssyncadd.s32 $0xFFFFC000  }
0x5a: {  	[hbm4b:s0+s2] =	stream.linear.scatter [tilespmem:s19], [sflag:$0x2], $0x4000, $0x38;
	[tilespmem:$0x1C800] =	vst v63  }
0x5b: {  	_ =	swait.ge [sflag:s5], $0x4000  }
0x5c: {  	[sflag:s5] =	ssyncset.done $0x0  }
0x5d: {  	[sflag:s5] =	ssyncadd.s32 $0xFFFFC000  }
0x5e: {  	[tilespmem:s10], [sflag:$0x1] =	stream.indirect.gather [hbm4b:s3+s17], $0x80, s20, s17, $0xb8;
	[tilespmem:$0x1C800] =	vst v63  }
0x5f: {  	_ =	swait.ge [sflag:s13], $0x4000  }
0x60: {  	[sflag:s13] =	ssyncset.done $0x0  }
0x61: {  	[sflag:s13] =	ssyncadd.s32 $0xFFFFC000  }
0x62: {  	[hbm4b:s11+s2] =	stream.linear.scatter [tilespmem:s18], [sflag:$0x2], $0x4000, $0x38;
	[tilespmem:$0x1C800] =	vst v63  }
0x63: {  	_ =	swait.ge [sflag:s13], $0x4000  }
0x64: {  	[sflag:s13] =	ssyncset.done $0x0  }
0x65: {  	[sflag:s13] =	ssyncadd.s32 $0xFFFFC000  }
0x66: {  	[hbm4b:s9+s2] =	stream.linear.scatter [tilespmem:s16], [sflag:$0x2], $0x4000, $0x38;
	[tilespmem:$0x1C800] =	vst v63  }
0x67: {  	_ =	swait.ge [sflag:s13], $0x4000  }
0x68: {  	[sflag:s13] =	ssyncset.done $0x0  }
0x69: {  	[sflag:s13] =	ssyncadd.s32 $0xFFFFC000  }
0x6a: {  	[hbm4b:s8+s2] =	stream.linear.scatter [tilespmem:s15], [sflag:$0x2], $0x4000, $0x38;
	[tilespmem:$0x1C800] =	vst v63  }
0x6b: {  	_ =	swait.ge [sflag:s13], $0x4000  }
0x6c: {  	[sflag:s13] =	ssyncset.done $0x0  }
0x6d: {  	[sflag:s13] =	ssyncadd.s32 $0xFFFFC000  }
0x6e: {  	[hbm4b:s7+s2] =	stream.linear.scatter [tilespmem:s14], [sflag:$0x2], $0x4000, $0x38;
	[tilespmem:$0x1C800] =	vst v63  }
0x6f: {  	_ =	swait.ge [sflag:s13], $0x4000  }
0x70: {  	[sflag:s13] =	ssyncset.done $0x0  }
0x71: {  	[sflag:s13] =	ssyncadd.s32 $0xFFFFC000  }
0x72: {  	[hbm4b:s6+s2] =	stream.linear.scatter [tilespmem:s12], [sflag:$0x2], $0x4000, $0x38;
	[tilespmem:$0x1C800] =	vst v63  }
0x73: {  	_ =	swait.ge [sflag:s13], $0x4000  }
0x74: {  	[sflag:s13] =	ssyncset.done $0x0  }
0x75: {  	[sflag:s13] =	ssyncadd.s32 $0xFFFFC000  }
0x76: {  	[hbm4b:s4+s2] =	stream.linear.scatter [tilespmem:s10], [sflag:$0x2], $0x4000, $0x38;
	[tilespmem:$0x1C800] =	vst v63  }
0x77: {  	_ =	swait.ge [sflag:s5], $0x4000  }
0x78: {  	[sflag:s5] =	ssyncset.done $0x0  }
0x79: {  	[sflag:s5] =	ssyncadd.s32 $0xFFFFC000  }
0x7a: {  	_ =	swait.ge [sflag:s5], $0x4000  }
0x7b: {  	[sflag:s5] =	ssyncset.done $0x0  }
0x7c: {  	[sflag:s5] =	ssyncadd.s32 $0xFFFFC000  }
0x7d: {  	_ =	swait.ge [sflag:s5], $0x4000  }
0x7e: {  	[sflag:s5] =	ssyncset.done $0x0  }
0x7f: {  	[sflag:s5] =	ssyncadd.s32 $0xFFFFC000  }
0x80: {  	_ =	swait.ge [sflag:s5], $0x4000  }
0x81: {  	[sflag:s5] =	ssyncset.done $0x0  }
0x82: {  	[sflag:s5] =	ssyncadd.s32 $0xFFFFC000  }
0x83: {  	_ =	swait.ge [sflag:s5], $0x4000  }
0x84: {  	[sflag:s5] =	ssyncset.done $0x0  }
0x85: {  	p1 =	sne.s32 s1, $0x1;
	[sflag:s5] =	ssyncadd.s32 $0xFFFFC000  }
.Ltmp1:
0x86: {  	_ =	swait.ge [sflag:s5], $0x4000;
	(pc) =	sbr.rel @!p1 .LBB2_3-.Ltmp1, $4  }
0x87: {  	[sflag:s5] =	ssyncset.done $0x0  }
0x88: {  	[sflag:s5] =	ssyncadd.s32 $0xFFFFC000  }
0x89: {  	s1 =	sadd.s32 $0xFFFFFFFF, s1;
	_ =	swait.ge [sflag:s5], $0x4000  }
0x8a: {  	p0 =	por $0x1, $0x1;
	s0 =	rddreg [dreg:$0x3];
	[sflag:s5] =	ssyncset.done $0x0  }
.LBB2_2:
0x8b: {  	[sflag:s5] =	ssyncadd.s32 $0xFFFFC000  }
0x8c: {  	[tilespmem:s2], [sflag:$0x3] =	stream.linear.gather [hbm4b:s0+s2], $0x200, $0x38;
	[tilespmem:$0x1C800] =	vst v63  }
0x8d: {  	_ =	swait.ge [sflag:s26], $0x200  }
0x8e: {  	[sflag:s26] =	ssyncset.done $0x0  }
0x8f: {  	s0 =	rddreg [dreg:$0x4];
	[sflag:s26] =	ssyncadd.s32 $0xFFFFFE00  }
0x90: {  	[tilespmem:s24], [sflag:$0x3] =	stream.linear.gather [hbm4b:s0+s2], $0x200, $0x38;
	[tilespmem:$0x1C800] =	vst v63  }
0x91: {  	_ =	swait.ge [sflag:s26], $0x200  }
0x92: {  	[sflag:s26] =	ssyncset.done $0x0  }
0x93: {  	s0 =	rddreg [dreg:$0x5];
	[sflag:s26] =	ssyncadd.s32 $0xFFFFFE00  }
0x94: {  	[tilespmem:s21], [sflag:$0x3] =	stream.linear.gather [hbm4b:s0+s2], $0x200, $0x38;
	[tilespmem:$0x1C800] =	vst v63  }
0x95: {  	_ =	swait.ge [sflag:s26], $0x200  }
0x96: {  	[sflag:s26] =	ssyncset.done $0x0  }
0x97: {  	[sflag:s26] =	ssyncadd.s32 $0xFFFFFE00  }
0x98: {  	[tilespmem:s16], [sflag:$0x1] =	stream.indirect.gather [hbm4b:s3+s17], $0x80, s2, s17, $0xb8;
	[tilespmem:$0x1C800] =	vst v63  }
0x99: {  	_ = 	snop  }
0x9a: {  	[tilespmem:s15], [sflag:$0x1] =	stream.indirect.gather [hbm4b:s3+s17], $0x80, s17, s17, $0xb8;
	[tilespmem:$0x1C800] =	vst v63  }
0x9b: {  	_ = 	snop  }
0x9c: {  	[tilespmem:s14], [sflag:$0x1] =	stream.indirect.gather [hbm4b:s3+s17], $0x80, s29, s17, $0xb8;
	[tilespmem:$0x1C800] =	vst v63  }
0x9d: {  	_ = 	snop  }
0x9e: {  	[tilespmem:s12], [sflag:$0x1] =	stream.indirect.gather [hbm4b:s3+s17], $0x80, s30, s17, $0xb8;
	[tilespmem:$0x1C800] =	vst v63  }
0x9f: {  	_ = 	snop  }
0xa0: {  	[tilespmem:s10], [sflag:$0x1] =	stream.indirect.gather [hbm4b:s3+s17], $0x80, s24, s17, $0xb8;
	[tilespmem:$0x1C800] =	vst v63  }
0xa1: {  	_ = 	snop  }
0xa2: {  	[tilespmem:s19], [sflag:$0x1] =	stream.indirect.gather [hbm4b:s3+s17], $0x80, s31, s17, $0xb8;
	[tilespmem:$0x1C800] =	vst v63  }
0xa3: {  	_ =	swait.ge [sflag:s13], $0x4000  }
0xa4: {  	[sflag:s13] =	ssyncset.done $0x0  }
0xa5: {  	s0 =	rddreg [dreg:$0x6];
	[sflag:s13] =	ssyncadd.s32 $0xFFFFC000  }
0xa6: {  	[hbm4b:s0+s2] =	stream.linear.scatter [tilespmem:s16], [sflag:$0x2], $0x4000, $0x38;
	[tilespmem:$0x1C800] =	vst v63  }
0xa7: {  	_ = 	snop  }
0xa8: {  	[tilespmem:s18], [sflag:$0x1] =	stream.indirect.gather [hbm4b:s3+s17], $0x80, s28, s17, $0xb8;
	[tilespmem:$0x1C800] =	vst v63  }
0xa9: {  	_ =	swait.ge [sflag:s13], $0x4000  }
0xaa: {  	[sflag:s13] =	ssyncset.done $0x0  }
0xab: {  	s0 =	rddreg [dreg:$0x7];
	[sflag:s13] =	ssyncadd.s32 $0xFFFFC000  }
0xac: {  	[hbm4b:s0+s2] =	stream.linear.scatter [tilespmem:s15], [sflag:$0x2], $0x4000, $0x38;
	[tilespmem:$0x1C800] =	vst v63  }
0xad: {  	_ =	swait.ge [sflag:s5], $0x4000  }
0xae: {  	[sflag:s5] =	ssyncset.done $0x0  }
0xaf: {  	[sflag:s5] =	ssyncadd.s32 $0xFFFFC000  }
0xb0: {  	[tilespmem:s16], [sflag:$0x1] =	stream.indirect.gather [hbm4b:s3+s17], $0x80, s25, s17, $0xb8;
	[tilespmem:$0x1C800] =	vst v63  }
0xb1: {  	_ =	swait.ge [sflag:s13], $0x4000  }
0xb2: {  	[sflag:s13] =	ssyncset.done $0x0  }
0xb3: {  	s0 =	rddreg [dreg:$0x8];
	[sflag:s13] =	ssyncadd.s32 $0xFFFFC000  }
0xb4: {  	[hbm4b:s0+s2] =	stream.linear.scatter [tilespmem:s14], [sflag:$0x2], $0x4000, $0x38;
	[tilespmem:$0x1C800] =	vst v63  }
0xb5: {  	_ =	swait.ge [sflag:s5], $0x4000  }
0xb6: {  	[sflag:s5] =	ssyncset.done $0x0  }
0xb7: {  	[sflag:s5] =	ssyncadd.s32 $0xFFFFC000  }
0xb8: {  	[tilespmem:s15], [sflag:$0x1] =	stream.indirect.gather [hbm4b:s3+s17], $0x80, s21, s17, $0xb8;
	[tilespmem:$0x1C800] =	vst v63  }
0xb9: {  	_ =	swait.ge [sflag:s13], $0x4000  }
0xba: {  	[sflag:s13] =	ssyncset.done $0x0  }
0xbb: {  	s0 =	rddreg [dreg:$0x9];
	[sflag:s13] =	ssyncadd.s32 $0xFFFFC000  }
0xbc: {  	[hbm4b:s0+s2] =	stream.linear.scatter [tilespmem:s12], [sflag:$0x2], $0x4000, $0x38;
	[tilespmem:$0x1C800] =	vst v63  }
0xbd: {  	_ =	swait.ge [sflag:s5], $0x4000  }
0xbe: {  	[sflag:s5] =	ssyncset.done $0x0  }
0xbf: {  	[sflag:s5] =	ssyncadd.s32 $0xFFFFC000  }
0xc0: {  	[tilespmem:s14], [sflag:$0x1] =	stream.indirect.gather [hbm4b:s3+s17], $0x80, s23, s17, $0xb8;
	[tilespmem:$0x1C800] =	vst v63  }
0xc1: {  	_ =	swait.ge [sflag:s13], $0x4000  }
0xc2: {  	[sflag:s13] =	ssyncset.done $0x0  }
0xc3: {  	s0 =	rddreg [dreg:$0xa];
	[sflag:s13] =	ssyncadd.s32 $0xFFFFC000  }
0xc4: {  	[hbm4b:s0+s2] =	stream.linear.scatter [tilespmem:s10], [sflag:$0x2], $0x4000, $0x38;
	[tilespmem:$0x1C800] =	vst v63  }
0xc5: {  	_ =	swait.ge [sflag:s5], $0x4000  }
0xc6: {  	[sflag:s5] =	ssyncset.done $0x0  }
0xc7: {  	[sflag:s5] =	ssyncadd.s32 $0xFFFFC000  }
0xc8: {  	[tilespmem:s12], [sflag:$0x1] =	stream.indirect.gather [hbm4b:s3+s17], $0x80, s22, s17, $0xb8;
	[tilespmem:$0x1C800] =	vst v63  }
0xc9: {  	_ =	swait.ge [sflag:s13], $0x4000  }
0xca: {  	[sflag:s13] =	ssyncset.done $0x0  }
0xcb: {  	s0 =	rddreg [dreg:$0xb];
	[sflag:s13] =	ssyncadd.s32 $0xFFFFC000  }
0xcc: {  	[hbm4b:s0+s2] =	stream.linear.scatter [tilespmem:s19], [sflag:$0x2], $0x4000, $0x38;
	[tilespmem:$0x1C800] =	vst v63  }
0xcd: {  	_ =	swait.ge [sflag:s5], $0x4000  }
0xce: {  	[sflag:s5] =	ssyncset.done $0x0  }
0xcf: {  	[sflag:s5] =	ssyncadd.s32 $0xFFFFC000  }
0xd0: {  	[tilespmem:s10], [sflag:$0x1] =	stream.indirect.gather [hbm4b:s3+s17], $0x80, s20, s17, $0xb8;
	[tilespmem:$0x1C800] =	vst v63  }
0xd1: {  	_ =	swait.ge [sflag:s13], $0x4000  }
0xd2: {  	[sflag:s13] =	ssyncset.done $0x0  }
0xd3: {  	[sflag:s13] =	ssyncadd.s32 $0xFFFFC000  }
0xd4: {  	[hbm4b:s11+s2] =	stream.linear.scatter [tilespmem:s18], [sflag:$0x2], $0x4000, $0x38;
	[tilespmem:$0x1C800] =	vst v63  }
0xd5: {  	_ =	swait.ge [sflag:s13], $0x4000  }
0xd6: {  	[sflag:s13] =	ssyncset.done $0x0  }
0xd7: {  	[sflag:s13] =	ssyncadd.s32 $0xFFFFC000  }
0xd8: {  	[hbm4b:s9+s2] =	stream.linear.scatter [tilespmem:s16], [sflag:$0x2], $0x4000, $0x38;
	[tilespmem:$0x1C800] =	vst v63  }
0xd9: {  	_ =	swait.ge [sflag:s13], $0x4000  }
0xda: {  	[sflag:s13] =	ssyncset.done $0x0  }
0xdb: {  	[sflag:s13] =	ssyncadd.s32 $0xFFFFC000  }
0xdc: {  	[hbm4b:s8+s2] =	stream.linear.scatter [tilespmem:s15], [sflag:$0x2], $0x4000, $0x38;
	[tilespmem:$0x1C800] =	vst v63  }
0xdd: {  	_ =	swait.ge [sflag:s13], $0x4000  }
0xde: {  	[sflag:s13] =	ssyncset.done $0x0  }
0xdf: {  	[sflag:s13] =	ssyncadd.s32 $0xFFFFC000  }
0xe0: {  	[hbm4b:s7+s2] =	stream.linear.scatter [tilespmem:s14], [sflag:$0x2], $0x4000, $0x38;
	[tilespmem:$0x1C800] =	vst v63  }
0xe1: {  	_ =	swait.ge [sflag:s13], $0x4000  }
0xe2: {  	[sflag:s13] =	ssyncset.done $0x0  }
0xe3: {  	[sflag:s13] =	ssyncadd.s32 $0xFFFFC000  }
0xe4: {  	[hbm4b:s6+s2] =	stream.linear.scatter [tilespmem:s12], [sflag:$0x2], $0x4000, $0x38;
	[tilespmem:$0x1C800] =	vst v63  }
0xe5: {  	_ =	swait.ge [sflag:s13], $0x4000  }
0xe6: {  	[sflag:s13] =	ssyncset.done $0x0  }
0xe7: {  	[sflag:s13] =	ssyncadd.s32 $0xFFFFC000  }
0xe8: {  	[hbm4b:s4+s2] =	stream.linear.scatter [tilespmem:s10], [sflag:$0x2], $0x4000, $0x38;
	[tilespmem:$0x1C800] =	vst v63  }
0xe9: {  	_ =	swait.ge [sflag:s5], $0x4000  }
0xea: {  	[sflag:s5] =	ssyncset.done $0x0  }
0xeb: {  	[sflag:s5] =	ssyncadd.s32 $0xFFFFC000  }
0xec: {  	_ =	swait.ge [sflag:s5], $0x4000  }
0xed: {  	[sflag:s5] =	ssyncset.done $0x0  }
0xee: {  	[sflag:s5] =	ssyncadd.s32 $0xFFFFC000  }
0xef: {  	_ =	swait.ge [sflag:s5], $0x4000  }
0xf0: {  	[sflag:s5] =	ssyncset.done $0x0  }
0xf1: {  	[sflag:s5] =	ssyncadd.s32 $0xFFFFC000  }
0xf2: {  	_ =	swait.ge [sflag:s5], $0x4000  }
0xf3: {  	[sflag:s5] =	ssyncset.done $0x0  }
0xf4: {  	[sflag:s5] =	ssyncadd.s32 $0xFFFFC000  }
0xf5: {  	_ =	swait.ge [sflag:s5], $0x4000  }
0xf6: {  	[sflag:s5] =	ssyncset.done $0x0  }
0xf7: {  	p1 =	sne.s32 s1, $0x1;
	[sflag:s5] =	ssyncadd.s32 $0xFFFFC000  }
.Ltmp2:
0xf8: {  	_ =	swait.ge [sflag:s5], $0x4000;
	(pc) =	sbr.rel @p1 .LBB2_2-.Ltmp2, $4  }
0xf9: {  	[sflag:s5] =	ssyncset.done $0x0  }
0xfa: {  	[sflag:s5] =	ssyncadd.s32 $0xFFFFC000  }
0xfb: {  	_ =	swait.ge [sflag:s5], $0x4000  }
0xfc: {  	s1 =	sadd.s32 $0xFFFFFFFF, s1;
	s0 =	rddreg [dreg:$0x3];
	[sflag:s5] =	ssyncset.done $0x0  }
.LBB2_3:
0xfd: {  	[sflag:s5] =	ssyncadd.s32 @p0 $0xFFFFC000  }
0xfe: {  	[tilespmem:s2], [sflag:$0x3] =	stream.linear.gather [hbm4b:s0+s2], $0x200, $0x38;
	[tilespmem:$0x1C800] =	vst v63  }
0xff: {  	_ =	swait.ge [sflag:s26], $0x200  }
0x100: {  	[sflag:s26] =	ssyncset.done $0x0  }
0x101: {  	s1 =	rddreg [dreg:$0x4];
	[sflag:s26] =	ssyncadd.s32 $0xFFFFFE00  }
0x102: {  	[tilespmem:s24], [sflag:$0x3] =	stream.linear.gather [hbm4b:s1+s2], $0x200, $0x38;
	[tilespmem:$0x1C800] =	vst v63  }
0x103: {  	_ =	swait.ge [sflag:s26], $0x200  }
0x104: {  	[sflag:s26] =	ssyncset.done $0x0  }
0x105: {  	s1 =	rddreg [dreg:$0x5];
	[sflag:s26] =	ssyncadd.s32 $0xFFFFFE00  }
0x106: {  	[tilespmem:s21], [sflag:$0x3] =	stream.linear.gather [hbm4b:s1+s2], $0x200, $0x38;
	[tilespmem:$0x1C800] =	vst v63  }
0x107: {  	_ =	swait.ge [sflag:s26], $0x200  }
0x108: {  	[sflag:s26] =	ssyncset.done $0x0  }
0x109: {  	[sflag:s26] =	ssyncadd.s32 $0xFFFFFE00  }
0x10a: {  	[tilespmem:s16], [sflag:$0x1] =	stream.indirect.gather [hbm4b:s3+s17], $0x80, s2, s17, $0xb8;
	[tilespmem:$0x1C800] =	vst v63  }
0x10b: {  	_ = 	snop  }
0x10c: {  	[tilespmem:s15], [sflag:$0x1] =	stream.indirect.gather [hbm4b:s3+s17], $0x80, s17, s17, $0xb8;
	[tilespmem:$0x1C800] =	vst v63  }
0x10d: {  	_ = 	snop  }
0x10e: {  	[tilespmem:s14], [sflag:$0x1] =	stream.indirect.gather [hbm4b:s3+s17], $0x80, s29, s17, $0xb8;
	[tilespmem:$0x1C800] =	vst v63  }
0x10f: {  	_ = 	snop  }
0x110: {  	[tilespmem:s12], [sflag:$0x1] =	stream.indirect.gather [hbm4b:s3+s17], $0x80, s30, s17, $0xb8;
	[tilespmem:$0x1C800] =	vst v63  }
0x111: {  	_ = 	snop  }
0x112: {  	[tilespmem:s10], [sflag:$0x1] =	stream.indirect.gather [hbm4b:s3+s17], $0x80, s24, s17, $0xb8;
	[tilespmem:$0x1C800] =	vst v63  }
0x113: {  	_ = 	snop  }
0x114: {  	[tilespmem:s19], [sflag:$0x1] =	stream.indirect.gather [hbm4b:s3+s17], $0x80, s31, s17, $0xb8;
	[tilespmem:$0x1C800] =	vst v63  }
0x115: {  	_ =	swait.ge [sflag:s13], $0x4000  }
0x116: {  	[sflag:s13] =	ssyncset.done $0x0  }
0x117: {  	s1 =	rddreg [dreg:$0x6];
	[sflag:s13] =	ssyncadd.s32 $0xFFFFC000  }
0x118: {  	[hbm4b:s1+s2] =	stream.linear.scatter [tilespmem:s16], [sflag:$0x2], $0x4000, $0x38;
	[tilespmem:$0x1C800] =	vst v63  }
0x119: {  	_ = 	snop  }
0x11a: {  	[tilespmem:s18], [sflag:$0x1] =	stream.indirect.gather [hbm4b:s3+s17], $0x80, s28, s17, $0xb8;
	[tilespmem:$0x1C800] =	vst v63  }
0x11b: {  	_ =	swait.ge [sflag:s13], $0x4000  }
0x11c: {  	[sflag:s13] =	ssyncset.done $0x0  }
0x11d: {  	s24 =	rddreg [dreg:$0x7];
	[sflag:s13] =	ssyncadd.s32 $0xFFFFC000  }
0x11e: {  	[hbm4b:s24+s2] =	stream.linear.scatter [tilespmem:s15], [sflag:$0x2], $0x4000, $0x38;
	[tilespmem:$0x1C800] =	vst v63  }
0x11f: {  	_ =	swait.ge [sflag:s5], $0x4000  }
0x120: {  	[sflag:s5] =	ssyncset.done $0x0  }
0x121: {  	[sflag:s5] =	ssyncadd.s32 $0xFFFFC000  }
0x122: {  	[tilespmem:s16], [sflag:$0x1] =	stream.indirect.gather [hbm4b:s3+s17], $0x80, s25, s17, $0xb8;
	[tilespmem:$0x1C800] =	vst v63  }
0x123: {  	_ =	swait.ge [sflag:s13], $0x4000  }
0x124: {  	[sflag:s13] =	ssyncset.done $0x0  }
0x125: {  	s26 =	rddreg [dreg:$0x8];
	[sflag:s13] =	ssyncadd.s32 $0xFFFFC000  }
0x126: {  	[hbm4b:s26+s2] =	stream.linear.scatter [tilespmem:s14], [sflag:$0x2], $0x4000, $0x38;
	[tilespmem:$0x1C800] =	vst v63  }
0x127: {  	_ =	swait.ge [sflag:s5], $0x4000  }
0x128: {  	[sflag:s5] =	ssyncset.done $0x0  }
0x129: {  	[sflag:s5] =	ssyncadd.s32 $0xFFFFC000  }
0x12a: {  	[tilespmem:s15], [sflag:$0x1] =	stream.indirect.gather [hbm4b:s3+s17], $0x80, s21, s17, $0xb8;
	[tilespmem:$0x1C800] =	vst v63  }
0x12b: {  	_ =	swait.ge [sflag:s13], $0x4000  }
0x12c: {  	[sflag:s13] =	ssyncset.done $0x0  }
0x12d: {  	s28 =	rddreg [dreg:$0x9];
	[sflag:s13] =	ssyncadd.s32 $0xFFFFC000  }
0x12e: {  	[hbm4b:s28+s2] =	stream.linear.scatter [tilespmem:s12], [sflag:$0x2], $0x4000, $0x38;
	[tilespmem:$0x1C800] =	vst v63  }
0x12f: {  	_ =	swait.ge [sflag:s5], $0x4000  }
0x130: {  	[sflag:s5] =	ssyncset.done $0x0  }
0x131: {  	[sflag:s5] =	ssyncadd.s32 $0xFFFFC000  }
0x132: {  	[tilespmem:s14], [sflag:$0x1] =	stream.indirect.gather [hbm4b:s3+s17], $0x80, s23, s17, $0xb8;
	[tilespmem:$0x1C800] =	vst v63  }
0x133: {  	_ =	swait.ge [sflag:s13], $0x4000  }
0x134: {  	[sflag:s13] =	ssyncset.done $0x0  }
0x135: {  	s29 =	rddreg [dreg:$0xa];
	[sflag:s13] =	ssyncadd.s32 $0xFFFFC000  }
0x136: {  	[hbm4b:s29+s2] =	stream.linear.scatter [tilespmem:s10], [sflag:$0x2], $0x4000, $0x38;
	[tilespmem:$0x1C800] =	vst v63  }
0x137: {  	_ =	swait.ge [sflag:s5], $0x4000  }
0x138: {  	[sflag:s5] =	ssyncset.done $0x0  }
0x139: {  	[sflag:s5] =	ssyncadd.s32 $0xFFFFC000  }
0x13a: {  	[tilespmem:s12], [sflag:$0x1] =	stream.indirect.gather [hbm4b:s3+s17], $0x80, s22, s17, $0xb8;
	[tilespmem:$0x1C800] =	vst v63  }
0x13b: {  	_ =	swait.ge [sflag:s13], $0x4000  }
0x13c: {  	[sflag:s13] =	ssyncset.done $0x0  }
0x13d: {  	s30 =	rddreg [dreg:$0xb];
	[sflag:s13] =	ssyncadd.s32 $0xFFFFC000  }
0x13e: {  	[hbm4b:s30+s2] =	stream.linear.scatter [tilespmem:s19], [sflag:$0x2], $0x4000, $0x38;
	[tilespmem:$0x1C800] =	vst v63  }
0x13f: {  	_ =	swait.ge [sflag:s5], $0x4000  }
0x140: {  	[sflag:s5] =	ssyncset.done $0x0  }
0x141: {  	[sflag:s5] =	ssyncadd.s32 $0xFFFFC000  }
0x142: {  	[tilespmem:s10], [sflag:$0x1] =	stream.indirect.gather [hbm4b:s3+s17], $0x80, s20, s17, $0xb8;
	[tilespmem:$0x1C800] =	vst v63  }
0x143: {  	_ =	swait.ge [sflag:s13], $0x4000  }
0x144: {  	[sflag:s13] =	ssyncset.done $0x0  }
0x145: {  	[sflag:s13] =	ssyncadd.s32 $0xFFFFC000  }
0x146: {  	[hbm4b:s11+s2] =	stream.linear.scatter [tilespmem:s18], [sflag:$0x2], $0x4000, $0x38;
	[tilespmem:$0x1C800] =	vst v63  }
0x147: {  	_ =	swait.ge [sflag:s13], $0x4000  }
0x148: {  	[sflag:s13] =	ssyncset.done $0x0  }
0x149: {  	[sflag:s13] =	ssyncadd.s32 $0xFFFFC000  }
0x14a: {  	[hbm4b:s9+s2] =	stream.linear.scatter [tilespmem:s16], [sflag:$0x2], $0x4000, $0x38;
	[tilespmem:$0x1C800] =	vst v63  }
0x14b: {  	_ =	swait.ge [sflag:s13], $0x4000  }
0x14c: {  	[sflag:s13] =	ssyncset.done $0x0  }
0x14d: {  	[sflag:s13] =	ssyncadd.s32 $0xFFFFC000  }
0x14e: {  	[hbm4b:s8+s2] =	stream.linear.scatter [tilespmem:s15], [sflag:$0x2], $0x4000, $0x38;
	[tilespmem:$0x1C800] =	vst v63  }
0x14f: {  	_ =	swait.ge [sflag:s13], $0x4000  }
0x150: {  	[sflag:s13] =	ssyncset.done $0x0  }
0x151: {  	[sflag:s13] =	ssyncadd.s32 $0xFFFFC000  }
0x152: {  	[hbm4b:s7+s2] =	stream.linear.scatter [tilespmem:s14], [sflag:$0x2], $0x4000, $0x38;
	[tilespmem:$0x1C800] =	vst v63  }
0x153: {  	_ =	swait.ge [sflag:s13], $0x4000  }
0x154: {  	[sflag:s13] =	ssyncset.done $0x0  }
0x155: {  	[sflag:s13] =	ssyncadd.s32 $0xFFFFC000  }
0x156: {  	[hbm4b:s6+s2] =	stream.linear.scatter [tilespmem:s12], [sflag:$0x2], $0x4000, $0x38;
	[tilespmem:$0x1C800] =	vst v63  }
0x157: {  	_ =	swait.ge [sflag:s13], $0x4000  }
0x158: {  	[sflag:s13] =	ssyncset.done $0x0  }
0x159: {  	[sflag:s13] =	ssyncadd.s32 $0xFFFFC000  }
0x15a: {  	[hbm4b:s4+s2] =	stream.linear.scatter [tilespmem:s10], [sflag:$0x2], $0x4000, $0x38;
	[tilespmem:$0x1C800] =	vst v63  }
0x15b: {  	_ =	swait.ge [sflag:s5], $0x4000  }
0x15c: {  	[sflag:s5] =	ssyncset.done $0x0  }
0x15d: {  	[sflag:s5] =	ssyncadd.s32 $0xFFFFC000  }
0x15e: {  	_ =	swait.ge [sflag:s5], $0x4000  }
0x15f: {  	[sflag:s5] =	ssyncset.done $0x0  }
0x160: {  	[sflag:s5] =	ssyncadd.s32 $0xFFFFC000  }
0x161: {  	_ =	swait.ge [sflag:s5], $0x4000  }
0x162: {  	[sflag:s5] =	ssyncset.done $0x0  }
0x163: {  	[sflag:s5] =	ssyncadd.s32 $0xFFFFC000  }
0x164: {  	_ =	swait.ge [sflag:s5], $0x4000  }
0x165: {  	[sflag:s5] =	ssyncset.done $0x0  }
0x166: {  	[sflag:s5] =	ssyncadd.s32 $0xFFFFC000  }
0x167: {  	_ =	swait.ge [sflag:s5], $0x4000  }
0x168: {  	[sflag:s5] =	ssyncset.done $0x0  }
0x169: {  	[sflag:s5] =	ssyncadd.s32 $0xFFFFC000  }
0x16a: {  	_ =	swait.ge [sflag:s5], $0x4000  }
0x16b: {  	[sflag:s5] =	ssyncset.done $0x0  }
0x16c: {  	[sflag:s5] =	ssyncadd.s32 $0xFFFFC000  }
0x16d: {  	_ =	swait.ge [sflag:s5], $0x4000  }
0x16e: {  	[sflag:s5] =	ssyncset.done $0x0  }
0x16f: {  	[sflag:s5] =	ssyncadd.s32 $0xFFFFC000  }
0x170: {  	_ =	sfence.sel $0x180000  }
0x171: {  	[bflag:$0x0] =	sbarrier.arrive $0xFFFF  }
0x172: {  	_ =	strace $0x9000004A  }
0x173: {  	s31 =	stileid.u32;
	[bflag:$0x2] =	sbarrier.arrive $0xFFFF  }
0x174: {  	p0 =	sne.s32 s31, $0x0;
	s0 =	rddreg [dreg:$0x2]  }
0x175: {  	s0 =	sadd.s32 @!p0 $0x100000, s0  }
0x176: {  	[sflag:s0] =	ssyncadd.tile.s32 @!p0 $0x1;
	_ =	shalt  }
.Lfunc_end2:
_tile_overlayer_lowered:
.L_overlay_start_2:
0x177: {  	(tag) =	ssettag $0x2  }
0x178: {  	s0 =	rddreg [dreg:$0x0];
	s2 =	stileid.u32  }
0x179: {  	s1 =	rddreg [dreg:$0x1];
	p0 =	sne.s32 s2, $0x0  }
0x17a: {  	s3 =	rddreg [dreg:$0x2];
	[bflag:$0x3] =	sbarrier.arrive $0xFFFF;
	s2 =	simm.s32 @!p0 $0x1C03  }
0x17b: {  	[timem:s3], [sflag:s2] =	dma.local @!p0 [hbm:s0], s1  }
0x17c: {  	s0 =	simm.s32 @!p0 $0x3  }
0x17d: {  	_ =	swait.ge @!p0 [sflag:s0], s1  }
0x17e: {  	s1 =	ssub.s32 @!p0 $0x0, s1;
	[sflag:s0] =	ssyncset.done @!p0 $0x0  }
0x17f: {  	[sflag:s0] =	ssyncadd.s32 @!p0 s1  }
0x180: {  	[bflag:$0x3] =	sbarrier.arrive $0xFFFF  }
0x181: {  	_ =	shalt  }

// kernel: kernel.14.cloned.1.call-start
scs
__scs_entry_jumppad:
0x0: {  	(pc) =	sbr.rel $0x88, $3  }
0x1: {  	(tag) =	ssettag $0x0;
	lr =	simm.s32 $0x1  }
0x2: {  	[smem:$0x3F8F] =	sst lr;
	_ =	strace $0xD0000000  }
0x3: {  	_ = 	snop  }
0x4: {  	_ = 	snop  }
0x5: {  	_ = 	snop  }
0x6: {  	_ = 	snop  }
0x7: {  	_ = 	snop  }
__scs_overlays_trampoline_lowered:
0x8: {  	[smem:$0x3F9E] =	sst s0  }
0x9: {  	[smem:$0x3F9F] =	sst s1  }
0xa: {  	[smem:$0x3FA0] =	sst s2  }
0xb: {  	[smem:$0x3FA1] =	sst s3  }
0xc: {  	[smem:$0x3FA2] =	sst s4  }
0xd: {  	[smem:$0x3FA3] =	sst s5  }
0xe: {  	[smem:$0x3FA4] =	sst s6  }
0xf: {  	[smem:$0x3FA5] =	sst s7  }
0x10: {  	[smem:$0x3FA6] =	sst s8  }
0x11: {  	[smem:$0x3FA7] =	sst s9;
	s0 =	simm.s32 @!p0 $0x0  }
0x12: {  	s1 =	sld [smem:$0x3F8D];
	s0 =	simm.s32 @p0 $0x1  }
0x13: {  	[smem:$0x3FA8] =	sst s0;
	s0 =	simm.s32 @!p1 $0x0  }
0x14: {  	s2 =	sld [smem:$0x3F8C];
	s0 =	simm.s32 @p1 $0x1  }
0x15: {  	[smem:$0x3FA9] =	sst s0;
	s0 =	simm.s32 @!p2 $0x0  }
0x16: {  	s3 =	sld [smem:$0x3FDB];
	s0 =	simm.s32 @p2 $0x1  }
0x17: {  	s4 =	simm.s32 $0x1BF5;
	[smem:$0x3FAB] =	sst s0  }
0x18: {  	s0 =	sld [smem:$0x3F8E];
	_ =	swait.ge [sflag:s4], $0x0  }
0x19: {  	s7 =	sld [smem:$0x3F8F]  }
0x1a: {  	s8 =	sadd.s32 $0xFFFFE003, lr  }
0x1b: {  	s9 =	sadd.s32 $0xFFFFFEF7, lr;
	s5 =	simm.s32 $0xFFFFFFFF;
	p2 =	slt.u32 s8, $0xFFFFF086  }
0x1c: {  	p1 =	slt.u32 s9, $0xF7A;
	s5 =	simm.s32 @!p2 $0x0  }
0x1d: {  	s5 =	simm.s32 @p1 $0x1;
	p0 =	seq.s32 s7, s2  }
0x1e: {  	s7 =	smul.u32 @!p0 $0xF7A, s2;
	p2 =	seq.s32 @!p0 s5, $0x0  }
0x1f: {  	s9 =	smul.u32 $0xF7A, s1;
	s8 =	simm.s32 @!p0 $0x1BF5;
	p2 =	por !p2, p0  }
0x20: {  	[sflag:s8] =	ssyncset.s32 @!p0 $0xFFFFF086;
	s6 =	sadd.s32 @!p0 s3, s7;
	s7 =	simm.s32 @!p0 $0x108  }
0x21: {  	s3 =	sadd.s32 s3, s9;
	s6 =	sadd.s32 @!p0 $0x88, s6;
	s7 =	simm.s32 @p2 $0x1082  }
0x22: {  	[simem:s7], [sflag:s8] =	dma.local @!p0 [hbm:s6], $0xF7A  }
0x23: {  	s9 =	sor.u32 $0xD0000000, s2;
	s6 =	simm.s32 $0x108;
	_ =	swait.ge @!p0 [sflag:s8], $0x0  }
0x24: {  	s3 =	sadd.s32 $0x88, s3;
	s6 =	simm.s32 @!p1 $0x1082;
	[sflag:s4] =	ssyncset.s32 $0xFFFFF086  }
0x25: {  	[simem:s6], [sflag:s4] =	dma.local [hbm:s3], $0xF7A  }
0x26: {  	[smem:$0x3F8F] =	sst s1;
	(tag) =	ssettag s2;
	_ =	strace s9  }
0x27: {  	s1 =	sld [smem:$0x3F9F]  }
0x28: {  	s2 =	sld [smem:$0x3FA0]  }
0x29: {  	s4 =	sld [smem:$0x3FA2]  }
0x2a: {  	p0 =	seq.s32 s5, $0x0;
	s5 =	sld [smem:$0x3FA3]  }
0x2b: {  	s6 =	sld [smem:$0x3FA4]  }
0x2c: {  	s7 =	sld [smem:$0x3FA5]  }
0x2d: {  	s3 =	simm.s32 $0x108;
	s8 =	sld [smem:$0x3FA6]  }
0x2e: {  	s3 =	simm.s32 @!p0 $0x1082;
	s9 =	sld [smem:$0x3FA7]  }
0x2f: {  	lr =	sadd.s32 s0, s3;
	s0 =	sld [smem:$0x3F9E]  }
0x30: {  	s3 =	sld [smem:$0x3FA1]  }
0x31: {  	[smem:$0x3FAA] =	sst s10  }
0x32: {  	s10 =	sld [smem:$0x3FA8];
	_ =	sdelay $0x3  }
0x33: {  	p0 =	seq.s32 s10, $0x1;
	s10 =	sld [smem:$0x3FAA];
	_ =	sdelay $0x3  }
0x34: {  	[smem:$0x3FAA] =	sst s10  }
0x35: {  	s10 =	sld [smem:$0x3FA9];
	_ =	sdelay $0x3  }
0x36: {  	p1 =	seq.s32 s10, $0x1;
	s10 =	sld [smem:$0x3FAA];
	_ =	sdelay $0x3  }
0x37: {  	[smem:$0x3FAA] =	sst s10  }
0x38: {  	s10 =	sld [smem:$0x3FAB]  }
0x39: {  	_ = 	snop;
	(pc) =	sbr.ind lr, $3  }
0x3a: {  	_ = 	snop  }
0x3b: {  	_ = 	snop  }
0x3c: {  	p2 =	seq.s32 s10, $0x1;
	s10 =	sld [smem:$0x3FAA]  }
0x3d: {  	_ =	shalt  }
0x3e: {  	_ =	shalt  }
0x3f: {  	_ =	shalt  }
0x40: {  	_ =	shalt  }
0x41: {  	_ =	shalt  }
0x42: {  	_ =	shalt  }
0x43: {  	_ =	shalt  }
0x44: {  	_ =	shalt  }
0x45: {  	_ =	shalt  }
0x46: {  	_ =	shalt  }
0x47: {  	_ =	shalt  }
0x48: {  	_ =	shalt  }
0x49: {  	_ =	shalt  }
0x4a: {  	_ =	shalt  }
0x4b: {  	_ =	shalt  }
0x4c: {  	_ =	shalt  }
0x4d: {  	_ =	shalt  }
0x4e: {  	_ =	shalt  }
0x4f: {  	_ =	shalt  }
0x50: {  	_ =	shalt  }
0x51: {  	_ =	shalt  }
0x52: {  	_ =	shalt  }
0x53: {  	_ =	shalt  }
0x54: {  	_ =	shalt  }
0x55: {  	_ =	shalt  }
0x56: {  	_ =	shalt  }
0x57: {  	_ =	shalt  }
0x58: {  	_ =	shalt  }
0x59: {  	_ =	shalt  }
0x5a: {  	_ =	shalt  }
0x5b: {  	_ =	shalt  }
0x5c: {  	_ =	shalt  }
0x5d: {  	_ =	shalt  }
0x5e: {  	_ =	shalt  }
0x5f: {  	_ =	shalt  }
0x60: {  	_ =	shalt  }
0x61: {  	_ =	shalt  }
0x62: {  	_ =	shalt  }
0x63: {  	_ =	shalt  }
0x64: {  	_ =	shalt  }
0x65: {  	_ =	shalt  }
0x66: {  	_ =	shalt  }
0x67: {  	_ =	shalt  }
0x68: {  	_ =	shalt  }
0x69: {  	_ =	shalt  }
0x6a: {  	_ =	shalt  }
0x6b: {  	_ =	shalt  }
0x6c: {  	_ =	shalt  }
0x6d: {  	_ =	shalt  }
0x6e: {  	_ =	shalt  }
0x6f: {  	_ =	shalt  }
0x70: {  	_ =	shalt  }
0x71: {  	_ =	shalt  }
0x72: {  	_ =	shalt  }
0x73: {  	_ =	shalt  }
0x74: {  	_ =	shalt  }
0x75: {  	_ =	shalt  }
0x76: {  	_ =	shalt  }
0x77: {  	_ =	shalt  }
0x78: {  	_ =	shalt  }
0x79: {  	_ =	shalt  }
0x7a: {  	_ =	shalt  }
0x7b: {  	_ =	shalt  }
0x7c: {  	_ =	shalt  }
0x7d: {  	_ =	shalt  }
0x7e: {  	_ =	shalt  }
0x7f: {  	_ =	shalt  }
0x80: {  	_ =	shalt  }
0x81: {  	_ =	shalt  }
0x82: {  	_ =	shalt  }
0x83: {  	_ =	shalt  }
0x84: {  	_ =	shalt  }
0x85: {  	_ =	shalt  }
0x86: {  	_ =	shalt  }
0x87: {  	_ =	shalt  }
.Lfunc_end0:
.L_simem_size_0:
called_computation.2_lowered:
.L_overlay_start_0:
0x88: {  	s2 =	sld [smem:$0x3FD9]  }
0x89: {  	s3 =	sld [smem:$0x3FFE];
	_ =	sdelay $0x1  }
0x8a: {  	s1 =	srdreg.scid  }
0x8b: {  	s0 =	sand.u32 $0x1, s1  }
0x8c: {  	s17 =	sshll.u32 s0, $0xA;
	s2 =	sadd.s32 s3, s2  }
0x8d: {  	s2 =	sadd.s32 s2, s17  }
0x8e: {  	[smem:$0x3FB6] =	sst s2  }
0x8f: {  	_ = 	snop  }
0x90: {  	s18 =	sld [smem:$0x3FC9];
	(tm) =	ssettm $0x1  }
0x91: {  	s19 =	sld [smem:$0x3FFB];
	_ =	sdelay $0x3  }
0x92: {  	_ =	strace s19  }
0x93: {  	s2 =	sld [smem:$0x3FFC];
	_ =	sdelay $0x3  }
0x94: {  	_ =	strace s2  }
0x95: {  	s2 =	sld [smem:$0x3FFD];
	_ =	sdelay $0x3  }
0x96: {  	_ =	strace s2  }
0x97: {  	_ =	strace $0x8FFFFFFF  }
0x98: {  	s20 =	sld [smem:$0x3FDB];
	_ =	sdelay $0x1  }
0x99: {  	s4 =	simm.s32 $_scs_section_size  }
0x9a: {  	s5 =	simm.s32 $_size__tile_overlayer_lowered;
	s6 =	simm.s32 $_tile_overlayer_lowered  }
0x9b: {  	s7 =	simm.s32 $0x1BFF;
	s21 =	sshll.u32 s6, $0x1;
	s4 =	sadd.s32 s4, s20  }
0x9c: {  	s22 =	simm.s32 $0x0;
	s5 =	sshll.u32 s5, $0x1;
	s6 =	sadd.s32 s21, s4  }
0x9d: {  	[timem:s22], [sflag:s7] =	dma.local [hbm:s6], s5  }
0x9e: {  	_ =	swait.ge [sflag:s7], s5  }
0x9f: {  	s5 =	ssub.s32 $0x0, s5;
	[sflag:s7] =	ssyncset.done $0x0  }
0xa0: {  	[sflag:s7] =	ssyncadd.s32 s5;
	_ =	sdelay $0x1  }
0xa1: {  	s23 =	simm.s32 $0x1B8B  }
0xa2: {  	_ =	swait.ge [sflag:s23], $0x1  }
0xa3: {  	[sflag:s23] =	ssyncset.done $0x0  }
0xa4: {  	[sflag:s23] =	ssyncadd.s32 $0xFFFFFFFF  }
0xa5: {  	s5 =	sld [smem:$0x0]  }
0xa6: {  	s6 =	sand.u32 $0xFFFFFFFE, s1  }
0xa7: {  	p0 =	sne.s32 s1, s6  }
0xa8: {  	s6 =	sshll.u32 @p0 s6, $0xE  }
0xa9: {  	s6 =	sadd.s32 @p0 $0x11B8D, s6;
	s7 =	sshll.u32 @p0 s5, $0x11  }
0xaa: {  	s6 =	sor.u32 @p0 s7, s6  }
0xab: {  	[sflag:s6] =	ssyncadd.remote.s32 @p0 $0x1;
	_ =	sdelay $0x1  }
0xac: {  	s6 =	simm.s32 @p0 $0x1B8D  }
0xad: {  	_ =	swait.eq @p0 [sflag:s6], $0x1  }
0xae: {  	[sflag:s6] =	ssyncadd.s32 @p0 $0xFFFFFFFF  }
0xaf: {  	s7 =	sshll.u32 @!p0 s1, $0xE  }
0xb0: {  	s7 =	sor.u32 @!p0 $0x4000, s7;
	s6 =	simm.s32 @!p0 $0x1B8D  }
0xb1: {  	s5 =	sshll.u32 @!p0 s5, $0x11;
	s7 =	sadd.s32 @!p0 $0x11B8D, s7;
	_ =	swait.eq @!p0 [sflag:s6], $0x1  }
0xb2: {  	s5 =	sor.u32 @!p0 s5, s7;
	[sflag:s6] =	ssyncadd.s32 @!p0 $0xFFFFFFFF  }
0xb3: {  	s25 =	simm.s32 $0x1B8E;
	s24 =	sld [smem:$0x3FFE];
	[sflag:s5] =	ssyncadd.remote.s32 @!p0 $0x1  }
0xb4: {  	s26 =	simm.s32 $execute0_lowered;
	[smem:$0x3FD2] =	sst s25  }
0xb5: {  	s6 =	sshll.u32 s26, $0x1;
	_ =	strace $0x8000004C;
	[dreg:$0x1] =	wrdreg $0xFFFFFFFF  }
0xb6: {  	s28 =	simm.s32 $_size_execute0_lowered;
	s4 =	sadd.s32 s4, s6;
	[dreg:$0x0] =	wrdreg $0x0  }
0xb7: {  	s6 =	sshll.u32 s28, $0x1;
	[dreg:$0x2] =	wrdreg s4  }
0xb8: {  	[dreg:$0x3] =	wrdreg s6  }
0xb9: {  	[dreg:$0x4] =	wrdreg $0xC0  }
0xba: {  	_ =	task [dreg:s22], $0x5FFFF  }
0xbb: {  	[dreg:$0x1] =	wrdreg $0xFFFFFFFF  }
0xbc: {  	[dreg:$0x0] =	wrdreg $0x60  }
0xbd: {  	[dreg:$0x2] =	wrdreg s18  }
0xbe: {  	[dreg:$0x3] =	wrdreg s24  }
0xbf: {  	[dreg:$0x4] =	wrdreg $0xB  }
0xc0: {  	_ =	task.clear_ibuf [dreg:s22], $0x5FFFF;
	_ =	strace $0x9000004C  }
0xc1: {  	s29 =	simm.s32 $0xB;
	_ =	strace $0x8000004E  }
0xc2: {  	_ =	swait.ge [sflag:s29], $0x1  }
0xc3: {  	[sflag:s29] =	ssyncadd.s32 $0xFFFFFFFF  }
0xc4: {  	_ =	strace $0x9000004E  }
0xc5: {  	_ =	sfence  }
0xc6: {  	s30 =	sld [smem:$0x0];
	_ =	sdelay $0x2  }
0xc7: {  	s31 =	sshll.u32 s1, $0xD;
	s1 =	sshrl.u32 s1, $0x2  }
0xc8: {  	s4 =	sand.u32 $0x4000, s31;
	s1 =	sadd.s32 s1, s30  }
0xc9: {  	s0 =	sor.u32 s4, s0;
	s1 =	sshll.u32 s1, $0x11  }
0xca: {  	s0 =	sor.u32 s1, s0  }
0xcb: {  	s0 =	sadd.s32 $0x8F2B, s0  }
0xcc: {  	[sflag:s0] =	ssyncadd.remote.s32 $0x1  }
0xcd: {  	_ =	sfence.sel $0xFFFF  }
0xce: {  	[dreg:$0x0] =	wrdreg $0xFFFFFFFF;
	(pc) =	sbr.abs _section_cstart, $3  }
0xcf: {  	[dreg:$0x1] =	wrdreg $0xFFFFFFFF  }
0xd0: {  	_ =	task.clear_ibuf [dreg:s22], $0x2FFFF;
	_ =	strace $0x9FFFFFFF  }
0xd1: {  	(tm) =	ssettm $0x7FFFFFFF  }
tec
execute0_lowered:
.L_overlay_start_1:
0x0: {  	(tag) =	ssettag $0x1  }
0x1: {  	s1 =	srdreg.scid;
	s0 =	stileid.u32  }
0x2: {  	s1 =	sand.u32 $0x1, s1;
	s3 =	sshll.u32 s0, $0x1  }
0x3: {  	s2 =	rddreg [dreg:$0x0];
	s19 =	sor.u32 s1, s3  }
0x4: {  	s29 =	rddreg [dreg:$0x1];
	s4 =	sshll.u32 s19, $0x6  }
0x5: {  	[dreg:$0x6] =	wrdreg s1;
	s3 =	simm.s32 $0x0;
	s4 =	sadd.s32 s4, s29  }
0x6: {  	[smem:$0x7FF] =	sst s3;
	s5 =	sadd.s32 $0x1E9E00, s4  }
0x7: {  	_ =	strace $0x8000004D;
	s26 =	sadd.s32 $0x1EA600, s4;
	[dreg:$0x3] =	wrdreg s5  }
0x8: {  	s4 =	sadd.s32 $0x1EAE00, s4;
	[dreg:$0x4] =	wrdreg s26  }
0x9: {  	[dreg:$0x5] =	wrdreg s4  }
0xa: {  	s4 =	simm.s32 $0x3;
	s6 =	rddreg [dreg:$0x3]  }
0xb: {  	[tilespmem:s3], [sflag:$0x3] =	stream.linear.gather [hbm4b:s6+s3], $0x180, $0x38;
	[tilespmem:$0x1C800] =	vst v63  }
0xc: {  	_ =	swait.ge [sflag:s4], $0x180  }
0xd: {  	[sflag:s4] =	ssyncset.done $0x0  }
0xe: {  	s5 =	simm.s32 $0x180;
	s0 =	rddreg [dreg:$0x4];
	[sflag:s4] =	ssyncadd.s32 $0xFFFFFE80  }
0xf: {  	[tilespmem:s5], [sflag:$0x3] =	stream.linear.gather [hbm4b:s0+s3], $0x180, $0x38;
	[tilespmem:$0x1C800] =	vst v63  }
0x10: {  	_ =	swait.ge [sflag:s4], $0x180  }
0x11: {  	[sflag:s4] =	ssyncset.done $0x0  }
0x12: {  	s6 =	simm.s32 $0x300;
	s7 =	rddreg [dreg:$0x5];
	[sflag:s4] =	ssyncadd.s32 $0xFFFFFE80  }
0x13: {  	[tilespmem:s6], [sflag:$0x3] =	stream.linear.gather [hbm4b:s7+s3], $0x180, $0x38;
	[tilespmem:$0x1C800] =	vst v63  }
0x14: {  	_ =	swait.ge [sflag:s4], $0x180  }
0x15: {  	[sflag:s4] =	ssyncset.done $0x0  }
0x16: {  	s8 =	simm.s32 $0x800;
	s7 =	simm.s32 $0x80;
	[sflag:s4] =	ssyncadd.s32 $0xFFFFFE80  }
0x17: {  	[tilespmem:s8], [sflag:$0x1] =	stream.indirect.gather [hbm4b:s2+s7], $0x80, s3, s7, $0xb8;
	[tilespmem:$0x1C800] =	vst v63  }
0x18: {  	s9 =	simm.s32 $0x4800  }
0x19: {  	[tilespmem:s9], [sflag:$0x1] =	stream.indirect.gather [hbm4b:s2+s7], $0x80, s7, s7, $0xb8;
	[tilespmem:$0x1C800] =	vst v63  }
0x1a: {  	s10 =	simm.s32 $0x100;
	s11 =	simm.s32 $0x8800  }
0x1b: {  	[tilespmem:s11], [sflag:$0x1] =	stream.indirect.gather [hbm4b:s2+s7], $0x80, s10, s7, $0xb8;
	[tilespmem:$0x1C800] =	vst v63  }
0x1c: {  	s12 =	simm.s32 $0xC800  }
0x1d: {  	[tilespmem:s12], [sflag:$0x1] =	stream.indirect.gather [hbm4b:s2+s7], $0x80, s5, s7, $0xb8;
	[tilespmem:$0x1C800] =	vst v63  }
0x1e: {  	s13 =	simm.s32 $0x200;
	s14 =	simm.s32 $0x10800  }
0x1f: {  	[tilespmem:s14], [sflag:$0x1] =	stream.indirect.gather [hbm4b:s2+s7], $0x80, s13, s7, $0xb8;
	[tilespmem:$0x1C800] =	vst v63  }
0x20: {  	s15 =	simm.s32 $0x280;
	s16 =	simm.s32 $0x14800;
	s17 =	simm.s32 $0x1  }
0x21: {  	[tilespmem:s16], [sflag:$0x1] =	stream.indirect.gather [hbm4b:s2+s7], $0x80, s15, s7, $0xb8;
	[tilespmem:$0x1C800] =	vst v63  }
0x22: {  	s30 =	smul.u32 $0x1800, s19;
	_ =	swait.ge [sflag:s17], $0x4000  }
0x23: {  	s23 =	sadd.s32 $0x1EB600, s29;
	[sflag:s17] =	ssyncset.done $0x0  }
0x24: {  	s18 =	sadd.s32 s23, s30;
	[sflag:s17] =	ssyncadd.s32 $0xFFFFC000  }
0x25: {  	[hbm4b:s18+s3] =	stream.linear.scatter [tilespmem:s8], [sflag:$0x2], $0x4000, $0x38;
	[tilespmem:$0x1C800] =	vst v63  }
0x26: {  	s20 =	smul.u32 $0xC000, s19;
	s19 =	simm.s32 $0x18800  }
0x27: {  	[tilespmem:s19], [sflag:$0x1] =	stream.indirect.gather [hbm4b:s2+s7], $0x80, s6, s7, $0xb8;
	[tilespmem:$0x1C800] =	vst v63  }
0x28: {  	s24 =	sshrl.u32 s20, $0x3;
	_ =	swait.ge [sflag:s17], $0x4000  }
0x29: {  	s31 =	sadd.s32 $0x800, s24;
	[sflag:s17] =	ssyncset.done $0x0  }
0x2a: {  	s20 =	simm.s32 $0x2;
	s21 =	sadd.s32 s23, s31;
	[sflag:s17] =	ssyncadd.s32 $0xFFFFC000  }
0x2b: {  	[hbm4b:s21+s3] =	stream.linear.scatter [tilespmem:s9], [sflag:$0x2], $0x4000, $0x38;
	[tilespmem:$0x1C800] =	vst v63  }
0x2c: {  	_ =	swait.ge [sflag:s20], $0x4000  }
0x2d: {  	[sflag:s20] =	ssyncset.done $0x0  }
0x2e: {  	s22 =	simm.s32 $0x380;
	[sflag:s20] =	ssyncadd.s32 $0xFFFFC000  }
0x2f: {  	[tilespmem:s8], [sflag:$0x1] =	stream.indirect.gather [hbm4b:s2+s7], $0x80, s22, s7, $0xb8;
	[tilespmem:$0x1C800] =	vst v63  }
0x30: {  	_ =	swait.ge [sflag:s17], $0x4000  }
0x31: {  	s1 =	sadd.s32 $0x1000, s24;
	[sflag:s17] =	ssyncset.done $0x0  }
0x32: {  	s23 =	sadd.s32 s23, s1;
	[sflag:s17] =	ssyncadd.s32 $0xFFFFC000  }
0x33: {  	[hbm4b:s23+s3] =	stream.linear.scatter [tilespmem:s11], [sflag:$0x2], $0x4000, $0x38;
	[tilespmem:$0x1C800] =	vst v63  }
0x34: {  	_ =	swait.ge [sflag:s20], $0x4000  }
0x35: {  	[sflag:s20] =	ssyncset.done $0x0  }
0x36: {  	s24 =	simm.s32 $0x400;
	[sflag:s20] =	ssyncadd.s32 $0xFFFFC000  }
0x37: {  	[tilespmem:s9], [sflag:$0x1] =	stream.indirect.gather [hbm4b:s2+s7], $0x80, s24, s7, $0xb8;
	[tilespmem:$0x1C800] =	vst v63  }
0x38: {  	_ =	swait.ge [sflag:s17], $0x4000  }
0x39: {  	s28 =	sadd.s32 $0x21B600, s29;
	[sflag:s17] =	ssyncset.done $0x0  }
0x3a: {  	s25 =	sadd.s32 s28, s30;
	[sflag:s17] =	ssyncadd.s32 $0xFFFFC000  }
0x3b: {  	[hbm4b:s25+s3] =	stream.linear.scatter [tilespmem:s12], [sflag:$0x2], $0x4000, $0x38;
	[tilespmem:$0x1C800] =	vst v63  }
0x3c: {  	_ =	swait.ge [sflag:s17], $0x4000  }
0x3d: {  	[sflag:s17] =	ssyncset.done $0x0  }
0x3e: {  	s26 =	sadd.s32 s28, s31;
	[sflag:s17] =	ssyncadd.s32 $0xFFFFC000  }
0x3f: {  	[hbm4b:s26+s3] =	stream.linear.scatter [tilespmem:s14], [sflag:$0x2], $0x4000, $0x38;
	[tilespmem:$0x1C800] =	vst v63  }
0x40: {  	_ =	swait.ge [sflag:s17], $0x4000  }
0x41: {  	[sflag:s17] =	ssyncset.done $0x0  }
0x42: {  	s28 =	sadd.s32 s28, s1;
	[sflag:s17] =	ssyncadd.s32 $0xFFFFC000  }
0x43: {  	[hbm4b:s28+s3] =	stream.linear.scatter [tilespmem:s16], [sflag:$0x2], $0x4000, $0x38;
	[tilespmem:$0x1C800] =	vst v63  }
0x44: {  	_ =	swait.ge [sflag:s17], $0x4000  }
0x45: {  	s0 =	sadd.s32 $0x24B600, s29;
	[sflag:s17] =	ssyncset.done $0x0  }
0x46: {  	s29 =	sadd.s32 s0, s30;
	[sflag:s17] =	ssyncadd.s32 $0xFFFFC000  }
0x47: {  	[hbm4b:s29+s3] =	stream.linear.scatter [tilespmem:s19], [sflag:$0x2], $0x4000, $0x38;
	[tilespmem:$0x1C800] =	vst v63  }
0x48: {  	_ =	swait.ge [sflag:s17], $0x4000  }
0x49: {  	[sflag:s17] =	ssyncset.done $0x0  }
0x4a: {  	s30 =	sadd.s32 s0, s31;
	[sflag:s17] =	ssyncadd.s32 $0xFFFFC000  }
0x4b: {  	[hbm4b:s30+s3] =	stream.linear.scatter [tilespmem:s8], [sflag:$0x2], $0x4000, $0x38;
	[tilespmem:$0x1C800] =	vst v63  }
0x4c: {  	_ =	swait.ge [sflag:s17], $0x4000  }
0x4d: {  	[sflag:s17] =	ssyncset.done $0x0  }
0x4e: {  	s31 =	sadd.s32 s0, s1;
	[sflag:s17] =	ssyncadd.s32 $0xFFFFC000  }
0x4f: {  	[hbm4b:s31+s3] =	stream.linear.scatter [tilespmem:s9], [sflag:$0x2], $0x4000, $0x38;
	[tilespmem:$0x1C800] =	vst v63  }
0x50: {  	_ =	swait.ge [sflag:s20], $0x4000  }
0x51: {  	[sflag:s20] =	ssyncset.done $0x0  }
0x52: {  	[sflag:s20] =	ssyncadd.s32 $0xFFFFC000  }
0x53: {  	_ =	swait.ge [sflag:s20], $0x4000  }
0x54: {  	[sflag:s20] =	ssyncset.done $0x0  }
0x55: {  	[sflag:s20] =	ssyncadd.s32 $0xFFFFC000  }
0x56: {  	_ =	swait.ge [sflag:s20], $0x4000  }
0x57: {  	[sflag:s20] =	ssyncset.done $0x0  }
0x58: {  	[sflag:s20] =	ssyncadd.s32 $0xFFFFC000  }
0x59: {  	_ =	swait.ge [sflag:s20], $0x4000  }
0x5a: {  	[sflag:s20] =	ssyncset.done $0x0  }
0x5b: {  	[sflag:s20] =	ssyncadd.s32 $0xFFFFC000  }
0x5c: {  	_ =	swait.ge [sflag:s20], $0x4000  }
0x5d: {  	s1 =	rddreg [dreg:$0x6]  }
0x5e: {  	s0 =	ssub.s32 $0x2, s1  }
0x5f: {  	s1 =	sshrl.u32 s0, $0x1  }
0x60: {  	s0 =	ssub.s32 s0, s1  }
0x61: {  	s0 =	smax.u32 s0, $0x1  }
0x62: {  	[sflag:s20] =	ssyncset.done $0x0;
	p0 =	sne.s32 s0, $0x1  }
.Ltmp0:
0x63: {  	[sflag:s20] =	ssyncadd.s32 $0xFFFFC000;
	(pc) =	sbr.rel @!p0 .LBB2_2-.Ltmp0, $4  }
0x64: {  	_ =	swait.ge [sflag:s20], $0x4000  }
0x65: {  	[sflag:s20] =	ssyncset.done $0x0  }
0x66: {  	[sflag:s20] =	ssyncadd.s32 $0xFFFFC000  }
0x67: {  	s1 =	sadd.s32 $0xFFFFFFFF, s0;
	_ =	swait.ge [sflag:s20], $0x4000  }
.LBB2_1:
0x68: {  	[sflag:s20] =	ssyncset.done $0x0  }
0x69: {  	s0 =	rddreg [dreg:$0x3];
	[sflag:s20] =	ssyncadd.s32 $0xFFFFC000  }
0x6a: {  	[tilespmem:s3], [sflag:$0x3] =	stream.linear.gather [hbm4b:s0+s3], $0x180, $0x38;
	[tilespmem:$0x1C800] =	vst v63  }
0x6b: {  	_ =	swait.ge [sflag:s4], $0x180  }
0x6c: {  	[sflag:s4] =	ssyncset.done $0x0  }
0x6d: {  	s0 =	rddreg [dreg:$0x4];
	[sflag:s4] =	ssyncadd.s32 $0xFFFFFE80  }
0x6e: {  	[tilespmem:s5], [sflag:$0x3] =	stream.linear.gather [hbm4b:s0+s3], $0x180, $0x38;
	[tilespmem:$0x1C800] =	vst v63  }
0x6f: {  	_ =	swait.ge [sflag:s4], $0x180  }
0x70: {  	[sflag:s4] =	ssyncset.done $0x0  }
0x71: {  	s0 =	rddreg [dreg:$0x5];
	[sflag:s4] =	ssyncadd.s32 $0xFFFFFE80  }
0x72: {  	[tilespmem:s6], [sflag:$0x3] =	stream.linear.gather [hbm4b:s0+s3], $0x180, $0x38;
	[tilespmem:$0x1C800] =	vst v63  }
0x73: {  	_ =	swait.ge [sflag:s4], $0x180  }
0x74: {  	[sflag:s4] =	ssyncset.done $0x0  }
0x75: {  	[sflag:s4] =	ssyncadd.s32 $0xFFFFFE80  }
0x76: {  	[tilespmem:s8], [sflag:$0x1] =	stream.indirect.gather [hbm4b:s2+s7], $0x80, s3, s7, $0xb8;
	[tilespmem:$0x1C800] =	vst v63  }
0x77: {  	_ = 	snop  }
0x78: {  	[tilespmem:s9], [sflag:$0x1] =	stream.indirect.gather [hbm4b:s2+s7], $0x80, s7, s7, $0xb8;
	[tilespmem:$0x1C800] =	vst v63  }
0x79: {  	_ = 	snop  }
0x7a: {  	[tilespmem:s11], [sflag:$0x1] =	stream.indirect.gather [hbm4b:s2+s7], $0x80, s10, s7, $0xb8;
	[tilespmem:$0x1C800] =	vst v63  }
0x7b: {  	_ = 	snop  }
0x7c: {  	[tilespmem:s12], [sflag:$0x1] =	stream.indirect.gather [hbm4b:s2+s7], $0x80, s5, s7, $0xb8;
	[tilespmem:$0x1C800] =	vst v63  }
0x7d: {  	_ = 	snop  }
0x7e: {  	[tilespmem:s14], [sflag:$0x1] =	stream.indirect.gather [hbm4b:s2+s7], $0x80, s13, s7, $0xb8;
	[tilespmem:$0x1C800] =	vst v63  }
0x7f: {  	_ = 	snop  }
0x80: {  	[tilespmem:s16], [sflag:$0x1] =	stream.indirect.gather [hbm4b:s2+s7], $0x80, s15, s7, $0xb8;
	[tilespmem:$0x1C800] =	vst v63  }
0x81: {  	_ =	swait.ge [sflag:s17], $0x4000  }
0x82: {  	[sflag:s17] =	ssyncset.done $0x0  }
0x83: {  	[sflag:s17] =	ssyncadd.s32 $0xFFFFC000  }
0x84: {  	[hbm4b:s18+s3] =	stream.linear.scatter [tilespmem:s8], [sflag:$0x2], $0x4000, $0x38;
	[tilespmem:$0x1C800] =	vst v63  }
0x85: {  	_ = 	snop  }
0x86: {  	[tilespmem:s19], [sflag:$0x1] =	stream.indirect.gather [hbm4b:s2+s7], $0x80, s6, s7, $0xb8;
	[tilespmem:$0x1C800] =	vst v63  }
0x87: {  	_ =	swait.ge [sflag:s17], $0x4000  }
0x88: {  	[sflag:s17] =	ssyncset.done $0x0  }
0x89: {  	[sflag:s17] =	ssyncadd.s32 $0xFFFFC000  }
0x8a: {  	[hbm4b:s21+s3] =	stream.linear.scatter [tilespmem:s9], [sflag:$0x2], $0x4000, $0x38;
	[tilespmem:$0x1C800] =	vst v63  }
0x8b: {  	_ =	swait.ge [sflag:s20], $0x4000  }
0x8c: {  	[sflag:s20] =	ssyncset.done $0x0  }
0x8d: {  	[sflag:s20] =	ssyncadd.s32 $0xFFFFC000  }
0x8e: {  	[tilespmem:s8], [sflag:$0x1] =	stream.indirect.gather [hbm4b:s2+s7], $0x80, s22, s7, $0xb8;
	[tilespmem:$0x1C800] =	vst v63  }
0x8f: {  	_ =	swait.ge [sflag:s17], $0x4000  }
0x90: {  	[sflag:s17] =	ssyncset.done $0x0  }
0x91: {  	[sflag:s17] =	ssyncadd.s32 $0xFFFFC000  }
0x92: {  	[hbm4b:s23+s3] =	stream.linear.scatter [tilespmem:s11], [sflag:$0x2], $0x4000, $0x38;
	[tilespmem:$0x1C800] =	vst v63  }
0x93: {  	_ =	swait.ge [sflag:s20], $0x4000  }
0x94: {  	[sflag:s20] =	ssyncset.done $0x0  }
0x95: {  	[sflag:s20] =	ssyncadd.s32 $0xFFFFC000  }
0x96: {  	[tilespmem:s9], [sflag:$0x1] =	stream.indirect.gather [hbm4b:s2+s7], $0x80, s24, s7, $0xb8;
	[tilespmem:$0x1C800] =	vst v63  }
0x97: {  	_ =	swait.ge [sflag:s17], $0x4000  }
0x98: {  	[sflag:s17] =	ssyncset.done $0x0  }
0x99: {  	[sflag:s17] =	ssyncadd.s32 $0xFFFFC000  }
0x9a: {  	[hbm4b:s25+s3] =	stream.linear.scatter [tilespmem:s12], [sflag:$0x2], $0x4000, $0x38;
	[tilespmem:$0x1C800] =	vst v63  }
0x9b: {  	_ =	swait.ge [sflag:s17], $0x4000  }
0x9c: {  	[sflag:s17] =	ssyncset.done $0x0  }
0x9d: {  	[sflag:s17] =	ssyncadd.s32 $0xFFFFC000  }
0x9e: {  	[hbm4b:s26+s3] =	stream.linear.scatter [tilespmem:s14], [sflag:$0x2], $0x4000, $0x38;
	[tilespmem:$0x1C800] =	vst v63  }
0x9f: {  	_ =	swait.ge [sflag:s17], $0x4000  }
0xa0: {  	[sflag:s17] =	ssyncset.done $0x0  }
0xa1: {  	[sflag:s17] =	ssyncadd.s32 $0xFFFFC000  }
0xa2: {  	[hbm4b:s28+s3] =	stream.linear.scatter [tilespmem:s16], [sflag:$0x2], $0x4000, $0x38;
	[tilespmem:$0x1C800] =	vst v63  }
0xa3: {  	_ =	swait.ge [sflag:s17], $0x4000  }
0xa4: {  	[sflag:s17] =	ssyncset.done $0x0  }
0xa5: {  	[sflag:s17] =	ssyncadd.s32 $0xFFFFC000  }
0xa6: {  	[hbm4b:s29+s3] =	stream.linear.scatter [tilespmem:s19], [sflag:$0x2], $0x4000, $0x38;
	[tilespmem:$0x1C800] =	vst v63  }
0xa7: {  	_ =	swait.ge [sflag:s17], $0x4000  }
0xa8: {  	[sflag:s17] =	ssyncset.done $0x0  }
0xa9: {  	[sflag:s17] =	ssyncadd.s32 $0xFFFFC000  }
0xaa: {  	[hbm4b:s30+s3] =	stream.linear.scatter [tilespmem:s8], [sflag:$0x2], $0x4000, $0x38;
	[tilespmem:$0x1C800] =	vst v63  }
0xab: {  	_ =	swait.ge [sflag:s17], $0x4000  }
0xac: {  	[sflag:s17] =	ssyncset.done $0x0  }
0xad: {  	[sflag:s17] =	ssyncadd.s32 $0xFFFFC000  }
0xae: {  	[hbm4b:s31+s3] =	stream.linear.scatter [tilespmem:s9], [sflag:$0x2], $0x4000, $0x38;
	[tilespmem:$0x1C800] =	vst v63  }
0xaf: {  	_ =	swait.ge [sflag:s20], $0x4000  }
0xb0: {  	[sflag:s20] =	ssyncset.done $0x0  }
0xb1: {  	[sflag:s20] =	ssyncadd.s32 $0xFFFFC000  }
0xb2: {  	_ =	swait.ge [sflag:s20], $0x4000  }
0xb3: {  	[sflag:s20] =	ssyncset.done $0x0  }
0xb4: {  	[sflag:s20] =	ssyncadd.s32 $0xFFFFC000  }
0xb5: {  	_ =	swait.ge [sflag:s20], $0x4000  }
0xb6: {  	[sflag:s20] =	ssyncset.done $0x0  }
0xb7: {  	[sflag:s20] =	ssyncadd.s32 $0xFFFFC000  }
0xb8: {  	_ =	swait.ge [sflag:s20], $0x4000  }
0xb9: {  	[sflag:s20] =	ssyncset.done $0x0  }
0xba: {  	[sflag:s20] =	ssyncadd.s32 $0xFFFFC000  }
0xbb: {  	_ =	swait.ge [sflag:s20], $0x4000  }
0xbc: {  	p0 =	sne.s32 s1, $0x1;
	[sflag:s20] =	ssyncset.done $0x0  }
.Ltmp1:
0xbd: {  	[sflag:s20] =	ssyncadd.s32 $0xFFFFC000;
	(pc) =	sbr.rel @p0 .LBB2_1-.Ltmp1, $4  }
0xbe: {  	_ =	swait.ge [sflag:s20], $0x4000  }
0xbf: {  	[sflag:s20] =	ssyncset.done $0x0  }
0xc0: {  	[sflag:s20] =	ssyncadd.s32 $0xFFFFC000  }
0xc1: {  	s1 =	sadd.s32 $0xFFFFFFFF, s1;
	_ =	swait.ge [sflag:s20], $0x4000  }
.LBB2_2:
0xc2: {  	[sflag:s20] =	ssyncset.done $0x0  }
0xc3: {  	[sflag:s20] =	ssyncadd.s32 $0xFFFFC000  }
0xc4: {  	_ =	sfence.sel $0x180000  }
0xc5: {  	[bflag:$0x0] =	sbarrier.arrive $0xFFFF  }
0xc6: {  	_ =	strace $0x9000004D  }
0xc7: {  	s0 =	stileid.u32;
	[bflag:$0x2] =	sbarrier.arrive $0xFFFF  }
0xc8: {  	p0 =	sne.s32 s0, $0x0;
	s0 =	rddreg [dreg:$0x2]  }
0xc9: {  	s0 =	sadd.s32 @!p0 $0x100000, s0  }
0xca: {  	[sflag:s0] =	ssyncadd.tile.s32 @!p0 $0x1;
	_ =	shalt  }
.Lfunc_end2:
_tile_overlayer_lowered:
.L_overlay_start_2:
0xcb: {  	(tag) =	ssettag $0x2  }
0xcc: {  	s0 =	rddreg [dreg:$0x0];
	s2 =	stileid.u32  }
0xcd: {  	s1 =	rddreg [dreg:$0x1];
	p0 =	sne.s32 s2, $0x0  }
0xce: {  	s3 =	rddreg [dreg:$0x2];
	[bflag:$0x3] =	sbarrier.arrive $0xFFFF;
	s2 =	simm.s32 @!p0 $0x1C03  }
0xcf: {  	[timem:s3], [sflag:s2] =	dma.local @!p0 [hbm:s0], s1  }
0xd0: {  	s0 =	simm.s32 @!p0 $0x3  }
0xd1: {  	_ =	swait.ge @!p0 [sflag:s0], s1  }
0xd2: {  	s1 =	ssub.s32 @!p0 $0x0, s1;
	[sflag:s0] =	ssyncset.done @!p0 $0x0  }
0xd3: {  	[sflag:s0] =	ssyncadd.s32 @!p0 s1  }
0xd4: {  	[bflag:$0x3] =	sbarrier.arrive $0xFFFF  }
0xd5: {  	_ =	shalt  }

// kernel: kernel.8.cloned.1.call-start
scs
__scs_entry_jumppad:
0x0: {  	(pc) =	sbr.rel $0x88, $3  }
0x1: {  	(tag) =	ssettag $0x0;
	lr =	simm.s32 $0x1  }
0x2: {  	[smem:$0x3F8F] =	sst lr;
	_ =	strace $0xD0000000  }
0x3: {  	_ = 	snop  }
0x4: {  	_ = 	snop  }
0x5: {  	_ = 	snop  }
0x6: {  	_ = 	snop  }
0x7: {  	_ = 	snop  }
__scs_overlays_trampoline_lowered:
0x8: {  	[smem:$0x3F9E] =	sst s0  }
0x9: {  	[smem:$0x3F9F] =	sst s1  }
0xa: {  	[smem:$0x3FA0] =	sst s2  }
0xb: {  	[smem:$0x3FA1] =	sst s3  }
0xc: {  	[smem:$0x3FA2] =	sst s4  }
0xd: {  	[smem:$0x3FA3] =	sst s5  }
0xe: {  	[smem:$0x3FA4] =	sst s6  }
0xf: {  	[smem:$0x3FA5] =	sst s7  }
0x10: {  	[smem:$0x3FA6] =	sst s8  }
0x11: {  	[smem:$0x3FA7] =	sst s9;
	s0 =	simm.s32 @!p0 $0x0  }
0x12: {  	s1 =	sld [smem:$0x3F8D];
	s0 =	simm.s32 @p0 $0x1  }
0x13: {  	[smem:$0x3FA8] =	sst s0;
	s0 =	simm.s32 @!p1 $0x0  }
0x14: {  	s2 =	sld [smem:$0x3F8C];
	s0 =	simm.s32 @p1 $0x1  }
0x15: {  	[smem:$0x3FA9] =	sst s0;
	s0 =	simm.s32 @!p2 $0x0  }
0x16: {  	s3 =	sld [smem:$0x3FDB];
	s0 =	simm.s32 @p2 $0x1  }
0x17: {  	s4 =	simm.s32 $0x1BF5;
	[smem:$0x3FAB] =	sst s0  }
0x18: {  	s0 =	sld [smem:$0x3F8E];
	_ =	swait.ge [sflag:s4], $0x0  }
0x19: {  	s7 =	sld [smem:$0x3F8F]  }
0x1a: {  	s8 =	sadd.s32 $0xFFFFE003, lr  }
0x1b: {  	s9 =	sadd.s32 $0xFFFFFEF7, lr;
	s5 =	simm.s32 $0xFFFFFFFF;
	p2 =	slt.u32 s8, $0xFFFFF086  }
0x1c: {  	p1 =	slt.u32 s9, $0xF7A;
	s5 =	simm.s32 @!p2 $0x0  }
0x1d: {  	s5 =	simm.s32 @p1 $0x1;
	p0 =	seq.s32 s7, s2  }
0x1e: {  	s7 =	smul.u32 @!p0 $0xF7A, s2;
	p2 =	seq.s32 @!p0 s5, $0x0  }
0x1f: {  	s9 =	smul.u32 $0xF7A, s1;
	s8 =	simm.s32 @!p0 $0x1BF5;
	p2 =	por !p2, p0  }
0x20: {  	[sflag:s8] =	ssyncset.s32 @!p0 $0xFFFFF086;
	s6 =	sadd.s32 @!p0 s3, s7;
	s7 =	simm.s32 @!p0 $0x108  }
0x21: {  	s3 =	sadd.s32 s3, s9;
	s6 =	sadd.s32 @!p0 $0x88, s6;
	s7 =	simm.s32 @p2 $0x1082  }
0x22: {  	[simem:s7], [sflag:s8] =	dma.local @!p0 [hbm:s6], $0xF7A  }
0x23: {  	s9 =	sor.u32 $0xD0000000, s2;
	s6 =	simm.s32 $0x108;
	_ =	swait.ge @!p0 [sflag:s8], $0x0  }
0x24: {  	s3 =	sadd.s32 $0x88, s3;
	s6 =	simm.s32 @!p1 $0x1082;
	[sflag:s4] =	ssyncset.s32 $0xFFFFF086  }
0x25: {  	[simem:s6], [sflag:s4] =	dma.local [hbm:s3], $0xF7A  }
0x26: {  	[smem:$0x3F8F] =	sst s1;
	(tag) =	ssettag s2;
	_ =	strace s9  }
0x27: {  	s1 =	sld [smem:$0x3F9F]  }
0x28: {  	s2 =	sld [smem:$0x3FA0]  }
0x29: {  	s4 =	sld [smem:$0x3FA2]  }
0x2a: {  	p0 =	seq.s32 s5, $0x0;
	s5 =	sld [smem:$0x3FA3]  }
0x2b: {  	s6 =	sld [smem:$0x3FA4]  }
0x2c: {  	s7 =	sld [smem:$0x3FA5]  }
0x2d: {  	s3 =	simm.s32 $0x108;
	s8 =	sld [smem:$0x3FA6]  }
0x2e: {  	s3 =	simm.s32 @!p0 $0x1082;
	s9 =	sld [smem:$0x3FA7]  }
0x2f: {  	lr =	sadd.s32 s0, s3;
	s0 =	sld [smem:$0x3F9E]  }
0x30: {  	s3 =	sld [smem:$0x3FA1]  }
0x31: {  	[smem:$0x3FAA] =	sst s10  }
0x32: {  	s10 =	sld [smem:$0x3FA8];
	_ =	sdelay $0x3  }
0x33: {  	p0 =	seq.s32 s10, $0x1;
	s10 =	sld [smem:$0x3FAA];
	_ =	sdelay $0x3  }
0x34: {  	[smem:$0x3FAA] =	sst s10  }
0x35: {  	s10 =	sld [smem:$0x3FA9];
	_ =	sdelay $0x3  }
0x36: {  	p1 =	seq.s32 s10, $0x1;
	s10 =	sld [smem:$0x3FAA];
	_ =	sdelay $0x3  }
0x37: {  	[smem:$0x3FAA] =	sst s10  }
0x38: {  	s10 =	sld [smem:$0x3FAB]  }
0x39: {  	_ = 	snop;
	(pc) =	sbr.ind lr, $3  }
0x3a: {  	_ = 	snop  }
0x3b: {  	_ = 	snop  }
0x3c: {  	p2 =	seq.s32 s10, $0x1;
	s10 =	sld [smem:$0x3FAA]  }
0x3d: {  	_ =	shalt  }
0x3e: {  	_ =	shalt  }
0x3f: {  	_ =	shalt  }
0x40: {  	_ =	shalt  }
0x41: {  	_ =	shalt  }
0x42: {  	_ =	shalt  }
0x43: {  	_ =	shalt  }
0x44: {  	_ =	shalt  }
0x45: {  	_ =	shalt  }
0x46: {  	_ =	shalt  }
0x47: {  	_ =	shalt  }
0x48: {  	_ =	shalt  }
0x49: {  	_ =	shalt  }
0x4a: {  	_ =	shalt  }
0x4b: {  	_ =	shalt  }
0x4c: {  	_ =	shalt  }
0x4d: {  	_ =	shalt  }
0x4e: {  	_ =	shalt  }
0x4f: {  	_ =	shalt  }
0x50: {  	_ =	shalt  }
0x51: {  	_ =	shalt  }
0x52: {  	_ =	shalt  }
0x53: {  	_ =	shalt  }
0x54: {  	_ =	shalt  }
0x55: {  	_ =	shalt  }
0x56: {  	_ =	shalt  }
0x57: {  	_ =	shalt  }
0x58: {  	_ =	shalt  }
0x59: {  	_ =	shalt  }
0x5a: {  	_ =	shalt  }
0x5b: {  	_ =	shalt  }
0x5c: {  	_ =	shalt  }
0x5d: {  	_ =	shalt  }
0x5e: {  	_ =	shalt  }
0x5f: {  	_ =	shalt  }
0x60: {  	_ =	shalt  }
0x61: {  	_ =	shalt  }
0x62: {  	_ =	shalt  }
0x63: {  	_ =	shalt  }
0x64: {  	_ =	shalt  }
0x65: {  	_ =	shalt  }
0x66: {  	_ =	shalt  }
0x67: {  	_ =	shalt  }
0x68: {  	_ =	shalt  }
0x69: {  	_ =	shalt  }
0x6a: {  	_ =	shalt  }
0x6b: {  	_ =	shalt  }
0x6c: {  	_ =	shalt  }
0x6d: {  	_ =	shalt  }
0x6e: {  	_ =	shalt  }
0x6f: {  	_ =	shalt  }
0x70: {  	_ =	shalt  }
0x71: {  	_ =	shalt  }
0x72: {  	_ =	shalt  }
0x73: {  	_ =	shalt  }
0x74: {  	_ =	shalt  }
0x75: {  	_ =	shalt  }
0x76: {  	_ =	shalt  }
0x77: {  	_ =	shalt  }
0x78: {  	_ =	shalt  }
0x79: {  	_ =	shalt  }
0x7a: {  	_ =	shalt  }
0x7b: {  	_ =	shalt  }
0x7c: {  	_ =	shalt  }
0x7d: {  	_ =	shalt  }
0x7e: {  	_ =	shalt  }
0x7f: {  	_ =	shalt  }
0x80: {  	_ =	shalt  }
0x81: {  	_ =	shalt  }
0x82: {  	_ =	shalt  }
0x83: {  	_ =	shalt  }
0x84: {  	_ =	shalt  }
0x85: {  	_ =	shalt  }
0x86: {  	_ =	shalt  }
0x87: {  	_ =	shalt  }
.Lfunc_end0:
.L_simem_size_0:
called_computation_lowered:
.L_overlay_start_0:
0x88: {  	s2 =	sld [smem:$0x3FD9]  }
0x89: {  	s3 =	sld [smem:$0x3FFE];
	_ =	sdelay $0x1  }
0x8a: {  	s1 =	srdreg.scid  }
0x8b: {  	s0 =	sand.u32 $0x1, s1  }
0x8c: {  	s17 =	sshll.u32 s0, $0xA;
	s2 =	sadd.s32 s3, s2  }
0x8d: {  	s2 =	sadd.s32 s2, s17  }
0x8e: {  	[smem:$0x3FB6] =	sst s2  }
0x8f: {  	_ = 	snop  }
0x90: {  	s2 =	sld [smem:$0x3FC9];
	(tm) =	ssettm $0x1  }
0x91: {  	s18 =	sld [smem:$0x3FFB];
	_ =	sdelay $0x3  }
0x92: {  	_ =	strace s18  }
0x93: {  	s3 =	sld [smem:$0x3FFC];
	_ =	sdelay $0x3  }
0x94: {  	_ =	strace s3  }
0x95: {  	s3 =	sld [smem:$0x3FFD];
	_ =	sdelay $0x3  }
0x96: {  	_ =	strace s3  }
0x97: {  	_ =	strace $0x8FFFFFFF  }
0x98: {  	s19 =	sld [smem:$0x3FDB];
	_ =	sdelay $0x1  }
0x99: {  	s4 =	simm.s32 $_scs_section_size  }
0x9a: {  	s5 =	simm.s32 $_size__tile_overlayer_lowered;
	s6 =	simm.s32 $_tile_overlayer_lowered  }
0x9b: {  	s22 =	simm.s32 $0x1BFF;
	s21 =	sshll.u32 s6, $0x1;
	s3 =	sadd.s32 s4, s19  }
0x9c: {  	s7 =	simm.s32 $0x0;
	s20 =	sshll.u32 s5, $0x1;
	s5 =	sadd.s32 s21, s3  }
0x9d: {  	[timem:s7], [sflag:s22] =	dma.local [hbm:s5], s20  }
0x9e: {  	_ =	swait.ge [sflag:s22], s20  }
0x9f: {  	s4 =	ssub.s32 $0x0, s20;
	[sflag:s22] =	ssyncset.done $0x0  }
0xa0: {  	[sflag:s22] =	ssyncadd.s32 s4;
	_ =	sdelay $0x1  }
0xa1: {  	s23 =	simm.s32 $0x1B8B  }
0xa2: {  	_ =	swait.ge [sflag:s23], $0x1  }
0xa3: {  	[sflag:s23] =	ssyncset.done $0x0  }
0xa4: {  	s25 =	simm.s32 $0x1B8E;
	s24 =	sld [smem:$0x3FFE];
	[sflag:s23] =	ssyncadd.s32 $0xFFFFFFFF  }
0xa5: {  	s26 =	simm.s32 $execute0_lowered;
	[smem:$0x3FD2] =	sst s25  }
0xa6: {  	s5 =	sshll.u32 s26, $0x1;
	_ =	strace $0x80000046;
	[dreg:$0x1] =	wrdreg $0xFFFFFFFF  }
0xa7: {  	s28 =	simm.s32 $_size_execute0_lowered;
	s3 =	sadd.s32 s3, s5;
	[dreg:$0x0] =	wrdreg $0x0  }
0xa8: {  	s5 =	sshll.u32 s28, $0x1;
	[dreg:$0x2] =	wrdreg s3  }
0xa9: {  	[dreg:$0x3] =	wrdreg s5  }
0xaa: {  	[dreg:$0x4] =	wrdreg $0xC0  }
0xab: {  	_ =	task [dreg:s7], $0x5FFFF  }
0xac: {  	[dreg:$0x1] =	wrdreg $0xFFFFFFFF  }
0xad: {  	[dreg:$0x0] =	wrdreg $0x60  }
0xae: {  	[dreg:$0x2] =	wrdreg s2  }
0xaf: {  	[dreg:$0x3] =	wrdreg s24  }
0xb0: {  	[dreg:$0x4] =	wrdreg $0x9  }
0xb1: {  	_ =	task.clear_ibuf [dreg:s7], $0x5FFFF;
	_ =	strace $0x90000046  }
0xb2: {  	s29 =	simm.s32 $0x9;
	_ =	strace $0x80000048  }
0xb3: {  	_ =	swait.ge [sflag:s29], $0x1  }
0xb4: {  	[sflag:s29] =	ssyncadd.s32 $0xFFFFFFFF  }
0xb5: {  	_ =	strace $0x90000048  }
0xb6: {  	_ =	sfence  }
0xb7: {  	s30 =	sld [smem:$0x0];
	_ =	sdelay $0x2  }
0xb8: {  	s31 =	sshll.u32 s1, $0xD;
	s1 =	sshrl.u32 s1, $0x2  }
0xb9: {  	s3 =	sand.u32 $0x4000, s31;
	s1 =	sadd.s32 s1, s30  }
0xba: {  	s0 =	sor.u32 s3, s0;
	s1 =	sshll.u32 s1, $0x11  }
0xbb: {  	s0 =	sor.u32 s1, s0  }
0xbc: {  	s0 =	sadd.s32 $0x8F2B, s0  }
0xbd: {  	[sflag:s0] =	ssyncadd.remote.s32 $0x1  }
0xbe: {  	_ =	sfence.sel $0xFFFF  }
0xbf: {  	[dreg:$0x0] =	wrdreg $0xFFFFFFFF;
	(pc) =	sbr.abs _section_cstart, $3  }
0xc0: {  	[dreg:$0x1] =	wrdreg $0xFFFFFFFF  }
0xc1: {  	_ =	task.clear_ibuf [dreg:s7], $0x2FFFF;
	_ =	strace $0x9FFFFFFF  }
0xc2: {  	(tm) =	ssettm $0x7FFFFFFF  }
0xc3: {  	_ =	shalt  }
tec
execute0_lowered:
.L_overlay_start_1:
0x0: {  	(tag) =	ssettag $0x1  }
0x1: {  	s0 =	srdreg.scid;
	s3 =	rddreg [dreg:$0x0]  }
0x2: {  	s1 =	stileid.u32;
	s4 =	rddreg [dreg:$0x1];
	s2 =	simm.s32 $0x0  }
0x3: {  	s28 =	simm.s32 $0x100;
	s0 =	sand.u32 $0x1, s0;
	s1 =	sshll.u32 s1, $0x1  }
0x4: {  	s29 =	simm.s32 $0x180;
	s30 =	simm.s32 $0x200;
	s1 =	sor.u32 s0, s1  }
0x5: {  	s31 =	simm.s32 $0x280;
	p0 =	por $0x0, $0x0;
	s5 =	sshll.u32 s1, $0x7  }
0x6: {  	[smem:$0x7FF] =	sst s2;
	s26 =	sadd.s32 $0x8600, s4;
	s5 =	sadd.s32 s5, s4  }
0x7: {  	_ =	strace $0x80000047;
	s0 =	ssub.s32 $0x2, s0;
	s6 =	sadd.s32 $0x7600, s5  }
0x8: {  	s7 =	smul.u32 $0x3000, s1;
	s25 =	sadd.s32 $0x5600, s5;
	[dreg:$0x3] =	wrdreg s6  }
0x9: {  	s1 =	smul.u32 $0x18000, s1;
	s5 =	sadd.s32 $0x6600, s5;
	[dreg:$0x4] =	wrdreg s25  }
0xa: {  	s9 =	sadd.s32 s26, s7;
	s8 =	sor.u32 $0x800, s7;
	[dreg:$0x5] =	wrdreg s5  }
0xb: {  	s1 =	sshrl.u32 s1, $0x3;
	[dreg:$0x6] =	wrdreg s9;
	s10 =	sadd.s32 s26, s8  }
0xc: {  	s9 =	sadd.s32 $0x1000, s1;
	s25 =	sshrl.u32 s0, $0x1;
	s6 =	simm.s32 $0x8C00  }
0xd: {  	s5 =	simm.s32 $0xCC00;
	[dreg:$0x7] =	wrdreg s10;
	s11 =	sadd.s32 s26, s9  }
0xe: {  	s10 =	sadd.s32 $0x1800, s1;
	s0 =	ssub.s32 s0, s25;
	s25 =	simm.s32 $0x380  }
0xf: {  	[dreg:$0x8] =	wrdreg s11;
	s12 =	sadd.s32 s26, s10;
	s11 =	sadd.s32 $0x2000, s1  }
0x10: {  	s1 =	sadd.s32 $0x2800, s1;
	[dreg:$0x9] =	wrdreg s12;
	s13 =	sadd.s32 s26, s11  }
0x11: {  	s12 =	sadd.s32 $0x68600, s4;
	s14 =	sadd.s32 s26, s1;
	[dreg:$0xa] =	wrdreg s13  }
0x12: {  	s0 =	smax.u32 s0, $0x1;
	[dreg:$0xb] =	wrdreg s14;
	s15 =	sadd.s32 s12, s7  }
0x13: {  	s4 =	sadd.s32 $0xC8600, s4;
	s16 =	sadd.s32 s12, s8;
	[dreg:$0xc] =	wrdreg s15  }
0x14: {  	p1 =	sne.s32 s0, $0x1;
	s17 =	sadd.s32 s12, s9;
	[dreg:$0xd] =	wrdreg s16  }
0x15: {  	s18 =	sadd.s32 s12, s10;
	s19 =	sadd.s32 s12, s11;
	[dreg:$0xe] =	wrdreg s17  }
0x16: {  	s20 =	sadd.s32 s12, s1;
	s21 =	sadd.s32 s4, s7;
	[dreg:$0xf] =	wrdreg s18  }
0x17: {  	s22 =	sadd.s32 s4, s8;
	s23 =	sadd.s32 s4, s9;
	[dreg:$0x10] =	wrdreg s19  }
0x18: {  	s24 =	sadd.s32 s4, s10;
	s26 =	sadd.s32 s4, s11;
	[dreg:$0x11] =	wrdreg s20  }
0x19: {  	s1 =	sadd.s32 s4, s1;
	s10 =	simm.s32 $0x80;
	[dreg:$0x12] =	wrdreg s21  }
0x1a: {  	s9 =	simm.s32 $0xC00;
	s7 =	simm.s32 $0x4C00;
	[dreg:$0x13] =	wrdreg s22  }
0x1b: {  	s13 =	simm.s32 $0x10C00;
	s12 =	simm.s32 $0x14C00;
	[dreg:$0x14] =	wrdreg s23  }
0x1c: {  	s8 =	simm.s32 $0x1;
	s11 =	simm.s32 $0x18C00;
	[dreg:$0x15] =	wrdreg s24  }
0x1d: {  	s4 =	simm.s32 $0x2;
	s14 =	simm.s32 $0x880;
	[dreg:$0x16] =	wrdreg s26  }
.Ltmp0:
0x1e: {  	[dreg:$0x17] =	wrdreg s1;
	s26 =	simm.s32 $0x3;
	(pc) =	sbr.rel @!p1 .LBB2_3-.Ltmp0, $4  }
0x1f: {  	s24 =	simm.s32 $0x300;
	s17 =	simm.s32 $0x600;
	s23 =	simm.s32 $0x400  }
0x20: {  	s22 =	simm.s32 $0x480;
	s21 =	simm.s32 $0x500;
	s1 =	sadd.s32 $0xFFFFFFFF, s0  }
0x21: {  	s20 =	simm.s32 $0x580;
	s19 =	simm.s32 $0x680;
	s18 =	simm.s32 $0x700  }
0x22: {  	s16 =	simm.s32 $0x780;
	s15 =	simm.s32 $0x800;
	s0 =	rddreg [dreg:$0x3]  }
0x23: {  	[tilespmem:s2], [sflag:$0x3] =	stream.linear.gather [hbm4b:s0+s2], $0x300, $0x38;
	[tilespmem:$0x1CC00] =	vst v63  }
0x24: {  	_ =	swait.ge [sflag:s26], $0x300  }
0x25: {  	[sflag:s26] =	ssyncset.done $0x0  }
0x26: {  	s0 =	rddreg [dreg:$0x4];
	[sflag:s26] =	ssyncadd.s32 $0xFFFFFD00  }
0x27: {  	[tilespmem:s24], [sflag:$0x3] =	stream.linear.gather [hbm4b:s0+s2], $0x300, $0x38;
	[tilespmem:$0x1CC00] =	vst v63  }
0x28: {  	_ =	swait.ge [sflag:s26], $0x300  }
0x29: {  	[sflag:s26] =	ssyncset.done $0x0  }
0x2a: {  	s0 =	rddreg [dreg:$0x5];
	[sflag:s26] =	ssyncadd.s32 $0xFFFFFD00  }
0x2b: {  	[tilespmem:s17], [sflag:$0x3] =	stream.linear.gather [hbm4b:s0+s2], $0x300, $0x38;
	[tilespmem:$0x1CC00] =	vst v63  }
0x2c: {  	_ =	swait.ge [sflag:s26], $0x300  }
0x2d: {  	[sflag:s26] =	ssyncset.done $0x0  }
0x2e: {  	[sflag:s26] =	ssyncadd.s32 $0xFFFFFD00  }
0x2f: {  	[tilespmem:s9], [sflag:$0x1] =	stream.indirect.gather [hbm4b:s3+s10], $0x80, s2, s10, $0xb8;
	[tilespmem:$0x1CC00] =	vst v63  }
0x30: {  	_ = 	snop  }
0x31: {  	[tilespmem:s7], [sflag:$0x1] =	stream.indirect.gather [hbm4b:s3+s10], $0x80, s10, s10, $0xb8;
	[tilespmem:$0x1CC00] =	vst v63  }
0x32: {  	_ = 	snop  }
0x33: {  	[tilespmem:s6], [sflag:$0x1] =	stream.indirect.gather [hbm4b:s3+s10], $0x80, s28, s10, $0xb8;
	[tilespmem:$0x1CC00] =	vst v63  }
0x34: {  	_ = 	snop  }
0x35: {  	[tilespmem:s5], [sflag:$0x1] =	stream.indirect.gather [hbm4b:s3+s10], $0x80, s29, s10, $0xb8;
	[tilespmem:$0x1CC00] =	vst v63  }
0x36: {  	_ = 	snop  }
0x37: {  	[tilespmem:s13], [sflag:$0x1] =	stream.indirect.gather [hbm4b:s3+s10], $0x80, s30, s10, $0xb8;
	[tilespmem:$0x1CC00] =	vst v63  }
0x38: {  	_ = 	snop  }
0x39: {  	[tilespmem:s12], [sflag:$0x1] =	stream.indirect.gather [hbm4b:s3+s10], $0x80, s31, s10, $0xb8;
	[tilespmem:$0x1CC00] =	vst v63  }
0x3a: {  	_ =	swait.ge [sflag:s8], $0x4000  }
0x3b: {  	[sflag:s8] =	ssyncset.done $0x0  }
0x3c: {  	s0 =	rddreg [dreg:$0x6];
	[sflag:s8] =	ssyncadd.s32 $0xFFFFC000  }
0x3d: {  	[hbm4b:s0+s2] =	stream.linear.scatter [tilespmem:s9], [sflag:$0x2], $0x4000, $0x38;
	[tilespmem:$0x1CC00] =	vst v63  }
0x3e: {  	_ = 	snop  }
0x3f: {  	[tilespmem:s11], [sflag:$0x1] =	stream.indirect.gather [hbm4b:s3+s10], $0x80, s24, s10, $0xb8;
	[tilespmem:$0x1CC00] =	vst v63  }
0x40: {  	_ =	swait.ge [sflag:s8], $0x4000  }
0x41: {  	[sflag:s8] =	ssyncset.done $0x0  }
0x42: {  	s0 =	rddreg [dreg:$0x7];
	[sflag:s8] =	ssyncadd.s32 $0xFFFFC000  }
0x43: {  	[hbm4b:s0+s2] =	stream.linear.scatter [tilespmem:s7], [sflag:$0x2], $0x4000, $0x38;
	[tilespmem:$0x1CC00] =	vst v63  }
0x44: {  	_ =	swait.ge [sflag:s4], $0x4000  }
0x45: {  	[sflag:s4] =	ssyncset.done $0x0  }
0x46: {  	[sflag:s4] =	ssyncadd.s32 $0xFFFFC000  }
0x47: {  	[tilespmem:s9], [sflag:$0x1] =	stream.indirect.gather [hbm4b:s3+s10], $0x80, s25, s10, $0xb8;
	[tilespmem:$0x1CC00] =	vst v63  }
0x48: {  	_ =	swait.ge [sflag:s8], $0x4000  }
0x49: {  	[sflag:s8] =	ssyncset.done $0x0  }
0x4a: {  	s0 =	rddreg [dreg:$0x8];
	[sflag:s8] =	ssyncadd.s32 $0xFFFFC000  }
0x4b: {  	[hbm4b:s0+s2] =	stream.linear.scatter [tilespmem:s6], [sflag:$0x2], $0x4000, $0x38;
	[tilespmem:$0x1CC00] =	vst v63  }
0x4c: {  	_ =	swait.ge [sflag:s4], $0x4000  }
0x4d: {  	[sflag:s4] =	ssyncset.done $0x0  }
0x4e: {  	[sflag:s4] =	ssyncadd.s32 $0xFFFFC000  }
0x4f: {  	[tilespmem:s7], [sflag:$0x1] =	stream.indirect.gather [hbm4b:s3+s10], $0x80, s23, s10, $0xb8;
	[tilespmem:$0x1CC00] =	vst v63  }
0x50: {  	_ =	swait.ge [sflag:s8], $0x4000  }
0x51: {  	[sflag:s8] =	ssyncset.done $0x0  }
0x52: {  	s0 =	rddreg [dreg:$0x9];
	[sflag:s8] =	ssyncadd.s32 $0xFFFFC000  }
0x53: {  	[hbm4b:s0+s2] =	stream.linear.scatter [tilespmem:s5], [sflag:$0x2], $0x4000, $0x38;
	[tilespmem:$0x1CC00] =	vst v63  }
0x54: {  	_ =	swait.ge [sflag:s4], $0x4000  }
0x55: {  	[sflag:s4] =	ssyncset.done $0x0  }
0x56: {  	[sflag:s4] =	ssyncadd.s32 $0xFFFFC000  }
0x57: {  	[tilespmem:s6], [sflag:$0x1] =	stream.indirect.gather [hbm4b:s3+s10], $0x80, s22, s10, $0xb8;
	[tilespmem:$0x1CC00] =	vst v63  }
0x58: {  	_ =	swait.ge [sflag:s8], $0x4000  }
0x59: {  	[sflag:s8] =	ssyncset.done $0x0  }
0x5a: {  	s0 =	rddreg [dreg:$0xa];
	[sflag:s8] =	ssyncadd.s32 $0xFFFFC000  }
0x5b: {  	[hbm4b:s0+s2] =	stream.linear.scatter [tilespmem:s13], [sflag:$0x2], $0x4000, $0x38;
	[tilespmem:$0x1CC00] =	vst v63  }
0x5c: {  	_ =	swait.ge [sflag:s4], $0x4000  }
0x5d: {  	[sflag:s4] =	ssyncset.done $0x0  }
0x5e: {  	[sflag:s4] =	ssyncadd.s32 $0xFFFFC000  }
0x5f: {  	[tilespmem:s5], [sflag:$0x1] =	stream.indirect.gather [hbm4b:s3+s10], $0x80, s21, s10, $0xb8;
	[tilespmem:$0x1CC00] =	vst v63  }
0x60: {  	_ =	swait.ge [sflag:s8], $0x4000  }
0x61: {  	[sflag:s8] =	ssyncset.done $0x0  }
0x62: {  	s0 =	rddreg [dreg:$0xb];
	[sflag:s8] =	ssyncadd.s32 $0xFFFFC000  }
0x63: {  	[hbm4b:s0+s2] =	stream.linear.scatter [tilespmem:s12], [sflag:$0x2], $0x4000, $0x38;
	[tilespmem:$0x1CC00] =	vst v63  }
0x64: {  	_ =	swait.ge [sflag:s4], $0x4000  }
0x65: {  	[sflag:s4] =	ssyncset.done $0x0  }
0x66: {  	[sflag:s4] =	ssyncadd.s32 $0xFFFFC000  }
0x67: {  	[tilespmem:s13], [sflag:$0x1] =	stream.indirect.gather [hbm4b:s3+s10], $0x80, s20, s10, $0xb8;
	[tilespmem:$0x1CC00] =	vst v63  }
0x68: {  	_ =	swait.ge [sflag:s8], $0x4000  }
0x69: {  	[sflag:s8] =	ssyncset.done $0x0  }
0x6a: {  	s0 =	rddreg [dreg:$0xc];
	[sflag:s8] =	ssyncadd.s32 $0xFFFFC000  }
0x6b: {  	[hbm4b:s0+s2] =	stream.linear.scatter [tilespmem:s11], [sflag:$0x2], $0x4000, $0x38;
	[tilespmem:$0x1CC00] =	vst v63  }
0x6c: {  	_ =	swait.ge [sflag:s4], $0x4000  }
0x6d: {  	[sflag:s4] =	ssyncset.done $0x0  }
0x6e: {  	[sflag:s4] =	ssyncadd.s32 $0xFFFFC000  }
0x6f: {  	[tilespmem:s12], [sflag:$0x1] =	stream.indirect.gather [hbm4b:s3+s10], $0x80, s17, s10, $0xb8;
	[tilespmem:$0x1CC00] =	vst v63  }
0x70: {  	_ =	swait.ge [sflag:s8], $0x4000  }
0x71: {  	[sflag:s8] =	ssyncset.done $0x0  }
0x72: {  	s0 =	rddreg [dreg:$0xd];
	[sflag:s8] =	ssyncadd.s32 $0xFFFFC000  }
0x73: {  	[hbm4b:s0+s2] =	stream.linear.scatter [tilespmem:s9], [sflag:$0x2], $0x4000, $0x38;
	[tilespmem:$0x1CC00] =	vst v63  }
0x74: {  	_ =	swait.ge [sflag:s4], $0x4000  }
0x75: {  	[sflag:s4] =	ssyncset.done $0x0  }
0x76: {  	[sflag:s4] =	ssyncadd.s32 $0xFFFFC000  }
0x77: {  	[tilespmem:s11], [sflag:$0x1] =	stream.indirect.gather [hbm4b:s3+s10], $0x80, s19, s10, $0xb8;
	[tilespmem:$0x1CC00] =	vst v63  }
0x78: {  	_ =	swait.ge [sflag:s8], $0x4000  }
0x79: {  	[sflag:s8] =	ssyncset.done $0x0  }
0x7a: {  	s0 =	rddreg [dreg:$0xe];
	[sflag:s8] =	ssyncadd.s32 $0xFFFFC000  }
0x7b: {  	[hbm4b:s0+s2] =	stream.linear.scatter [tilespmem:s7], [sflag:$0x2], $0x4000, $0x38;
	[tilespmem:$0x1CC00] =	vst v63  }
0x7c: {  	_ =	swait.ge [sflag:s4], $0x4000  }
0x7d: {  	[sflag:s4] =	ssyncset.done $0x0  }
0x7e: {  	[sflag:s4] =	ssyncadd.s32 $0xFFFFC000  }
0x7f: {  	[tilespmem:s9], [sflag:$0x1] =	stream.indirect.gather [hbm4b:s3+s10], $0x80, s18, s10, $0xb8;
	[tilespmem:$0x1CC00] =	vst v63  }
0x80: {  	_ =	swait.ge [sflag:s8], $0x4000  }
0x81: {  	[sflag:s8] =	ssyncset.done $0x0  }
0x82: {  	s0 =	rddreg [dreg:$0xf];
	[sflag:s8] =	ssyncadd.s32 $0xFFFFC000  }
0x83: {  	[hbm4b:s0+s2] =	stream.linear.scatter [tilespmem:s6], [sflag:$0x2], $0x4000, $0x38;
	[tilespmem:$0x1CC00] =	vst v63  }
0x84: {  	_ =	swait.ge [sflag:s4], $0x4000  }
0x85: {  	[sflag:s4] =	ssyncset.done $0x0  }
0x86: {  	[sflag:s4] =	ssyncadd.s32 $0xFFFFC000  }
0x87: {  	[tilespmem:s7], [sflag:$0x1] =	stream.indirect.gather [hbm4b:s3+s10], $0x80, s16, s10, $0xb8;
	[tilespmem:$0x1CC00] =	vst v63  }
0x88: {  	_ =	swait.ge [sflag:s8], $0x4000  }
0x89: {  	[sflag:s8] =	ssyncset.done $0x0  }
0x8a: {  	s0 =	rddreg [dreg:$0x10];
	[sflag:s8] =	ssyncadd.s32 $0xFFFFC000  }
0x8b: {  	[hbm4b:s0+s2] =	stream.linear.scatter [tilespmem:s5], [sflag:$0x2], $0x4000, $0x38;
	[tilespmem:$0x1CC00] =	vst v63  }
0x8c: {  	_ =	swait.ge [sflag:s4], $0x4000  }
0x8d: {  	[sflag:s4] =	ssyncset.done $0x0  }
0x8e: {  	[sflag:s4] =	ssyncadd.s32 $0xFFFFC000  }
0x8f: {  	[tilespmem:s6], [sflag:$0x1] =	stream.indirect.gather [hbm4b:s3+s10], $0x80, s15, s10, $0xb8;
	[tilespmem:$0x1CC00] =	vst v63  }
0x90: {  	_ =	swait.ge [sflag:s8], $0x4000  }
0x91: {  	[sflag:s8] =	ssyncset.done $0x0  }
0x92: {  	s0 =	rddreg [dreg:$0x11];
	[sflag:s8] =	ssyncadd.s32 $0xFFFFC000  }
0x93: {  	[hbm4b:s0+s2] =	stream.linear.scatter [tilespmem:s13], [sflag:$0x2], $0x4000, $0x38;
	[tilespmem:$0x1CC00] =	vst v63  }
0x94: {  	_ =	swait.ge [sflag:s4], $0x4000  }
0x95: {  	[sflag:s4] =	ssyncset.done $0x0  }
0x96: {  	[sflag:s4] =	ssyncadd.s32 $0xFFFFC000  }
0x97: {  	[tilespmem:s5], [sflag:$0x1] =	stream.indirect.gather [hbm4b:s3+s10], $0x80, s14, s10, $0xb8;
	[tilespmem:$0x1CC00] =	vst v63  }
0x98: {  	_ =	swait.ge [sflag:s8], $0x4000  }
0x99: {  	[sflag:s8] =	ssyncset.done $0x0  }
0x9a: {  	s0 =	rddreg [dreg:$0x12];
	[sflag:s8] =	ssyncadd.s32 $0xFFFFC000  }
0x9b: {  	[hbm4b:s0+s2] =	stream.linear.scatter [tilespmem:s12], [sflag:$0x2], $0x4000, $0x38;
	[tilespmem:$0x1CC00] =	vst v63  }
0x9c: {  	_ =	swait.ge [sflag:s8], $0x4000  }
0x9d: {  	[sflag:s8] =	ssyncset.done $0x0  }
0x9e: {  	s0 =	rddreg [dreg:$0x13];
	[sflag:s8] =	ssyncadd.s32 $0xFFFFC000  }
0x9f: {  	[hbm4b:s0+s2] =	stream.linear.scatter [tilespmem:s11], [sflag:$0x2], $0x4000, $0x38;
	[tilespmem:$0x1CC00] =	vst v63  }
0xa0: {  	_ =	swait.ge [sflag:s8], $0x4000  }
0xa1: {  	[sflag:s8] =	ssyncset.done $0x0  }
0xa2: {  	s0 =	rddreg [dreg:$0x14];
	[sflag:s8] =	ssyncadd.s32 $0xFFFFC000  }
0xa3: {  	[hbm4b:s0+s2] =	stream.linear.scatter [tilespmem:s9], [sflag:$0x2], $0x4000, $0x38;
	[tilespmem:$0x1CC00] =	vst v63  }
0xa4: {  	_ =	swait.ge [sflag:s8], $0x4000  }
0xa5: {  	[sflag:s8] =	ssyncset.done $0x0  }
0xa6: {  	s0 =	rddreg [dreg:$0x15];
	[sflag:s8] =	ssyncadd.s32 $0xFFFFC000  }
0xa7: {  	[hbm4b:s0+s2] =	stream.linear.scatter [tilespmem:s7], [sflag:$0x2], $0x4000, $0x38;
	[tilespmem:$0x1CC00] =	vst v63  }
0xa8: {  	_ =	swait.ge [sflag:s8], $0x4000  }
0xa9: {  	[sflag:s8] =	ssyncset.done $0x0  }
0xaa: {  	s0 =	rddreg [dreg:$0x16];
	[sflag:s8] =	ssyncadd.s32 $0xFFFFC000  }
0xab: {  	[hbm4b:s0+s2] =	stream.linear.scatter [tilespmem:s6], [sflag:$0x2], $0x4000, $0x38;
	[tilespmem:$0x1CC00] =	vst v63  }
0xac: {  	_ =	swait.ge [sflag:s8], $0x4000  }
0xad: {  	[sflag:s8] =	ssyncset.done $0x0  }
0xae: {  	s0 =	rddreg [dreg:$0x17];
	[sflag:s8] =	ssyncadd.s32 $0xFFFFC000  }
0xaf: {  	[hbm4b:s0+s2] =	stream.linear.scatter [tilespmem:s5], [sflag:$0x2], $0x4000, $0x38;
	[tilespmem:$0x1CC00] =	vst v63  }
0xb0: {  	_ =	swait.ge [sflag:s4], $0x4000  }
0xb1: {  	[sflag:s4] =	ssyncset.done $0x0  }
0xb2: {  	[sflag:s4] =	ssyncadd.s32 $0xFFFFC000  }
0xb3: {  	_ =	swait.ge [sflag:s4], $0x4000  }
0xb4: {  	[sflag:s4] =	ssyncset.done $0x0  }
0xb5: {  	[sflag:s4] =	ssyncadd.s32 $0xFFFFC000  }
0xb6: {  	_ =	swait.ge [sflag:s4], $0x4000  }
0xb7: {  	[sflag:s4] =	ssyncset.done $0x0  }
0xb8: {  	[sflag:s4] =	ssyncadd.s32 $0xFFFFC000  }
0xb9: {  	_ =	swait.ge [sflag:s4], $0x4000  }
0xba: {  	[sflag:s4] =	ssyncset.done $0x0  }
0xbb: {  	[sflag:s4] =	ssyncadd.s32 $0xFFFFC000  }
0xbc: {  	_ =	swait.ge [sflag:s4], $0x4000  }
0xbd: {  	[sflag:s4] =	ssyncset.done $0x0  }
0xbe: {  	p1 =	sne.s32 s1, $0x1;
	[sflag:s4] =	ssyncadd.s32 $0xFFFFC000  }
.Ltmp1:
0xbf: {  	_ =	swait.ge [sflag:s4], $0x4000;
	(pc) =	sbr.rel @!p1 .LBB2_3-.Ltmp1, $4  }
0xc0: {  	[sflag:s4] =	ssyncset.done $0x0  }
0xc1: {  	[sflag:s4] =	ssyncadd.s32 $0xFFFFC000  }
0xc2: {  	s1 =	sadd.s32 $0xFFFFFFFF, s1;
	_ =	swait.ge [sflag:s4], $0x4000  }
0xc3: {  	p0 =	por $0x1, $0x1;
	s0 =	rddreg [dreg:$0x3];
	[sflag:s4] =	ssyncset.done $0x0  }
.LBB2_2:
0xc4: {  	[sflag:s4] =	ssyncadd.s32 $0xFFFFC000  }
0xc5: {  	[tilespmem:s2], [sflag:$0x3] =	stream.linear.gather [hbm4b:s0+s2], $0x300, $0x38;
	[tilespmem:$0x1CC00] =	vst v63  }
0xc6: {  	_ =	swait.ge [sflag:s26], $0x300  }
0xc7: {  	[sflag:s26] =	ssyncset.done $0x0  }
0xc8: {  	s0 =	rddreg [dreg:$0x4];
	[sflag:s26] =	ssyncadd.s32 $0xFFFFFD00  }
0xc9: {  	[tilespmem:s24], [sflag:$0x3] =	stream.linear.gather [hbm4b:s0+s2], $0x300, $0x38;
	[tilespmem:$0x1CC00] =	vst v63  }
0xca: {  	_ =	swait.ge [sflag:s26], $0x300  }
0xcb: {  	[sflag:s26] =	ssyncset.done $0x0  }
0xcc: {  	s0 =	rddreg [dreg:$0x5];
	[sflag:s26] =	ssyncadd.s32 $0xFFFFFD00  }
0xcd: {  	[tilespmem:s17], [sflag:$0x3] =	stream.linear.gather [hbm4b:s0+s2], $0x300, $0x38;
	[tilespmem:$0x1CC00] =	vst v63  }
0xce: {  	_ =	swait.ge [sflag:s26], $0x300  }
0xcf: {  	[sflag:s26] =	ssyncset.done $0x0  }
0xd0: {  	[sflag:s26] =	ssyncadd.s32 $0xFFFFFD00  }
0xd1: {  	[tilespmem:s9], [sflag:$0x1] =	stream.indirect.gather [hbm4b:s3+s10], $0x80, s2, s10, $0xb8;
	[tilespmem:$0x1CC00] =	vst v63  }
0xd2: {  	_ = 	snop  }
0xd3: {  	[tilespmem:s7], [sflag:$0x1] =	stream.indirect.gather [hbm4b:s3+s10], $0x80, s10, s10, $0xb8;
	[tilespmem:$0x1CC00] =	vst v63  }
0xd4: {  	_ = 	snop  }
0xd5: {  	[tilespmem:s6], [sflag:$0x1] =	stream.indirect.gather [hbm4b:s3+s10], $0x80, s28, s10, $0xb8;
	[tilespmem:$0x1CC00] =	vst v63  }
0xd6: {  	_ = 	snop  }
0xd7: {  	[tilespmem:s5], [sflag:$0x1] =	stream.indirect.gather [hbm4b:s3+s10], $0x80, s29, s10, $0xb8;
	[tilespmem:$0x1CC00] =	vst v63  }
0xd8: {  	_ = 	snop  }
0xd9: {  	[tilespmem:s13], [sflag:$0x1] =	stream.indirect.gather [hbm4b:s3+s10], $0x80, s30, s10, $0xb8;
	[tilespmem:$0x1CC00] =	vst v63  }
0xda: {  	_ = 	snop  }
0xdb: {  	[tilespmem:s12], [sflag:$0x1] =	stream.indirect.gather [hbm4b:s3+s10], $0x80, s31, s10, $0xb8;
	[tilespmem:$0x1CC00] =	vst v63  }
0xdc: {  	_ =	swait.ge [sflag:s8], $0x4000  }
0xdd: {  	[sflag:s8] =	ssyncset.done $0x0  }
0xde: {  	s0 =	rddreg [dreg:$0x6];
	[sflag:s8] =	ssyncadd.s32 $0xFFFFC000  }
0xdf: {  	[hbm4b:s0+s2] =	stream.linear.scatter [tilespmem:s9], [sflag:$0x2], $0x4000, $0x38;
	[tilespmem:$0x1CC00] =	vst v63  }
0xe0: {  	_ = 	snop  }
0xe1: {  	[tilespmem:s11], [sflag:$0x1] =	stream.indirect.gather [hbm4b:s3+s10], $0x80, s24, s10, $0xb8;
	[tilespmem:$0x1CC00] =	vst v63  }
0xe2: {  	_ =	swait.ge [sflag:s8], $0x4000  }
0xe3: {  	[sflag:s8] =	ssyncset.done $0x0  }
0xe4: {  	s0 =	rddreg [dreg:$0x7];
	[sflag:s8] =	ssyncadd.s32 $0xFFFFC000  }
0xe5: {  	[hbm4b:s0+s2] =	stream.linear.scatter [tilespmem:s7], [sflag:$0x2], $0x4000, $0x38;
	[tilespmem:$0x1CC00] =	vst v63  }
0xe6: {  	_ =	swait.ge [sflag:s4], $0x4000  }
0xe7: {  	[sflag:s4] =	ssyncset.done $0x0  }
0xe8: {  	[sflag:s4] =	ssyncadd.s32 $0xFFFFC000  }
0xe9: {  	[tilespmem:s9], [sflag:$0x1] =	stream.indirect.gather [hbm4b:s3+s10], $0x80, s25, s10, $0xb8;
	[tilespmem:$0x1CC00] =	vst v63  }
0xea: {  	_ =	swait.ge [sflag:s8], $0x4000  }
0xeb: {  	[sflag:s8] =	ssyncset.done $0x0  }
0xec: {  	s0 =	rddreg [dreg:$0x8];
	[sflag:s8] =	ssyncadd.s32 $0xFFFFC000  }
0xed: {  	[hbm4b:s0+s2] =	stream.linear.scatter [tilespmem:s6], [sflag:$0x2], $0x4000, $0x38;
	[tilespmem:$0x1CC00] =	vst v63  }
0xee: {  	_ =	swait.ge [sflag:s4], $0x4000  }
0xef: {  	[sflag:s4] =	ssyncset.done $0x0  }
0xf0: {  	[sflag:s4] =	ssyncadd.s32 $0xFFFFC000  }
0xf1: {  	[tilespmem:s7], [sflag:$0x1] =	stream.indirect.gather [hbm4b:s3+s10], $0x80, s23, s10, $0xb8;
	[tilespmem:$0x1CC00] =	vst v63  }
0xf2: {  	_ =	swait.ge [sflag:s8], $0x4000  }
0xf3: {  	[sflag:s8] =	ssyncset.done $0x0  }
0xf4: {  	s0 =	rddreg [dreg:$0x9];
	[sflag:s8] =	ssyncadd.s32 $0xFFFFC000  }
0xf5: {  	[hbm4b:s0+s2] =	stream.linear.scatter [tilespmem:s5], [sflag:$0x2], $0x4000, $0x38;
	[tilespmem:$0x1CC00] =	vst v63  }
0xf6: {  	_ =	swait.ge [sflag:s4], $0x4000  }
0xf7: {  	[sflag:s4] =	ssyncset.done $0x0  }
0xf8: {  	[sflag:s4] =	ssyncadd.s32 $0xFFFFC000  }
0xf9: {  	[tilespmem:s6], [sflag:$0x1] =	stream.indirect.gather [hbm4b:s3+s10], $0x80, s22, s10, $0xb8;
	[tilespmem:$0x1CC00] =	vst v63  }
0xfa: {  	_ =	swait.ge [sflag:s8], $0x4000  }
0xfb: {  	[sflag:s8] =	ssyncset.done $0x0  }
0xfc: {  	s0 =	rddreg [dreg:$0xa];
	[sflag:s8] =	ssyncadd.s32 $0xFFFFC000  }
0xfd: {  	[hbm4b:s0+s2] =	stream.linear.scatter [tilespmem:s13], [sflag:$0x2], $0x4000, $0x38;
	[tilespmem:$0x1CC00] =	vst v63  }
0xfe: {  	_ =	swait.ge [sflag:s4], $0x4000  }
0xff: {  	[sflag:s4] =	ssyncset.done $0x0  }
0x100: {  	[sflag:s4] =	ssyncadd.s32 $0xFFFFC000  }
0x101: {  	[tilespmem:s5], [sflag:$0x1] =	stream.indirect.gather [hbm4b:s3+s10], $0x80, s21, s10, $0xb8;
	[tilespmem:$0x1CC00] =	vst v63  }
0x102: {  	_ =	swait.ge [sflag:s8], $0x4000  }
0x103: {  	[sflag:s8] =	ssyncset.done $0x0  }
0x104: {  	s0 =	rddreg [dreg:$0xb];
	[sflag:s8] =	ssyncadd.s32 $0xFFFFC000  }
0x105: {  	[hbm4b:s0+s2] =	stream.linear.scatter [tilespmem:s12], [sflag:$0x2], $0x4000, $0x38;
	[tilespmem:$0x1CC00] =	vst v63  }
0x106: {  	_ =	swait.ge [sflag:s4], $0x4000  }
0x107: {  	[sflag:s4] =	ssyncset.done $0x0  }
0x108: {  	[sflag:s4] =	ssyncadd.s32 $0xFFFFC000  }
0x109: {  	[tilespmem:s13], [sflag:$0x1] =	stream.indirect.gather [hbm4b:s3+s10], $0x80, s20, s10, $0xb8;
	[tilespmem:$0x1CC00] =	vst v63  }
0x10a: {  	_ =	swait.ge [sflag:s8], $0x4000  }
0x10b: {  	[sflag:s8] =	ssyncset.done $0x0  }
0x10c: {  	s0 =	rddreg [dreg:$0xc];
	[sflag:s8] =	ssyncadd.s32 $0xFFFFC000  }
0x10d: {  	[hbm4b:s0+s2] =	stream.linear.scatter [tilespmem:s11], [sflag:$0x2], $0x4000, $0x38;
	[tilespmem:$0x1CC00] =	vst v63  }
0x10e: {  	_ =	swait.ge [sflag:s4], $0x4000  }
0x10f: {  	[sflag:s4] =	ssyncset.done $0x0  }
0x110: {  	[sflag:s4] =	ssyncadd.s32 $0xFFFFC000  }
0x111: {  	[tilespmem:s12], [sflag:$0x1] =	stream.indirect.gather [hbm4b:s3+s10], $0x80, s17, s10, $0xb8;
	[tilespmem:$0x1CC00] =	vst v63  }
0x112: {  	_ =	swait.ge [sflag:s8], $0x4000  }
0x113: {  	[sflag:s8] =	ssyncset.done $0x0  }
0x114: {  	s0 =	rddreg [dreg:$0xd];
	[sflag:s8] =	ssyncadd.s32 $0xFFFFC000  }
0x115: {  	[hbm4b:s0+s2] =	stream.linear.scatter [tilespmem:s9], [sflag:$0x2], $0x4000, $0x38;
	[tilespmem:$0x1CC00] =	vst v63  }
0x116: {  	_ =	swait.ge [sflag:s4], $0x4000  }
0x117: {  	[sflag:s4] =	ssyncset.done $0x0  }
0x118: {  	[sflag:s4] =	ssyncadd.s32 $0xFFFFC000  }
0x119: {  	[tilespmem:s11], [sflag:$0x1] =	stream.indirect.gather [hbm4b:s3+s10], $0x80, s19, s10, $0xb8;
	[tilespmem:$0x1CC00] =	vst v63  }
0x11a: {  	_ =	swait.ge [sflag:s8], $0x4000  }
0x11b: {  	[sflag:s8] =	ssyncset.done $0x0  }
0x11c: {  	s0 =	rddreg [dreg:$0xe];
	[sflag:s8] =	ssyncadd.s32 $0xFFFFC000  }
0x11d: {  	[hbm4b:s0+s2] =	stream.linear.scatter [tilespmem:s7], [sflag:$0x2], $0x4000, $0x38;
	[tilespmem:$0x1CC00] =	vst v63  }
0x11e: {  	_ =	swait.ge [sflag:s4], $0x4000  }
0x11f: {  	[sflag:s4] =	ssyncset.done $0x0  }
0x120: {  	[sflag:s4] =	ssyncadd.s32 $0xFFFFC000  }
0x121: {  	[tilespmem:s9], [sflag:$0x1] =	stream.indirect.gather [hbm4b:s3+s10], $0x80, s18, s10, $0xb8;
	[tilespmem:$0x1CC00] =	vst v63  }
0x122: {  	_ =	swait.ge [sflag:s8], $0x4000  }
0x123: {  	[sflag:s8] =	ssyncset.done $0x0  }
0x124: {  	s0 =	rddreg [dreg:$0xf];
	[sflag:s8] =	ssyncadd.s32 $0xFFFFC000  }
0x125: {  	[hbm4b:s0+s2] =	stream.linear.scatter [tilespmem:s6], [sflag:$0x2], $0x4000, $0x38;
	[tilespmem:$0x1CC00] =	vst v63  }
0x126: {  	_ =	swait.ge [sflag:s4], $0x4000  }
0x127: {  	[sflag:s4] =	ssyncset.done $0x0  }
0x128: {  	[sflag:s4] =	ssyncadd.s32 $0xFFFFC000  }
0x129: {  	[tilespmem:s7], [sflag:$0x1] =	stream.indirect.gather [hbm4b:s3+s10], $0x80, s16, s10, $0xb8;
	[tilespmem:$0x1CC00] =	vst v63  }
0x12a: {  	_ =	swait.ge [sflag:s8], $0x4000  }
0x12b: {  	[sflag:s8] =	ssyncset.done $0x0  }
0x12c: {  	s0 =	rddreg [dreg:$0x10];
	[sflag:s8] =	ssyncadd.s32 $0xFFFFC000  }
0x12d: {  	[hbm4b:s0+s2] =	stream.linear.scatter [tilespmem:s5], [sflag:$0x2], $0x4000, $0x38;
	[tilespmem:$0x1CC00] =	vst v63  }
0x12e: {  	_ =	swait.ge [sflag:s4], $0x4000  }
0x12f: {  	[sflag:s4] =	ssyncset.done $0x0  }
0x130: {  	[sflag:s4] =	ssyncadd.s32 $0xFFFFC000  }
0x131: {  	[tilespmem:s6], [sflag:$0x1] =	stream.indirect.gather [hbm4b:s3+s10], $0x80, s15, s10, $0xb8;
	[tilespmem:$0x1CC00] =	vst v63  }
0x132: {  	_ =	swait.ge [sflag:s8], $0x4000  }
0x133: {  	[sflag:s8] =	ssyncset.done $0x0  }
0x134: {  	s0 =	rddreg [dreg:$0x11];
	[sflag:s8] =	ssyncadd.s32 $0xFFFFC000  }
0x135: {  	[hbm4b:s0+s2] =	stream.linear.scatter [tilespmem:s13], [sflag:$0x2], $0x4000, $0x38;
	[tilespmem:$0x1CC00] =	vst v63  }
0x136: {  	_ =	swait.ge [sflag:s4], $0x4000  }
0x137: {  	[sflag:s4] =	ssyncset.done $0x0  }
0x138: {  	[sflag:s4] =	ssyncadd.s32 $0xFFFFC000  }
0x139: {  	[tilespmem:s5], [sflag:$0x1] =	stream.indirect.gather [hbm4b:s3+s10], $0x80, s14, s10, $0xb8;
	[tilespmem:$0x1CC00] =	vst v63  }
0x13a: {  	_ =	swait.ge [sflag:s8], $0x4000  }
0x13b: {  	[sflag:s8] =	ssyncset.done $0x0  }
0x13c: {  	s0 =	rddreg [dreg:$0x12];
	[sflag:s8] =	ssyncadd.s32 $0xFFFFC000  }
0x13d: {  	[hbm4b:s0+s2] =	stream.linear.scatter [tilespmem:s12], [sflag:$0x2], $0x4000, $0x38;
	[tilespmem:$0x1CC00] =	vst v63  }
0x13e: {  	_ =	swait.ge [sflag:s8], $0x4000  }
0x13f: {  	[sflag:s8] =	ssyncset.done $0x0  }
0x140: {  	s0 =	rddreg [dreg:$0x13];
	[sflag:s8] =	ssyncadd.s32 $0xFFFFC000  }
0x141: {  	[hbm4b:s0+s2] =	stream.linear.scatter [tilespmem:s11], [sflag:$0x2], $0x4000, $0x38;
	[tilespmem:$0x1CC00] =	vst v63  }
0x142: {  	_ =	swait.ge [sflag:s8], $0x4000  }
0x143: {  	[sflag:s8] =	ssyncset.done $0x0  }
0x144: {  	s0 =	rddreg [dreg:$0x14];
	[sflag:s8] =	ssyncadd.s32 $0xFFFFC000  }
0x145: {  	[hbm4b:s0+s2] =	stream.linear.scatter [tilespmem:s9], [sflag:$0x2], $0x4000, $0x38;
	[tilespmem:$0x1CC00] =	vst v63  }
0x146: {  	_ =	swait.ge [sflag:s8], $0x4000  }
0x147: {  	[sflag:s8] =	ssyncset.done $0x0  }
0x148: {  	s0 =	rddreg [dreg:$0x15];
	[sflag:s8] =	ssyncadd.s32 $0xFFFFC000  }
0x149: {  	[hbm4b:s0+s2] =	stream.linear.scatter [tilespmem:s7], [sflag:$0x2], $0x4000, $0x38;
	[tilespmem:$0x1CC00] =	vst v63  }
0x14a: {  	_ =	swait.ge [sflag:s8], $0x4000  }
0x14b: {  	[sflag:s8] =	ssyncset.done $0x0  }
0x14c: {  	s0 =	rddreg [dreg:$0x16];
	[sflag:s8] =	ssyncadd.s32 $0xFFFFC000  }
0x14d: {  	[hbm4b:s0+s2] =	stream.linear.scatter [tilespmem:s6], [sflag:$0x2], $0x4000, $0x38;
	[tilespmem:$0x1CC00] =	vst v63  }
0x14e: {  	_ =	swait.ge [sflag:s8], $0x4000  }
0x14f: {  	[sflag:s8] =	ssyncset.done $0x0  }
0x150: {  	s0 =	rddreg [dreg:$0x17];
	[sflag:s8] =	ssyncadd.s32 $0xFFFFC000  }
0x151: {  	[hbm4b:s0+s2] =	stream.linear.scatter [tilespmem:s5], [sflag:$0x2], $0x4000, $0x38;
	[tilespmem:$0x1CC00] =	vst v63  }
0x152: {  	_ =	swait.ge [sflag:s4], $0x4000  }
0x153: {  	[sflag:s4] =	ssyncset.done $0x0  }
0x154: {  	[sflag:s4] =	ssyncadd.s32 $0xFFFFC000  }
0x155: {  	_ =	swait.ge [sflag:s4], $0x4000  }
0x156: {  	[sflag:s4] =	ssyncset.done $0x0  }
0x157: {  	[sflag:s4] =	ssyncadd.s32 $0xFFFFC000  }
0x158: {  	_ =	swait.ge [sflag:s4], $0x4000  }
0x159: {  	[sflag:s4] =	ssyncset.done $0x0  }
0x15a: {  	[sflag:s4] =	ssyncadd.s32 $0xFFFFC000  }
0x15b: {  	_ =	swait.ge [sflag:s4], $0x4000  }
0x15c: {  	[sflag:s4] =	ssyncset.done $0x0  }
0x15d: {  	[sflag:s4] =	ssyncadd.s32 $0xFFFFC000  }
0x15e: {  	_ =	swait.ge [sflag:s4], $0x4000  }
0x15f: {  	[sflag:s4] =	ssyncset.done $0x0  }
0x160: {  	p1 =	sne.s32 s1, $0x1;
	[sflag:s4] =	ssyncadd.s32 $0xFFFFC000  }
.Ltmp2:
0x161: {  	_ =	swait.ge [sflag:s4], $0x4000;
	(pc) =	sbr.rel @p1 .LBB2_2-.Ltmp2, $4  }
0x162: {  	[sflag:s4] =	ssyncset.done $0x0  }
0x163: {  	[sflag:s4] =	ssyncadd.s32 $0xFFFFC000  }
0x164: {  	_ =	swait.ge [sflag:s4], $0x4000  }
0x165: {  	s1 =	sadd.s32 $0xFFFFFFFF, s1;
	s0 =	rddreg [dreg:$0x3];
	[sflag:s4] =	ssyncset.done $0x0  }
.LBB2_3:
0x166: {  	[sflag:s4] =	ssyncadd.s32 @p0 $0xFFFFC000  }
0x167: {  	[tilespmem:s2], [sflag:$0x3] =	stream.linear.gather [hbm4b:s0+s2], $0x300, $0x38;
	[tilespmem:$0x1CC00] =	vst v63  }
0x168: {  	_ =	swait.ge [sflag:s26], $0x300  }
0x169: {  	[sflag:s26] =	ssyncset.done $0x0  }
0x16a: {  	s1 =	rddreg [dreg:$0x4];
	[sflag:s26] =	ssyncadd.s32 $0xFFFFFD00  }
0x16b: {  	[tilespmem:s24], [sflag:$0x3] =	stream.linear.gather [hbm4b:s1+s2], $0x300, $0x38;
	[tilespmem:$0x1CC00] =	vst v63  }
0x16c: {  	_ =	swait.ge [sflag:s26], $0x300  }
0x16d: {  	[sflag:s26] =	ssyncset.done $0x0  }
0x16e: {  	s1 =	rddreg [dreg:$0x5];
	[sflag:s26] =	ssyncadd.s32 $0xFFFFFD00  }
0x16f: {  	[tilespmem:s17], [sflag:$0x3] =	stream.linear.gather [hbm4b:s1+s2], $0x300, $0x38;
	[tilespmem:$0x1CC00] =	vst v63  }
0x170: {  	_ =	swait.ge [sflag:s26], $0x300  }
0x171: {  	[sflag:s26] =	ssyncset.done $0x0  }
0x172: {  	[sflag:s26] =	ssyncadd.s32 $0xFFFFFD00  }
0x173: {  	[tilespmem:s9], [sflag:$0x1] =	stream.indirect.gather [hbm4b:s3+s10], $0x80, s2, s10, $0xb8;
	[tilespmem:$0x1CC00] =	vst v63  }
0x174: {  	_ = 	snop  }
0x175: {  	[tilespmem:s7], [sflag:$0x1] =	stream.indirect.gather [hbm4b:s3+s10], $0x80, s10, s10, $0xb8;
	[tilespmem:$0x1CC00] =	vst v63  }
0x176: {  	_ = 	snop  }
0x177: {  	[tilespmem:s6], [sflag:$0x1] =	stream.indirect.gather [hbm4b:s3+s10], $0x80, s28, s10, $0xb8;
	[tilespmem:$0x1CC00] =	vst v63  }
0x178: {  	_ = 	snop  }
0x179: {  	[tilespmem:s5], [sflag:$0x1] =	stream.indirect.gather [hbm4b:s3+s10], $0x80, s29, s10, $0xb8;
	[tilespmem:$0x1CC00] =	vst v63  }
0x17a: {  	_ = 	snop  }
0x17b: {  	[tilespmem:s13], [sflag:$0x1] =	stream.indirect.gather [hbm4b:s3+s10], $0x80, s30, s10, $0xb8;
	[tilespmem:$0x1CC00] =	vst v63  }
0x17c: {  	_ = 	snop  }
0x17d: {  	[tilespmem:s12], [sflag:$0x1] =	stream.indirect.gather [hbm4b:s3+s10], $0x80, s31, s10, $0xb8;
	[tilespmem:$0x1CC00] =	vst v63  }
0x17e: {  	_ =	swait.ge [sflag:s8], $0x4000  }
0x17f: {  	[sflag:s8] =	ssyncset.done $0x0  }
0x180: {  	s1 =	rddreg [dreg:$0x6];
	[sflag:s8] =	ssyncadd.s32 $0xFFFFC000  }
0x181: {  	[hbm4b:s1+s2] =	stream.linear.scatter [tilespmem:s9], [sflag:$0x2], $0x4000, $0x38;
	[tilespmem:$0x1CC00] =	vst v63  }
0x182: {  	_ = 	snop  }
0x183: {  	[tilespmem:s11], [sflag:$0x1] =	stream.indirect.gather [hbm4b:s3+s10], $0x80, s24, s10, $0xb8;
	[tilespmem:$0x1CC00] =	vst v63  }
0x184: {  	_ =	swait.ge [sflag:s8], $0x4000  }
0x185: {  	[sflag:s8] =	ssyncset.done $0x0  }
0x186: {  	s26 =	rddreg [dreg:$0x7];
	[sflag:s8] =	ssyncadd.s32 $0xFFFFC000  }
0x187: {  	[hbm4b:s26+s2] =	stream.linear.scatter [tilespmem:s7], [sflag:$0x2], $0x4000, $0x38;
	[tilespmem:$0x1CC00] =	vst v63  }
0x188: {  	_ =	swait.ge [sflag:s4], $0x4000  }
0x189: {  	[sflag:s4] =	ssyncset.done $0x0  }
0x18a: {  	[sflag:s4] =	ssyncadd.s32 $0xFFFFC000  }
0x18b: {  	[tilespmem:s9], [sflag:$0x1] =	stream.indirect.gather [hbm4b:s3+s10], $0x80, s25, s10, $0xb8;
	[tilespmem:$0x1CC00] =	vst v63  }
0x18c: {  	_ =	swait.ge [sflag:s8], $0x4000  }
0x18d: {  	[sflag:s8] =	ssyncset.done $0x0  }
0x18e: {  	s28 =	rddreg [dreg:$0x8];
	[sflag:s8] =	ssyncadd.s32 $0xFFFFC000  }
0x18f: {  	[hbm4b:s28+s2] =	stream.linear.scatter [tilespmem:s6], [sflag:$0x2], $0x4000, $0x38;
	[tilespmem:$0x1CC00] =	vst v63  }
0x190: {  	_ =	swait.ge [sflag:s4], $0x4000  }
0x191: {  	[sflag:s4] =	ssyncset.done $0x0  }
0x192: {  	[sflag:s4] =	ssyncadd.s32 $0xFFFFC000  }
0x193: {  	[tilespmem:s7], [sflag:$0x1] =	stream.indirect.gather [hbm4b:s3+s10], $0x80, s23, s10, $0xb8;
	[tilespmem:$0x1CC00] =	vst v63  }
0x194: {  	_ =	swait.ge [sflag:s8], $0x4000  }
0x195: {  	[sflag:s8] =	ssyncset.done $0x0  }
0x196: {  	s29 =	rddreg [dreg:$0x9];
	[sflag:s8] =	ssyncadd.s32 $0xFFFFC000  }
0x197: {  	[hbm4b:s29+s2] =	stream.linear.scatter [tilespmem:s5], [sflag:$0x2], $0x4000, $0x38;
	[tilespmem:$0x1CC00] =	vst v63  }
0x198: {  	_ =	swait.ge [sflag:s4], $0x4000  }
0x199: {  	[sflag:s4] =	ssyncset.done $0x0  }
0x19a: {  	[sflag:s4] =	ssyncadd.s32 $0xFFFFC000  }
0x19b: {  	[tilespmem:s6], [sflag:$0x1] =	stream.indirect.gather [hbm4b:s3+s10], $0x80, s22, s10, $0xb8;
	[tilespmem:$0x1CC00] =	vst v63  }
0x19c: {  	_ =	swait.ge [sflag:s8], $0x4000  }
0x19d: {  	[sflag:s8] =	ssyncset.done $0x0  }
0x19e: {  	s30 =	rddreg [dreg:$0xa];
	[sflag:s8] =	ssyncadd.s32 $0xFFFFC000  }
0x19f: {  	[hbm4b:s30+s2] =	stream.linear.scatter [tilespmem:s13], [sflag:$0x2], $0x4000, $0x38;
	[tilespmem:$0x1CC00] =	vst v63  }
0x1a0: {  	_ =	swait.ge [sflag:s4], $0x4000  }
0x1a1: {  	[sflag:s4] =	ssyncset.done $0x0  }
0x1a2: {  	[sflag:s4] =	ssyncadd.s32 $0xFFFFC000  }
0x1a3: {  	[tilespmem:s5], [sflag:$0x1] =	stream.indirect.gather [hbm4b:s3+s10], $0x80, s21, s10, $0xb8;
	[tilespmem:$0x1CC00] =	vst v63  }
0x1a4: {  	_ =	swait.ge [sflag:s8], $0x4000  }
0x1a5: {  	[sflag:s8] =	ssyncset.done $0x0  }
0x1a6: {  	s31 =	rddreg [dreg:$0xb];
	[sflag:s8] =	ssyncadd.s32 $0xFFFFC000  }
0x1a7: {  	[hbm4b:s31+s2] =	stream.linear.scatter [tilespmem:s12], [sflag:$0x2], $0x4000, $0x38;
	[tilespmem:$0x1CC00] =	vst v63  }
0x1a8: {  	_ =	swait.ge [sflag:s4], $0x4000  }
0x1a9: {  	[sflag:s4] =	ssyncset.done $0x0  }
0x1aa: {  	[sflag:s4] =	ssyncadd.s32 $0xFFFFC000  }
0x1ab: {  	[tilespmem:s13], [sflag:$0x1] =	stream.indirect.gather [hbm4b:s3+s10], $0x80, s20, s10, $0xb8;
	[tilespmem:$0x1CC00] =	vst v63  }
0x1ac: {  	_ =	swait.ge [sflag:s8], $0x4000  }
0x1ad: {  	[sflag:s8] =	ssyncset.done $0x0  }
0x1ae: {  	s1 =	rddreg [dreg:$0xc];
	[sflag:s8] =	ssyncadd.s32 $0xFFFFC000  }
0x1af: {  	[hbm4b:s1+s2] =	stream.linear.scatter [tilespmem:s11], [sflag:$0x2], $0x4000, $0x38;
	[tilespmem:$0x1CC00] =	vst v63  }
0x1b0: {  	_ =	swait.ge [sflag:s4], $0x4000  }
0x1b1: {  	[sflag:s4] =	ssyncset.done $0x0  }
0x1b2: {  	[sflag:s4] =	ssyncadd.s32 $0xFFFFC000  }
0x1b3: {  	[tilespmem:s12], [sflag:$0x1] =	stream.indirect.gather [hbm4b:s3+s10], $0x80, s17, s10, $0xb8;
	[tilespmem:$0x1CC00] =	vst v63  }
0x1b4: {  	_ =	swait.ge [sflag:s8], $0x4000  }
0x1b5: {  	[sflag:s8] =	ssyncset.done $0x0  }
0x1b6: {  	s17 =	rddreg [dreg:$0xd];
	[sflag:s8] =	ssyncadd.s32 $0xFFFFC000  }
0x1b7: {  	[hbm4b:s17+s2] =	stream.linear.scatter [tilespmem:s9], [sflag:$0x2], $0x4000, $0x38;
	[tilespmem:$0x1CC00] =	vst v63  }
0x1b8: {  	_ =	swait.ge [sflag:s4], $0x4000  }
0x1b9: {  	[sflag:s4] =	ssyncset.done $0x0  }
0x1ba: {  	[sflag:s4] =	ssyncadd.s32 $0xFFFFC000  }
0x1bb: {  	[tilespmem:s11], [sflag:$0x1] =	stream.indirect.gather [hbm4b:s3+s10], $0x80, s19, s10, $0xb8;
	[tilespmem:$0x1CC00] =	vst v63  }
0x1bc: {  	_ =	swait.ge [sflag:s8], $0x4000  }
0x1bd: {  	[sflag:s8] =	ssyncset.done $0x0  }
0x1be: {  	s20 =	rddreg [dreg:$0xe];
	[sflag:s8] =	ssyncadd.s32 $0xFFFFC000  }
0x1bf: {  	[hbm4b:s20+s2] =	stream.linear.scatter [tilespmem:s7], [sflag:$0x2], $0x4000, $0x38;
	[tilespmem:$0x1CC00] =	vst v63  }
0x1c0: {  	_ =	swait.ge [sflag:s4], $0x4000  }
0x1c1: {  	[sflag:s4] =	ssyncset.done $0x0  }
0x1c2: {  	[sflag:s4] =	ssyncadd.s32 $0xFFFFC000  }
0x1c3: {  	[tilespmem:s9], [sflag:$0x1] =	stream.indirect.gather [hbm4b:s3+s10], $0x80, s18, s10, $0xb8;
	[tilespmem:$0x1CC00] =	vst v63  }
0x1c4: {  	_ =	swait.ge [sflag:s8], $0x4000  }
0x1c5: {  	[sflag:s8] =	ssyncset.done $0x0  }
0x1c6: {  	s21 =	rddreg [dreg:$0xf];
	[sflag:s8] =	ssyncadd.s32 $0xFFFFC000  }
0x1c7: {  	[hbm4b:s21+s2] =	stream.linear.scatter [tilespmem:s6], [sflag:$0x2], $0x4000, $0x38;
	[tilespmem:$0x1CC00] =	vst v63  }
0x1c8: {  	_ =	swait.ge [sflag:s4], $0x4000  }
0x1c9: {  	[sflag:s4] =	ssyncset.done $0x0  }
0x1ca: {  	[sflag:s4] =	ssyncadd.s32 $0xFFFFC000  }
0x1cb: {  	[tilespmem:s7], [sflag:$0x1] =	stream.indirect.gather [hbm4b:s3+s10], $0x80, s16, s10, $0xb8;
	[tilespmem:$0x1CC00] =	vst v63  }
0x1cc: {  	_ =	swait.ge [sflag:s8], $0x4000  }
0x1cd: {  	[sflag:s8] =	ssyncset.done $0x0  }
0x1ce: {  	s22 =	rddreg [dreg:$0x10];
	[sflag:s8] =	ssyncadd.s32 $0xFFFFC000  }
0x1cf: {  	[hbm4b:s22+s2] =	stream.linear.scatter [tilespmem:s5], [sflag:$0x2], $0x4000, $0x38;
	[tilespmem:$0x1CC00] =	vst v63  }
0x1d0: {  	_ =	swait.ge [sflag:s4], $0x4000  }
0x1d1: {  	[sflag:s4] =	ssyncset.done $0x0  }
0x1d2: {  	[sflag:s4] =	ssyncadd.s32 $0xFFFFC000  }
0x1d3: {  	[tilespmem:s6], [sflag:$0x1] =	stream.indirect.gather [hbm4b:s3+s10], $0x80, s15, s10, $0xb8;
	[tilespmem:$0x1CC00] =	vst v63  }
0x1d4: {  	_ =	swait.ge [sflag:s8], $0x4000  }
0x1d5: {  	[sflag:s8] =	ssyncset.done $0x0  }
0x1d6: {  	s23 =	rddreg [dreg:$0x11];
	[sflag:s8] =	ssyncadd.s32 $0xFFFFC000  }
0x1d7: {  	[hbm4b:s23+s2] =	stream.linear.scatter [tilespmem:s13], [sflag:$0x2], $0x4000, $0x38;
	[tilespmem:$0x1CC00] =	vst v63  }
0x1d8: {  	_ =	swait.ge [sflag:s4], $0x4000  }
0x1d9: {  	[sflag:s4] =	ssyncset.done $0x0  }
0x1da: {  	[sflag:s4] =	ssyncadd.s32 $0xFFFFC000  }
0x1db: {  	[tilespmem:s5], [sflag:$0x1] =	stream.indirect.gather [hbm4b:s3+s10], $0x80, s14, s10, $0xb8;
	[tilespmem:$0x1CC00] =	vst v63  }
0x1dc: {  	_ =	swait.ge [sflag:s8], $0x4000  }
0x1dd: {  	[sflag:s8] =	ssyncset.done $0x0  }
0x1de: {  	s24 =	rddreg [dreg:$0x12];
	[sflag:s8] =	ssyncadd.s32 $0xFFFFC000  }
0x1df: {  	[hbm4b:s24+s2] =	stream.linear.scatter [tilespmem:s12], [sflag:$0x2], $0x4000, $0x38;
	[tilespmem:$0x1CC00] =	vst v63  }
0x1e0: {  	_ =	swait.ge [sflag:s8], $0x4000  }
0x1e1: {  	[sflag:s8] =	ssyncset.done $0x0  }
0x1e2: {  	s25 =	rddreg [dreg:$0x13];
	[sflag:s8] =	ssyncadd.s32 $0xFFFFC000  }
0x1e3: {  	[hbm4b:s25+s2] =	stream.linear.scatter [tilespmem:s11], [sflag:$0x2], $0x4000, $0x38;
	[tilespmem:$0x1CC00] =	vst v63  }
0x1e4: {  	_ =	swait.ge [sflag:s8], $0x4000  }
0x1e5: {  	[sflag:s8] =	ssyncset.done $0x0  }
0x1e6: {  	s26 =	rddreg [dreg:$0x14];
	[sflag:s8] =	ssyncadd.s32 $0xFFFFC000  }
0x1e7: {  	[hbm4b:s26+s2] =	stream.linear.scatter [tilespmem:s9], [sflag:$0x2], $0x4000, $0x38;
	[tilespmem:$0x1CC00] =	vst v63  }
0x1e8: {  	_ =	swait.ge [sflag:s8], $0x4000  }
0x1e9: {  	[sflag:s8] =	ssyncset.done $0x0  }
0x1ea: {  	s28 =	rddreg [dreg:$0x15];
	[sflag:s8] =	ssyncadd.s32 $0xFFFFC000  }
0x1eb: {  	[hbm4b:s28+s2] =	stream.linear.scatter [tilespmem:s7], [sflag:$0x2], $0x4000, $0x38;
	[tilespmem:$0x1CC00] =	vst v63  }
0x1ec: {  	_ =	swait.ge [sflag:s8], $0x4000  }
0x1ed: {  	[sflag:s8] =	ssyncset.done $0x0  }
0x1ee: {  	s29 =	rddreg [dreg:$0x16];
	[sflag:s8] =	ssyncadd.s32 $0xFFFFC000  }
0x1ef: {  	[hbm4b:s29+s2] =	stream.linear.scatter [tilespmem:s6], [sflag:$0x2], $0x4000, $0x38;
	[tilespmem:$0x1CC00] =	vst v63  }
0x1f0: {  	_ =	swait.ge [sflag:s8], $0x4000  }
0x1f1: {  	[sflag:s8] =	ssyncset.done $0x0  }
0x1f2: {  	s30 =	rddreg [dreg:$0x17];
	[sflag:s8] =	ssyncadd.s32 $0xFFFFC000  }
0x1f3: {  	[hbm4b:s30+s2] =	stream.linear.scatter [tilespmem:s5], [sflag:$0x2], $0x4000, $0x38;
	[tilespmem:$0x1CC00] =	vst v63  }
0x1f4: {  	_ =	swait.ge [sflag:s4], $0x4000  }
0x1f5: {  	[sflag:s4] =	ssyncset.done $0x0  }
0x1f6: {  	[sflag:s4] =	ssyncadd.s32 $0xFFFFC000  }
0x1f7: {  	_ =	swait.ge [sflag:s4], $0x4000  }
0x1f8: {  	[sflag:s4] =	ssyncset.done $0x0  }
0x1f9: {  	[sflag:s4] =	ssyncadd.s32 $0xFFFFC000  }
0x1fa: {  	_ =	swait.ge [sflag:s4], $0x4000  }
0x1fb: {  	[sflag:s4] =	ssyncset.done $0x0  }
0x1fc: {  	[sflag:s4] =	ssyncadd.s32 $0xFFFFC000  }
0x1fd: {  	_ =	swait.ge [sflag:s4], $0x4000  }
0x1fe: {  	[sflag:s4] =	ssyncset.done $0x0  }
0x1ff: {  	[sflag:s4] =	ssyncadd.s32 $0xFFFFC000  }
0x200: {  	_ =	swait.ge [sflag:s4], $0x4000  }
0x201: {  	[sflag:s4] =	ssyncset.done $0x0  }
0x202: {  	[sflag:s4] =	ssyncadd.s32 $0xFFFFC000  }
0x203: {  	_ =	swait.ge [sflag:s4], $0x4000  }
0x204: {  	[sflag:s4] =	ssyncset.done $0x0  }
0x205: {  	[sflag:s4] =	ssyncadd.s32 $0xFFFFC000  }
0x206: {  	_ =	swait.ge [sflag:s4], $0x4000  }
0x207: {  	[sflag:s4] =	ssyncset.done $0x0  }
0x208: {  	[sflag:s4] =	ssyncadd.s32 $0xFFFFC000  }
0x209: {  	_ =	sfence.sel $0x180000  }
0x20a: {  	[bflag:$0x0] =	sbarrier.arrive $0xFFFF  }
0x20b: {  	_ =	strace $0x90000047  }
0x20c: {  	s31 =	stileid.u32;
	[bflag:$0x2] =	sbarrier.arrive $0xFFFF  }
0x20d: {  	p0 =	sne.s32 s31, $0x0;
	s0 =	rddreg [dreg:$0x2]  }
0x20e: {  	s0 =	sadd.s32 @!p0 $0x100000, s0  }
0x20f: {  	[sflag:s0] =	ssyncadd.tile.s32 @!p0 $0x1;
	_ =	shalt  }
.Lfunc_end2:
_tile_overlayer_lowered:
.L_overlay_start_2:
0x210: {  	(tag) =	ssettag $0x2  }
0x211: {  	s0 =	rddreg [dreg:$0x0];
	s2 =	stileid.u32  }
0x212: {  	s1 =	rddreg [dreg:$0x1];
	p0 =	sne.s32 s2, $0x0  }
0x213: {  	s3 =	rddreg [dreg:$0x2];
	[bflag:$0x3] =	sbarrier.arrive $0xFFFF;
	s2 =	simm.s32 @!p0 $0x1C03  }
0x214: {  	[timem:s3], [sflag:s2] =	dma.local @!p0 [hbm:s0], s1  }
0x215: {  	s0 =	simm.s32 @!p0 $0x3  }
0x216: {  	_ =	swait.ge @!p0 [sflag:s0], s1  }
0x217: {  	s1 =	ssub.s32 @!p0 $0x0, s1;
	[sflag:s0] =	ssyncset.done @!p0 $0x0  }
0x218: {  	[sflag:s0] =	ssyncadd.s32 @!p0 s1  }
0x219: {  	[bflag:$0x3] =	sbarrier.arrive $0xFFFF  }
0x21a: {  	_ =	shalt  }

</sc_bundles>
